<compile_context>
chip_gen: v7x
topology: tpu7x:2x2x1
jax: 0.10.2.dev20260603
libtpu: 0.0.44.dev20260713+nightly
codegen_flags: <defaults>
</compile_context>

<pallas_src>
import functools

import jax
import jax.numpy as jnp
from jax import lax
from jax.experimental import pallas as pl
from jax.experimental.pallas import tpu as pltpu
import jax.experimental.pallas.tpu_sc as plsc

N = 10000
E = 320000
IN_DIM = 128
HID = 128
LM_DIM = 768

NB = 5
BN = N // NB

NC = 2
NS = 16
NW = NC * NS
EPT = E // NW
CHKB = 10240
NPAD = 10240
SLICE = NPAD // NS

_SC_PARAMS = pltpu.CompilerParams(needs_layout_passes=False)


def _a1_body(nf_ref, wfc_ref, alr_ref, el_ref, er_ref):
    alr2 = lax.dot_general(alr_ref[...], wfc_ref[...],
                           (((1,), (1,)), ((), ())),
                           preferred_element_type=jnp.float32)
    nf = nf_ref[...]
    el_ref[...] = lax.dot_general(alr2[0:1, :], nf,
                                  (((1,), (1,)), ((), ())),
                                  preferred_element_type=jnp.float32
                                  ).reshape(N)
    er_ref[...] = lax.dot_general(alr2[1:2, :], nf,
                                  (((1,), (1,)), ((), ())),
                                  preferred_element_type=jnp.float32
                                  ).reshape(N)


def _stage_a1(node_feats, W_fc, attn_lr2):
    return pl.pallas_call(
        _a1_body,
        out_shape=[
            jax.ShapeDtypeStruct((N,), jnp.float32),
            jax.ShapeDtypeStruct((N,), jnp.float32),
        ],
    )(node_feats, W_fc, attn_lr2)


def _a2_body(ctx_ref, csum_ref):
    @pl.when(pl.program_id(0) == 0)
    def _():
        csum_ref[...] = jnp.zeros_like(csum_ref)

    csum_ref[...] += jnp.sum(ctx_ref[...], axis=0, keepdims=True)


def _stage_a2(context_text):
    return pl.pallas_call(
        _a2_body,
        grid=(NB,),
        in_specs=[pl.BlockSpec((BN, LM_DIM), lambda i: (i, 0))],
        out_specs=pl.BlockSpec((1, LM_DIM), lambda i: (0, 0)),
        out_shape=jax.ShapeDtypeStruct((1, LM_DIM), jnp.float32),
    )(context_text)


def _zero_vmem(ref, nelem):
    @plsc.parallel_loop(0, nelem, 16, unroll=8)
    def _(off):
        ref[pl.ds(off, 16)] = jnp.zeros((16,), jnp.float32)


def _edge_window(wid):
    base = wid * EPT
    a0 = jnp.minimum((base // 128) * 128, E - CHKB)
    return a0, base - a0


def _combine_via_spmem(local_v, shared_v, tmp_v, acc_v, sem, s):
    pltpu.sync_copy(local_v, shared_v.at[s])
    plsc.subcore_barrier()
    cps = [
        pltpu.async_copy(shared_v.at[p, pl.ds(s * SLICE, SLICE)],
                         tmp_v.at[p], sem)
        for p in range(NS)
    ]
    _zero_vmem(acc_v, SLICE)
    for p in range(NS):
        cps[p].wait()

        @plsc.parallel_loop(0, SLICE, 16, unroll=8)
        def _(off):
            acc_v[pl.ds(off, 16)] += tmp_v[p, pl.ds(off, 16)]


def _b1_body(el_hbm, er_hbm, ei_hbm, ee_hbm, dpart_hbm,
             el_v, er_v, ei_v, ee_v, den_v, tmp_v, acc_v,
             sem0, sem1, sem2, sh_den):
    c = lax.axis_index("c")
    s = lax.axis_index("s")
    wid = c * NS + s
    base = wid * EPT
    a0, delta = _edge_window(wid)

    cp0 = pltpu.async_copy(el_hbm, el_v, sem0)
    cp1 = pltpu.async_copy(er_hbm, er_v, sem1)
    cp2 = pltpu.async_copy(ei_hbm.at[:, pl.ds(a0, CHKB)], ei_v, sem2)
    _zero_vmem(den_v, NPAD)
    cp0.wait()
    cp1.wait()
    cp2.wait()

    @plsc.parallel_loop(0, EPT, 16, unroll=16)
    def _(off):
        s_idx = ei_v[0, pl.ds(delta + off, 16)]
        d_idx = ei_v[1, pl.ds(delta + off, 16)]
        elv = plsc.load_gather(el_v, [s_idx])
        erv = plsc.load_gather(er_v, [d_idx])
        x = elv + erv
        ee = jnp.exp(jnp.where(x >= 0.0, x, x * 0.2))
        ee_v[pl.ds(off, 16)] = ee
        plsc.addupdate_scatter(den_v, [d_idx], ee)

    pltpu.sync_copy(ee_v, ee_hbm.at[pl.ds(base, EPT)])
    _combine_via_spmem(den_v, sh_den, tmp_v, acc_v, sem0, s)
    pltpu.sync_copy(acc_v, dpart_hbm.at[pl.ds(c * NPAD + s * SLICE, SLICE)])


def _stage_b1(el_arr, er_arr, edge_index):
    mesh = plsc.VectorSubcoreMesh(core_axis_name="c", subcore_axis_name="s")
    kern = pl.kernel(
        _b1_body,
        out_type=[
            jax.ShapeDtypeStruct((E,), jnp.float32),
            jax.ShapeDtypeStruct((NC * NPAD,), jnp.float32),
        ],
        mesh=mesh,
        compiler_params=_SC_PARAMS,
        scratch_types=[
            pltpu.VMEM((N,), jnp.float32),
            pltpu.VMEM((N,), jnp.float32),
            pltpu.VMEM((2, CHKB), jnp.int32),
            pltpu.VMEM((EPT,), jnp.float32),
            pltpu.VMEM((NPAD,), jnp.float32),
            pltpu.VMEM((NS, SLICE), jnp.float32),
            pltpu.VMEM((SLICE,), jnp.float32),
            pltpu.SemaphoreType.DMA,
            pltpu.SemaphoreType.DMA,
            pltpu.SemaphoreType.DMA,
            pltpu.VMEM_SHARED((NS, NPAD), jnp.float32),
        ],
    )
    return kern(el_arr, er_arr, edge_index)


def _b2_body(dpart_hbm, ee_hbm, ei_hbm, wpart_hbm,
             den_v, den2_v, ei_v, ee_v, w_v, tmp_v, acc_v,
             sem0, sem1, sem2, sem3, sh_w):
    c = lax.axis_index("c")
    s = lax.axis_index("s")
    wid = c * NS + s
    base = wid * EPT
    a0, delta = _edge_window(wid)

    cp0 = pltpu.async_copy(dpart_hbm.at[pl.ds(0, NPAD)], den_v, sem0)
    cp1 = pltpu.async_copy(dpart_hbm.at[pl.ds(NPAD, NPAD)], den2_v, sem1)
    cp2 = pltpu.async_copy(ei_hbm.at[:, pl.ds(a0, CHKB)], ei_v, sem2)
    cp3 = pltpu.async_copy(ee_hbm.at[pl.ds(base, EPT)], ee_v, sem3)
    _zero_vmem(w_v, NPAD)
    cp0.wait()
    cp1.wait()

    @plsc.parallel_loop(0, NPAD, 16, unroll=8)
    def _(off):
        s = den_v[pl.ds(off, 16)] + den2_v[pl.ds(off, 16)]
        den_v[pl.ds(off, 16)] = 1.0 / s

    cp2.wait()
    cp3.wait()

    @plsc.parallel_loop(0, EPT, 16, unroll=16)
    def _(off):
        s_idx = ei_v[0, pl.ds(delta + off, 16)]
        d_idx = ei_v[1, pl.ds(delta + off, 16)]
        ee = ee_v[pl.ds(off, 16)]
        rden = plsc.load_gather(den_v, [d_idx])
        alpha = ee * rden
        plsc.addupdate_scatter(w_v, [s_idx], alpha)

    _combine_via_spmem(w_v, sh_w, tmp_v, acc_v, sem0, s)
    pltpu.sync_copy(acc_v, wpart_hbm.at[pl.ds(c * NPAD + s * SLICE, SLICE)])


def _stage_b2(dpart, ee, edge_index):
    mesh = plsc.VectorSubcoreMesh(core_axis_name="c", subcore_axis_name="s")
    kern = pl.kernel(
        _b2_body,
        out_type=jax.ShapeDtypeStruct((NC * NPAD,), jnp.float32),
        mesh=mesh,
        compiler_params=_SC_PARAMS,
        scratch_types=[
            pltpu.VMEM((NPAD,), jnp.float32),
            pltpu.VMEM((NPAD,), jnp.float32),
            pltpu.VMEM((2, CHKB), jnp.int32),
            pltpu.VMEM((EPT,), jnp.float32),
            pltpu.VMEM((NPAD,), jnp.float32),
            pltpu.VMEM((NS, SLICE), jnp.float32),
            pltpu.VMEM((SLICE,), jnp.float32),
            pltpu.SemaphoreType.DMA,
            pltpu.SemaphoreType.DMA,
            pltpu.SemaphoreType.DMA,
            pltpu.SemaphoreType.DMA,
            pltpu.VMEM_SHARED((NS, NPAD), jnp.float32),
        ],
    )
    return kern(dpart, ee, edge_index)


def _stage_c_body(w_ref, nf_ref, wfc_ref, gb_ref, csum_ref, wzq_ref, bzq_ref,
                  wt_ref, ws_ref, wproj_ref, bproj_ref, out_ref):
    wall = w_ref[...]
    w0 = lax.slice(wall, (0,), (N,))
    w1 = lax.slice(wall, (NPAD,), (NPAD + N,))
    wsum = (w0 + w1).reshape(1, N)
    s_vec = jnp.dot(wsum, nf_ref[...],
                    preferred_element_type=jnp.float32)
    mean_h = (jnp.dot(s_vec, wfc_ref[...],
                      preferred_element_type=jnp.float32) * (1.0 / N)
              + gb_ref[...])
    mean_z = (jnp.dot(csum_ref[...] * (1.0 / N), wzq_ref[...],
                      preferred_element_type=jnp.float32) + bzq_ref[...])
    et = jnp.exp(wt_ref[...])
    es = jnp.exp(ws_ref[...])
    ct = et / (et + es) + 0.1
    cs = es / (et + es) + 0.1
    fused = ct * mean_h + cs * mean_z
    out_ref[...] = (jnp.dot(fused, wproj_ref[...],
                            preferred_element_type=jnp.float32)
                    + bproj_ref[...])


def _stage_c(w22, node_feats, W_fc, gat_bias, ctx_sum, W_zq, b_zq,
             w_t, w_s, W_proj, b_proj):
    return pl.pallas_call(
        _stage_c_body,
        out_shape=jax.ShapeDtypeStruct((1, HID), jnp.float32),
    )(w22, node_feats, W_fc, gat_bias, ctx_sum, W_zq, b_zq,
      w_t, w_s, W_proj, b_proj)


def kernel(node_feats, edge_index, context_text, W_fc, attn_l, attn_r,
           gat_bias, W_zq, b_zq, w_t, w_s, W_proj, b_proj):
    attn_lr2 = jnp.concatenate([attn_l, attn_r], axis=0)

    el_arr, er_arr = _stage_a1(node_feats, W_fc, attn_lr2)
    ee, dpart = _stage_b1(el_arr, er_arr, edge_index)
    ctx_sum = _stage_a2(context_text)
    wpart = _stage_b2(dpart, ee, edge_index)

    out = _stage_c(
        wpart, node_feats, W_fc,
        gat_bias.reshape(1, HID), ctx_sum,
        W_zq, b_zq.reshape(1, HID), w_t.reshape(1, 1), w_s.reshape(1, 1),
        W_proj, b_proj.reshape(1, HID))
    return out

# --- scband reference (transcript-rebuilt; emitter-appended) ---
"""Pipeline reference for scband-dtsfmencoder-12704513261599 (READ-ONLY COPY).

The authoritative reference and input builder live on the scoring server;
editing this copy changes nothing except your own understanding.
"""

import jax, jax.numpy as jnp
import numpy as np

N = 10000
E = 320000
IN_DIM = 128
HID = 128
LM_DIM = 768

def setup_inputs(seed: int = 0) -> dict:
    key = jax.random.key(seed)
    ks = jax.random.split(key, 16)
    node_feats = jax.random.normal(ks[0], (N, IN_DIM), dtype=jnp.float32)
    edge_index = jax.random.randint(ks[1], (2, E), 0, N, dtype=jnp.int32)
    context_text = jax.random.normal(ks[2], (N, LM_DIM), dtype=jnp.float32)
    # GATConv params (num_heads=1)
    W_fc = jax.random.normal(ks[3], (IN_DIM, HID), dtype=jnp.float32) * (1.0 / np.sqrt(IN_DIM))
    attn_l = jax.random.normal(ks[4], (1, HID), dtype=jnp.float32) * 0.1
    attn_r = jax.random.normal(ks[5], (1, HID), dtype=jnp.float32) * 0.1
    gat_bias = jnp.zeros((HID,), dtype=jnp.float32)
    # proj_z_q: Linear(768, hidden)
    W_zq = jax.random.normal(ks[6], (LM_DIM, HID), dtype=jnp.float32) * (1.0 / np.sqrt(LM_DIM))
    b_zq = jnp.zeros((HID,), dtype=jnp.float32)
    # fusion weights
    w_t = jnp.array([0.5], dtype=jnp.float32)
    w_s = jnp.array([0.5], dtype=jnp.float32)
    # proj: Linear(hidden, hidden)
    W_proj = jax.random.normal(ks[7], (HID, HID), dtype=jnp.float32) * (1.0 / np.sqrt(HID))
    b_proj = jnp.zeros((HID,), dtype=jnp.float32)
    return {
        'node_feats': node_feats, 'edge_index': edge_index, 'context_text': context_text,
        'W_fc': W_fc, 'attn_l': attn_l, 'attn_r': attn_r, 'gat_bias': gat_bias,
        'W_zq': W_zq, 'b_zq': b_zq, 'w_t': w_t, 'w_s': w_s,
        'W_proj': W_proj, 'b_proj': b_proj,
    }

def reference(node_feats, edge_index, context_text, W_fc, attn_l, attn_r, gat_bias,
              W_zq, b_zq, w_t, w_s, W_proj, b_proj):
    n = node_feats.shape[0]
    # --- GATConv (1 head, allow_zero_in_degree=True) ---
    h = node_feats @ W_fc                      # [N, HID]
    hh = h.reshape(n, 1, HID)                  # [N, 1, HID]
    el = jnp.sum(hh * attn_l, axis=-1)         # [N, 1]
    er = jnp.sum(hh * attn_r, axis=-1)         # [N, 1]
    src = edge_index[0]
    dst = edge_index[1]
    e = jax.nn.leaky_relu(el[src] + er[dst], negative_slope=0.2)   # [E, 1]
    m = jax.ops.segment_max(e, dst, num_segments=n)                # [N, 1]
    m = jnp.where(jnp.isfinite(m), m, 0.0)
    ee = jnp.exp(e - m[dst])                                       # [E, 1]
    denom = jax.ops.segment_sum(ee, dst, num_segments=n)           # [N, 1]
    denom = jnp.where(denom == 0.0, 1.0, denom)
    alpha = ee / denom[dst]                                        # [E, 1]
    msg = alpha[:, :, None] * hh[src]                              # [E, 1, HID]
    rst = jax.ops.segment_sum(msg, dst, num_segments=n)            # [N, 1, HID]
    rst = rst + gat_bias.reshape(1, 1, HID)
    h_temp = rst[:, 0, :]                                          # squeeze(1) -> [N, HID]
    # --- LM branch: lm_encoder.encode is identity over precomputed embeddings ---
    z_q = context_text @ W_zq + b_zq                               # [N, HID]
    # --- fusion ---
    et = jnp.exp(w_t)
    es = jnp.exp(w_s)
    beta_t = et / (et + es)
    beta_s = es / (et + es)
    h_fusion = beta_t * h_temp + beta_s * z_q
    h_fusion = h_fusion + (h_temp + z_q) * 0.1
    h_fusion = h_fusion @ W_proj + b_proj
    return jnp.mean(h_fusion, axis=0, keepdims=True)               # [1, HID]

if __name__ == "__main__":
    import jax
    _d = setup_inputs()
    print(jax.jit(kernel)(*tuple(_d.values())))

</pallas_src>

<mosaic_0001>
#map = affine_map<(d0, d1) -> (0)>
#map1 = affine_map<(d0, d1) -> (0, 0)>
module attributes {stable_mosaic.version = 14 : i64} {
  func.func @_b2_body(%arg0: i32, %arg1: i32, %arg2: memref<20480xf32, #tpu.memory_space<hbm>>, %arg3: memref<320000xf32, #tpu.memory_space<hbm>>, %arg4: memref<2x320000xi32, #tpu.memory_space<hbm>>, %arg5: memref<20480xf32, #tpu.memory_space<hbm>>, %arg6: memref<10240xf32, #tpu.memory_space<vmem>>, %arg7: memref<10240xf32, #tpu.memory_space<vmem>>, %arg8: memref<2x10240xi32, #tpu.memory_space<vmem>>, %arg9: memref<10000xf32, #tpu.memory_space<vmem>>, %arg10: memref<10240xf32, #tpu.memory_space<vmem>>, %arg11: memref<16x640xf32, #tpu.memory_space<vmem>>, %arg12: memref<640xf32, #tpu.memory_space<vmem>>, %arg13: memref<!tpu.dma_semaphore, #tpu.memory_space<semaphore_mem>>, %arg14: memref<!tpu.dma_semaphore, #tpu.memory_space<semaphore_mem>>, %arg15: memref<!tpu.dma_semaphore, #tpu.memory_space<semaphore_mem>>, %arg16: memref<!tpu.dma_semaphore, #tpu.memory_space<semaphore_mem>>, %arg17: memref<16x10240xf32, #tpu.memory_space<vmem_shared>>) attributes {dimension_semantics = [#tpu.dimension_semantics<core_parallel>, #tpu.dimension_semantics<subcore_parallel>], iteration_bounds = array<i64: 2, 16>, scalar_prefetch = 0 : i64, scratch_operands = 12 : i64, tpu.core_type = #tpu.core_type<sc_vector_subcore>, window_params = [{transform_indices = #map}, {transform_indices = #map}, {transform_indices = #map1}, {transform_indices = #map}]} {
    %mul3A = arith.constant 16 : i32
    %mul3A_0 = arith.muli %arg0, %mul3A : i32
    %add3A = arith.addi %mul3A_0, %arg1 : i32
    %mul3A_1 = arith.constant 10000 : i32
    %mul3A_2 = arith.muli %add3A, %mul3A_1 : i32
    %mul3A_3 = arith.constant 10000 : i32
    %mul3A_4 = arith.muli %add3A, %mul3A_3 : i32
    %jit3A = arith.constant 128 : i32
    %div3A = arith.divsi %mul3A_4, %jit3A : i32
    %sign3A = arith.constant 0 : i32
    %sign3A_5 = arith.cmpi sgt, %mul3A_4, %sign3A : i32
    %sign3A_6 = arith.extui %sign3A_5 : i1 to i32
    %sign3A_7 = arith.constant 0 : i32
    %sign3A_8 = arith.cmpi slt, %mul3A_4, %sign3A_7 : i32
    %sign3A_9 = arith.extui %sign3A_8 : i1 to i32
    %sign3A_10 = arith.subi %sign3A_6, %sign3A_9 : i32
    %sign3A_11 = arith.constant 0 : i32
    %sign3A_12 = arith.cmpi sgt, %jit3A, %sign3A_11 : i32
    %sign3A_13 = arith.extui %sign3A_12 : i1 to i32
    %sign3A_14 = arith.constant 0 : i32
    %sign3A_15 = arith.cmpi slt, %jit3A, %sign3A_14 : i32
    %sign3A_16 = arith.extui %sign3A_15 : i1 to i32
    %sign3A_17 = arith.subi %sign3A_13, %sign3A_16 : i32
    %ne3A = arith.cmpi ne, %sign3A_10, %sign3A_17 : i32
    %rem3A = arith.remsi %mul3A_4, %jit3A : i32
    %ne3A_18 = arith.constant 0 : i32
    %ne3A_19 = arith.cmpi ne, %rem3A, %ne3A_18 : i32
    %and3A = arith.andi %ne3A, %ne3A_19 : i1
    %sub3A = arith.constant 1 : i32
    %sub3A_20 = arith.subi %div3A, %sub3A : i32
    %select_n3A = arith.select %and3A, %sub3A_20, %div3A : i32
    %mul3A_21 = arith.constant 128 : i32
    %mul3A_22 = arith.muli %select_n3A, %mul3A_21 : i32
    %min3A = arith.constant 309760 : i32
    %min3A_23 = arith.minsi %mul3A_22, %min3A : i32
    %sub3A_24 = arith.subi %mul3A_4, %min3A_23 : i32
    %dma_start3A = arith.constant 0 : i32
    %dma_start3A_25 = tpu.memref_slice %arg2[%dma_start3A] : memref<20480xf32, #tpu.memory_space<hbm>> -> memref<10240xf32, #tpu.memory_space<hbm>>
    %dma_start3A_26 = arith.constant 0 : i32
    %dma_start3A_27 = tpu.memref_slice %arg2[%dma_start3A_26] : memref<20480xf32, #tpu.memory_space<hbm>> -> memref<10240xf32, #tpu.memory_space<hbm>>
    tpu.enqueue_dma source(%dma_start3A_27 : memref<10240xf32, #tpu.memory_space<hbm>>) target(%arg6 : memref<10240xf32, #tpu.memory_space<vmem>>) target_semaphore(%arg13 : memref<!tpu.dma_semaphore, #tpu.memory_space<semaphore_mem>>)
    %dma_start3A_28 = arith.constant 10240 : i32
    %dma_start3A_29 = tpu.memref_slice %arg2[%dma_start3A_28] : memref<20480xf32, #tpu.memory_space<hbm>> -> memref<10240xf32, #tpu.memory_space<hbm>>
    %dma_start3A_30 = arith.constant 10240 : i32
    %dma_start3A_31 = tpu.memref_slice %arg2[%dma_start3A_30] : memref<20480xf32, #tpu.memory_space<hbm>> -> memref<10240xf32, #tpu.memory_space<hbm>>
    tpu.enqueue_dma source(%dma_start3A_31 : memref<10240xf32, #tpu.memory_space<hbm>>) target(%arg7 : memref<10240xf32, #tpu.memory_space<vmem>>) target_semaphore(%arg14 : memref<!tpu.dma_semaphore, #tpu.memory_space<semaphore_mem>>)
    %dma_start3A_32 = arith.constant 0 : i32
    %dma_start3A_33 = tpu.memref_slice %arg4[%dma_start3A_32, %min3A_23] : memref<2x320000xi32, #tpu.memory_space<hbm>> -> memref<2x10240xi32, #tpu.memory_space<hbm>>
    %dma_start3A_34 = arith.constant 0 : i32
    %dma_start3A_35 = tpu.memref_slice %arg4[%dma_start3A_34, %min3A_23] : memref<2x320000xi32, #tpu.memory_space<hbm>> -> memref<2x10240xi32, #tpu.memory_space<hbm>>
    tpu.enqueue_dma source(%dma_start3A_35 : memref<2x10240xi32, #tpu.memory_space<hbm>>) target(%arg8 : memref<2x10240xi32, #tpu.memory_space<vmem>>) target_semaphore(%arg15 : memref<!tpu.dma_semaphore, #tpu.memory_space<semaphore_mem>>)
    %dma_start3A_36 = tpu.memref_slice %arg3[%mul3A_2] : memref<320000xf32, #tpu.memory_space<hbm>> -> memref<10000xf32, #tpu.memory_space<hbm>>
    %dma_start3A_37 = tpu.memref_slice %arg3[%mul3A_2] : memref<320000xf32, #tpu.memory_space<hbm>> -> memref<10000xf32, #tpu.memory_space<hbm>>
    tpu.enqueue_dma source(%dma_start3A_37 : memref<10000xf32, #tpu.memory_space<hbm>>) target(%arg9 : memref<10000xf32, #tpu.memory_space<vmem>>) target_semaphore(%arg16 : memref<!tpu.dma_semaphore, #tpu.memory_space<semaphore_mem>>)
    %parallel_loop3A = arith.constant 0 : i32
    %parallel_loop3A_38 = arith.constant 10240 : i32
    %parallel_loop3A_39 = arith.constant 16 : i32
    scf.for %parallel_loop3A_531 = %parallel_loop3A to %parallel_loop3A_38 step %parallel_loop3A_39  : i32 {
      %parallel_loop3A_532 = arith.constant 0.000000e+00 : f32
      %parallel_loop3A_533 = vector.broadcast %parallel_loop3A_532 : f32 to vector<16xf32>
      %parallel_loop3A_534 = arith.index_cast %parallel_loop3A_531 : i32 to index
      %parallel_loop3A_535 = tpu.vector_load %arg10[%parallel_loop3A_534] {strides = array<i32>} : memref<10240xf32, #tpu.memory_space<vmem>>, vector<16xf32>,
      tpu.vector_store %arg10[%parallel_loop3A_534], %parallel_loop3A_533 {strides = array<i32>} : memref<10240xf32, #tpu.memory_space<vmem>>, vector<16xf32>,
    } {sc.loop_unroll_factor = 8 : i64, sc.parallel_access}
    %dma_wait3A = arith.constant 0 : i32
    %dma_wait3A_40 = tpu.memref_slice %arg2[%dma_wait3A] : memref<20480xf32, #tpu.memory_space<hbm>> -> memref<10240xf32, #tpu.memory_space<hbm>>
    %dma_wait3A_41 = arith.constant 0 : i32
    %dma_wait3A_42 = tpu.memref_slice %arg2[%dma_wait3A_41] : memref<20480xf32, #tpu.memory_space<hbm>> -> memref<10240xf32, #tpu.memory_space<hbm>>
    tpu.wait_dma2 semaphore(%arg13 : memref<!tpu.dma_semaphore, #tpu.memory_space<semaphore_mem>>) src(%dma_wait3A_42 : memref<10240xf32, #tpu.memory_space<hbm>>) dst(%arg6 : memref<10240xf32, #tpu.memory_space<vmem>>)
    %dma_wait3A_43 = arith.constant 10240 : i32
    %dma_wait3A_44 = tpu.memref_slice %arg2[%dma_wait3A_43] : memref<20480xf32, #tpu.memory_space<hbm>> -> memref<10240xf32, #tpu.memory_space<hbm>>
    %dma_wait3A_45 = arith.constant 10240 : i32
    %dma_wait3A_46 = tpu.memref_slice %arg2[%dma_wait3A_45] : memref<20480xf32, #tpu.memory_space<hbm>> -> memref<10240xf32, #tpu.memory_space<hbm>>
    tpu.wait_dma2 semaphore(%arg14 : memref<!tpu.dma_semaphore, #tpu.memory_space<semaphore_mem>>) src(%dma_wait3A_46 : memref<10240xf32, #tpu.memory_space<hbm>>) dst(%arg7 : memref<10240xf32, #tpu.memory_space<vmem>>)
    %parallel_loop3A_47 = arith.constant 0 : i32
    %parallel_loop3A_48 = arith.constant 10240 : i32
    %parallel_loop3A_49 = arith.constant 16 : i32
    scf.for %parallel_loop3A_531 = %parallel_loop3A_47 to %parallel_loop3A_48 step %parallel_loop3A_49  : i32 {
      %parallel_loop3A_532 = arith.index_cast %parallel_loop3A_531 : i32 to index
      %parallel_loop3A_533 = tpu.vector_load %arg6[%parallel_loop3A_532] {strides = array<i32>} : memref<10240xf32, #tpu.memory_space<vmem>>, vector<16xf32>,
      %parallel_loop3A_534 = arith.index_cast %parallel_loop3A_531 : i32 to index
      %parallel_loop3A_535 = tpu.vector_load %arg7[%parallel_loop3A_534] {strides = array<i32>} : memref<10240xf32, #tpu.memory_space<vmem>>, vector<16xf32>,
      %parallel_loop3A_536 = arith.addf %parallel_loop3A_533, %parallel_loop3A_535 : vector<16xf32>
      %parallel_loop3A_537 = arith.constant 1.000000e+00 : f32
      %parallel_loop3A_538 = vector.broadcast %parallel_loop3A_537 : f32 to vector<16xf32>
      %parallel_loop3A_539 = arith.divf %parallel_loop3A_538, %parallel_loop3A_536 : vector<16xf32>
      %parallel_loop3A_540 = arith.index_cast %parallel_loop3A_531 : i32 to index
      %parallel_loop3A_541 = tpu.vector_load %arg6[%parallel_loop3A_540] {strides = array<i32>} : memref<10240xf32, #tpu.memory_space<vmem>>, vector<16xf32>,
      tpu.vector_store %arg6[%parallel_loop3A_540], %parallel_loop3A_539 {strides = array<i32>} : memref<10240xf32, #tpu.memory_space<vmem>>, vector<16xf32>,
    } {sc.loop_unroll_factor = 8 : i64, sc.parallel_access}
    %dma_wait3A_50 = arith.constant 0 : i32
    %dma_wait3A_51 = tpu.memref_slice %arg4[%dma_wait3A_50, %min3A_23] : memref<2x320000xi32, #tpu.memory_space<hbm>> -> memref<2x10240xi32, #tpu.memory_space<hbm>>
    %dma_wait3A_52 = arith.constant 0 : i32
    %dma_wait3A_53 = tpu.memref_slice %arg4[%dma_wait3A_52, %min3A_23] : memref<2x320000xi32, #tpu.memory_space<hbm>> -> memref<2x10240xi32, #tpu.memory_space<hbm>>
    tpu.wait_dma2 semaphore(%arg15 : memref<!tpu.dma_semaphore, #tpu.memory_space<semaphore_mem>>) src(%dma_wait3A_53 : memref<2x10240xi32, #tpu.memory_space<hbm>>) dst(%arg8 : memref<2x10240xi32, #tpu.memory_space<vmem>>)
    %dma_wait3A_54 = tpu.memref_slice %arg3[%mul3A_2] : memref<320000xf32, #tpu.memory_space<hbm>> -> memref<10000xf32, #tpu.memory_space<hbm>>
    %dma_wait3A_55 = tpu.memref_slice %arg3[%mul3A_2] : memref<320000xf32, #tpu.memory_space<hbm>> -> memref<10000xf32, #tpu.memory_space<hbm>>
    tpu.wait_dma2 semaphore(%arg16 : memref<!tpu.dma_semaphore, #tpu.memory_space<semaphore_mem>>) src(%dma_wait3A_55 : memref<10000xf32, #tpu.memory_space<hbm>>) dst(%arg9 : memref<10000xf32, #tpu.memory_space<vmem>>)
    %parallel_loop3A_56 = arith.constant 0 : i32
    %parallel_loop3A_57 = arith.constant 10000 : i32
    %parallel_loop3A_58 = arith.constant 16 : i32
    scf.for %parallel_loop3A_531 = %parallel_loop3A_56 to %parallel_loop3A_57 step %parallel_loop3A_58  : i32 {
      %parallel_loop3A_532 = arith.addi %sub3A_24, %parallel_loop3A_531 : i32
      %parallel_loop3A_533 = arith.constant 0 : i32
      %parallel_loop3A_534 = arith.index_cast %parallel_loop3A_533 : i32 to index
      %parallel_loop3A_535 = arith.index_cast %parallel_loop3A_532 : i32 to index
      %parallel_loop3A_536 = tpu.vector_load %arg8[%parallel_loop3A_534, %parallel_loop3A_535] {strides = array<i32>} : memref<2x10240xi32, #tpu.memory_space<vmem>>, vector<16xi32>,
      %parallel_loop3A_537 = arith.addi %sub3A_24, %parallel_loop3A_531 : i32
      %parallel_loop3A_538 = arith.constant 1 : i32
      %parallel_loop3A_539 = arith.index_cast %parallel_loop3A_538 : i32 to index
      %parallel_loop3A_540 = arith.index_cast %parallel_loop3A_537 : i32 to index
      %parallel_loop3A_541 = tpu.vector_load %arg8[%parallel_loop3A_539, %parallel_loop3A_540] {strides = array<i32>} : memref<2x10240xi32, #tpu.memory_space<vmem>>, vector<16xi32>,
      %parallel_loop3A_542 = arith.index_cast %parallel_loop3A_531 : i32 to index
      %parallel_loop3A_543 = tpu.vector_load %arg9[%parallel_loop3A_542] {strides = array<i32>} : memref<10000xf32, #tpu.memory_space<vmem>>, vector<16xf32>,
      %parallel_loop3A_544 = tpu.vector_load_idx %arg6[%parallel_loop3A_541] : memref<10240xf32, #tpu.memory_space<vmem>>[vector<16xi32>], vector<16xf32>,
      %parallel_loop3A_545 = arith.mulf %parallel_loop3A_543, %parallel_loop3A_544 : vector<16xf32>
      tpu.vector_store_idx %arg10[%parallel_loop3A_536], %parallel_loop3A_545 {add = true} : memref<10240xf32, #tpu.memory_space<vmem>>[vector<16xi32>], vector<16xf32>,
    } {sc.loop_unroll_factor = 16 : i64, sc.parallel_access}
    "tpu.region"() ({
      %run_scoped3A = tpu.sem_alloc : memref<!tpu.dma_semaphore, #tpu.memory_space<semaphore_mem>>
      %dma_start3A_531 = arith.constant 0 : i32
      %dma_start3A_532 = tpu.memref_slice %arg17[%arg1, %dma_start3A_531] : memref<16x10240xf32, #tpu.memory_space<vmem_shared>> -> memref<1x10240xf32, #tpu.memory_space<vmem_shared>>
      %dma_start3A_533 = tpu.memref_squeeze %dma_start3A_532 : memref<1x10240xf32, #tpu.memory_space<vmem_shared>> -> memref<10240xf32, #tpu.memory_space<vmem_shared>>
      %dma_start3A_534 = arith.constant 0 : i32
      %dma_start3A_535 = tpu.memref_slice %arg17[%arg1, %dma_start3A_534] : memref<16x10240xf32, #tpu.memory_space<vmem_shared>> -> memref<1x10240xf32, #tpu.memory_space<vmem_shared>>
      %dma_start3A_536 = tpu.memref_squeeze %dma_start3A_535 : memref<1x10240xf32, #tpu.memory_space<vmem_shared>> -> memref<10240xf32, #tpu.memory_space<vmem_shared>>
      tpu.enqueue_dma source(%arg10 : memref<10240xf32, #tpu.memory_space<vmem>>) target(%dma_start3A_536 : memref<10240xf32, #tpu.memory_space<vmem_shared>>) target_semaphore(%run_scoped3A : memref<!tpu.dma_semaphore, #tpu.memory_space<semaphore_mem>>)
      %dma_wait3A_537 = arith.constant 0 : i32
      %dma_wait3A_538 = tpu.memref_slice %arg17[%arg1, %dma_wait3A_537] : memref<16x10240xf32, #tpu.memory_space<vmem_shared>> -> memref<1x10240xf32, #tpu.memory_space<vmem_shared>>
      %dma_wait3A_539 = tpu.memref_squeeze %dma_wait3A_538 : memref<1x10240xf32, #tpu.memory_space<vmem_shared>> -> memref<10240xf32, #tpu.memory_space<vmem_shared>>
      %dma_wait3A_540 = arith.constant 0 : i32
      %dma_wait3A_541 = tpu.memref_slice %arg17[%arg1, %dma_wait3A_540] : memref<16x10240xf32, #tpu.memory_space<vmem_shared>> -> memref<1x10240xf32, #tpu.memory_space<vmem_shared>>
      %dma_wait3A_542 = tpu.memref_squeeze %dma_wait3A_541 : memref<1x10240xf32, #tpu.memory_space<vmem_shared>> -> memref<10240xf32, #tpu.memory_space<vmem_shared>>
      tpu.wait_dma2 semaphore(%run_scoped3A : memref<!tpu.dma_semaphore, #tpu.memory_space<semaphore_mem>>) src(%arg10 : memref<10240xf32, #tpu.memory_space<vmem>>) dst(%dma_wait3A_542 : memref<10240xf32, #tpu.memory_space<vmem_shared>>)
      tpu.yield
    }) : () -> ()
    %barrier3A = arith.constant 0 : index
    tpu.barrier barrier_id(%barrier3A)
    %mul3A_59 = arith.constant 640 : i32
    %mul3A_60 = arith.muli %arg1, %mul3A_59 : i32
    %dma_start3A_61 = arith.constant 0 : i32
    %dma_start3A_62 = arith.constant 0 : i32
    %dma_start3A_63 = arith.constant 0 : i32
    %dma_start3A_64 = tpu.memref_slice %arg11[%dma_start3A_62, %dma_start3A_63] : memref<16x640xf32, #tpu.memory_space<vmem>> -> memref<1x640xf32, #tpu.memory_space<vmem>>
    %dma_start3A_65 = tpu.memref_squeeze %dma_start3A_64 : memref<1x640xf32, #tpu.memory_space<vmem>> -> memref<640xf32, #tpu.memory_space<vmem>>
    %dma_start3A_66 = tpu.memref_slice %arg17[%dma_start3A_61, %mul3A_60] : memref<16x10240xf32, #tpu.memory_space<vmem_shared>> -> memref<1x640xf32, #tpu.memory_space<vmem_shared>>
    %dma_start3A_67 = tpu.memref_squeeze %dma_start3A_66 : memref<1x640xf32, #tpu.memory_space<vmem_shared>> -> memref<640xf32, #tpu.memory_space<vmem_shared>>
    %dma_start3A_68 = arith.constant 0 : i32
    %dma_start3A_69 = tpu.memref_slice %arg11[%dma_start3A_62, %dma_start3A_68] : memref<16x640xf32, #tpu.memory_space<vmem>> -> memref<1x640xf32, #tpu.memory_space<vmem>>
    %dma_start3A_70 = tpu.memref_squeeze %dma_start3A_69 : memref<1x640xf32, #tpu.memory_space<vmem>> -> memref<640xf32, #tpu.memory_space<vmem>>
    %dma_start3A_71 = tpu.memref_slice %arg17[%dma_start3A_61, %mul3A_60] : memref<16x10240xf32, #tpu.memory_space<vmem_shared>> -> memref<1x640xf32, #tpu.memory_space<vmem_shared>>
    %dma_start3A_72 = tpu.memref_squeeze %dma_start3A_71 : memref<1x640xf32, #tpu.memory_space<vmem_shared>> -> memref<640xf32, #tpu.memory_space<vmem_shared>>
    tpu.enqueue_dma source(%dma_start3A_72 : memref<640xf32, #tpu.memory_space<vmem_shared>>) target(%dma_start3A_70 : memref<640xf32, #tpu.memory_space<vmem>>) target_semaphore(%arg13 : memref<!tpu.dma_semaphore, #tpu.memory_space<semaphore_mem>>)
    %mul3A_73 = arith.constant 640 : i32
    %mul3A_74 = arith.muli %arg1, %mul3A_73 : i32
    %dma_start3A_75 = arith.constant 1 : i32
    %dma_start3A_76 = arith.constant 1 : i32
    %dma_start3A_77 = arith.constant 0 : i32
    %dma_start3A_78 = tpu.memref_slice %arg11[%dma_start3A_76, %dma_start3A_77] : memref<16x640xf32, #tpu.memory_space<vmem>> -> memref<1x640xf32, #tpu.memory_space<vmem>>
    %dma_start3A_79 = tpu.memref_squeeze %dma_start3A_78 : memref<1x640xf32, #tpu.memory_space<vmem>> -> memref<640xf32, #tpu.memory_space<vmem>>
    %dma_start3A_80 = tpu.memref_slice %arg17[%dma_start3A_75, %mul3A_74] : memref<16x10240xf32, #tpu.memory_space<vmem_shared>> -> memref<1x640xf32, #tpu.memory_space<vmem_shared>>
    %dma_start3A_81 = tpu.memref_squeeze %dma_start3A_80 : memref<1x640xf32, #tpu.memory_space<vmem_shared>> -> memref<640xf32, #tpu.memory_space<vmem_shared>>
    %dma_start3A_82 = arith.constant 0 : i32
    %dma_start3A_83 = tpu.memref_slice %arg11[%dma_start3A_76, %dma_start3A_82] : memref<16x640xf32, #tpu.memory_space<vmem>> -> memref<1x640xf32, #tpu.memory_space<vmem>>
    %dma_start3A_84 = tpu.memref_squeeze %dma_start3A_83 : memref<1x640xf32, #tpu.memory_space<vmem>> -> memref<640xf32, #tpu.memory_space<vmem>>
    %dma_start3A_85 = tpu.memref_slice %arg17[%dma_start3A_75, %mul3A_74] : memref<16x10240xf32, #tpu.memory_space<vmem_shared>> -> memref<1x640xf32, #tpu.memory_space<vmem_shared>>
    %dma_start3A_86 = tpu.memref_squeeze %dma_start3A_85 : memref<1x640xf32, #tpu.memory_space<vmem_shared>> -> memref<640xf32, #tpu.memory_space<vmem_shared>>
    tpu.enqueue_dma source(%dma_start3A_86 : memref<640xf32, #tpu.memory_space<vmem_shared>>) target(%dma_start3A_84 : memref<640xf32, #tpu.memory_space<vmem>>) target_semaphore(%arg13 : memref<!tpu.dma_semaphore, #tpu.memory_space<semaphore_mem>>)
    %mul3A_87 = arith.constant 640 : i32
    %mul3A_88 = arith.muli %arg1, %mul3A_87 : i32
    %dma_start3A_89 = arith.constant 2 : i32
    %dma_start3A_90 = arith.constant 2 : i32
    %dma_start3A_91 = arith.constant 0 : i32
    %dma_start3A_92 = tpu.memref_slice %arg11[%dma_start3A_90, %dma_start3A_91] : memref<16x640xf32, #tpu.memory_space<vmem>> -> memref<1x640xf32, #tpu.memory_space<vmem>>
    %dma_start3A_93 = tpu.memref_squeeze %dma_start3A_92 : memref<1x640xf32, #tpu.memory_space<vmem>> -> memref<640xf32, #tpu.memory_space<vmem>>
    %dma_start3A_94 = tpu.memref_slice %arg17[%dma_start3A_89, %mul3A_88] : memref<16x10240xf32, #tpu.memory_space<vmem_shared>> -> memref<1x640xf32, #tpu.memory_space<vmem_shared>>
    %dma_start3A_95 = tpu.memref_squeeze %dma_start3A_94 : memref<1x640xf32, #tpu.memory_space<vmem_shared>> -> memref<640xf32, #tpu.memory_space<vmem_shared>>
    %dma_start3A_96 = arith.constant 0 : i32
    %dma_start3A_97 = tpu.memref_slice %arg11[%dma_start3A_90, %dma_start3A_96] : memref<16x640xf32, #tpu.memory_space<vmem>> -> memref<1x640xf32, #tpu.memory_space<vmem>>
    %dma_start3A_98 = tpu.memref_squeeze %dma_start3A_97 : memref<1x640xf32, #tpu.memory_space<vmem>> -> memref<640xf32, #tpu.memory_space<vmem>>
    %dma_start3A_99 = tpu.memref_slice %arg17[%dma_start3A_89, %mul3A_88] : memref<16x10240xf32, #tpu.memory_space<vmem_shared>> -> memref<1x640xf32, #tpu.memory_space<vmem_shared>>
    %dma_start3A_100 = tpu.memref_squeeze %dma_start3A_99 : memref<1x640xf32, #tpu.memory_space<vmem_shared>> -> memref<640xf32, #tpu.memory_space<vmem_shared>>
    tpu.enqueue_dma source(%dma_start3A_100 : memref<640xf32, #tpu.memory_space<vmem_shared>>) target(%dma_start3A_98 : memref<640xf32, #tpu.memory_space<vmem>>) target_semaphore(%arg13 : memref<!tpu.dma_semaphore, #tpu.memory_space<semaphore_mem>>)
    %mul3A_101 = arith.constant 640 : i32
    %mul3A_102 = arith.muli %arg1, %mul3A_101 : i32
    %dma_start3A_103 = arith.constant 3 : i32
    %dma_start3A_104 = arith.constant 3 : i32
    %dma_start3A_105 = arith.constant 0 : i32
    %dma_start3A_106 = tpu.memref_slice %arg11[%dma_start3A_104, %dma_start3A_105] : memref<16x640xf32, #tpu.memory_space<vmem>> -> memref<1x640xf32, #tpu.memory_space<vmem>>
    %dma_start3A_107 = tpu.memref_squeeze %dma_start3A_106 : memref<1x640xf32, #tpu.memory_space<vmem>> -> memref<640xf32, #tpu.memory_space<vmem>>
    %dma_start3A_108 = tpu.memref_slice %arg17[%dma_start3A_103, %mul3A_102] : memref<16x10240xf32, #tpu.memory_space<vmem_shared>> -> memref<1x640xf32, #tpu.memory_space<vmem_shared>>
    %dma_start3A_109 = tpu.memref_squeeze %dma_start3A_108 : memref<1x640xf32, #tpu.memory_space<vmem_shared>> -> memref<640xf32, #tpu.memory_space<vmem_shared>>
    %dma_start3A_110 = arith.constant 0 : i32
    %dma_start3A_111 = tpu.memref_slice %arg11[%dma_start3A_104, %dma_start3A_110] : memref<16x640xf32, #tpu.memory_space<vmem>> -> memref<1x640xf32, #tpu.memory_space<vmem>>
    %dma_start3A_112 = tpu.memref_squeeze %dma_start3A_111 : memref<1x640xf32, #tpu.memory_space<vmem>> -> memref<640xf32, #tpu.memory_space<vmem>>
    %dma_start3A_113 = tpu.memref_slice %arg17[%dma_start3A_103, %mul3A_102] : memref<16x10240xf32, #tpu.memory_space<vmem_shared>> -> memref<1x640xf32, #tpu.memory_space<vmem_shared>>
    %dma_start3A_114 = tpu.memref_squeeze %dma_start3A_113 : memref<1x640xf32, #tpu.memory_space<vmem_shared>> -> memref<640xf32, #tpu.memory_space<vmem_shared>>
    tpu.enqueue_dma source(%dma_start3A_114 : memref<640xf32, #tpu.memory_space<vmem_shared>>) target(%dma_start3A_112 : memref<640xf32, #tpu.memory_space<vmem>>) target_semaphore(%arg13 : memref<!tpu.dma_semaphore, #tpu.memory_space<semaphore_mem>>)
    %mul3A_115 = arith.constant 640 : i32
    %mul3A_116 = arith.muli %arg1, %mul3A_115 : i32
    %dma_start3A_117 = arith.constant 4 : i32
    %dma_start3A_118 = arith.constant 4 : i32
    %dma_start3A_119 = arith.constant 0 : i32
    %dma_start3A_120 = tpu.memref_slice %arg11[%dma_start3A_118, %dma_start3A_119] : memref<16x640xf32, #tpu.memory_space<vmem>> -> memref<1x640xf32, #tpu.memory_space<vmem>>
    %dma_start3A_121 = tpu.memref_squeeze %dma_start3A_120 : memref<1x640xf32, #tpu.memory_space<vmem>> -> memref<640xf32, #tpu.memory_space<vmem>>
    %dma_start3A_122 = tpu.memref_slice %arg17[%dma_start3A_117, %mul3A_116] : memref<16x10240xf32, #tpu.memory_space<vmem_shared>> -> memref<1x640xf32, #tpu.memory_space<vmem_shared>>
    %dma_start3A_123 = tpu.memref_squeeze %dma_start3A_122 : memref<1x640xf32, #tpu.memory_space<vmem_shared>> -> memref<640xf32, #tpu.memory_space<vmem_shared>>
    %dma_start3A_124 = arith.constant 0 : i32
    %dma_start3A_125 = tpu.memref_slice %arg11[%dma_start3A_118, %dma_start3A_124] : memref<16x640xf32, #tpu.memory_space<vmem>> -> memref<1x640xf32, #tpu.memory_space<vmem>>
    %dma_start3A_126 = tpu.memref_squeeze %dma_start3A_125 : memref<1x640xf32, #tpu.memory_space<vmem>> -> memref<640xf32, #tpu.memory_space<vmem>>
    %dma_start3A_127 = tpu.memref_slice %arg17[%dma_start3A_117, %mul3A_116] : memref<16x10240xf32, #tpu.memory_space<vmem_shared>> -> memref<1x640xf32, #tpu.memory_space<vmem_shared>>
    %dma_start3A_128 = tpu.memref_squeeze %dma_start3A_127 : memref<1x640xf32, #tpu.memory_space<vmem_shared>> -> memref<640xf32, #tpu.memory_space<vmem_shared>>
    tpu.enqueue_dma source(%dma_start3A_128 : memref<640xf32, #tpu.memory_space<vmem_shared>>) target(%dma_start3A_126 : memref<640xf32, #tpu.memory_space<vmem>>) target_semaphore(%arg13 : memref<!tpu.dma_semaphore, #tpu.memory_space<semaphore_mem>>)
    %mul3A_129 = arith.constant 640 : i32
    %mul3A_130 = arith.muli %arg1, %mul3A_129 : i32
    %dma_start3A_131 = arith.constant 5 : i32
    %dma_start3A_132 = arith.constant 5 : i32
    %dma_start3A_133 = arith.constant 0 : i32
    %dma_start3A_134 = tpu.memref_slice %arg11[%dma_start3A_132, %dma_start3A_133] : memref<16x640xf32, #tpu.memory_space<vmem>> -> memref<1x640xf32, #tpu.memory_space<vmem>>
    %dma_start3A_135 = tpu.memref_squeeze %dma_start3A_134 : memref<1x640xf32, #tpu.memory_space<vmem>> -> memref<640xf32, #tpu.memory_space<vmem>>
    %dma_start3A_136 = tpu.memref_slice %arg17[%dma_start3A_131, %mul3A_130] : memref<16x10240xf32, #tpu.memory_space<vmem_shared>> -> memref<1x640xf32, #tpu.memory_space<vmem_shared>>
    %dma_start3A_137 = tpu.memref_squeeze %dma_start3A_136 : memref<1x640xf32, #tpu.memory_space<vmem_shared>> -> memref<640xf32, #tpu.memory_space<vmem_shared>>
    %dma_start3A_138 = arith.constant 0 : i32
    %dma_start3A_139 = tpu.memref_slice %arg11[%dma_start3A_132, %dma_start3A_138] : memref<16x640xf32, #tpu.memory_space<vmem>> -> memref<1x640xf32, #tpu.memory_space<vmem>>
    %dma_start3A_140 = tpu.memref_squeeze %dma_start3A_139 : memref<1x640xf32, #tpu.memory_space<vmem>> -> memref<640xf32, #tpu.memory_space<vmem>>
    %dma_start3A_141 = tpu.memref_slice %arg17[%dma_start3A_131, %mul3A_130] : memref<16x10240xf32, #tpu.memory_space<vmem_shared>> -> memref<1x640xf32, #tpu.memory_space<vmem_shared>>
    %dma_start3A_142 = tpu.memref_squeeze %dma_start3A_141 : memref<1x640xf32, #tpu.memory_space<vmem_shared>> -> memref<640xf32, #tpu.memory_space<vmem_shared>>
    tpu.enqueue_dma source(%dma_start3A_142 : memref<640xf32, #tpu.memory_space<vmem_shared>>) target(%dma_start3A_140 : memref<640xf32, #tpu.memory_space<vmem>>) target_semaphore(%arg13 : memref<!tpu.dma_semaphore, #tpu.memory_space<semaphore_mem>>)
    %mul3A_143 = arith.constant 640 : i32
    %mul3A_144 = arith.muli %arg1, %mul3A_143 : i32
    %dma_start3A_145 = arith.constant 6 : i32
    %dma_start3A_146 = arith.constant 6 : i32
    %dma_start3A_147 = arith.constant 0 : i32
    %dma_start3A_148 = tpu.memref_slice %arg11[%dma_start3A_146, %dma_start3A_147] : memref<16x640xf32, #tpu.memory_space<vmem>> -> memref<1x640xf32, #tpu.memory_space<vmem>>
    %dma_start3A_149 = tpu.memref_squeeze %dma_start3A_148 : memref<1x640xf32, #tpu.memory_space<vmem>> -> memref<640xf32, #tpu.memory_space<vmem>>
    %dma_start3A_150 = tpu.memref_slice %arg17[%dma_start3A_145, %mul3A_144] : memref<16x10240xf32, #tpu.memory_space<vmem_shared>> -> memref<1x640xf32, #tpu.memory_space<vmem_shared>>
    %dma_start3A_151 = tpu.memref_squeeze %dma_start3A_150 : memref<1x640xf32, #tpu.memory_space<vmem_shared>> -> memref<640xf32, #tpu.memory_space<vmem_shared>>
    %dma_start3A_152 = arith.constant 0 : i32
    %dma_start3A_153 = tpu.memref_slice %arg11[%dma_start3A_146, %dma_start3A_152] : memref<16x640xf32, #tpu.memory_space<vmem>> -> memref<1x640xf32, #tpu.memory_space<vmem>>
    %dma_start3A_154 = tpu.memref_squeeze %dma_start3A_153 : memref<1x640xf32, #tpu.memory_space<vmem>> -> memref<640xf32, #tpu.memory_space<vmem>>
    %dma_start3A_155 = tpu.memref_slice %arg17[%dma_start3A_145, %mul3A_144] : memref<16x10240xf32, #tpu.memory_space<vmem_shared>> -> memref<1x640xf32, #tpu.memory_space<vmem_shared>>
    %dma_start3A_156 = tpu.memref_squeeze %dma_start3A_155 : memref<1x640xf32, #tpu.memory_space<vmem_shared>> -> memref<640xf32, #tpu.memory_space<vmem_shared>>
    tpu.enqueue_dma source(%dma_start3A_156 : memref<640xf32, #tpu.memory_space<vmem_shared>>) target(%dma_start3A_154 : memref<640xf32, #tpu.memory_space<vmem>>) target_semaphore(%arg13 : memref<!tpu.dma_semaphore, #tpu.memory_space<semaphore_mem>>)
    %mul3A_157 = arith.constant 640 : i32
    %mul3A_158 = arith.muli %arg1, %mul3A_157 : i32
    %dma_start3A_159 = arith.constant 7 : i32
    %dma_start3A_160 = arith.constant 7 : i32
    %dma_start3A_161 = arith.constant 0 : i32
    %dma_start3A_162 = tpu.memref_slice %arg11[%dma_start3A_160, %dma_start3A_161] : memref<16x640xf32, #tpu.memory_space<vmem>> -> memref<1x640xf32, #tpu.memory_space<vmem>>
    %dma_start3A_163 = tpu.memref_squeeze %dma_start3A_162 : memref<1x640xf32, #tpu.memory_space<vmem>> -> memref<640xf32, #tpu.memory_space<vmem>>
    %dma_start3A_164 = tpu.memref_slice %arg17[%dma_start3A_159, %mul3A_158] : memref<16x10240xf32, #tpu.memory_space<vmem_shared>> -> memref<1x640xf32, #tpu.memory_space<vmem_shared>>
    %dma_start3A_165 = tpu.memref_squeeze %dma_start3A_164 : memref<1x640xf32, #tpu.memory_space<vmem_shared>> -> memref<640xf32, #tpu.memory_space<vmem_shared>>
    %dma_start3A_166 = arith.constant 0 : i32
    %dma_start3A_167 = tpu.memref_slice %arg11[%dma_start3A_160, %dma_start3A_166] : memref<16x640xf32, #tpu.memory_space<vmem>> -> memref<1x640xf32, #tpu.memory_space<vmem>>
    %dma_start3A_168 = tpu.memref_squeeze %dma_start3A_167 : memref<1x640xf32, #tpu.memory_space<vmem>> -> memref<640xf32, #tpu.memory_space<vmem>>
    %dma_start3A_169 = tpu.memref_slice %arg17[%dma_start3A_159, %mul3A_158] : memref<16x10240xf32, #tpu.memory_space<vmem_shared>> -> memref<1x640xf32, #tpu.memory_space<vmem_shared>>
    %dma_start3A_170 = tpu.memref_squeeze %dma_start3A_169 : memref<1x640xf32, #tpu.memory_space<vmem_shared>> -> memref<640xf32, #tpu.memory_space<vmem_shared>>
    tpu.enqueue_dma source(%dma_start3A_170 : memref<640xf32, #tpu.memory_space<vmem_shared>>) target(%dma_start3A_168 : memref<640xf32, #tpu.memory_space<vmem>>) target_semaphore(%arg13 : memref<!tpu.dma_semaphore, #tpu.memory_space<semaphore_mem>>)
    %mul3A_171 = arith.constant 640 : i32
    %mul3A_172 = arith.muli %arg1, %mul3A_171 : i32
    %dma_start3A_173 = arith.constant 8 : i32
    %dma_start3A_174 = arith.constant 8 : i32
    %dma_start3A_175 = arith.constant 0 : i32
    %dma_start3A_176 = tpu.memref_slice %arg11[%dma_start3A_174, %dma_start3A_175] : memref<16x640xf32, #tpu.memory_space<vmem>> -> memref<1x640xf32, #tpu.memory_space<vmem>>
    %dma_start3A_177 = tpu.memref_squeeze %dma_start3A_176 : memref<1x640xf32, #tpu.memory_space<vmem>> -> memref<640xf32, #tpu.memory_space<vmem>>
    %dma_start3A_178 = tpu.memref_slice %arg17[%dma_start3A_173, %mul3A_172] : memref<16x10240xf32, #tpu.memory_space<vmem_shared>> -> memref<1x640xf32, #tpu.memory_space<vmem_shared>>
    %dma_start3A_179 = tpu.memref_squeeze %dma_start3A_178 : memref<1x640xf32, #tpu.memory_space<vmem_shared>> -> memref<640xf32, #tpu.memory_space<vmem_shared>>
    %dma_start3A_180 = arith.constant 0 : i32
    %dma_start3A_181 = tpu.memref_slice %arg11[%dma_start3A_174, %dma_start3A_180] : memref<16x640xf32, #tpu.memory_space<vmem>> -> memref<1x640xf32, #tpu.memory_space<vmem>>
    %dma_start3A_182 = tpu.memref_squeeze %dma_start3A_181 : memref<1x640xf32, #tpu.memory_space<vmem>> -> memref<640xf32, #tpu.memory_space<vmem>>
    %dma_start3A_183 = tpu.memref_slice %arg17[%dma_start3A_173, %mul3A_172] : memref<16x10240xf32, #tpu.memory_space<vmem_shared>> -> memref<1x640xf32, #tpu.memory_space<vmem_shared>>
    %dma_start3A_184 = tpu.memref_squeeze %dma_start3A_183 : memref<1x640xf32, #tpu.memory_space<vmem_shared>> -> memref<640xf32, #tpu.memory_space<vmem_shared>>
    tpu.enqueue_dma source(%dma_start3A_184 : memref<640xf32, #tpu.memory_space<vmem_shared>>) target(%dma_start3A_182 : memref<640xf32, #tpu.memory_space<vmem>>) target_semaphore(%arg13 : memref<!tpu.dma_semaphore, #tpu.memory_space<semaphore_mem>>)
    %mul3A_185 = arith.constant 640 : i32
    %mul3A_186 = arith.muli %arg1, %mul3A_185 : i32
    %dma_start3A_187 = arith.constant 9 : i32
    %dma_start3A_188 = arith.constant 9 : i32
    %dma_start3A_189 = arith.constant 0 : i32
    %dma_start3A_190 = tpu.memref_slice %arg11[%dma_start3A_188, %dma_start3A_189] : memref<16x640xf32, #tpu.memory_space<vmem>> -> memref<1x640xf32, #tpu.memory_space<vmem>>
    %dma_start3A_191 = tpu.memref_squeeze %dma_start3A_190 : memref<1x640xf32, #tpu.memory_space<vmem>> -> memref<640xf32, #tpu.memory_space<vmem>>
    %dma_start3A_192 = tpu.memref_slice %arg17[%dma_start3A_187, %mul3A_186] : memref<16x10240xf32, #tpu.memory_space<vmem_shared>> -> memref<1x640xf32, #tpu.memory_space<vmem_shared>>
    %dma_start3A_193 = tpu.memref_squeeze %dma_start3A_192 : memref<1x640xf32, #tpu.memory_space<vmem_shared>> -> memref<640xf32, #tpu.memory_space<vmem_shared>>
    %dma_start3A_194 = arith.constant 0 : i32
    %dma_start3A_195 = tpu.memref_slice %arg11[%dma_start3A_188, %dma_start3A_194] : memref<16x640xf32, #tpu.memory_space<vmem>> -> memref<1x640xf32, #tpu.memory_space<vmem>>
    %dma_start3A_196 = tpu.memref_squeeze %dma_start3A_195 : memref<1x640xf32, #tpu.memory_space<vmem>> -> memref<640xf32, #tpu.memory_space<vmem>>
    %dma_start3A_197 = tpu.memref_slice %arg17[%dma_start3A_187, %mul3A_186] : memref<16x10240xf32, #tpu.memory_space<vmem_shared>> -> memref<1x640xf32, #tpu.memory_space<vmem_shared>>
    %dma_start3A_198 = tpu.memref_squeeze %dma_start3A_197 : memref<1x640xf32, #tpu.memory_space<vmem_shared>> -> memref<640xf32, #tpu.memory_space<vmem_shared>>
    tpu.enqueue_dma source(%dma_start3A_198 : memref<640xf32, #tpu.memory_space<vmem_shared>>) target(%dma_start3A_196 : memref<640xf32, #tpu.memory_space<vmem>>) target_semaphore(%arg13 : memref<!tpu.dma_semaphore, #tpu.memory_space<semaphore_mem>>)
    %mul3A_199 = arith.constant 640 : i32
    %mul3A_200 = arith.muli %arg1, %mul3A_199 : i32
    %dma_start3A_201 = arith.constant 10 : i32
    %dma_start3A_202 = arith.constant 10 : i32
    %dma_start3A_203 = arith.constant 0 : i32
    %dma_start3A_204 = tpu.memref_slice %arg11[%dma_start3A_202, %dma_start3A_203] : memref<16x640xf32, #tpu.memory_space<vmem>> -> memref<1x640xf32, #tpu.memory_space<vmem>>
    %dma_start3A_205 = tpu.memref_squeeze %dma_start3A_204 : memref<1x640xf32, #tpu.memory_space<vmem>> -> memref<640xf32, #tpu.memory_space<vmem>>
    %dma_start3A_206 = tpu.memref_slice %arg17[%dma_start3A_201, %mul3A_200] : memref<16x10240xf32, #tpu.memory_space<vmem_shared>> -> memref<1x640xf32, #tpu.memory_space<vmem_shared>>
    %dma_start3A_207 = tpu.memref_squeeze %dma_start3A_206 : memref<1x640xf32, #tpu.memory_space<vmem_shared>> -> memref<640xf32, #tpu.memory_space<vmem_shared>>
    %dma_start3A_208 = arith.constant 0 : i32
    %dma_start3A_209 = tpu.memref_slice %arg11[%dma_start3A_202, %dma_start3A_208] : memref<16x640xf32, #tpu.memory_space<vmem>> -> memref<1x640xf32, #tpu.memory_space<vmem>>
    %dma_start3A_210 = tpu.memref_squeeze %dma_start3A_209 : memref<1x640xf32, #tpu.memory_space<vmem>> -> memref<640xf32, #tpu.memory_space<vmem>>
    %dma_start3A_211 = tpu.memref_slice %arg17[%dma_start3A_201, %mul3A_200] : memref<16x10240xf32, #tpu.memory_space<vmem_shared>> -> memref<1x640xf32, #tpu.memory_space<vmem_shared>>
    %dma_start3A_212 = tpu.memref_squeeze %dma_start3A_211 : memref<1x640xf32, #tpu.memory_space<vmem_shared>> -> memref<640xf32, #tpu.memory_space<vmem_shared>>
    tpu.enqueue_dma source(%dma_start3A_212 : memref<640xf32, #tpu.memory_space<vmem_shared>>) target(%dma_start3A_210 : memref<640xf32, #tpu.memory_space<vmem>>) target_semaphore(%arg13 : memref<!tpu.dma_semaphore, #tpu.memory_space<semaphore_mem>>)
    %mul3A_213 = arith.constant 640 : i32
    %mul3A_214 = arith.muli %arg1, %mul3A_213 : i32
    %dma_start3A_215 = arith.constant 11 : i32
    %dma_start3A_216 = arith.constant 11 : i32
    %dma_start3A_217 = arith.constant 0 : i32
    %dma_start3A_218 = tpu.memref_slice %arg11[%dma_start3A_216, %dma_start3A_217] : memref<16x640xf32, #tpu.memory_space<vmem>> -> memref<1x640xf32, #tpu.memory_space<vmem>>
    %dma_start3A_219 = tpu.memref_squeeze %dma_start3A_218 : memref<1x640xf32, #tpu.memory_space<vmem>> -> memref<640xf32, #tpu.memory_space<vmem>>
    %dma_start3A_220 = tpu.memref_slice %arg17[%dma_start3A_215, %mul3A_214] : memref<16x10240xf32, #tpu.memory_space<vmem_shared>> -> memref<1x640xf32, #tpu.memory_space<vmem_shared>>
    %dma_start3A_221 = tpu.memref_squeeze %dma_start3A_220 : memref<1x640xf32, #tpu.memory_space<vmem_shared>> -> memref<640xf32, #tpu.memory_space<vmem_shared>>
    %dma_start3A_222 = arith.constant 0 : i32
    %dma_start3A_223 = tpu.memref_slice %arg11[%dma_start3A_216, %dma_start3A_222] : memref<16x640xf32, #tpu.memory_space<vmem>> -> memref<1x640xf32, #tpu.memory_space<vmem>>
    %dma_start3A_224 = tpu.memref_squeeze %dma_start3A_223 : memref<1x640xf32, #tpu.memory_space<vmem>> -> memref<640xf32, #tpu.memory_space<vmem>>
    %dma_start3A_225 = tpu.memref_slice %arg17[%dma_start3A_215, %mul3A_214] : memref<16x10240xf32, #tpu.memory_space<vmem_shared>> -> memref<1x640xf32, #tpu.memory_space<vmem_shared>>
    %dma_start3A_226 = tpu.memref_squeeze %dma_start3A_225 : memref<1x640xf32, #tpu.memory_space<vmem_shared>> -> memref<640xf32, #tpu.memory_space<vmem_shared>>
    tpu.enqueue_dma source(%dma_start3A_226 : memref<640xf32, #tpu.memory_space<vmem_shared>>) target(%dma_start3A_224 : memref<640xf32, #tpu.memory_space<vmem>>) target_semaphore(%arg13 : memref<!tpu.dma_semaphore, #tpu.memory_space<semaphore_mem>>)
    %mul3A_227 = arith.constant 640 : i32
    %mul3A_228 = arith.muli %arg1, %mul3A_227 : i32
    %dma_start3A_229 = arith.constant 12 : i32
    %dma_start3A_230 = arith.constant 12 : i32
    %dma_start3A_231 = arith.constant 0 : i32
    %dma_start3A_232 = tpu.memref_slice %arg11[%dma_start3A_230, %dma_start3A_231] : memref<16x640xf32, #tpu.memory_space<vmem>> -> memref<1x640xf32, #tpu.memory_space<vmem>>
    %dma_start3A_233 = tpu.memref_squeeze %dma_start3A_232 : memref<1x640xf32, #tpu.memory_space<vmem>> -> memref<640xf32, #tpu.memory_space<vmem>>
    %dma_start3A_234 = tpu.memref_slice %arg17[%dma_start3A_229, %mul3A_228] : memref<16x10240xf32, #tpu.memory_space<vmem_shared>> -> memref<1x640xf32, #tpu.memory_space<vmem_shared>>
    %dma_start3A_235 = tpu.memref_squeeze %dma_start3A_234 : memref<1x640xf32, #tpu.memory_space<vmem_shared>> -> memref<640xf32, #tpu.memory_space<vmem_shared>>
    %dma_start3A_236 = arith.constant 0 : i32
    %dma_start3A_237 = tpu.memref_slice %arg11[%dma_start3A_230, %dma_start3A_236] : memref<16x640xf32, #tpu.memory_space<vmem>> -> memref<1x640xf32, #tpu.memory_space<vmem>>
    %dma_start3A_238 = tpu.memref_squeeze %dma_start3A_237 : memref<1x640xf32, #tpu.memory_space<vmem>> -> memref<640xf32, #tpu.memory_space<vmem>>
    %dma_start3A_239 = tpu.memref_slice %arg17[%dma_start3A_229, %mul3A_228] : memref<16x10240xf32, #tpu.memory_space<vmem_shared>> -> memref<1x640xf32, #tpu.memory_space<vmem_shared>>
    %dma_start3A_240 = tpu.memref_squeeze %dma_start3A_239 : memref<1x640xf32, #tpu.memory_space<vmem_shared>> -> memref<640xf32, #tpu.memory_space<vmem_shared>>
    tpu.enqueue_dma source(%dma_start3A_240 : memref<640xf32, #tpu.memory_space<vmem_shared>>) target(%dma_start3A_238 : memref<640xf32, #tpu.memory_space<vmem>>) target_semaphore(%arg13 : memref<!tpu.dma_semaphore, #tpu.memory_space<semaphore_mem>>)
    %mul3A_241 = arith.constant 640 : i32
    %mul3A_242 = arith.muli %arg1, %mul3A_241 : i32
    %dma_start3A_243 = arith.constant 13 : i32
    %dma_start3A_244 = arith.constant 13 : i32
    %dma_start3A_245 = arith.constant 0 : i32
    %dma_start3A_246 = tpu.memref_slice %arg11[%dma_start3A_244, %dma_start3A_245] : memref<16x640xf32, #tpu.memory_space<vmem>> -> memref<1x640xf32, #tpu.memory_space<vmem>>
    %dma_start3A_247 = tpu.memref_squeeze %dma_start3A_246 : memref<1x640xf32, #tpu.memory_space<vmem>> -> memref<640xf32, #tpu.memory_space<vmem>>
    %dma_start3A_248 = tpu.memref_slice %arg17[%dma_start3A_243, %mul3A_242] : memref<16x10240xf32, #tpu.memory_space<vmem_shared>> -> memref<1x640xf32, #tpu.memory_space<vmem_shared>>
    %dma_start3A_249 = tpu.memref_squeeze %dma_start3A_248 : memref<1x640xf32, #tpu.memory_space<vmem_shared>> -> memref<640xf32, #tpu.memory_space<vmem_shared>>
    %dma_start3A_250 = arith.constant 0 : i32
    %dma_start3A_251 = tpu.memref_slice %arg11[%dma_start3A_244, %dma_start3A_250] : memref<16x640xf32, #tpu.memory_space<vmem>> -> memref<1x640xf32, #tpu.memory_space<vmem>>
    %dma_start3A_252 = tpu.memref_squeeze %dma_start3A_251 : memref<1x640xf32, #tpu.memory_space<vmem>> -> memref<640xf32, #tpu.memory_space<vmem>>
    %dma_start3A_253 = tpu.memref_slice %arg17[%dma_start3A_243, %mul3A_242] : memref<16x10240xf32, #tpu.memory_space<vmem_shared>> -> memref<1x640xf32, #tpu.memory_space<vmem_shared>>
    %dma_start3A_254 = tpu.memref_squeeze %dma_start3A_253 : memref<1x640xf32, #tpu.memory_space<vmem_shared>> -> memref<640xf32, #tpu.memory_space<vmem_shared>>
    tpu.enqueue_dma source(%dma_start3A_254 : memref<640xf32, #tpu.memory_space<vmem_shared>>) target(%dma_start3A_252 : memref<640xf32, #tpu.memory_space<vmem>>) target_semaphore(%arg13 : memref<!tpu.dma_semaphore, #tpu.memory_space<semaphore_mem>>)
    %mul3A_255 = arith.constant 640 : i32
    %mul3A_256 = arith.muli %arg1, %mul3A_255 : i32
    %dma_start3A_257 = arith.constant 14 : i32
    %dma_start3A_258 = arith.constant 14 : i32
    %dma_start3A_259 = arith.constant 0 : i32
    %dma_start3A_260 = tpu.memref_slice %arg11[%dma_start3A_258, %dma_start3A_259] : memref<16x640xf32, #tpu.memory_space<vmem>> -> memref<1x640xf32, #tpu.memory_space<vmem>>
    %dma_start3A_261 = tpu.memref_squeeze %dma_start3A_260 : memref<1x640xf32, #tpu.memory_space<vmem>> -> memref<640xf32, #tpu.memory_space<vmem>>
    %dma_start3A_262 = tpu.memref_slice %arg17[%dma_start3A_257, %mul3A_256] : memref<16x10240xf32, #tpu.memory_space<vmem_shared>> -> memref<1x640xf32, #tpu.memory_space<vmem_shared>>
    %dma_start3A_263 = tpu.memref_squeeze %dma_start3A_262 : memref<1x640xf32, #tpu.memory_space<vmem_shared>> -> memref<640xf32, #tpu.memory_space<vmem_shared>>
    %dma_start3A_264 = arith.constant 0 : i32
    %dma_start3A_265 = tpu.memref_slice %arg11[%dma_start3A_258, %dma_start3A_264] : memref<16x640xf32, #tpu.memory_space<vmem>> -> memref<1x640xf32, #tpu.memory_space<vmem>>
    %dma_start3A_266 = tpu.memref_squeeze %dma_start3A_265 : memref<1x640xf32, #tpu.memory_space<vmem>> -> memref<640xf32, #tpu.memory_space<vmem>>
    %dma_start3A_267 = tpu.memref_slice %arg17[%dma_start3A_257, %mul3A_256] : memref<16x10240xf32, #tpu.memory_space<vmem_shared>> -> memref<1x640xf32, #tpu.memory_space<vmem_shared>>
    %dma_start3A_268 = tpu.memref_squeeze %dma_start3A_267 : memref<1x640xf32, #tpu.memory_space<vmem_shared>> -> memref<640xf32, #tpu.memory_space<vmem_shared>>
    tpu.enqueue_dma source(%dma_start3A_268 : memref<640xf32, #tpu.memory_space<vmem_shared>>) target(%dma_start3A_266 : memref<640xf32, #tpu.memory_space<vmem>>) target_semaphore(%arg13 : memref<!tpu.dma_semaphore, #tpu.memory_space<semaphore_mem>>)
    %mul3A_269 = arith.constant 640 : i32
    %mul3A_270 = arith.muli %arg1, %mul3A_269 : i32
    %dma_start3A_271 = arith.constant 15 : i32
    %dma_start3A_272 = arith.constant 15 : i32
    %dma_start3A_273 = arith.constant 0 : i32
    %dma_start3A_274 = tpu.memref_slice %arg11[%dma_start3A_272, %dma_start3A_273] : memref<16x640xf32, #tpu.memory_space<vmem>> -> memref<1x640xf32, #tpu.memory_space<vmem>>
    %dma_start3A_275 = tpu.memref_squeeze %dma_start3A_274 : memref<1x640xf32, #tpu.memory_space<vmem>> -> memref<640xf32, #tpu.memory_space<vmem>>
    %dma_start3A_276 = tpu.memref_slice %arg17[%dma_start3A_271, %mul3A_270] : memref<16x10240xf32, #tpu.memory_space<vmem_shared>> -> memref<1x640xf32, #tpu.memory_space<vmem_shared>>
    %dma_start3A_277 = tpu.memref_squeeze %dma_start3A_276 : memref<1x640xf32, #tpu.memory_space<vmem_shared>> -> memref<640xf32, #tpu.memory_space<vmem_shared>>
    %dma_start3A_278 = arith.constant 0 : i32
    %dma_start3A_279 = tpu.memref_slice %arg11[%dma_start3A_272, %dma_start3A_278] : memref<16x640xf32, #tpu.memory_space<vmem>> -> memref<1x640xf32, #tpu.memory_space<vmem>>
    %dma_start3A_280 = tpu.memref_squeeze %dma_start3A_279 : memref<1x640xf32, #tpu.memory_space<vmem>> -> memref<640xf32, #tpu.memory_space<vmem>>
    %dma_start3A_281 = tpu.memref_slice %arg17[%dma_start3A_271, %mul3A_270] : memref<16x10240xf32, #tpu.memory_space<vmem_shared>> -> memref<1x640xf32, #tpu.memory_space<vmem_shared>>
    %dma_start3A_282 = tpu.memref_squeeze %dma_start3A_281 : memref<1x640xf32, #tpu.memory_space<vmem_shared>> -> memref<640xf32, #tpu.memory_space<vmem_shared>>
    tpu.enqueue_dma source(%dma_start3A_282 : memref<640xf32, #tpu.memory_space<vmem_shared>>) target(%dma_start3A_280 : memref<640xf32, #tpu.memory_space<vmem>>) target_semaphore(%arg13 : memref<!tpu.dma_semaphore, #tpu.memory_space<semaphore_mem>>)
    %parallel_loop3A_283 = arith.constant 0 : i32
    %parallel_loop3A_284 = arith.constant 640 : i32
    %parallel_loop3A_285 = arith.constant 16 : i32
    scf.for %parallel_loop3A_531 = %parallel_loop3A_283 to %parallel_loop3A_284 step %parallel_loop3A_285  : i32 {
      %parallel_loop3A_532 = arith.constant 0.000000e+00 : f32
      %parallel_loop3A_533 = vector.broadcast %parallel_loop3A_532 : f32 to vector<16xf32>
      %parallel_loop3A_534 = arith.index_cast %parallel_loop3A_531 : i32 to index
      %parallel_loop3A_535 = tpu.vector_load %arg12[%parallel_loop3A_534] {strides = array<i32>} : memref<640xf32, #tpu.memory_space<vmem>>, vector<16xf32>,
      tpu.vector_store %arg12[%parallel_loop3A_534], %parallel_loop3A_533 {strides = array<i32>} : memref<640xf32, #tpu.memory_space<vmem>>, vector<16xf32>,
    } {sc.loop_unroll_factor = 8 : i64, sc.parallel_access}
    %dma_wait3A_286 = arith.constant 0 : i32
    %dma_wait3A_287 = arith.constant 0 : i32
    %dma_wait3A_288 = arith.constant 0 : i32
    %dma_wait3A_289 = tpu.memref_slice %arg11[%dma_wait3A_287, %dma_wait3A_288] : memref<16x640xf32, #tpu.memory_space<vmem>> -> memref<1x640xf32, #tpu.memory_space<vmem>>
    %dma_wait3A_290 = tpu.memref_squeeze %dma_wait3A_289 : memref<1x640xf32, #tpu.memory_space<vmem>> -> memref<640xf32, #tpu.memory_space<vmem>>
    %dma_wait3A_291 = tpu.memref_slice %arg17[%dma_wait3A_286, %mul3A_60] : memref<16x10240xf32, #tpu.memory_space<vmem_shared>> -> memref<1x640xf32, #tpu.memory_space<vmem_shared>>
    %dma_wait3A_292 = tpu.memref_squeeze %dma_wait3A_291 : memref<1x640xf32, #tpu.memory_space<vmem_shared>> -> memref<640xf32, #tpu.memory_space<vmem_shared>>
    %dma_wait3A_293 = arith.constant 0 : i32
    %dma_wait3A_294 = tpu.memref_slice %arg11[%dma_wait3A_287, %dma_wait3A_293] : memref<16x640xf32, #tpu.memory_space<vmem>> -> memref<1x640xf32, #tpu.memory_space<vmem>>
    %dma_wait3A_295 = tpu.memref_squeeze %dma_wait3A_294 : memref<1x640xf32, #tpu.memory_space<vmem>> -> memref<640xf32, #tpu.memory_space<vmem>>
    %dma_wait3A_296 = tpu.memref_slice %arg17[%dma_wait3A_286, %mul3A_60] : memref<16x10240xf32, #tpu.memory_space<vmem_shared>> -> memref<1x640xf32, #tpu.memory_space<vmem_shared>>
    %dma_wait3A_297 = tpu.memref_squeeze %dma_wait3A_296 : memref<1x640xf32, #tpu.memory_space<vmem_shared>> -> memref<640xf32, #tpu.memory_space<vmem_shared>>
    tpu.wait_dma2 semaphore(%arg13 : memref<!tpu.dma_semaphore, #tpu.memory_space<semaphore_mem>>) src(%dma_wait3A_297 : memref<640xf32, #tpu.memory_space<vmem_shared>>) dst(%dma_wait3A_295 : memref<640xf32, #tpu.memory_space<vmem>>)
    %parallel_loop3A_298 = arith.constant 0 : i32
    %parallel_loop3A_299 = arith.constant 640 : i32
    %parallel_loop3A_300 = arith.constant 16 : i32
    scf.for %parallel_loop3A_531 = %parallel_loop3A_298 to %parallel_loop3A_299 step %parallel_loop3A_300  : i32 {
      %parallel_loop3A_532 = arith.index_cast %parallel_loop3A_531 : i32 to index
      %parallel_loop3A_533 = tpu.vector_load %arg12[%parallel_loop3A_532] {strides = array<i32>} : memref<640xf32, #tpu.memory_space<vmem>>, vector<16xf32>,
      %parallel_loop3A_534 = arith.constant 0 : i32
      %parallel_loop3A_535 = arith.index_cast %parallel_loop3A_534 : i32 to index
      %parallel_loop3A_536 = arith.index_cast %parallel_loop3A_531 : i32 to index
      %parallel_loop3A_537 = tpu.vector_load %arg11[%parallel_loop3A_535, %parallel_loop3A_536] {strides = array<i32>} : memref<16x640xf32, #tpu.memory_space<vmem>>, vector<16xf32>,
      %parallel_loop3A_538 = arith.addf %parallel_loop3A_533, %parallel_loop3A_537 : vector<16xf32>
      %parallel_loop3A_539 = arith.index_cast %parallel_loop3A_531 : i32 to index
      %parallel_loop3A_540 = tpu.vector_load %arg12[%parallel_loop3A_539] {strides = array<i32>} : memref<640xf32, #tpu.memory_space<vmem>>, vector<16xf32>,
      tpu.vector_store %arg12[%parallel_loop3A_539], %parallel_loop3A_538 {strides = array<i32>} : memref<640xf32, #tpu.memory_space<vmem>>, vector<16xf32>,
    } {sc.loop_unroll_factor = 8 : i64, sc.parallel_access}
    %dma_wait3A_301 = arith.constant 1 : i32
    %dma_wait3A_302 = arith.constant 1 : i32
    %dma_wait3A_303 = arith.constant 0 : i32
    %dma_wait3A_304 = tpu.memref_slice %arg11[%dma_wait3A_302, %dma_wait3A_303] : memref<16x640xf32, #tpu.memory_space<vmem>> -> memref<1x640xf32, #tpu.memory_space<vmem>>
    %dma_wait3A_305 = tpu.memref_squeeze %dma_wait3A_304 : memref<1x640xf32, #tpu.memory_space<vmem>> -> memref<640xf32, #tpu.memory_space<vmem>>
    %dma_wait3A_306 = tpu.memref_slice %arg17[%dma_wait3A_301, %mul3A_74] : memref<16x10240xf32, #tpu.memory_space<vmem_shared>> -> memref<1x640xf32, #tpu.memory_space<vmem_shared>>
    %dma_wait3A_307 = tpu.memref_squeeze %dma_wait3A_306 : memref<1x640xf32, #tpu.memory_space<vmem_shared>> -> memref<640xf32, #tpu.memory_space<vmem_shared>>
    %dma_wait3A_308 = arith.constant 0 : i32
    %dma_wait3A_309 = tpu.memref_slice %arg11[%dma_wait3A_302, %dma_wait3A_308] : memref<16x640xf32, #tpu.memory_space<vmem>> -> memref<1x640xf32, #tpu.memory_space<vmem>>
    %dma_wait3A_310 = tpu.memref_squeeze %dma_wait3A_309 : memref<1x640xf32, #tpu.memory_space<vmem>> -> memref<640xf32, #tpu.memory_space<vmem>>
    %dma_wait3A_311 = tpu.memref_slice %arg17[%dma_wait3A_301, %mul3A_74] : memref<16x10240xf32, #tpu.memory_space<vmem_shared>> -> memref<1x640xf32, #tpu.memory_space<vmem_shared>>
    %dma_wait3A_312 = tpu.memref_squeeze %dma_wait3A_311 : memref<1x640xf32, #tpu.memory_space<vmem_shared>> -> memref<640xf32, #tpu.memory_space<vmem_shared>>
    tpu.wait_dma2 semaphore(%arg13 : memref<!tpu.dma_semaphore, #tpu.memory_space<semaphore_mem>>) src(%dma_wait3A_312 : memref<640xf32, #tpu.memory_space<vmem_shared>>) dst(%dma_wait3A_310 : memref<640xf32, #tpu.memory_space<vmem>>)
    %parallel_loop3A_313 = arith.constant 0 : i32
    %parallel_loop3A_314 = arith.constant 640 : i32
    %parallel_loop3A_315 = arith.constant 16 : i32
    scf.for %parallel_loop3A_531 = %parallel_loop3A_313 to %parallel_loop3A_314 step %parallel_loop3A_315  : i32 {
      %parallel_loop3A_532 = arith.index_cast %parallel_loop3A_531 : i32 to index
      %parallel_loop3A_533 = tpu.vector_load %arg12[%parallel_loop3A_532] {strides = array<i32>} : memref<640xf32, #tpu.memory_space<vmem>>, vector<16xf32>,
      %parallel_loop3A_534 = arith.constant 1 : i32
      %parallel_loop3A_535 = arith.index_cast %parallel_loop3A_534 : i32 to index
      %parallel_loop3A_536 = arith.index_cast %parallel_loop3A_531 : i32 to index
      %parallel_loop3A_537 = tpu.vector_load %arg11[%parallel_loop3A_535, %parallel_loop3A_536] {strides = array<i32>} : memref<16x640xf32, #tpu.memory_space<vmem>>, vector<16xf32>,
      %parallel_loop3A_538 = arith.addf %parallel_loop3A_533, %parallel_loop3A_537 : vector<16xf32>
      %parallel_loop3A_539 = arith.index_cast %parallel_loop3A_531 : i32 to index
      %parallel_loop3A_540 = tpu.vector_load %arg12[%parallel_loop3A_539] {strides = array<i32>} : memref<640xf32, #tpu.memory_space<vmem>>, vector<16xf32>,
      tpu.vector_store %arg12[%parallel_loop3A_539], %parallel_loop3A_538 {strides = array<i32>} : memref<640xf32, #tpu.memory_space<vmem>>, vector<16xf32>,
    } {sc.loop_unroll_factor = 8 : i64, sc.parallel_access}
    %dma_wait3A_316 = arith.constant 2 : i32
    %dma_wait3A_317 = arith.constant 2 : i32
    %dma_wait3A_318 = arith.constant 0 : i32
    %dma_wait3A_319 = tpu.memref_slice %arg11[%dma_wait3A_317, %dma_wait3A_318] : memref<16x640xf32, #tpu.memory_space<vmem>> -> memref<1x640xf32, #tpu.memory_space<vmem>>
    %dma_wait3A_320 = tpu.memref_squeeze %dma_wait3A_319 : memref<1x640xf32, #tpu.memory_space<vmem>> -> memref<640xf32, #tpu.memory_space<vmem>>
    %dma_wait3A_321 = tpu.memref_slice %arg17[%dma_wait3A_316, %mul3A_88] : memref<16x10240xf32, #tpu.memory_space<vmem_shared>> -> memref<1x640xf32, #tpu.memory_space<vmem_shared>>
    %dma_wait3A_322 = tpu.memref_squeeze %dma_wait3A_321 : memref<1x640xf32, #tpu.memory_space<vmem_shared>> -> memref<640xf32, #tpu.memory_space<vmem_shared>>
    %dma_wait3A_323 = arith.constant 0 : i32
    %dma_wait3A_324 = tpu.memref_slice %arg11[%dma_wait3A_317, %dma_wait3A_323] : memref<16x640xf32, #tpu.memory_space<vmem>> -> memref<1x640xf32, #tpu.memory_space<vmem>>
    %dma_wait3A_325 = tpu.memref_squeeze %dma_wait3A_324 : memref<1x640xf32, #tpu.memory_space<vmem>> -> memref<640xf32, #tpu.memory_space<vmem>>
    %dma_wait3A_326 = tpu.memref_slice %arg17[%dma_wait3A_316, %mul3A_88] : memref<16x10240xf32, #tpu.memory_space<vmem_shared>> -> memref<1x640xf32, #tpu.memory_space<vmem_shared>>
    %dma_wait3A_327 = tpu.memref_squeeze %dma_wait3A_326 : memref<1x640xf32, #tpu.memory_space<vmem_shared>> -> memref<640xf32, #tpu.memory_space<vmem_shared>>
    tpu.wait_dma2 semaphore(%arg13 : memref<!tpu.dma_semaphore, #tpu.memory_space<semaphore_mem>>) src(%dma_wait3A_327 : memref<640xf32, #tpu.memory_space<vmem_shared>>) dst(%dma_wait3A_325 : memref<640xf32, #tpu.memory_space<vmem>>)
    %parallel_loop3A_328 = arith.constant 0 : i32
    %parallel_loop3A_329 = arith.constant 640 : i32
    %parallel_loop3A_330 = arith.constant 16 : i32
    scf.for %parallel_loop3A_531 = %parallel_loop3A_328 to %parallel_loop3A_329 step %parallel_loop3A_330  : i32 {
      %parallel_loop3A_532 = arith.index_cast %parallel_loop3A_531 : i32 to index
      %parallel_loop3A_533 = tpu.vector_load %arg12[%parallel_loop3A_532] {strides = array<i32>} : memref<640xf32, #tpu.memory_space<vmem>>, vector<16xf32>,
      %parallel_loop3A_534 = arith.constant 2 : i32
      %parallel_loop3A_535 = arith.index_cast %parallel_loop3A_534 : i32 to index
      %parallel_loop3A_536 = arith.index_cast %parallel_loop3A_531 : i32 to index
      %parallel_loop3A_537 = tpu.vector_load %arg11[%parallel_loop3A_535, %parallel_loop3A_536] {strides = array<i32>} : memref<16x640xf32, #tpu.memory_space<vmem>>, vector<16xf32>,
      %parallel_loop3A_538 = arith.addf %parallel_loop3A_533, %parallel_loop3A_537 : vector<16xf32>
      %parallel_loop3A_539 = arith.index_cast %parallel_loop3A_531 : i32 to index
      %parallel_loop3A_540 = tpu.vector_load %arg12[%parallel_loop3A_539] {strides = array<i32>} : memref<640xf32, #tpu.memory_space<vmem>>, vector<16xf32>,
      tpu.vector_store %arg12[%parallel_loop3A_539], %parallel_loop3A_538 {strides = array<i32>} : memref<640xf32, #tpu.memory_space<vmem>>, vector<16xf32>,
    } {sc.loop_unroll_factor = 8 : i64, sc.parallel_access}
    %dma_wait3A_331 = arith.constant 3 : i32
    %dma_wait3A_332 = arith.constant 3 : i32
    %dma_wait3A_333 = arith.constant 0 : i32
    %dma_wait3A_334 = tpu.memref_slice %arg11[%dma_wait3A_332, %dma_wait3A_333] : memref<16x640xf32, #tpu.memory_space<vmem>> -> memref<1x640xf32, #tpu.memory_space<vmem>>
    %dma_wait3A_335 = tpu.memref_squeeze %dma_wait3A_334 : memref<1x640xf32, #tpu.memory_space<vmem>> -> memref<640xf32, #tpu.memory_space<vmem>>
    %dma_wait3A_336 = tpu.memref_slice %arg17[%dma_wait3A_331, %mul3A_102] : memref<16x10240xf32, #tpu.memory_space<vmem_shared>> -> memref<1x640xf32, #tpu.memory_space<vmem_shared>>
    %dma_wait3A_337 = tpu.memref_squeeze %dma_wait3A_336 : memref<1x640xf32, #tpu.memory_space<vmem_shared>> -> memref<640xf32, #tpu.memory_space<vmem_shared>>
    %dma_wait3A_338 = arith.constant 0 : i32
    %dma_wait3A_339 = tpu.memref_slice %arg11[%dma_wait3A_332, %dma_wait3A_338] : memref<16x640xf32, #tpu.memory_space<vmem>> -> memref<1x640xf32, #tpu.memory_space<vmem>>
    %dma_wait3A_340 = tpu.memref_squeeze %dma_wait3A_339 : memref<1x640xf32, #tpu.memory_space<vmem>> -> memref<640xf32, #tpu.memory_space<vmem>>
    %dma_wait3A_341 = tpu.memref_slice %arg17[%dma_wait3A_331, %mul3A_102] : memref<16x10240xf32, #tpu.memory_space<vmem_shared>> -> memref<1x640xf32, #tpu.memory_space<vmem_shared>>
    %dma_wait3A_342 = tpu.memref_squeeze %dma_wait3A_341 : memref<1x640xf32, #tpu.memory_space<vmem_shared>> -> memref<640xf32, #tpu.memory_space<vmem_shared>>
    tpu.wait_dma2 semaphore(%arg13 : memref<!tpu.dma_semaphore, #tpu.memory_space<semaphore_mem>>) src(%dma_wait3A_342 : memref<640xf32, #tpu.memory_space<vmem_shared>>) dst(%dma_wait3A_340 : memref<640xf32, #tpu.memory_space<vmem>>)
    %parallel_loop3A_343 = arith.constant 0 : i32
    %parallel_loop3A_344 = arith.constant 640 : i32
    %parallel_loop3A_345 = arith.constant 16 : i32
    scf.for %parallel_loop3A_531 = %parallel_loop3A_343 to %parallel_loop3A_344 step %parallel_loop3A_345  : i32 {
      %parallel_loop3A_532 = arith.index_cast %parallel_loop3A_531 : i32 to index
      %parallel_loop3A_533 = tpu.vector_load %arg12[%parallel_loop3A_532] {strides = array<i32>} : memref<640xf32, #tpu.memory_space<vmem>>, vector<16xf32>,
      %parallel_loop3A_534 = arith.constant 3 : i32
      %parallel_loop3A_535 = arith.index_cast %parallel_loop3A_534 : i32 to index
      %parallel_loop3A_536 = arith.index_cast %parallel_loop3A_531 : i32 to index
      %parallel_loop3A_537 = tpu.vector_load %arg11[%parallel_loop3A_535, %parallel_loop3A_536] {strides = array<i32>} : memref<16x640xf32, #tpu.memory_space<vmem>>, vector<16xf32>,
      %parallel_loop3A_538 = arith.addf %parallel_loop3A_533, %parallel_loop3A_537 : vector<16xf32>
      %parallel_loop3A_539 = arith.index_cast %parallel_loop3A_531 : i32 to index
      %parallel_loop3A_540 = tpu.vector_load %arg12[%parallel_loop3A_539] {strides = array<i32>} : memref<640xf32, #tpu.memory_space<vmem>>, vector<16xf32>,
      tpu.vector_store %arg12[%parallel_loop3A_539], %parallel_loop3A_538 {strides = array<i32>} : memref<640xf32, #tpu.memory_space<vmem>>, vector<16xf32>,
    } {sc.loop_unroll_factor = 8 : i64, sc.parallel_access}
    %dma_wait3A_346 = arith.constant 4 : i32
    %dma_wait3A_347 = arith.constant 4 : i32
    %dma_wait3A_348 = arith.constant 0 : i32
    %dma_wait3A_349 = tpu.memref_slice %arg11[%dma_wait3A_347, %dma_wait3A_348] : memref<16x640xf32, #tpu.memory_space<vmem>> -> memref<1x640xf32, #tpu.memory_space<vmem>>
    %dma_wait3A_350 = tpu.memref_squeeze %dma_wait3A_349 : memref<1x640xf32, #tpu.memory_space<vmem>> -> memref<640xf32, #tpu.memory_space<vmem>>
    %dma_wait3A_351 = tpu.memref_slice %arg17[%dma_wait3A_346, %mul3A_116] : memref<16x10240xf32, #tpu.memory_space<vmem_shared>> -> memref<1x640xf32, #tpu.memory_space<vmem_shared>>
    %dma_wait3A_352 = tpu.memref_squeeze %dma_wait3A_351 : memref<1x640xf32, #tpu.memory_space<vmem_shared>> -> memref<640xf32, #tpu.memory_space<vmem_shared>>
    %dma_wait3A_353 = arith.constant 0 : i32
    %dma_wait3A_354 = tpu.memref_slice %arg11[%dma_wait3A_347, %dma_wait3A_353] : memref<16x640xf32, #tpu.memory_space<vmem>> -> memref<1x640xf32, #tpu.memory_space<vmem>>
    %dma_wait3A_355 = tpu.memref_squeeze %dma_wait3A_354 : memref<1x640xf32, #tpu.memory_space<vmem>> -> memref<640xf32, #tpu.memory_space<vmem>>
    %dma_wait3A_356 = tpu.memref_slice %arg17[%dma_wait3A_346, %mul3A_116] : memref<16x10240xf32, #tpu.memory_space<vmem_shared>> -> memref<1x640xf32, #tpu.memory_space<vmem_shared>>
    %dma_wait3A_357 = tpu.memref_squeeze %dma_wait3A_356 : memref<1x640xf32, #tpu.memory_space<vmem_shared>> -> memref<640xf32, #tpu.memory_space<vmem_shared>>
    tpu.wait_dma2 semaphore(%arg13 : memref<!tpu.dma_semaphore, #tpu.memory_space<semaphore_mem>>) src(%dma_wait3A_357 : memref<640xf32, #tpu.memory_space<vmem_shared>>) dst(%dma_wait3A_355 : memref<640xf32, #tpu.memory_space<vmem>>)
    %parallel_loop3A_358 = arith.constant 0 : i32
    %parallel_loop3A_359 = arith.constant 640 : i32
    %parallel_loop3A_360 = arith.constant 16 : i32
    scf.for %parallel_loop3A_531 = %parallel_loop3A_358 to %parallel_loop3A_359 step %parallel_loop3A_360  : i32 {
      %parallel_loop3A_532 = arith.index_cast %parallel_loop3A_531 : i32 to index
      %parallel_loop3A_533 = tpu.vector_load %arg12[%parallel_loop3A_532] {strides = array<i32>} : memref<640xf32, #tpu.memory_space<vmem>>, vector<16xf32>,
      %parallel_loop3A_534 = arith.constant 4 : i32
      %parallel_loop3A_535 = arith.index_cast %parallel_loop3A_534 : i32 to index
      %parallel_loop3A_536 = arith.index_cast %parallel_loop3A_531 : i32 to index
      %parallel_loop3A_537 = tpu.vector_load %arg11[%parallel_loop3A_535, %parallel_loop3A_536] {strides = array<i32>} : memref<16x640xf32, #tpu.memory_space<vmem>>, vector<16xf32>,
      %parallel_loop3A_538 = arith.addf %parallel_loop3A_533, %parallel_loop3A_537 : vector<16xf32>
      %parallel_loop3A_539 = arith.index_cast %parallel_loop3A_531 : i32 to index
      %parallel_loop3A_540 = tpu.vector_load %arg12[%parallel_loop3A_539] {strides = array<i32>} : memref<640xf32, #tpu.memory_space<vmem>>, vector<16xf32>,
      tpu.vector_store %arg12[%parallel_loop3A_539], %parallel_loop3A_538 {strides = array<i32>} : memref<640xf32, #tpu.memory_space<vmem>>, vector<16xf32>,
    } {sc.loop_unroll_factor = 8 : i64, sc.parallel_access}
    %dma_wait3A_361 = arith.constant 5 : i32
    %dma_wait3A_362 = arith.constant 5 : i32
    %dma_wait3A_363 = arith.constant 0 : i32
    %dma_wait3A_364 = tpu.memref_slice %arg11[%dma_wait3A_362, %dma_wait3A_363] : memref<16x640xf32, #tpu.memory_space<vmem>> -> memref<1x640xf32, #tpu.memory_space<vmem>>
    %dma_wait3A_365 = tpu.memref_squeeze %dma_wait3A_364 : memref<1x640xf32, #tpu.memory_space<vmem>> -> memref<640xf32, #tpu.memory_space<vmem>>
    %dma_wait3A_366 = tpu.memref_slice %arg17[%dma_wait3A_361, %mul3A_130] : memref<16x10240xf32, #tpu.memory_space<vmem_shared>> -> memref<1x640xf32, #tpu.memory_space<vmem_shared>>
    %dma_wait3A_367 = tpu.memref_squeeze %dma_wait3A_366 : memref<1x640xf32, #tpu.memory_space<vmem_shared>> -> memref<640xf32, #tpu.memory_space<vmem_shared>>
    %dma_wait3A_368 = arith.constant 0 : i32
    %dma_wait3A_369 = tpu.memref_slice %arg11[%dma_wait3A_362, %dma_wait3A_368] : memref<16x640xf32, #tpu.memory_space<vmem>> -> memref<1x640xf32, #tpu.memory_space<vmem>>
    %dma_wait3A_370 = tpu.memref_squeeze %dma_wait3A_369 : memref<1x640xf32, #tpu.memory_space<vmem>> -> memref<640xf32, #tpu.memory_space<vmem>>
    %dma_wait3A_371 = tpu.memref_slice %arg17[%dma_wait3A_361, %mul3A_130] : memref<16x10240xf32, #tpu.memory_space<vmem_shared>> -> memref<1x640xf32, #tpu.memory_space<vmem_shared>>
    %dma_wait3A_372 = tpu.memref_squeeze %dma_wait3A_371 : memref<1x640xf32, #tpu.memory_space<vmem_shared>> -> memref<640xf32, #tpu.memory_space<vmem_shared>>
    tpu.wait_dma2 semaphore(%arg13 : memref<!tpu.dma_semaphore, #tpu.memory_space<semaphore_mem>>) src(%dma_wait3A_372 : memref<640xf32, #tpu.memory_space<vmem_shared>>) dst(%dma_wait3A_370 : memref<640xf32, #tpu.memory_space<vmem>>)
    %parallel_loop3A_373 = arith.constant 0 : i32
    %parallel_loop3A_374 = arith.constant 640 : i32
    %parallel_loop3A_375 = arith.constant 16 : i32
    scf.for %parallel_loop3A_531 = %parallel_loop3A_373 to %parallel_loop3A_374 step %parallel_loop3A_375  : i32 {
      %parallel_loop3A_532 = arith.index_cast %parallel_loop3A_531 : i32 to index
      %parallel_loop3A_533 = tpu.vector_load %arg12[%parallel_loop3A_532] {strides = array<i32>} : memref<640xf32, #tpu.memory_space<vmem>>, vector<16xf32>,
      %parallel_loop3A_534 = arith.constant 5 : i32
      %parallel_loop3A_535 = arith.index_cast %parallel_loop3A_534 : i32 to index
      %parallel_loop3A_536 = arith.index_cast %parallel_loop3A_531 : i32 to index
      %parallel_loop3A_537 = tpu.vector_load %arg11[%parallel_loop3A_535, %parallel_loop3A_536] {strides = array<i32>} : memref<16x640xf32, #tpu.memory_space<vmem>>, vector<16xf32>,
      %parallel_loop3A_538 = arith.addf %parallel_loop3A_533, %parallel_loop3A_537 : vector<16xf32>
      %parallel_loop3A_539 = arith.index_cast %parallel_loop3A_531 : i32 to index
      %parallel_loop3A_540 = tpu.vector_load %arg12[%parallel_loop3A_539] {strides = array<i32>} : memref<640xf32, #tpu.memory_space<vmem>>, vector<16xf32>,
      tpu.vector_store %arg12[%parallel_loop3A_539], %parallel_loop3A_538 {strides = array<i32>} : memref<640xf32, #tpu.memory_space<vmem>>, vector<16xf32>,
    } {sc.loop_unroll_factor = 8 : i64, sc.parallel_access}
    %dma_wait3A_376 = arith.constant 6 : i32
    %dma_wait3A_377 = arith.constant 6 : i32
    %dma_wait3A_378 = arith.constant 0 : i32
    %dma_wait3A_379 = tpu.memref_slice %arg11[%dma_wait3A_377, %dma_wait3A_378] : memref<16x640xf32, #tpu.memory_space<vmem>> -> memref<1x640xf32, #tpu.memory_space<vmem>>
    %dma_wait3A_380 = tpu.memref_squeeze %dma_wait3A_379 : memref<1x640xf32, #tpu.memory_space<vmem>> -> memref<640xf32, #tpu.memory_space<vmem>>
    %dma_wait3A_381 = tpu.memref_slice %arg17[%dma_wait3A_376, %mul3A_144] : memref<16x10240xf32, #tpu.memory_space<vmem_shared>> -> memref<1x640xf32, #tpu.memory_space<vmem_shared>>
    %dma_wait3A_382 = tpu.memref_squeeze %dma_wait3A_381 : memref<1x640xf32, #tpu.memory_space<vmem_shared>> -> memref<640xf32, #tpu.memory_space<vmem_shared>>
    %dma_wait3A_383 = arith.constant 0 : i32
    %dma_wait3A_384 = tpu.memref_slice %arg11[%dma_wait3A_377, %dma_wait3A_383] : memref<16x640xf32, #tpu.memory_space<vmem>> -> memref<1x640xf32, #tpu.memory_space<vmem>>
    %dma_wait3A_385 = tpu.memref_squeeze %dma_wait3A_384 : memref<1x640xf32, #tpu.memory_space<vmem>> -> memref<640xf32, #tpu.memory_space<vmem>>
    %dma_wait3A_386 = tpu.memref_slice %arg17[%dma_wait3A_376, %mul3A_144] : memref<16x10240xf32, #tpu.memory_space<vmem_shared>> -> memref<1x640xf32, #tpu.memory_space<vmem_shared>>
    %dma_wait3A_387 = tpu.memref_squeeze %dma_wait3A_386 : memref<1x640xf32, #tpu.memory_space<vmem_shared>> -> memref<640xf32, #tpu.memory_space<vmem_shared>>
    tpu.wait_dma2 semaphore(%arg13 : memref<!tpu.dma_semaphore, #tpu.memory_space<semaphore_mem>>) src(%dma_wait3A_387 : memref<640xf32, #tpu.memory_space<vmem_shared>>) dst(%dma_wait3A_385 : memref<640xf32, #tpu.memory_space<vmem>>)
    %parallel_loop3A_388 = arith.constant 0 : i32
    %parallel_loop3A_389 = arith.constant 640 : i32
    %parallel_loop3A_390 = arith.constant 16 : i32
    scf.for %parallel_loop3A_531 = %parallel_loop3A_388 to %parallel_loop3A_389 step %parallel_loop3A_390  : i32 {
      %parallel_loop3A_532 = arith.index_cast %parallel_loop3A_531 : i32 to index
      %parallel_loop3A_533 = tpu.vector_load %arg12[%parallel_loop3A_532] {strides = array<i32>} : memref<640xf32, #tpu.memory_space<vmem>>, vector<16xf32>,
      %parallel_loop3A_534 = arith.constant 6 : i32
      %parallel_loop3A_535 = arith.index_cast %parallel_loop3A_534 : i32 to index
      %parallel_loop3A_536 = arith.index_cast %parallel_loop3A_531 : i32 to index
      %parallel_loop3A_537 = tpu.vector_load %arg11[%parallel_loop3A_535, %parallel_loop3A_536] {strides = array<i32>} : memref<16x640xf32, #tpu.memory_space<vmem>>, vector<16xf32>,
      %parallel_loop3A_538 = arith.addf %parallel_loop3A_533, %parallel_loop3A_537 : vector<16xf32>
      %parallel_loop3A_539 = arith.index_cast %parallel_loop3A_531 : i32 to index
      %parallel_loop3A_540 = tpu.vector_load %arg12[%parallel_loop3A_539] {strides = array<i32>} : memref<640xf32, #tpu.memory_space<vmem>>, vector<16xf32>,
      tpu.vector_store %arg12[%parallel_loop3A_539], %parallel_loop3A_538 {strides = array<i32>} : memref<640xf32, #tpu.memory_space<vmem>>, vector<16xf32>,
    } {sc.loop_unroll_factor = 8 : i64, sc.parallel_access}
    %dma_wait3A_391 = arith.constant 7 : i32
    %dma_wait3A_392 = arith.constant 7 : i32
    %dma_wait3A_393 = arith.constant 0 : i32
    %dma_wait3A_394 = tpu.memref_slice %arg11[%dma_wait3A_392, %dma_wait3A_393] : memref<16x640xf32, #tpu.memory_space<vmem>> -> memref<1x640xf32, #tpu.memory_space<vmem>>
    %dma_wait3A_395 = tpu.memref_squeeze %dma_wait3A_394 : memref<1x640xf32, #tpu.memory_space<vmem>> -> memref<640xf32, #tpu.memory_space<vmem>>
    %dma_wait3A_396 = tpu.memref_slice %arg17[%dma_wait3A_391, %mul3A_158] : memref<16x10240xf32, #tpu.memory_space<vmem_shared>> -> memref<1x640xf32, #tpu.memory_space<vmem_shared>>
    %dma_wait3A_397 = tpu.memref_squeeze %dma_wait3A_396 : memref<1x640xf32, #tpu.memory_space<vmem_shared>> -> memref<640xf32, #tpu.memory_space<vmem_shared>>
    %dma_wait3A_398 = arith.constant 0 : i32
    %dma_wait3A_399 = tpu.memref_slice %arg11[%dma_wait3A_392, %dma_wait3A_398] : memref<16x640xf32, #tpu.memory_space<vmem>> -> memref<1x640xf32, #tpu.memory_space<vmem>>
    %dma_wait3A_400 = tpu.memref_squeeze %dma_wait3A_399 : memref<1x640xf32, #tpu.memory_space<vmem>> -> memref<640xf32, #tpu.memory_space<vmem>>
    %dma_wait3A_401 = tpu.memref_slice %arg17[%dma_wait3A_391, %mul3A_158] : memref<16x10240xf32, #tpu.memory_space<vmem_shared>> -> memref<1x640xf32, #tpu.memory_space<vmem_shared>>
    %dma_wait3A_402 = tpu.memref_squeeze %dma_wait3A_401 : memref<1x640xf32, #tpu.memory_space<vmem_shared>> -> memref<640xf32, #tpu.memory_space<vmem_shared>>
    tpu.wait_dma2 semaphore(%arg13 : memref<!tpu.dma_semaphore, #tpu.memory_space<semaphore_mem>>) src(%dma_wait3A_402 : memref<640xf32, #tpu.memory_space<vmem_shared>>) dst(%dma_wait3A_400 : memref<640xf32, #tpu.memory_space<vmem>>)
    %parallel_loop3A_403 = arith.constant 0 : i32
    %parallel_loop3A_404 = arith.constant 640 : i32
    %parallel_loop3A_405 = arith.constant 16 : i32
    scf.for %parallel_loop3A_531 = %parallel_loop3A_403 to %parallel_loop3A_404 step %parallel_loop3A_405  : i32 {
      %parallel_loop3A_532 = arith.index_cast %parallel_loop3A_531 : i32 to index
      %parallel_loop3A_533 = tpu.vector_load %arg12[%parallel_loop3A_532] {strides = array<i32>} : memref<640xf32, #tpu.memory_space<vmem>>, vector<16xf32>,
      %parallel_loop3A_534 = arith.constant 7 : i32
      %parallel_loop3A_535 = arith.index_cast %parallel_loop3A_534 : i32 to index
      %parallel_loop3A_536 = arith.index_cast %parallel_loop3A_531 : i32 to index
      %parallel_loop3A_537 = tpu.vector_load %arg11[%parallel_loop3A_535, %parallel_loop3A_536] {strides = array<i32>} : memref<16x640xf32, #tpu.memory_space<vmem>>, vector<16xf32>,
      %parallel_loop3A_538 = arith.addf %parallel_loop3A_533, %parallel_loop3A_537 : vector<16xf32>
      %parallel_loop3A_539 = arith.index_cast %parallel_loop3A_531 : i32 to index
      %parallel_loop3A_540 = tpu.vector_load %arg12[%parallel_loop3A_539] {strides = array<i32>} : memref<640xf32, #tpu.memory_space<vmem>>, vector<16xf32>,
      tpu.vector_store %arg12[%parallel_loop3A_539], %parallel_loop3A_538 {strides = array<i32>} : memref<640xf32, #tpu.memory_space<vmem>>, vector<16xf32>,
    } {sc.loop_unroll_factor = 8 : i64, sc.parallel_access}
    %dma_wait3A_406 = arith.constant 8 : i32
    %dma_wait3A_407 = arith.constant 8 : i32
    %dma_wait3A_408 = arith.constant 0 : i32
    %dma_wait3A_409 = tpu.memref_slice %arg11[%dma_wait3A_407, %dma_wait3A_408] : memref<16x640xf32, #tpu.memory_space<vmem>> -> memref<1x640xf32, #tpu.memory_space<vmem>>
    %dma_wait3A_410 = tpu.memref_squeeze %dma_wait3A_409 : memref<1x640xf32, #tpu.memory_space<vmem>> -> memref<640xf32, #tpu.memory_space<vmem>>
    %dma_wait3A_411 = tpu.memref_slice %arg17[%dma_wait3A_406, %mul3A_172] : memref<16x10240xf32, #tpu.memory_space<vmem_shared>> -> memref<1x640xf32, #tpu.memory_space<vmem_shared>>
    %dma_wait3A_412 = tpu.memref_squeeze %dma_wait3A_411 : memref<1x640xf32, #tpu.memory_space<vmem_shared>> -> memref<640xf32, #tpu.memory_space<vmem_shared>>
    %dma_wait3A_413 = arith.constant 0 : i32
    %dma_wait3A_414 = tpu.memref_slice %arg11[%dma_wait3A_407, %dma_wait3A_413] : memref<16x640xf32, #tpu.memory_space<vmem>> -> memref<1x640xf32, #tpu.memory_space<vmem>>
    %dma_wait3A_415 = tpu.memref_squeeze %dma_wait3A_414 : memref<1x640xf32, #tpu.memory_space<vmem>> -> memref<640xf32, #tpu.memory_space<vmem>>
    %dma_wait3A_416 = tpu.memref_slice %arg17[%dma_wait3A_406, %mul3A_172] : memref<16x10240xf32, #tpu.memory_space<vmem_shared>> -> memref<1x640xf32, #tpu.memory_space<vmem_shared>>
    %dma_wait3A_417 = tpu.memref_squeeze %dma_wait3A_416 : memref<1x640xf32, #tpu.memory_space<vmem_shared>> -> memref<640xf32, #tpu.memory_space<vmem_shared>>
    tpu.wait_dma2 semaphore(%arg13 : memref<!tpu.dma_semaphore, #tpu.memory_space<semaphore_mem>>) src(%dma_wait3A_417 : memref<640xf32, #tpu.memory_space<vmem_shared>>) dst(%dma_wait3A_415 : memref<640xf32, #tpu.memory_space<vmem>>)
    %parallel_loop3A_418 = arith.constant 0 : i32
    %parallel_loop3A_419 = arith.constant 640 : i32
    %parallel_loop3A_420 = arith.constant 16 : i32
    scf.for %parallel_loop3A_531 = %parallel_loop3A_418 to %parallel_loop3A_419 step %parallel_loop3A_420  : i32 {
      %parallel_loop3A_532 = arith.index_cast %parallel_loop3A_531 : i32 to index
      %parallel_loop3A_533 = tpu.vector_load %arg12[%parallel_loop3A_532] {strides = array<i32>} : memref<640xf32, #tpu.memory_space<vmem>>, vector<16xf32>,
      %parallel_loop3A_534 = arith.constant 8 : i32
      %parallel_loop3A_535 = arith.index_cast %parallel_loop3A_534 : i32 to index
      %parallel_loop3A_536 = arith.index_cast %parallel_loop3A_531 : i32 to index
      %parallel_loop3A_537 = tpu.vector_load %arg11[%parallel_loop3A_535, %parallel_loop3A_536] {strides = array<i32>} : memref<16x640xf32, #tpu.memory_space<vmem>>, vector<16xf32>,
      %parallel_loop3A_538 = arith.addf %parallel_loop3A_533, %parallel_loop3A_537 : vector<16xf32>
      %parallel_loop3A_539 = arith.index_cast %parallel_loop3A_531 : i32 to index
      %parallel_loop3A_540 = tpu.vector_load %arg12[%parallel_loop3A_539] {strides = array<i32>} : memref<640xf32, #tpu.memory_space<vmem>>, vector<16xf32>,
      tpu.vector_store %arg12[%parallel_loop3A_539], %parallel_loop3A_538 {strides = array<i32>} : memref<640xf32, #tpu.memory_space<vmem>>, vector<16xf32>,
    } {sc.loop_unroll_factor = 8 : i64, sc.parallel_access}
    %dma_wait3A_421 = arith.constant 9 : i32
    %dma_wait3A_422 = arith.constant 9 : i32
    %dma_wait3A_423 = arith.constant 0 : i32
    %dma_wait3A_424 = tpu.memref_slice %arg11[%dma_wait3A_422, %dma_wait3A_423] : memref<16x640xf32, #tpu.memory_space<vmem>> -> memref<1x640xf32, #tpu.memory_space<vmem>>
    %dma_wait3A_425 = tpu.memref_squeeze %dma_wait3A_424 : memref<1x640xf32, #tpu.memory_space<vmem>> -> memref<640xf32, #tpu.memory_space<vmem>>
    %dma_wait3A_426 = tpu.memref_slice %arg17[%dma_wait3A_421, %mul3A_186] : memref<16x10240xf32, #tpu.memory_space<vmem_shared>> -> memref<1x640xf32, #tpu.memory_space<vmem_shared>>
    %dma_wait3A_427 = tpu.memref_squeeze %dma_wait3A_426 : memref<1x640xf32, #tpu.memory_space<vmem_shared>> -> memref<640xf32, #tpu.memory_space<vmem_shared>>
    %dma_wait3A_428 = arith.constant 0 : i32
    %dma_wait3A_429 = tpu.memref_slice %arg11[%dma_wait3A_422, %dma_wait3A_428] : memref<16x640xf32, #tpu.memory_space<vmem>> -> memref<1x640xf32, #tpu.memory_space<vmem>>
    %dma_wait3A_430 = tpu.memref_squeeze %dma_wait3A_429 : memref<1x640xf32, #tpu.memory_space<vmem>> -> memref<640xf32, #tpu.memory_space<vmem>>
    %dma_wait3A_431 = tpu.memref_slice %arg17[%dma_wait3A_421, %mul3A_186] : memref<16x10240xf32, #tpu.memory_space<vmem_shared>> -> memref<1x640xf32, #tpu.memory_space<vmem_shared>>
    %dma_wait3A_432 = tpu.memref_squeeze %dma_wait3A_431 : memref<1x640xf32, #tpu.memory_space<vmem_shared>> -> memref<640xf32, #tpu.memory_space<vmem_shared>>
    tpu.wait_dma2 semaphore(%arg13 : memref<!tpu.dma_semaphore, #tpu.memory_space<semaphore_mem>>) src(%dma_wait3A_432 : memref<640xf32, #tpu.memory_space<vmem_shared>>) dst(%dma_wait3A_430 : memref<640xf32, #tpu.memory_space<vmem>>)
    %parallel_loop3A_433 = arith.constant 0 : i32
    %parallel_loop3A_434 = arith.constant 640 : i32
    %parallel_loop3A_435 = arith.constant 16 : i32
    scf.for %parallel_loop3A_531 = %parallel_loop3A_433 to %parallel_loop3A_434 step %parallel_loop3A_435  : i32 {
      %parallel_loop3A_532 = arith.index_cast %parallel_loop3A_531 : i32 to index
      %parallel_loop3A_533 = tpu.vector_load %arg12[%parallel_loop3A_532] {strides = array<i32>} : memref<640xf32, #tpu.memory_space<vmem>>, vector<16xf32>,
      %parallel_loop3A_534 = arith.constant 9 : i32
      %parallel_loop3A_535 = arith.index_cast %parallel_loop3A_534 : i32 to index
      %parallel_loop3A_536 = arith.index_cast %parallel_loop3A_531 : i32 to index
      %parallel_loop3A_537 = tpu.vector_load %arg11[%parallel_loop3A_535, %parallel_loop3A_536] {strides = array<i32>} : memref<16x640xf32, #tpu.memory_space<vmem>>, vector<16xf32>,
      %parallel_loop3A_538 = arith.addf %parallel_loop3A_533, %parallel_loop3A_537 : vector<16xf32>
      %parallel_loop3A_539 = arith.index_cast %parallel_loop3A_531 : i32 to index
      %parallel_loop3A_540 = tpu.vector_load %arg12[%parallel_loop3A_539] {strides = array<i32>} : memref<640xf32, #tpu.memory_space<vmem>>, vector<16xf32>,
      tpu.vector_store %arg12[%parallel_loop3A_539], %parallel_loop3A_538 {strides = array<i32>} : memref<640xf32, #tpu.memory_space<vmem>>, vector<16xf32>,
    } {sc.loop_unroll_factor = 8 : i64, sc.parallel_access}
    %dma_wait3A_436 = arith.constant 10 : i32
    %dma_wait3A_437 = arith.constant 10 : i32
    %dma_wait3A_438 = arith.constant 0 : i32
    %dma_wait3A_439 = tpu.memref_slice %arg11[%dma_wait3A_437, %dma_wait3A_438] : memref<16x640xf32, #tpu.memory_space<vmem>> -> memref<1x640xf32, #tpu.memory_space<vmem>>
    %dma_wait3A_440 = tpu.memref_squeeze %dma_wait3A_439 : memref<1x640xf32, #tpu.memory_space<vmem>> -> memref<640xf32, #tpu.memory_space<vmem>>
    %dma_wait3A_441 = tpu.memref_slice %arg17[%dma_wait3A_436, %mul3A_200] : memref<16x10240xf32, #tpu.memory_space<vmem_shared>> -> memref<1x640xf32, #tpu.memory_space<vmem_shared>>
    %dma_wait3A_442 = tpu.memref_squeeze %dma_wait3A_441 : memref<1x640xf32, #tpu.memory_space<vmem_shared>> -> memref<640xf32, #tpu.memory_space<vmem_shared>>
    %dma_wait3A_443 = arith.constant 0 : i32
    %dma_wait3A_444 = tpu.memref_slice %arg11[%dma_wait3A_437, %dma_wait3A_443] : memref<16x640xf32, #tpu.memory_space<vmem>> -> memref<1x640xf32, #tpu.memory_space<vmem>>
    %dma_wait3A_445 = tpu.memref_squeeze %dma_wait3A_444 : memref<1x640xf32, #tpu.memory_space<vmem>> -> memref<640xf32, #tpu.memory_space<vmem>>
    %dma_wait3A_446 = tpu.memref_slice %arg17[%dma_wait3A_436, %mul3A_200] : memref<16x10240xf32, #tpu.memory_space<vmem_shared>> -> memref<1x640xf32, #tpu.memory_space<vmem_shared>>
    %dma_wait3A_447 = tpu.memref_squeeze %dma_wait3A_446 : memref<1x640xf32, #tpu.memory_space<vmem_shared>> -> memref<640xf32, #tpu.memory_space<vmem_shared>>
    tpu.wait_dma2 semaphore(%arg13 : memref<!tpu.dma_semaphore, #tpu.memory_space<semaphore_mem>>) src(%dma_wait3A_447 : memref<640xf32, #tpu.memory_space<vmem_shared>>) dst(%dma_wait3A_445 : memref<640xf32, #tpu.memory_space<vmem>>)
    %parallel_loop3A_448 = arith.constant 0 : i32
    %parallel_loop3A_449 = arith.constant 640 : i32
    %parallel_loop3A_450 = arith.constant 16 : i32
    scf.for %parallel_loop3A_531 = %parallel_loop3A_448 to %parallel_loop3A_449 step %parallel_loop3A_450  : i32 {
      %parallel_loop3A_532 = arith.index_cast %parallel_loop3A_531 : i32 to index
      %parallel_loop3A_533 = tpu.vector_load %arg12[%parallel_loop3A_532] {strides = array<i32>} : memref<640xf32, #tpu.memory_space<vmem>>, vector<16xf32>,
      %parallel_loop3A_534 = arith.constant 10 : i32
      %parallel_loop3A_535 = arith.index_cast %parallel_loop3A_534 : i32 to index
      %parallel_loop3A_536 = arith.index_cast %parallel_loop3A_531 : i32 to index
      %parallel_loop3A_537 = tpu.vector_load %arg11[%parallel_loop3A_535, %parallel_loop3A_536] {strides = array<i32>} : memref<16x640xf32, #tpu.memory_space<vmem>>, vector<16xf32>,
      %parallel_loop3A_538 = arith.addf %parallel_loop3A_533, %parallel_loop3A_537 : vector<16xf32>
      %parallel_loop3A_539 = arith.index_cast %parallel_loop3A_531 : i32 to index
      %parallel_loop3A_540 = tpu.vector_load %arg12[%parallel_loop3A_539] {strides = array<i32>} : memref<640xf32, #tpu.memory_space<vmem>>, vector<16xf32>,
      tpu.vector_store %arg12[%parallel_loop3A_539], %parallel_loop3A_538 {strides = array<i32>} : memref<640xf32, #tpu.memory_space<vmem>>, vector<16xf32>,
    } {sc.loop_unroll_factor = 8 : i64, sc.parallel_access}
    %dma_wait3A_451 = arith.constant 11 : i32
    %dma_wait3A_452 = arith.constant 11 : i32
    %dma_wait3A_453 = arith.constant 0 : i32
    %dma_wait3A_454 = tpu.memref_slice %arg11[%dma_wait3A_452, %dma_wait3A_453] : memref<16x640xf32, #tpu.memory_space<vmem>> -> memref<1x640xf32, #tpu.memory_space<vmem>>
    %dma_wait3A_455 = tpu.memref_squeeze %dma_wait3A_454 : memref<1x640xf32, #tpu.memory_space<vmem>> -> memref<640xf32, #tpu.memory_space<vmem>>
    %dma_wait3A_456 = tpu.memref_slice %arg17[%dma_wait3A_451, %mul3A_214] : memref<16x10240xf32, #tpu.memory_space<vmem_shared>> -> memref<1x640xf32, #tpu.memory_space<vmem_shared>>
    %dma_wait3A_457 = tpu.memref_squeeze %dma_wait3A_456 : memref<1x640xf32, #tpu.memory_space<vmem_shared>> -> memref<640xf32, #tpu.memory_space<vmem_shared>>
    %dma_wait3A_458 = arith.constant 0 : i32
    %dma_wait3A_459 = tpu.memref_slice %arg11[%dma_wait3A_452, %dma_wait3A_458] : memref<16x640xf32, #tpu.memory_space<vmem>> -> memref<1x640xf32, #tpu.memory_space<vmem>>
    %dma_wait3A_460 = tpu.memref_squeeze %dma_wait3A_459 : memref<1x640xf32, #tpu.memory_space<vmem>> -> memref<640xf32, #tpu.memory_space<vmem>>
    %dma_wait3A_461 = tpu.memref_slice %arg17[%dma_wait3A_451, %mul3A_214] : memref<16x10240xf32, #tpu.memory_space<vmem_shared>> -> memref<1x640xf32, #tpu.memory_space<vmem_shared>>
    %dma_wait3A_462 = tpu.memref_squeeze %dma_wait3A_461 : memref<1x640xf32, #tpu.memory_space<vmem_shared>> -> memref<640xf32, #tpu.memory_space<vmem_shared>>
    tpu.wait_dma2 semaphore(%arg13 : memref<!tpu.dma_semaphore, #tpu.memory_space<semaphore_mem>>) src(%dma_wait3A_462 : memref<640xf32, #tpu.memory_space<vmem_shared>>) dst(%dma_wait3A_460 : memref<640xf32, #tpu.memory_space<vmem>>)
    %parallel_loop3A_463 = arith.constant 0 : i32
    %parallel_loop3A_464 = arith.constant 640 : i32
    %parallel_loop3A_465 = arith.constant 16 : i32
    scf.for %parallel_loop3A_531 = %parallel_loop3A_463 to %parallel_loop3A_464 step %parallel_loop3A_465  : i32 {
      %parallel_loop3A_532 = arith.index_cast %parallel_loop3A_531 : i32 to index
      %parallel_loop3A_533 = tpu.vector_load %arg12[%parallel_loop3A_532] {strides = array<i32>} : memref<640xf32, #tpu.memory_space<vmem>>, vector<16xf32>,
      %parallel_loop3A_534 = arith.constant 11 : i32
      %parallel_loop3A_535 = arith.index_cast %parallel_loop3A_534 : i32 to index
      %parallel_loop3A_536 = arith.index_cast %parallel_loop3A_531 : i32 to index
      %parallel_loop3A_537 = tpu.vector_load %arg11[%parallel_loop3A_535, %parallel_loop3A_536] {strides = array<i32>} : memref<16x640xf32, #tpu.memory_space<vmem>>, vector<16xf32>,
      %parallel_loop3A_538 = arith.addf %parallel_loop3A_533, %parallel_loop3A_537 : vector<16xf32>
      %parallel_loop3A_539 = arith.index_cast %parallel_loop3A_531 : i32 to index
      %parallel_loop3A_540 = tpu.vector_load %arg12[%parallel_loop3A_539] {strides = array<i32>} : memref<640xf32, #tpu.memory_space<vmem>>, vector<16xf32>,
      tpu.vector_store %arg12[%parallel_loop3A_539], %parallel_loop3A_538 {strides = array<i32>} : memref<640xf32, #tpu.memory_space<vmem>>, vector<16xf32>,
    } {sc.loop_unroll_factor = 8 : i64, sc.parallel_access}
    %dma_wait3A_466 = arith.constant 12 : i32
    %dma_wait3A_467 = arith.constant 12 : i32
    %dma_wait3A_468 = arith.constant 0 : i32
    %dma_wait3A_469 = tpu.memref_slice %arg11[%dma_wait3A_467, %dma_wait3A_468] : memref<16x640xf32, #tpu.memory_space<vmem>> -> memref<1x640xf32, #tpu.memory_space<vmem>>
    %dma_wait3A_470 = tpu.memref_squeeze %dma_wait3A_469 : memref<1x640xf32, #tpu.memory_space<vmem>> -> memref<640xf32, #tpu.memory_space<vmem>>
    %dma_wait3A_471 = tpu.memref_slice %arg17[%dma_wait3A_466, %mul3A_228] : memref<16x10240xf32, #tpu.memory_space<vmem_shared>> -> memref<1x640xf32, #tpu.memory_space<vmem_shared>>
    %dma_wait3A_472 = tpu.memref_squeeze %dma_wait3A_471 : memref<1x640xf32, #tpu.memory_space<vmem_shared>> -> memref<640xf32, #tpu.memory_space<vmem_shared>>
    %dma_wait3A_473 = arith.constant 0 : i32
    %dma_wait3A_474 = tpu.memref_slice %arg11[%dma_wait3A_467, %dma_wait3A_473] : memref<16x640xf32, #tpu.memory_space<vmem>> -> memref<1x640xf32, #tpu.memory_space<vmem>>
    %dma_wait3A_475 = tpu.memref_squeeze %dma_wait3A_474 : memref<1x640xf32, #tpu.memory_space<vmem>> -> memref<640xf32, #tpu.memory_space<vmem>>
    %dma_wait3A_476 = tpu.memref_slice %arg17[%dma_wait3A_466, %mul3A_228] : memref<16x10240xf32, #tpu.memory_space<vmem_shared>> -> memref<1x640xf32, #tpu.memory_space<vmem_shared>>
    %dma_wait3A_477 = tpu.memref_squeeze %dma_wait3A_476 : memref<1x640xf32, #tpu.memory_space<vmem_shared>> -> memref<640xf32, #tpu.memory_space<vmem_shared>>
    tpu.wait_dma2 semaphore(%arg13 : memref<!tpu.dma_semaphore, #tpu.memory_space<semaphore_mem>>) src(%dma_wait3A_477 : memref<640xf32, #tpu.memory_space<vmem_shared>>) dst(%dma_wait3A_475 : memref<640xf32, #tpu.memory_space<vmem>>)
    %parallel_loop3A_478 = arith.constant 0 : i32
    %parallel_loop3A_479 = arith.constant 640 : i32
    %parallel_loop3A_480 = arith.constant 16 : i32
    scf.for %parallel_loop3A_531 = %parallel_loop3A_478 to %parallel_loop3A_479 step %parallel_loop3A_480  : i32 {
      %parallel_loop3A_532 = arith.index_cast %parallel_loop3A_531 : i32 to index
      %parallel_loop3A_533 = tpu.vector_load %arg12[%parallel_loop3A_532] {strides = array<i32>} : memref<640xf32, #tpu.memory_space<vmem>>, vector<16xf32>,
      %parallel_loop3A_534 = arith.constant 12 : i32
      %parallel_loop3A_535 = arith.index_cast %parallel_loop3A_534 : i32 to index
      %parallel_loop3A_536 = arith.index_cast %parallel_loop3A_531 : i32 to index
      %parallel_loop3A_537 = tpu.vector_load %arg11[%parallel_loop3A_535, %parallel_loop3A_536] {strides = array<i32>} : memref<16x640xf32, #tpu.memory_space<vmem>>, vector<16xf32>,
      %parallel_loop3A_538 = arith.addf %parallel_loop3A_533, %parallel_loop3A_537 : vector<16xf32>
      %parallel_loop3A_539 = arith.index_cast %parallel_loop3A_531 : i32 to index
      %parallel_loop3A_540 = tpu.vector_load %arg12[%parallel_loop3A_539] {strides = array<i32>} : memref<640xf32, #tpu.memory_space<vmem>>, vector<16xf32>,
      tpu.vector_store %arg12[%parallel_loop3A_539], %parallel_loop3A_538 {strides = array<i32>} : memref<640xf32, #tpu.memory_space<vmem>>, vector<16xf32>,
    } {sc.loop_unroll_factor = 8 : i64, sc.parallel_access}
    %dma_wait3A_481 = arith.constant 13 : i32
    %dma_wait3A_482 = arith.constant 13 : i32
    %dma_wait3A_483 = arith.constant 0 : i32
    %dma_wait3A_484 = tpu.memref_slice %arg11[%dma_wait3A_482, %dma_wait3A_483] : memref<16x640xf32, #tpu.memory_space<vmem>> -> memref<1x640xf32, #tpu.memory_space<vmem>>
    %dma_wait3A_485 = tpu.memref_squeeze %dma_wait3A_484 : memref<1x640xf32, #tpu.memory_space<vmem>> -> memref<640xf32, #tpu.memory_space<vmem>>
    %dma_wait3A_486 = tpu.memref_slice %arg17[%dma_wait3A_481, %mul3A_242] : memref<16x10240xf32, #tpu.memory_space<vmem_shared>> -> memref<1x640xf32, #tpu.memory_space<vmem_shared>>
    %dma_wait3A_487 = tpu.memref_squeeze %dma_wait3A_486 : memref<1x640xf32, #tpu.memory_space<vmem_shared>> -> memref<640xf32, #tpu.memory_space<vmem_shared>>
    %dma_wait3A_488 = arith.constant 0 : i32
    %dma_wait3A_489 = tpu.memref_slice %arg11[%dma_wait3A_482, %dma_wait3A_488] : memref<16x640xf32, #tpu.memory_space<vmem>> -> memref<1x640xf32, #tpu.memory_space<vmem>>
    %dma_wait3A_490 = tpu.memref_squeeze %dma_wait3A_489 : memref<1x640xf32, #tpu.memory_space<vmem>> -> memref<640xf32, #tpu.memory_space<vmem>>
    %dma_wait3A_491 = tpu.memref_slice %arg17[%dma_wait3A_481, %mul3A_242] : memref<16x10240xf32, #tpu.memory_space<vmem_shared>> -> memref<1x640xf32, #tpu.memory_space<vmem_shared>>
    %dma_wait3A_492 = tpu.memref_squeeze %dma_wait3A_491 : memref<1x640xf32, #tpu.memory_space<vmem_shared>> -> memref<640xf32, #tpu.memory_space<vmem_shared>>
    tpu.wait_dma2 semaphore(%arg13 : memref<!tpu.dma_semaphore, #tpu.memory_space<semaphore_mem>>) src(%dma_wait3A_492 : memref<640xf32, #tpu.memory_space<vmem_shared>>) dst(%dma_wait3A_490 : memref<640xf32, #tpu.memory_space<vmem>>)
    %parallel_loop3A_493 = arith.constant 0 : i32
    %parallel_loop3A_494 = arith.constant 640 : i32
    %parallel_loop3A_495 = arith.constant 16 : i32
    scf.for %parallel_loop3A_531 = %parallel_loop3A_493 to %parallel_loop3A_494 step %parallel_loop3A_495  : i32 {
      %parallel_loop3A_532 = arith.index_cast %parallel_loop3A_531 : i32 to index
      %parallel_loop3A_533 = tpu.vector_load %arg12[%parallel_loop3A_532] {strides = array<i32>} : memref<640xf32, #tpu.memory_space<vmem>>, vector<16xf32>,
      %parallel_loop3A_534 = arith.constant 13 : i32
      %parallel_loop3A_535 = arith.index_cast %parallel_loop3A_534 : i32 to index
      %parallel_loop3A_536 = arith.index_cast %parallel_loop3A_531 : i32 to index
      %parallel_loop3A_537 = tpu.vector_load %arg11[%parallel_loop3A_535, %parallel_loop3A_536] {strides = array<i32>} : memref<16x640xf32, #tpu.memory_space<vmem>>, vector<16xf32>,
      %parallel_loop3A_538 = arith.addf %parallel_loop3A_533, %parallel_loop3A_537 : vector<16xf32>
      %parallel_loop3A_539 = arith.index_cast %parallel_loop3A_531 : i32 to index
      %parallel_loop3A_540 = tpu.vector_load %arg12[%parallel_loop3A_539] {strides = array<i32>} : memref<640xf32, #tpu.memory_space<vmem>>, vector<16xf32>,
      tpu.vector_store %arg12[%parallel_loop3A_539], %parallel_loop3A_538 {strides = array<i32>} : memref<640xf32, #tpu.memory_space<vmem>>, vector<16xf32>,
    } {sc.loop_unroll_factor = 8 : i64, sc.parallel_access}
    %dma_wait3A_496 = arith.constant 14 : i32
    %dma_wait3A_497 = arith.constant 14 : i32
    %dma_wait3A_498 = arith.constant 0 : i32
    %dma_wait3A_499 = tpu.memref_slice %arg11[%dma_wait3A_497, %dma_wait3A_498] : memref<16x640xf32, #tpu.memory_space<vmem>> -> memref<1x640xf32, #tpu.memory_space<vmem>>
    %dma_wait3A_500 = tpu.memref_squeeze %dma_wait3A_499 : memref<1x640xf32, #tpu.memory_space<vmem>> -> memref<640xf32, #tpu.memory_space<vmem>>
    %dma_wait3A_501 = tpu.memref_slice %arg17[%dma_wait3A_496, %mul3A_256] : memref<16x10240xf32, #tpu.memory_space<vmem_shared>> -> memref<1x640xf32, #tpu.memory_space<vmem_shared>>
    %dma_wait3A_502 = tpu.memref_squeeze %dma_wait3A_501 : memref<1x640xf32, #tpu.memory_space<vmem_shared>> -> memref<640xf32, #tpu.memory_space<vmem_shared>>
    %dma_wait3A_503 = arith.constant 0 : i32
    %dma_wait3A_504 = tpu.memref_slice %arg11[%dma_wait3A_497, %dma_wait3A_503] : memref<16x640xf32, #tpu.memory_space<vmem>> -> memref<1x640xf32, #tpu.memory_space<vmem>>
    %dma_wait3A_505 = tpu.memref_squeeze %dma_wait3A_504 : memref<1x640xf32, #tpu.memory_space<vmem>> -> memref<640xf32, #tpu.memory_space<vmem>>
    %dma_wait3A_506 = tpu.memref_slice %arg17[%dma_wait3A_496, %mul3A_256] : memref<16x10240xf32, #tpu.memory_space<vmem_shared>> -> memref<1x640xf32, #tpu.memory_space<vmem_shared>>
    %dma_wait3A_507 = tpu.memref_squeeze %dma_wait3A_506 : memref<1x640xf32, #tpu.memory_space<vmem_shared>> -> memref<640xf32, #tpu.memory_space<vmem_shared>>
    tpu.wait_dma2 semaphore(%arg13 : memref<!tpu.dma_semaphore, #tpu.memory_space<semaphore_mem>>) src(%dma_wait3A_507 : memref<640xf32, #tpu.memory_space<vmem_shared>>) dst(%dma_wait3A_505 : memref<640xf32, #tpu.memory_space<vmem>>)
    %parallel_loop3A_508 = arith.constant 0 : i32
    %parallel_loop3A_509 = arith.constant 640 : i32
    %parallel_loop3A_510 = arith.constant 16 : i32
    scf.for %parallel_loop3A_531 = %parallel_loop3A_508 to %parallel_loop3A_509 step %parallel_loop3A_510  : i32 {
      %parallel_loop3A_532 = arith.index_cast %parallel_loop3A_531 : i32 to index
      %parallel_loop3A_533 = tpu.vector_load %arg12[%parallel_loop3A_532] {strides = array<i32>} : memref<640xf32, #tpu.memory_space<vmem>>, vector<16xf32>,
      %parallel_loop3A_534 = arith.constant 14 : i32
      %parallel_loop3A_535 = arith.index_cast %parallel_loop3A_534 : i32 to index
      %parallel_loop3A_536 = arith.index_cast %parallel_loop3A_531 : i32 to index
      %parallel_loop3A_537 = tpu.vector_load %arg11[%parallel_loop3A_535, %parallel_loop3A_536] {strides = array<i32>} : memref<16x640xf32, #tpu.memory_space<vmem>>, vector<16xf32>,
      %parallel_loop3A_538 = arith.addf %parallel_loop3A_533, %parallel_loop3A_537 : vector<16xf32>
      %parallel_loop3A_539 = arith.index_cast %parallel_loop3A_531 : i32 to index
      %parallel_loop3A_540 = tpu.vector_load %arg12[%parallel_loop3A_539] {strides = array<i32>} : memref<640xf32, #tpu.memory_space<vmem>>, vector<16xf32>,
      tpu.vector_store %arg12[%parallel_loop3A_539], %parallel_loop3A_538 {strides = array<i32>} : memref<640xf32, #tpu.memory_space<vmem>>, vector<16xf32>,
    } {sc.loop_unroll_factor = 8 : i64, sc.parallel_access}
    %dma_wait3A_511 = arith.constant 15 : i32
    %dma_wait3A_512 = arith.constant 15 : i32
    %dma_wait3A_513 = arith.constant 0 : i32
    %dma_wait3A_514 = tpu.memref_slice %arg11[%dma_wait3A_512, %dma_wait3A_513] : memref<16x640xf32, #tpu.memory_space<vmem>> -> memref<1x640xf32, #tpu.memory_space<vmem>>
    %dma_wait3A_515 = tpu.memref_squeeze %dma_wait3A_514 : memref<1x640xf32, #tpu.memory_space<vmem>> -> memref<640xf32, #tpu.memory_space<vmem>>
    %dma_wait3A_516 = tpu.memref_slice %arg17[%dma_wait3A_511, %mul3A_270] : memref<16x10240xf32, #tpu.memory_space<vmem_shared>> -> memref<1x640xf32, #tpu.memory_space<vmem_shared>>
    %dma_wait3A_517 = tpu.memref_squeeze %dma_wait3A_516 : memref<1x640xf32, #tpu.memory_space<vmem_shared>> -> memref<640xf32, #tpu.memory_space<vmem_shared>>
    %dma_wait3A_518 = arith.constant 0 : i32
    %dma_wait3A_519 = tpu.memref_slice %arg11[%dma_wait3A_512, %dma_wait3A_518] : memref<16x640xf32, #tpu.memory_space<vmem>> -> memref<1x640xf32, #tpu.memory_space<vmem>>
    %dma_wait3A_520 = tpu.memref_squeeze %dma_wait3A_519 : memref<1x640xf32, #tpu.memory_space<vmem>> -> memref<640xf32, #tpu.memory_space<vmem>>
    %dma_wait3A_521 = tpu.memref_slice %arg17[%dma_wait3A_511, %mul3A_270] : memref<16x10240xf32, #tpu.memory_space<vmem_shared>> -> memref<1x640xf32, #tpu.memory_space<vmem_shared>>
    %dma_wait3A_522 = tpu.memref_squeeze %dma_wait3A_521 : memref<1x640xf32, #tpu.memory_space<vmem_shared>> -> memref<640xf32, #tpu.memory_space<vmem_shared>>
    tpu.wait_dma2 semaphore(%arg13 : memref<!tpu.dma_semaphore, #tpu.memory_space<semaphore_mem>>) src(%dma_wait3A_522 : memref<640xf32, #tpu.memory_space<vmem_shared>>) dst(%dma_wait3A_520 : memref<640xf32, #tpu.memory_space<vmem>>)
    %parallel_loop3A_523 = arith.constant 0 : i32
    %parallel_loop3A_524 = arith.constant 640 : i32
    %parallel_loop3A_525 = arith.constant 16 : i32
    scf.for %parallel_loop3A_531 = %parallel_loop3A_523 to %parallel_loop3A_524 step %parallel_loop3A_525  : i32 {
      %parallel_loop3A_532 = arith.index_cast %parallel_loop3A_531 : i32 to index
      %parallel_loop3A_533 = tpu.vector_load %arg12[%parallel_loop3A_532] {strides = array<i32>} : memref<640xf32, #tpu.memory_space<vmem>>, vector<16xf32>,
      %parallel_loop3A_534 = arith.constant 15 : i32
      %parallel_loop3A_535 = arith.index_cast %parallel_loop3A_534 : i32 to index
      %parallel_loop3A_536 = arith.index_cast %parallel_loop3A_531 : i32 to index
      %parallel_loop3A_537 = tpu.vector_load %arg11[%parallel_loop3A_535, %parallel_loop3A_536] {strides = array<i32>} : memref<16x640xf32, #tpu.memory_space<vmem>>, vector<16xf32>,
      %parallel_loop3A_538 = arith.addf %parallel_loop3A_533, %parallel_loop3A_537 : vector<16xf32>
      %parallel_loop3A_539 = arith.index_cast %parallel_loop3A_531 : i32 to index
      %parallel_loop3A_540 = tpu.vector_load %arg12[%parallel_loop3A_539] {strides = array<i32>} : memref<640xf32, #tpu.memory_space<vmem>>, vector<16xf32>,
      tpu.vector_store %arg12[%parallel_loop3A_539], %parallel_loop3A_538 {strides = array<i32>} : memref<640xf32, #tpu.memory_space<vmem>>, vector<16xf32>,
    } {sc.loop_unroll_factor = 8 : i64, sc.parallel_access}
    %mul3A_526 = arith.constant 10240 : i32
    %mul3A_527 = arith.muli %arg0, %mul3A_526 : i32
    %mul3A_528 = arith.constant 640 : i32
    %mul3A_529 = arith.muli %arg1, %mul3A_528 : i32
    %add3A_530 = arith.addi %mul3A_527, %mul3A_529 : i32
    "tpu.region"() ({
      %run_scoped3A = tpu.sem_alloc : memref<!tpu.dma_semaphore, #tpu.memory_space<semaphore_mem>>
      %dma_start3A_531 = tpu.memref_slice %arg5[%add3A_530] : memref<20480xf32, #tpu.memory_space<hbm>> -> memref<640xf32, #tpu.memory_space<hbm>>
      %dma_start3A_532 = tpu.memref_slice %arg5[%add3A_530] : memref<20480xf32, #tpu.memory_space<hbm>> -> memref<640xf32, #tpu.memory_space<hbm>>
      tpu.enqueue_dma source(%arg12 : memref<640xf32, #tpu.memory_space<vmem>>) target(%dma_start3A_532 : memref<640xf32, #tpu.memory_space<hbm>>) target_semaphore(%run_scoped3A : memref<!tpu.dma_semaphore, #tpu.memory_space<semaphore_mem>>)
      %dma_wait3A_533 = tpu.memref_slice %arg5[%add3A_530] : memref<20480xf32, #tpu.memory_space<hbm>> -> memref<640xf32, #tpu.memory_space<hbm>>
      %dma_wait3A_534 = tpu.memref_slice %arg5[%add3A_530] : memref<20480xf32, #tpu.memory_space<hbm>> -> memref<640xf32, #tpu.memory_space<hbm>>
      tpu.wait_dma2 semaphore(%run_scoped3A : memref<!tpu.dma_semaphore, #tpu.memory_space<semaphore_mem>>) src(%arg12 : memref<640xf32, #tpu.memory_space<vmem>>) dst(%dma_wait3A_534 : memref<640xf32, #tpu.memory_space<hbm>>)
      tpu.yield
    }) : () -> ()
    return
  }
}

#map = affine_map<(d0, d1) -> (0)>
#map1 = affine_map<(d0, d1) -> (0, 0)>
module attributes {stable_mosaic.version = 14 : i64} {
  func.func @_b1_body(%arg0: i32, %arg1: i32, %arg2: memref<10000xf32, #tpu.memory_space<hbm>>, %arg3: memref<10000xf32, #tpu.memory_space<hbm>>, %arg4: memref<2x320000xi32, #tpu.memory_space<hbm>>, %arg5: memref<320000xf32, #tpu.memory_space<hbm>>, %arg6: memref<20480xf32, #tpu.memory_space<hbm>>, %arg7: memref<10000xf32, #tpu.memory_space<vmem>>, %arg8: memref<10000xf32, #tpu.memory_space<vmem>>, %arg9: memref<2x10240xi32, #tpu.memory_space<vmem>>, %arg10: memref<10000xf32, #tpu.memory_space<vmem>>, %arg11: memref<10240xf32, #tpu.memory_space<vmem>>, %arg12: memref<16x640xf32, #tpu.memory_space<vmem>>, %arg13: memref<640xf32, #tpu.memory_space<vmem>>, %arg14: memref<!tpu.dma_semaphore, #tpu.memory_space<semaphore_mem>>, %arg15: memref<!tpu.dma_semaphore, #tpu.memory_space<semaphore_mem>>, %arg16: memref<!tpu.dma_semaphore, #tpu.memory_space<semaphore_mem>>, %arg17: memref<16x10240xf32, #tpu.memory_space<vmem_shared>>) attributes {dimension_semantics = [#tpu.dimension_semantics<core_parallel>, #tpu.dimension_semantics<subcore_parallel>], iteration_bounds = array<i64: 2, 16>, scalar_prefetch = 0 : i64, scratch_operands = 11 : i64, tpu.core_type = #tpu.core_type<sc_vector_subcore>, window_params = [{transform_indices = #map}, {transform_indices = #map}, {transform_indices = #map1}, {transform_indices = #map}, {transform_indices = #map}]} {
    %mul3A = arith.constant 16 : i32
    %mul3A_0 = arith.muli %arg0, %mul3A : i32
    %add3A = arith.addi %mul3A_0, %arg1 : i32
    %mul3A_1 = arith.constant 10000 : i32
    %mul3A_2 = arith.muli %add3A, %mul3A_1 : i32
    %mul3A_3 = arith.constant 10000 : i32
    %mul3A_4 = arith.muli %add3A, %mul3A_3 : i32
    %jit3A = arith.constant 128 : i32
    %div3A = arith.divsi %mul3A_4, %jit3A : i32
    %sign3A = arith.constant 0 : i32
    %sign3A_5 = arith.cmpi sgt, %mul3A_4, %sign3A : i32
    %sign3A_6 = arith.extui %sign3A_5 : i1 to i32
    %sign3A_7 = arith.constant 0 : i32
    %sign3A_8 = arith.cmpi slt, %mul3A_4, %sign3A_7 : i32
    %sign3A_9 = arith.extui %sign3A_8 : i1 to i32
    %sign3A_10 = arith.subi %sign3A_6, %sign3A_9 : i32
    %sign3A_11 = arith.constant 0 : i32
    %sign3A_12 = arith.cmpi sgt, %jit3A, %sign3A_11 : i32
    %sign3A_13 = arith.extui %sign3A_12 : i1 to i32
    %sign3A_14 = arith.constant 0 : i32
    %sign3A_15 = arith.cmpi slt, %jit3A, %sign3A_14 : i32
    %sign3A_16 = arith.extui %sign3A_15 : i1 to i32
    %sign3A_17 = arith.subi %sign3A_13, %sign3A_16 : i32
    %ne3A = arith.cmpi ne, %sign3A_10, %sign3A_17 : i32
    %rem3A = arith.remsi %mul3A_4, %jit3A : i32
    %ne3A_18 = arith.constant 0 : i32
    %ne3A_19 = arith.cmpi ne, %rem3A, %ne3A_18 : i32
    %and3A = arith.andi %ne3A, %ne3A_19 : i1
    %sub3A = arith.constant 1 : i32
    %sub3A_20 = arith.subi %div3A, %sub3A : i32
    %select_n3A = arith.select %and3A, %sub3A_20, %div3A : i32
    %mul3A_21 = arith.constant 128 : i32
    %mul3A_22 = arith.muli %select_n3A, %mul3A_21 : i32
    %min3A = arith.constant 309760 : i32
    %min3A_23 = arith.minsi %mul3A_22, %min3A : i32
    %sub3A_24 = arith.subi %mul3A_4, %min3A_23 : i32
    tpu.enqueue_dma source(%arg2 : memref<10000xf32, #tpu.memory_space<hbm>>) target(%arg7 : memref<10000xf32, #tpu.memory_space<vmem>>) target_semaphore(%arg14 : memref<!tpu.dma_semaphore, #tpu.memory_space<semaphore_mem>>)
    tpu.enqueue_dma source(%arg3 : memref<10000xf32, #tpu.memory_space<hbm>>) target(%arg8 : memref<10000xf32, #tpu.memory_space<vmem>>) target_semaphore(%arg15 : memref<!tpu.dma_semaphore, #tpu.memory_space<semaphore_mem>>)
    %dma_start3A = arith.constant 0 : i32
    %dma_start3A_25 = tpu.memref_slice %arg4[%dma_start3A, %min3A_23] : memref<2x320000xi32, #tpu.memory_space<hbm>> -> memref<2x10240xi32, #tpu.memory_space<hbm>>
    %dma_start3A_26 = arith.constant 0 : i32
    %dma_start3A_27 = tpu.memref_slice %arg4[%dma_start3A_26, %min3A_23] : memref<2x320000xi32, #tpu.memory_space<hbm>> -> memref<2x10240xi32, #tpu.memory_space<hbm>>
    tpu.enqueue_dma source(%dma_start3A_27 : memref<2x10240xi32, #tpu.memory_space<hbm>>) target(%arg9 : memref<2x10240xi32, #tpu.memory_space<vmem>>) target_semaphore(%arg16 : memref<!tpu.dma_semaphore, #tpu.memory_space<semaphore_mem>>)
    %parallel_loop3A = arith.constant 0 : i32
    %parallel_loop3A_28 = arith.constant 10240 : i32
    %parallel_loop3A_29 = arith.constant 16 : i32
    scf.for %parallel_loop3A_508 = %parallel_loop3A to %parallel_loop3A_28 step %parallel_loop3A_29  : i32 {
      %parallel_loop3A_509 = arith.constant 0.000000e+00 : f32
      %parallel_loop3A_510 = vector.broadcast %parallel_loop3A_509 : f32 to vector<16xf32>
      %parallel_loop3A_511 = arith.index_cast %parallel_loop3A_508 : i32 to index
      %parallel_loop3A_512 = tpu.vector_load %arg11[%parallel_loop3A_511] {strides = array<i32>} : memref<10240xf32, #tpu.memory_space<vmem>>, vector<16xf32>,
      tpu.vector_store %arg11[%parallel_loop3A_511], %parallel_loop3A_510 {strides = array<i32>} : memref<10240xf32, #tpu.memory_space<vmem>>, vector<16xf32>,
    } {sc.loop_unroll_factor = 8 : i64, sc.parallel_access}
    tpu.wait_dma2 semaphore(%arg14 : memref<!tpu.dma_semaphore, #tpu.memory_space<semaphore_mem>>) src(%arg2 : memref<10000xf32, #tpu.memory_space<hbm>>) dst(%arg7 : memref<10000xf32, #tpu.memory_space<vmem>>)
    tpu.wait_dma2 semaphore(%arg15 : memref<!tpu.dma_semaphore, #tpu.memory_space<semaphore_mem>>) src(%arg3 : memref<10000xf32, #tpu.memory_space<hbm>>) dst(%arg8 : memref<10000xf32, #tpu.memory_space<vmem>>)
    %dma_wait3A = arith.constant 0 : i32
    %dma_wait3A_30 = tpu.memref_slice %arg4[%dma_wait3A, %min3A_23] : memref<2x320000xi32, #tpu.memory_space<hbm>> -> memref<2x10240xi32, #tpu.memory_space<hbm>>
    %dma_wait3A_31 = arith.constant 0 : i32
    %dma_wait3A_32 = tpu.memref_slice %arg4[%dma_wait3A_31, %min3A_23] : memref<2x320000xi32, #tpu.memory_space<hbm>> -> memref<2x10240xi32, #tpu.memory_space<hbm>>
    tpu.wait_dma2 semaphore(%arg16 : memref<!tpu.dma_semaphore, #tpu.memory_space<semaphore_mem>>) src(%dma_wait3A_32 : memref<2x10240xi32, #tpu.memory_space<hbm>>) dst(%arg9 : memref<2x10240xi32, #tpu.memory_space<vmem>>)
    %parallel_loop3A_33 = arith.constant 0 : i32
    %parallel_loop3A_34 = arith.constant 10000 : i32
    %parallel_loop3A_35 = arith.constant 16 : i32
    scf.for %parallel_loop3A_508 = %parallel_loop3A_33 to %parallel_loop3A_34 step %parallel_loop3A_35  : i32 {
      %parallel_loop3A_509 = arith.addi %sub3A_24, %parallel_loop3A_508 : i32
      %parallel_loop3A_510 = arith.constant 0 : i32
      %parallel_loop3A_511 = arith.index_cast %parallel_loop3A_510 : i32 to index
      %parallel_loop3A_512 = arith.index_cast %parallel_loop3A_509 : i32 to index
      %parallel_loop3A_513 = tpu.vector_load %arg9[%parallel_loop3A_511, %parallel_loop3A_512] {strides = array<i32>} : memref<2x10240xi32, #tpu.memory_space<vmem>>, vector<16xi32>,
      %parallel_loop3A_514 = arith.addi %sub3A_24, %parallel_loop3A_508 : i32
      %parallel_loop3A_515 = arith.constant 1 : i32
      %parallel_loop3A_516 = arith.index_cast %parallel_loop3A_515 : i32 to index
      %parallel_loop3A_517 = arith.index_cast %parallel_loop3A_514 : i32 to index
      %parallel_loop3A_518 = tpu.vector_load %arg9[%parallel_loop3A_516, %parallel_loop3A_517] {strides = array<i32>} : memref<2x10240xi32, #tpu.memory_space<vmem>>, vector<16xi32>,
      %parallel_loop3A_519 = tpu.vector_load_idx %arg7[%parallel_loop3A_513] : memref<10000xf32, #tpu.memory_space<vmem>>[vector<16xi32>], vector<16xf32>,
      %parallel_loop3A_520 = tpu.vector_load_idx %arg8[%parallel_loop3A_518] : memref<10000xf32, #tpu.memory_space<vmem>>[vector<16xi32>], vector<16xf32>,
      %parallel_loop3A_521 = arith.addf %parallel_loop3A_519, %parallel_loop3A_520 : vector<16xf32>
      %parallel_loop3A_522 = arith.constant 0.000000e+00 : f32
      %parallel_loop3A_523 = vector.broadcast %parallel_loop3A_522 : f32 to vector<16xf32>
      %parallel_loop3A_524 = arith.cmpf oge, %parallel_loop3A_521, %parallel_loop3A_523 : vector<16xf32>
      %parallel_loop3A_525 = arith.constant 2.000000e-01 : f32
      %parallel_loop3A_526 = vector.broadcast %parallel_loop3A_525 : f32 to vector<16xf32>
      %parallel_loop3A_527 = arith.mulf %parallel_loop3A_521, %parallel_loop3A_526 : vector<16xf32>
      %parallel_loop3A_528 = arith.select %parallel_loop3A_524, %parallel_loop3A_521, %parallel_loop3A_527 : vector<16xi1>, vector<16xf32>
      %parallel_loop3A_529 = math.exp %parallel_loop3A_528 : vector<16xf32>
      %parallel_loop3A_530 = arith.index_cast %parallel_loop3A_508 : i32 to index
      %parallel_loop3A_531 = tpu.vector_load %arg10[%parallel_loop3A_530] {strides = array<i32>} : memref<10000xf32, #tpu.memory_space<vmem>>, vector<16xf32>,
      tpu.vector_store %arg10[%parallel_loop3A_530], %parallel_loop3A_529 {strides = array<i32>} : memref<10000xf32, #tpu.memory_space<vmem>>, vector<16xf32>,
      tpu.vector_store_idx %arg11[%parallel_loop3A_518], %parallel_loop3A_529 {add = true} : memref<10240xf32, #tpu.memory_space<vmem>>[vector<16xi32>], vector<16xf32>,
    } {sc.loop_unroll_factor = 16 : i64, sc.parallel_access}
    "tpu.region"() ({
      %run_scoped3A = tpu.sem_alloc : memref<!tpu.dma_semaphore, #tpu.memory_space<semaphore_mem>>
      %dma_start3A_508 = tpu.memref_slice %arg5[%mul3A_2] : memref<320000xf32, #tpu.memory_space<hbm>> -> memref<10000xf32, #tpu.memory_space<hbm>>
      %dma_start3A_509 = tpu.memref_slice %arg5[%mul3A_2] : memref<320000xf32, #tpu.memory_space<hbm>> -> memref<10000xf32, #tpu.memory_space<hbm>>
      tpu.enqueue_dma source(%arg10 : memref<10000xf32, #tpu.memory_space<vmem>>) target(%dma_start3A_509 : memref<10000xf32, #tpu.memory_space<hbm>>) target_semaphore(%run_scoped3A : memref<!tpu.dma_semaphore, #tpu.memory_space<semaphore_mem>>)
      %dma_wait3A_510 = tpu.memref_slice %arg5[%mul3A_2] : memref<320000xf32, #tpu.memory_space<hbm>> -> memref<10000xf32, #tpu.memory_space<hbm>>
      %dma_wait3A_511 = tpu.memref_slice %arg5[%mul3A_2] : memref<320000xf32, #tpu.memory_space<hbm>> -> memref<10000xf32, #tpu.memory_space<hbm>>
      tpu.wait_dma2 semaphore(%run_scoped3A : memref<!tpu.dma_semaphore, #tpu.memory_space<semaphore_mem>>) src(%arg10 : memref<10000xf32, #tpu.memory_space<vmem>>) dst(%dma_wait3A_511 : memref<10000xf32, #tpu.memory_space<hbm>>)
      tpu.yield
    }) : () -> ()
    "tpu.region"() ({
      %run_scoped3A = tpu.sem_alloc : memref<!tpu.dma_semaphore, #tpu.memory_space<semaphore_mem>>
      %dma_start3A_508 = arith.constant 0 : i32
      %dma_start3A_509 = tpu.memref_slice %arg17[%arg1, %dma_start3A_508] : memref<16x10240xf32, #tpu.memory_space<vmem_shared>> -> memref<1x10240xf32, #tpu.memory_space<vmem_shared>>
      %dma_start3A_510 = tpu.memref_squeeze %dma_start3A_509 : memref<1x10240xf32, #tpu.memory_space<vmem_shared>> -> memref<10240xf32, #tpu.memory_space<vmem_shared>>
      %dma_start3A_511 = arith.constant 0 : i32
      %dma_start3A_512 = tpu.memref_slice %arg17[%arg1, %dma_start3A_511] : memref<16x10240xf32, #tpu.memory_space<vmem_shared>> -> memref<1x10240xf32, #tpu.memory_space<vmem_shared>>
      %dma_start3A_513 = tpu.memref_squeeze %dma_start3A_512 : memref<1x10240xf32, #tpu.memory_space<vmem_shared>> -> memref<10240xf32, #tpu.memory_space<vmem_shared>>
      tpu.enqueue_dma source(%arg11 : memref<10240xf32, #tpu.memory_space<vmem>>) target(%dma_start3A_513 : memref<10240xf32, #tpu.memory_space<vmem_shared>>) target_semaphore(%run_scoped3A : memref<!tpu.dma_semaphore, #tpu.memory_space<semaphore_mem>>)
      %dma_wait3A_514 = arith.constant 0 : i32
      %dma_wait3A_515 = tpu.memref_slice %arg17[%arg1, %dma_wait3A_514] : memref<16x10240xf32, #tpu.memory_space<vmem_shared>> -> memref<1x10240xf32, #tpu.memory_space<vmem_shared>>
      %dma_wait3A_516 = tpu.memref_squeeze %dma_wait3A_515 : memref<1x10240xf32, #tpu.memory_space<vmem_shared>> -> memref<10240xf32, #tpu.memory_space<vmem_shared>>
      %dma_wait3A_517 = arith.constant 0 : i32
      %dma_wait3A_518 = tpu.memref_slice %arg17[%arg1, %dma_wait3A_517] : memref<16x10240xf32, #tpu.memory_space<vmem_shared>> -> memref<1x10240xf32, #tpu.memory_space<vmem_shared>>
      %dma_wait3A_519 = tpu.memref_squeeze %dma_wait3A_518 : memref<1x10240xf32, #tpu.memory_space<vmem_shared>> -> memref<10240xf32, #tpu.memory_space<vmem_shared>>
      tpu.wait_dma2 semaphore(%run_scoped3A : memref<!tpu.dma_semaphore, #tpu.memory_space<semaphore_mem>>) src(%arg11 : memref<10240xf32, #tpu.memory_space<vmem>>) dst(%dma_wait3A_519 : memref<10240xf32, #tpu.memory_space<vmem_shared>>)
      tpu.yield
    }) : () -> ()
    %barrier3A = arith.constant 0 : index
    tpu.barrier barrier_id(%barrier3A)
    %mul3A_36 = arith.constant 640 : i32
    %mul3A_37 = arith.muli %arg1, %mul3A_36 : i32
    %dma_start3A_38 = arith.constant 0 : i32
    %dma_start3A_39 = arith.constant 0 : i32
    %dma_start3A_40 = arith.constant 0 : i32
    %dma_start3A_41 = tpu.memref_slice %arg12[%dma_start3A_39, %dma_start3A_40] : memref<16x640xf32, #tpu.memory_space<vmem>> -> memref<1x640xf32, #tpu.memory_space<vmem>>
    %dma_start3A_42 = tpu.memref_squeeze %dma_start3A_41 : memref<1x640xf32, #tpu.memory_space<vmem>> -> memref<640xf32, #tpu.memory_space<vmem>>
    %dma_start3A_43 = tpu.memref_slice %arg17[%dma_start3A_38, %mul3A_37] : memref<16x10240xf32, #tpu.memory_space<vmem_shared>> -> memref<1x640xf32, #tpu.memory_space<vmem_shared>>
    %dma_start3A_44 = tpu.memref_squeeze %dma_start3A_43 : memref<1x640xf32, #tpu.memory_space<vmem_shared>> -> memref<640xf32, #tpu.memory_space<vmem_shared>>
    %dma_start3A_45 = arith.constant 0 : i32
    %dma_start3A_46 = tpu.memref_slice %arg12[%dma_start3A_39, %dma_start3A_45] : memref<16x640xf32, #tpu.memory_space<vmem>> -> memref<1x640xf32, #tpu.memory_space<vmem>>
    %dma_start3A_47 = tpu.memref_squeeze %dma_start3A_46 : memref<1x640xf32, #tpu.memory_space<vmem>> -> memref<640xf32, #tpu.memory_space<vmem>>
    %dma_start3A_48 = tpu.memref_slice %arg17[%dma_start3A_38, %mul3A_37] : memref<16x10240xf32, #tpu.memory_space<vmem_shared>> -> memref<1x640xf32, #tpu.memory_space<vmem_shared>>
    %dma_start3A_49 = tpu.memref_squeeze %dma_start3A_48 : memref<1x640xf32, #tpu.memory_space<vmem_shared>> -> memref<640xf32, #tpu.memory_space<vmem_shared>>
    tpu.enqueue_dma source(%dma_start3A_49 : memref<640xf32, #tpu.memory_space<vmem_shared>>) target(%dma_start3A_47 : memref<640xf32, #tpu.memory_space<vmem>>) target_semaphore(%arg14 : memref<!tpu.dma_semaphore, #tpu.memory_space<semaphore_mem>>)
    %mul3A_50 = arith.constant 640 : i32
    %mul3A_51 = arith.muli %arg1, %mul3A_50 : i32
    %dma_start3A_52 = arith.constant 1 : i32
    %dma_start3A_53 = arith.constant 1 : i32
    %dma_start3A_54 = arith.constant 0 : i32
    %dma_start3A_55 = tpu.memref_slice %arg12[%dma_start3A_53, %dma_start3A_54] : memref<16x640xf32, #tpu.memory_space<vmem>> -> memref<1x640xf32, #tpu.memory_space<vmem>>
    %dma_start3A_56 = tpu.memref_squeeze %dma_start3A_55 : memref<1x640xf32, #tpu.memory_space<vmem>> -> memref<640xf32, #tpu.memory_space<vmem>>
    %dma_start3A_57 = tpu.memref_slice %arg17[%dma_start3A_52, %mul3A_51] : memref<16x10240xf32, #tpu.memory_space<vmem_shared>> -> memref<1x640xf32, #tpu.memory_space<vmem_shared>>
    %dma_start3A_58 = tpu.memref_squeeze %dma_start3A_57 : memref<1x640xf32, #tpu.memory_space<vmem_shared>> -> memref<640xf32, #tpu.memory_space<vmem_shared>>
    %dma_start3A_59 = arith.constant 0 : i32
    %dma_start3A_60 = tpu.memref_slice %arg12[%dma_start3A_53, %dma_start3A_59] : memref<16x640xf32, #tpu.memory_space<vmem>> -> memref<1x640xf32, #tpu.memory_space<vmem>>
    %dma_start3A_61 = tpu.memref_squeeze %dma_start3A_60 : memref<1x640xf32, #tpu.memory_space<vmem>> -> memref<640xf32, #tpu.memory_space<vmem>>
    %dma_start3A_62 = tpu.memref_slice %arg17[%dma_start3A_52, %mul3A_51] : memref<16x10240xf32, #tpu.memory_space<vmem_shared>> -> memref<1x640xf32, #tpu.memory_space<vmem_shared>>
    %dma_start3A_63 = tpu.memref_squeeze %dma_start3A_62 : memref<1x640xf32, #tpu.memory_space<vmem_shared>> -> memref<640xf32, #tpu.memory_space<vmem_shared>>
    tpu.enqueue_dma source(%dma_start3A_63 : memref<640xf32, #tpu.memory_space<vmem_shared>>) target(%dma_start3A_61 : memref<640xf32, #tpu.memory_space<vmem>>) target_semaphore(%arg14 : memref<!tpu.dma_semaphore, #tpu.memory_space<semaphore_mem>>)
    %mul3A_64 = arith.constant 640 : i32
    %mul3A_65 = arith.muli %arg1, %mul3A_64 : i32
    %dma_start3A_66 = arith.constant 2 : i32
    %dma_start3A_67 = arith.constant 2 : i32
    %dma_start3A_68 = arith.constant 0 : i32
    %dma_start3A_69 = tpu.memref_slice %arg12[%dma_start3A_67, %dma_start3A_68] : memref<16x640xf32, #tpu.memory_space<vmem>> -> memref<1x640xf32, #tpu.memory_space<vmem>>
    %dma_start3A_70 = tpu.memref_squeeze %dma_start3A_69 : memref<1x640xf32, #tpu.memory_space<vmem>> -> memref<640xf32, #tpu.memory_space<vmem>>
    %dma_start3A_71 = tpu.memref_slice %arg17[%dma_start3A_66, %mul3A_65] : memref<16x10240xf32, #tpu.memory_space<vmem_shared>> -> memref<1x640xf32, #tpu.memory_space<vmem_shared>>
    %dma_start3A_72 = tpu.memref_squeeze %dma_start3A_71 : memref<1x640xf32, #tpu.memory_space<vmem_shared>> -> memref<640xf32, #tpu.memory_space<vmem_shared>>
    %dma_start3A_73 = arith.constant 0 : i32
    %dma_start3A_74 = tpu.memref_slice %arg12[%dma_start3A_67, %dma_start3A_73] : memref<16x640xf32, #tpu.memory_space<vmem>> -> memref<1x640xf32, #tpu.memory_space<vmem>>
    %dma_start3A_75 = tpu.memref_squeeze %dma_start3A_74 : memref<1x640xf32, #tpu.memory_space<vmem>> -> memref<640xf32, #tpu.memory_space<vmem>>
    %dma_start3A_76 = tpu.memref_slice %arg17[%dma_start3A_66, %mul3A_65] : memref<16x10240xf32, #tpu.memory_space<vmem_shared>> -> memref<1x640xf32, #tpu.memory_space<vmem_shared>>
    %dma_start3A_77 = tpu.memref_squeeze %dma_start3A_76 : memref<1x640xf32, #tpu.memory_space<vmem_shared>> -> memref<640xf32, #tpu.memory_space<vmem_shared>>
    tpu.enqueue_dma source(%dma_start3A_77 : memref<640xf32, #tpu.memory_space<vmem_shared>>) target(%dma_start3A_75 : memref<640xf32, #tpu.memory_space<vmem>>) target_semaphore(%arg14 : memref<!tpu.dma_semaphore, #tpu.memory_space<semaphore_mem>>)
    %mul3A_78 = arith.constant 640 : i32
    %mul3A_79 = arith.muli %arg1, %mul3A_78 : i32
    %dma_start3A_80 = arith.constant 3 : i32
    %dma_start3A_81 = arith.constant 3 : i32
    %dma_start3A_82 = arith.constant 0 : i32
    %dma_start3A_83 = tpu.memref_slice %arg12[%dma_start3A_81, %dma_start3A_82] : memref<16x640xf32, #tpu.memory_space<vmem>> -> memref<1x640xf32, #tpu.memory_space<vmem>>
    %dma_start3A_84 = tpu.memref_squeeze %dma_start3A_83 : memref<1x640xf32, #tpu.memory_space<vmem>> -> memref<640xf32, #tpu.memory_space<vmem>>
    %dma_start3A_85 = tpu.memref_slice %arg17[%dma_start3A_80, %mul3A_79] : memref<16x10240xf32, #tpu.memory_space<vmem_shared>> -> memref<1x640xf32, #tpu.memory_space<vmem_shared>>
    %dma_start3A_86 = tpu.memref_squeeze %dma_start3A_85 : memref<1x640xf32, #tpu.memory_space<vmem_shared>> -> memref<640xf32, #tpu.memory_space<vmem_shared>>
    %dma_start3A_87 = arith.constant 0 : i32
    %dma_start3A_88 = tpu.memref_slice %arg12[%dma_start3A_81, %dma_start3A_87] : memref<16x640xf32, #tpu.memory_space<vmem>> -> memref<1x640xf32, #tpu.memory_space<vmem>>
    %dma_start3A_89 = tpu.memref_squeeze %dma_start3A_88 : memref<1x640xf32, #tpu.memory_space<vmem>> -> memref<640xf32, #tpu.memory_space<vmem>>
    %dma_start3A_90 = tpu.memref_slice %arg17[%dma_start3A_80, %mul3A_79] : memref<16x10240xf32, #tpu.memory_space<vmem_shared>> -> memref<1x640xf32, #tpu.memory_space<vmem_shared>>
    %dma_start3A_91 = tpu.memref_squeeze %dma_start3A_90 : memref<1x640xf32, #tpu.memory_space<vmem_shared>> -> memref<640xf32, #tpu.memory_space<vmem_shared>>
    tpu.enqueue_dma source(%dma_start3A_91 : memref<640xf32, #tpu.memory_space<vmem_shared>>) target(%dma_start3A_89 : memref<640xf32, #tpu.memory_space<vmem>>) target_semaphore(%arg14 : memref<!tpu.dma_semaphore, #tpu.memory_space<semaphore_mem>>)
    %mul3A_92 = arith.constant 640 : i32
    %mul3A_93 = arith.muli %arg1, %mul3A_92 : i32
    %dma_start3A_94 = arith.constant 4 : i32
    %dma_start3A_95 = arith.constant 4 : i32
    %dma_start3A_96 = arith.constant 0 : i32
    %dma_start3A_97 = tpu.memref_slice %arg12[%dma_start3A_95, %dma_start3A_96] : memref<16x640xf32, #tpu.memory_space<vmem>> -> memref<1x640xf32, #tpu.memory_space<vmem>>
    %dma_start3A_98 = tpu.memref_squeeze %dma_start3A_97 : memref<1x640xf32, #tpu.memory_space<vmem>> -> memref<640xf32, #tpu.memory_space<vmem>>
    %dma_start3A_99 = tpu.memref_slice %arg17[%dma_start3A_94, %mul3A_93] : memref<16x10240xf32, #tpu.memory_space<vmem_shared>> -> memref<1x640xf32, #tpu.memory_space<vmem_shared>>
    %dma_start3A_100 = tpu.memref_squeeze %dma_start3A_99 : memref<1x640xf32, #tpu.memory_space<vmem_shared>> -> memref<640xf32, #tpu.memory_space<vmem_shared>>
    %dma_start3A_101 = arith.constant 0 : i32
    %dma_start3A_102 = tpu.memref_slice %arg12[%dma_start3A_95, %dma_start3A_101] : memref<16x640xf32, #tpu.memory_space<vmem>> -> memref<1x640xf32, #tpu.memory_space<vmem>>
    %dma_start3A_103 = tpu.memref_squeeze %dma_start3A_102 : memref<1x640xf32, #tpu.memory_space<vmem>> -> memref<640xf32, #tpu.memory_space<vmem>>
    %dma_start3A_104 = tpu.memref_slice %arg17[%dma_start3A_94, %mul3A_93] : memref<16x10240xf32, #tpu.memory_space<vmem_shared>> -> memref<1x640xf32, #tpu.memory_space<vmem_shared>>
    %dma_start3A_105 = tpu.memref_squeeze %dma_start3A_104 : memref<1x640xf32, #tpu.memory_space<vmem_shared>> -> memref<640xf32, #tpu.memory_space<vmem_shared>>
    tpu.enqueue_dma source(%dma_start3A_105 : memref<640xf32, #tpu.memory_space<vmem_shared>>) target(%dma_start3A_103 : memref<640xf32, #tpu.memory_space<vmem>>) target_semaphore(%arg14 : memref<!tpu.dma_semaphore, #tpu.memory_space<semaphore_mem>>)
    %mul3A_106 = arith.constant 640 : i32
    %mul3A_107 = arith.muli %arg1, %mul3A_106 : i32
    %dma_start3A_108 = arith.constant 5 : i32
    %dma_start3A_109 = arith.constant 5 : i32
    %dma_start3A_110 = arith.constant 0 : i32
    %dma_start3A_111 = tpu.memref_slice %arg12[%dma_start3A_109, %dma_start3A_110] : memref<16x640xf32, #tpu.memory_space<vmem>> -> memref<1x640xf32, #tpu.memory_space<vmem>>
    %dma_start3A_112 = tpu.memref_squeeze %dma_start3A_111 : memref<1x640xf32, #tpu.memory_space<vmem>> -> memref<640xf32, #tpu.memory_space<vmem>>
    %dma_start3A_113 = tpu.memref_slice %arg17[%dma_start3A_108, %mul3A_107] : memref<16x10240xf32, #tpu.memory_space<vmem_shared>> -> memref<1x640xf32, #tpu.memory_space<vmem_shared>>
    %dma_start3A_114 = tpu.memref_squeeze %dma_start3A_113 : memref<1x640xf32, #tpu.memory_space<vmem_shared>> -> memref<640xf32, #tpu.memory_space<vmem_shared>>
    %dma_start3A_115 = arith.constant 0 : i32
    %dma_start3A_116 = tpu.memref_slice %arg12[%dma_start3A_109, %dma_start3A_115] : memref<16x640xf32, #tpu.memory_space<vmem>> -> memref<1x640xf32, #tpu.memory_space<vmem>>
    %dma_start3A_117 = tpu.memref_squeeze %dma_start3A_116 : memref<1x640xf32, #tpu.memory_space<vmem>> -> memref<640xf32, #tpu.memory_space<vmem>>
    %dma_start3A_118 = tpu.memref_slice %arg17[%dma_start3A_108, %mul3A_107] : memref<16x10240xf32, #tpu.memory_space<vmem_shared>> -> memref<1x640xf32, #tpu.memory_space<vmem_shared>>
    %dma_start3A_119 = tpu.memref_squeeze %dma_start3A_118 : memref<1x640xf32, #tpu.memory_space<vmem_shared>> -> memref<640xf32, #tpu.memory_space<vmem_shared>>
    tpu.enqueue_dma source(%dma_start3A_119 : memref<640xf32, #tpu.memory_space<vmem_shared>>) target(%dma_start3A_117 : memref<640xf32, #tpu.memory_space<vmem>>) target_semaphore(%arg14 : memref<!tpu.dma_semaphore, #tpu.memory_space<semaphore_mem>>)
    %mul3A_120 = arith.constant 640 : i32
    %mul3A_121 = arith.muli %arg1, %mul3A_120 : i32
    %dma_start3A_122 = arith.constant 6 : i32
    %dma_start3A_123 = arith.constant 6 : i32
    %dma_start3A_124 = arith.constant 0 : i32
    %dma_start3A_125 = tpu.memref_slice %arg12[%dma_start3A_123, %dma_start3A_124] : memref<16x640xf32, #tpu.memory_space<vmem>> -> memref<1x640xf32, #tpu.memory_space<vmem>>
    %dma_start3A_126 = tpu.memref_squeeze %dma_start3A_125 : memref<1x640xf32, #tpu.memory_space<vmem>> -> memref<640xf32, #tpu.memory_space<vmem>>
    %dma_start3A_127 = tpu.memref_slice %arg17[%dma_start3A_122, %mul3A_121] : memref<16x10240xf32, #tpu.memory_space<vmem_shared>> -> memref<1x640xf32, #tpu.memory_space<vmem_shared>>
    %dma_start3A_128 = tpu.memref_squeeze %dma_start3A_127 : memref<1x640xf32, #tpu.memory_space<vmem_shared>> -> memref<640xf32, #tpu.memory_space<vmem_shared>>
    %dma_start3A_129 = arith.constant 0 : i32
    %dma_start3A_130 = tpu.memref_slice %arg12[%dma_start3A_123, %dma_start3A_129] : memref<16x640xf32, #tpu.memory_space<vmem>> -> memref<1x640xf32, #tpu.memory_space<vmem>>
    %dma_start3A_131 = tpu.memref_squeeze %dma_start3A_130 : memref<1x640xf32, #tpu.memory_space<vmem>> -> memref<640xf32, #tpu.memory_space<vmem>>
    %dma_start3A_132 = tpu.memref_slice %arg17[%dma_start3A_122, %mul3A_121] : memref<16x10240xf32, #tpu.memory_space<vmem_shared>> -> memref<1x640xf32, #tpu.memory_space<vmem_shared>>
    %dma_start3A_133 = tpu.memref_squeeze %dma_start3A_132 : memref<1x640xf32, #tpu.memory_space<vmem_shared>> -> memref<640xf32, #tpu.memory_space<vmem_shared>>
    tpu.enqueue_dma source(%dma_start3A_133 : memref<640xf32, #tpu.memory_space<vmem_shared>>) target(%dma_start3A_131 : memref<640xf32, #tpu.memory_space<vmem>>) target_semaphore(%arg14 : memref<!tpu.dma_semaphore, #tpu.memory_space<semaphore_mem>>)
    %mul3A_134 = arith.constant 640 : i32
    %mul3A_135 = arith.muli %arg1, %mul3A_134 : i32
    %dma_start3A_136 = arith.constant 7 : i32
    %dma_start3A_137 = arith.constant 7 : i32
    %dma_start3A_138 = arith.constant 0 : i32
    %dma_start3A_139 = tpu.memref_slice %arg12[%dma_start3A_137, %dma_start3A_138] : memref<16x640xf32, #tpu.memory_space<vmem>> -> memref<1x640xf32, #tpu.memory_space<vmem>>
    %dma_start3A_140 = tpu.memref_squeeze %dma_start3A_139 : memref<1x640xf32, #tpu.memory_space<vmem>> -> memref<640xf32, #tpu.memory_space<vmem>>
    %dma_start3A_141 = tpu.memref_slice %arg17[%dma_start3A_136, %mul3A_135] : memref<16x10240xf32, #tpu.memory_space<vmem_shared>> -> memref<1x640xf32, #tpu.memory_space<vmem_shared>>
    %dma_start3A_142 = tpu.memref_squeeze %dma_start3A_141 : memref<1x640xf32, #tpu.memory_space<vmem_shared>> -> memref<640xf32, #tpu.memory_space<vmem_shared>>
    %dma_start3A_143 = arith.constant 0 : i32
    %dma_start3A_144 = tpu.memref_slice %arg12[%dma_start3A_137, %dma_start3A_143] : memref<16x640xf32, #tpu.memory_space<vmem>> -> memref<1x640xf32, #tpu.memory_space<vmem>>
    %dma_start3A_145 = tpu.memref_squeeze %dma_start3A_144 : memref<1x640xf32, #tpu.memory_space<vmem>> -> memref<640xf32, #tpu.memory_space<vmem>>
    %dma_start3A_146 = tpu.memref_slice %arg17[%dma_start3A_136, %mul3A_135] : memref<16x10240xf32, #tpu.memory_space<vmem_shared>> -> memref<1x640xf32, #tpu.memory_space<vmem_shared>>
    %dma_start3A_147 = tpu.memref_squeeze %dma_start3A_146 : memref<1x640xf32, #tpu.memory_space<vmem_shared>> -> memref<640xf32, #tpu.memory_space<vmem_shared>>
    tpu.enqueue_dma source(%dma_start3A_147 : memref<640xf32, #tpu.memory_space<vmem_shared>>) target(%dma_start3A_145 : memref<640xf32, #tpu.memory_space<vmem>>) target_semaphore(%arg14 : memref<!tpu.dma_semaphore, #tpu.memory_space<semaphore_mem>>)
    %mul3A_148 = arith.constant 640 : i32
    %mul3A_149 = arith.muli %arg1, %mul3A_148 : i32
    %dma_start3A_150 = arith.constant 8 : i32
    %dma_start3A_151 = arith.constant 8 : i32
    %dma_start3A_152 = arith.constant 0 : i32
    %dma_start3A_153 = tpu.memref_slice %arg12[%dma_start3A_151, %dma_start3A_152] : memref<16x640xf32, #tpu.memory_space<vmem>> -> memref<1x640xf32, #tpu.memory_space<vmem>>
    %dma_start3A_154 = tpu.memref_squeeze %dma_start3A_153 : memref<1x640xf32, #tpu.memory_space<vmem>> -> memref<640xf32, #tpu.memory_space<vmem>>
    %dma_start3A_155 = tpu.memref_slice %arg17[%dma_start3A_150, %mul3A_149] : memref<16x10240xf32, #tpu.memory_space<vmem_shared>> -> memref<1x640xf32, #tpu.memory_space<vmem_shared>>
    %dma_start3A_156 = tpu.memref_squeeze %dma_start3A_155 : memref<1x640xf32, #tpu.memory_space<vmem_shared>> -> memref<640xf32, #tpu.memory_space<vmem_shared>>
    %dma_start3A_157 = arith.constant 0 : i32
    %dma_start3A_158 = tpu.memref_slice %arg12[%dma_start3A_151, %dma_start3A_157] : memref<16x640xf32, #tpu.memory_space<vmem>> -> memref<1x640xf32, #tpu.memory_space<vmem>>
    %dma_start3A_159 = tpu.memref_squeeze %dma_start3A_158 : memref<1x640xf32, #tpu.memory_space<vmem>> -> memref<640xf32, #tpu.memory_space<vmem>>
    %dma_start3A_160 = tpu.memref_slice %arg17[%dma_start3A_150, %mul3A_149] : memref<16x10240xf32, #tpu.memory_space<vmem_shared>> -> memref<1x640xf32, #tpu.memory_space<vmem_shared>>
    %dma_start3A_161 = tpu.memref_squeeze %dma_start3A_160 : memref<1x640xf32, #tpu.memory_space<vmem_shared>> -> memref<640xf32, #tpu.memory_space<vmem_shared>>
    tpu.enqueue_dma source(%dma_start3A_161 : memref<640xf32, #tpu.memory_space<vmem_shared>>) target(%dma_start3A_159 : memref<640xf32, #tpu.memory_space<vmem>>) target_semaphore(%arg14 : memref<!tpu.dma_semaphore, #tpu.memory_space<semaphore_mem>>)
    %mul3A_162 = arith.constant 640 : i32
    %mul3A_163 = arith.muli %arg1, %mul3A_162 : i32
    %dma_start3A_164 = arith.constant 9 : i32
    %dma_start3A_165 = arith.constant 9 : i32
    %dma_start3A_166 = arith.constant 0 : i32
    %dma_start3A_167 = tpu.memref_slice %arg12[%dma_start3A_165, %dma_start3A_166] : memref<16x640xf32, #tpu.memory_space<vmem>> -> memref<1x640xf32, #tpu.memory_space<vmem>>
    %dma_start3A_168 = tpu.memref_squeeze %dma_start3A_167 : memref<1x640xf32, #tpu.memory_space<vmem>> -> memref<640xf32, #tpu.memory_space<vmem>>
    %dma_start3A_169 = tpu.memref_slice %arg17[%dma_start3A_164, %mul3A_163] : memref<16x10240xf32, #tpu.memory_space<vmem_shared>> -> memref<1x640xf32, #tpu.memory_space<vmem_shared>>
    %dma_start3A_170 = tpu.memref_squeeze %dma_start3A_169 : memref<1x640xf32, #tpu.memory_space<vmem_shared>> -> memref<640xf32, #tpu.memory_space<vmem_shared>>
    %dma_start3A_171 = arith.constant 0 : i32
    %dma_start3A_172 = tpu.memref_slice %arg12[%dma_start3A_165, %dma_start3A_171] : memref<16x640xf32, #tpu.memory_space<vmem>> -> memref<1x640xf32, #tpu.memory_space<vmem>>
    %dma_start3A_173 = tpu.memref_squeeze %dma_start3A_172 : memref<1x640xf32, #tpu.memory_space<vmem>> -> memref<640xf32, #tpu.memory_space<vmem>>
    %dma_start3A_174 = tpu.memref_slice %arg17[%dma_start3A_164, %mul3A_163] : memref<16x10240xf32, #tpu.memory_space<vmem_shared>> -> memref<1x640xf32, #tpu.memory_space<vmem_shared>>
    %dma_start3A_175 = tpu.memref_squeeze %dma_start3A_174 : memref<1x640xf32, #tpu.memory_space<vmem_shared>> -> memref<640xf32, #tpu.memory_space<vmem_shared>>
    tpu.enqueue_dma source(%dma_start3A_175 : memref<640xf32, #tpu.memory_space<vmem_shared>>) target(%dma_start3A_173 : memref<640xf32, #tpu.memory_space<vmem>>) target_semaphore(%arg14 : memref<!tpu.dma_semaphore, #tpu.memory_space<semaphore_mem>>)
    %mul3A_176 = arith.constant 640 : i32
    %mul3A_177 = arith.muli %arg1, %mul3A_176 : i32
    %dma_start3A_178 = arith.constant 10 : i32
    %dma_start3A_179 = arith.constant 10 : i32
    %dma_start3A_180 = arith.constant 0 : i32
    %dma_start3A_181 = tpu.memref_slice %arg12[%dma_start3A_179, %dma_start3A_180] : memref<16x640xf32, #tpu.memory_space<vmem>> -> memref<1x640xf32, #tpu.memory_space<vmem>>
    %dma_start3A_182 = tpu.memref_squeeze %dma_start3A_181 : memref<1x640xf32, #tpu.memory_space<vmem>> -> memref<640xf32, #tpu.memory_space<vmem>>
    %dma_start3A_183 = tpu.memref_slice %arg17[%dma_start3A_178, %mul3A_177] : memref<16x10240xf32, #tpu.memory_space<vmem_shared>> -> memref<1x640xf32, #tpu.memory_space<vmem_shared>>
    %dma_start3A_184 = tpu.memref_squeeze %dma_start3A_183 : memref<1x640xf32, #tpu.memory_space<vmem_shared>> -> memref<640xf32, #tpu.memory_space<vmem_shared>>
    %dma_start3A_185 = arith.constant 0 : i32
    %dma_start3A_186 = tpu.memref_slice %arg12[%dma_start3A_179, %dma_start3A_185] : memref<16x640xf32, #tpu.memory_space<vmem>> -> memref<1x640xf32, #tpu.memory_space<vmem>>
    %dma_start3A_187 = tpu.memref_squeeze %dma_start3A_186 : memref<1x640xf32, #tpu.memory_space<vmem>> -> memref<640xf32, #tpu.memory_space<vmem>>
    %dma_start3A_188 = tpu.memref_slice %arg17[%dma_start3A_178, %mul3A_177] : memref<16x10240xf32, #tpu.memory_space<vmem_shared>> -> memref<1x640xf32, #tpu.memory_space<vmem_shared>>
    %dma_start3A_189 = tpu.memref_squeeze %dma_start3A_188 : memref<1x640xf32, #tpu.memory_space<vmem_shared>> -> memref<640xf32, #tpu.memory_space<vmem_shared>>
    tpu.enqueue_dma source(%dma_start3A_189 : memref<640xf32, #tpu.memory_space<vmem_shared>>) target(%dma_start3A_187 : memref<640xf32, #tpu.memory_space<vmem>>) target_semaphore(%arg14 : memref<!tpu.dma_semaphore, #tpu.memory_space<semaphore_mem>>)
    %mul3A_190 = arith.constant 640 : i32
    %mul3A_191 = arith.muli %arg1, %mul3A_190 : i32
    %dma_start3A_192 = arith.constant 11 : i32
    %dma_start3A_193 = arith.constant 11 : i32
    %dma_start3A_194 = arith.constant 0 : i32
    %dma_start3A_195 = tpu.memref_slice %arg12[%dma_start3A_193, %dma_start3A_194] : memref<16x640xf32, #tpu.memory_space<vmem>> -> memref<1x640xf32, #tpu.memory_space<vmem>>
    %dma_start3A_196 = tpu.memref_squeeze %dma_start3A_195 : memref<1x640xf32, #tpu.memory_space<vmem>> -> memref<640xf32, #tpu.memory_space<vmem>>
    %dma_start3A_197 = tpu.memref_slice %arg17[%dma_start3A_192, %mul3A_191] : memref<16x10240xf32, #tpu.memory_space<vmem_shared>> -> memref<1x640xf32, #tpu.memory_space<vmem_shared>>
    %dma_start3A_198 = tpu.memref_squeeze %dma_start3A_197 : memref<1x640xf32, #tpu.memory_space<vmem_shared>> -> memref<640xf32, #tpu.memory_space<vmem_shared>>
    %dma_start3A_199 = arith.constant 0 : i32
    %dma_start3A_200 = tpu.memref_slice %arg12[%dma_start3A_193, %dma_start3A_199] : memref<16x640xf32, #tpu.memory_space<vmem>> -> memref<1x640xf32, #tpu.memory_space<vmem>>
    %dma_start3A_201 = tpu.memref_squeeze %dma_start3A_200 : memref<1x640xf32, #tpu.memory_space<vmem>> -> memref<640xf32, #tpu.memory_space<vmem>>
    %dma_start3A_202 = tpu.memref_slice %arg17[%dma_start3A_192, %mul3A_191] : memref<16x10240xf32, #tpu.memory_space<vmem_shared>> -> memref<1x640xf32, #tpu.memory_space<vmem_shared>>
    %dma_start3A_203 = tpu.memref_squeeze %dma_start3A_202 : memref<1x640xf32, #tpu.memory_space<vmem_shared>> -> memref<640xf32, #tpu.memory_space<vmem_shared>>
    tpu.enqueue_dma source(%dma_start3A_203 : memref<640xf32, #tpu.memory_space<vmem_shared>>) target(%dma_start3A_201 : memref<640xf32, #tpu.memory_space<vmem>>) target_semaphore(%arg14 : memref<!tpu.dma_semaphore, #tpu.memory_space<semaphore_mem>>)
    %mul3A_204 = arith.constant 640 : i32
    %mul3A_205 = arith.muli %arg1, %mul3A_204 : i32
    %dma_start3A_206 = arith.constant 12 : i32
    %dma_start3A_207 = arith.constant 12 : i32
    %dma_start3A_208 = arith.constant 0 : i32
    %dma_start3A_209 = tpu.memref_slice %arg12[%dma_start3A_207, %dma_start3A_208] : memref<16x640xf32, #tpu.memory_space<vmem>> -> memref<1x640xf32, #tpu.memory_space<vmem>>
    %dma_start3A_210 = tpu.memref_squeeze %dma_start3A_209 : memref<1x640xf32, #tpu.memory_space<vmem>> -> memref<640xf32, #tpu.memory_space<vmem>>
    %dma_start3A_211 = tpu.memref_slice %arg17[%dma_start3A_206, %mul3A_205] : memref<16x10240xf32, #tpu.memory_space<vmem_shared>> -> memref<1x640xf32, #tpu.memory_space<vmem_shared>>
    %dma_start3A_212 = tpu.memref_squeeze %dma_start3A_211 : memref<1x640xf32, #tpu.memory_space<vmem_shared>> -> memref<640xf32, #tpu.memory_space<vmem_shared>>
    %dma_start3A_213 = arith.constant 0 : i32
    %dma_start3A_214 = tpu.memref_slice %arg12[%dma_start3A_207, %dma_start3A_213] : memref<16x640xf32, #tpu.memory_space<vmem>> -> memref<1x640xf32, #tpu.memory_space<vmem>>
    %dma_start3A_215 = tpu.memref_squeeze %dma_start3A_214 : memref<1x640xf32, #tpu.memory_space<vmem>> -> memref<640xf32, #tpu.memory_space<vmem>>
    %dma_start3A_216 = tpu.memref_slice %arg17[%dma_start3A_206, %mul3A_205] : memref<16x10240xf32, #tpu.memory_space<vmem_shared>> -> memref<1x640xf32, #tpu.memory_space<vmem_shared>>
    %dma_start3A_217 = tpu.memref_squeeze %dma_start3A_216 : memref<1x640xf32, #tpu.memory_space<vmem_shared>> -> memref<640xf32, #tpu.memory_space<vmem_shared>>
    tpu.enqueue_dma source(%dma_start3A_217 : memref<640xf32, #tpu.memory_space<vmem_shared>>) target(%dma_start3A_215 : memref<640xf32, #tpu.memory_space<vmem>>) target_semaphore(%arg14 : memref<!tpu.dma_semaphore, #tpu.memory_space<semaphore_mem>>)
    %mul3A_218 = arith.constant 640 : i32
    %mul3A_219 = arith.muli %arg1, %mul3A_218 : i32
    %dma_start3A_220 = arith.constant 13 : i32
    %dma_start3A_221 = arith.constant 13 : i32
    %dma_start3A_222 = arith.constant 0 : i32
    %dma_start3A_223 = tpu.memref_slice %arg12[%dma_start3A_221, %dma_start3A_222] : memref<16x640xf32, #tpu.memory_space<vmem>> -> memref<1x640xf32, #tpu.memory_space<vmem>>
    %dma_start3A_224 = tpu.memref_squeeze %dma_start3A_223 : memref<1x640xf32, #tpu.memory_space<vmem>> -> memref<640xf32, #tpu.memory_space<vmem>>
    %dma_start3A_225 = tpu.memref_slice %arg17[%dma_start3A_220, %mul3A_219] : memref<16x10240xf32, #tpu.memory_space<vmem_shared>> -> memref<1x640xf32, #tpu.memory_space<vmem_shared>>
    %dma_start3A_226 = tpu.memref_squeeze %dma_start3A_225 : memref<1x640xf32, #tpu.memory_space<vmem_shared>> -> memref<640xf32, #tpu.memory_space<vmem_shared>>
    %dma_start3A_227 = arith.constant 0 : i32
    %dma_start3A_228 = tpu.memref_slice %arg12[%dma_start3A_221, %dma_start3A_227] : memref<16x640xf32, #tpu.memory_space<vmem>> -> memref<1x640xf32, #tpu.memory_space<vmem>>
    %dma_start3A_229 = tpu.memref_squeeze %dma_start3A_228 : memref<1x640xf32, #tpu.memory_space<vmem>> -> memref<640xf32, #tpu.memory_space<vmem>>
    %dma_start3A_230 = tpu.memref_slice %arg17[%dma_start3A_220, %mul3A_219] : memref<16x10240xf32, #tpu.memory_space<vmem_shared>> -> memref<1x640xf32, #tpu.memory_space<vmem_shared>>
    %dma_start3A_231 = tpu.memref_squeeze %dma_start3A_230 : memref<1x640xf32, #tpu.memory_space<vmem_shared>> -> memref<640xf32, #tpu.memory_space<vmem_shared>>
    tpu.enqueue_dma source(%dma_start3A_231 : memref<640xf32, #tpu.memory_space<vmem_shared>>) target(%dma_start3A_229 : memref<640xf32, #tpu.memory_space<vmem>>) target_semaphore(%arg14 : memref<!tpu.dma_semaphore, #tpu.memory_space<semaphore_mem>>)
    %mul3A_232 = arith.constant 640 : i32
    %mul3A_233 = arith.muli %arg1, %mul3A_232 : i32
    %dma_start3A_234 = arith.constant 14 : i32
    %dma_start3A_235 = arith.constant 14 : i32
    %dma_start3A_236 = arith.constant 0 : i32
    %dma_start3A_237 = tpu.memref_slice %arg12[%dma_start3A_235, %dma_start3A_236] : memref<16x640xf32, #tpu.memory_space<vmem>> -> memref<1x640xf32, #tpu.memory_space<vmem>>
    %dma_start3A_238 = tpu.memref_squeeze %dma_start3A_237 : memref<1x640xf32, #tpu.memory_space<vmem>> -> memref<640xf32, #tpu.memory_space<vmem>>
    %dma_start3A_239 = tpu.memref_slice %arg17[%dma_start3A_234, %mul3A_233] : memref<16x10240xf32, #tpu.memory_space<vmem_shared>> -> memref<1x640xf32, #tpu.memory_space<vmem_shared>>
    %dma_start3A_240 = tpu.memref_squeeze %dma_start3A_239 : memref<1x640xf32, #tpu.memory_space<vmem_shared>> -> memref<640xf32, #tpu.memory_space<vmem_shared>>
    %dma_start3A_241 = arith.constant 0 : i32
    %dma_start3A_242 = tpu.memref_slice %arg12[%dma_start3A_235, %dma_start3A_241] : memref<16x640xf32, #tpu.memory_space<vmem>> -> memref<1x640xf32, #tpu.memory_space<vmem>>
    %dma_start3A_243 = tpu.memref_squeeze %dma_start3A_242 : memref<1x640xf32, #tpu.memory_space<vmem>> -> memref<640xf32, #tpu.memory_space<vmem>>
    %dma_start3A_244 = tpu.memref_slice %arg17[%dma_start3A_234, %mul3A_233] : memref<16x10240xf32, #tpu.memory_space<vmem_shared>> -> memref<1x640xf32, #tpu.memory_space<vmem_shared>>
    %dma_start3A_245 = tpu.memref_squeeze %dma_start3A_244 : memref<1x640xf32, #tpu.memory_space<vmem_shared>> -> memref<640xf32, #tpu.memory_space<vmem_shared>>
    tpu.enqueue_dma source(%dma_start3A_245 : memref<640xf32, #tpu.memory_space<vmem_shared>>) target(%dma_start3A_243 : memref<640xf32, #tpu.memory_space<vmem>>) target_semaphore(%arg14 : memref<!tpu.dma_semaphore, #tpu.memory_space<semaphore_mem>>)
    %mul3A_246 = arith.constant 640 : i32
    %mul3A_247 = arith.muli %arg1, %mul3A_246 : i32
    %dma_start3A_248 = arith.constant 15 : i32
    %dma_start3A_249 = arith.constant 15 : i32
    %dma_start3A_250 = arith.constant 0 : i32
    %dma_start3A_251 = tpu.memref_slice %arg12[%dma_start3A_249, %dma_start3A_250] : memref<16x640xf32, #tpu.memory_space<vmem>> -> memref<1x640xf32, #tpu.memory_space<vmem>>
    %dma_start3A_252 = tpu.memref_squeeze %dma_start3A_251 : memref<1x640xf32, #tpu.memory_space<vmem>> -> memref<640xf32, #tpu.memory_space<vmem>>
    %dma_start3A_253 = tpu.memref_slice %arg17[%dma_start3A_248, %mul3A_247] : memref<16x10240xf32, #tpu.memory_space<vmem_shared>> -> memref<1x640xf32, #tpu.memory_space<vmem_shared>>
    %dma_start3A_254 = tpu.memref_squeeze %dma_start3A_253 : memref<1x640xf32, #tpu.memory_space<vmem_shared>> -> memref<640xf32, #tpu.memory_space<vmem_shared>>
    %dma_start3A_255 = arith.constant 0 : i32
    %dma_start3A_256 = tpu.memref_slice %arg12[%dma_start3A_249, %dma_start3A_255] : memref<16x640xf32, #tpu.memory_space<vmem>> -> memref<1x640xf32, #tpu.memory_space<vmem>>
    %dma_start3A_257 = tpu.memref_squeeze %dma_start3A_256 : memref<1x640xf32, #tpu.memory_space<vmem>> -> memref<640xf32, #tpu.memory_space<vmem>>
    %dma_start3A_258 = tpu.memref_slice %arg17[%dma_start3A_248, %mul3A_247] : memref<16x10240xf32, #tpu.memory_space<vmem_shared>> -> memref<1x640xf32, #tpu.memory_space<vmem_shared>>
    %dma_start3A_259 = tpu.memref_squeeze %dma_start3A_258 : memref<1x640xf32, #tpu.memory_space<vmem_shared>> -> memref<640xf32, #tpu.memory_space<vmem_shared>>
    tpu.enqueue_dma source(%dma_start3A_259 : memref<640xf32, #tpu.memory_space<vmem_shared>>) target(%dma_start3A_257 : memref<640xf32, #tpu.memory_space<vmem>>) target_semaphore(%arg14 : memref<!tpu.dma_semaphore, #tpu.memory_space<semaphore_mem>>)
    %parallel_loop3A_260 = arith.constant 0 : i32
    %parallel_loop3A_261 = arith.constant 640 : i32
    %parallel_loop3A_262 = arith.constant 16 : i32
    scf.for %parallel_loop3A_508 = %parallel_loop3A_260 to %parallel_loop3A_261 step %parallel_loop3A_262  : i32 {
      %parallel_loop3A_509 = arith.constant 0.000000e+00 : f32
      %parallel_loop3A_510 = vector.broadcast %parallel_loop3A_509 : f32 to vector<16xf32>
      %parallel_loop3A_511 = arith.index_cast %parallel_loop3A_508 : i32 to index
      %parallel_loop3A_512 = tpu.vector_load %arg13[%parallel_loop3A_511] {strides = array<i32>} : memref<640xf32, #tpu.memory_space<vmem>>, vector<16xf32>,
      tpu.vector_store %arg13[%parallel_loop3A_511], %parallel_loop3A_510 {strides = array<i32>} : memref<640xf32, #tpu.memory_space<vmem>>, vector<16xf32>,
    } {sc.loop_unroll_factor = 8 : i64, sc.parallel_access}
    %dma_wait3A_263 = arith.constant 0 : i32
    %dma_wait3A_264 = arith.constant 0 : i32
    %dma_wait3A_265 = arith.constant 0 : i32
    %dma_wait3A_266 = tpu.memref_slice %arg12[%dma_wait3A_264, %dma_wait3A_265] : memref<16x640xf32, #tpu.memory_space<vmem>> -> memref<1x640xf32, #tpu.memory_space<vmem>>
    %dma_wait3A_267 = tpu.memref_squeeze %dma_wait3A_266 : memref<1x640xf32, #tpu.memory_space<vmem>> -> memref<640xf32, #tpu.memory_space<vmem>>
    %dma_wait3A_268 = tpu.memref_slice %arg17[%dma_wait3A_263, %mul3A_37] : memref<16x10240xf32, #tpu.memory_space<vmem_shared>> -> memref<1x640xf32, #tpu.memory_space<vmem_shared>>
    %dma_wait3A_269 = tpu.memref_squeeze %dma_wait3A_268 : memref<1x640xf32, #tpu.memory_space<vmem_shared>> -> memref<640xf32, #tpu.memory_space<vmem_shared>>
    %dma_wait3A_270 = arith.constant 0 : i32
    %dma_wait3A_271 = tpu.memref_slice %arg12[%dma_wait3A_264, %dma_wait3A_270] : memref<16x640xf32, #tpu.memory_space<vmem>> -> memref<1x640xf32, #tpu.memory_space<vmem>>
    %dma_wait3A_272 = tpu.memref_squeeze %dma_wait3A_271 : memref<1x640xf32, #tpu.memory_space<vmem>> -> memref<640xf32, #tpu.memory_space<vmem>>
    %dma_wait3A_273 = tpu.memref_slice %arg17[%dma_wait3A_263, %mul3A_37] : memref<16x10240xf32, #tpu.memory_space<vmem_shared>> -> memref<1x640xf32, #tpu.memory_space<vmem_shared>>
    %dma_wait3A_274 = tpu.memref_squeeze %dma_wait3A_273 : memref<1x640xf32, #tpu.memory_space<vmem_shared>> -> memref<640xf32, #tpu.memory_space<vmem_shared>>
    tpu.wait_dma2 semaphore(%arg14 : memref<!tpu.dma_semaphore, #tpu.memory_space<semaphore_mem>>) src(%dma_wait3A_274 : memref<640xf32, #tpu.memory_space<vmem_shared>>) dst(%dma_wait3A_272 : memref<640xf32, #tpu.memory_space<vmem>>)
    %parallel_loop3A_275 = arith.constant 0 : i32
    %parallel_loop3A_276 = arith.constant 640 : i32
    %parallel_loop3A_277 = arith.constant 16 : i32
    scf.for %parallel_loop3A_508 = %parallel_loop3A_275 to %parallel_loop3A_276 step %parallel_loop3A_277  : i32 {
      %parallel_loop3A_509 = arith.index_cast %parallel_loop3A_508 : i32 to index
      %parallel_loop3A_510 = tpu.vector_load %arg13[%parallel_loop3A_509] {strides = array<i32>} : memref<640xf32, #tpu.memory_space<vmem>>, vector<16xf32>,
      %parallel_loop3A_511 = arith.constant 0 : i32
      %parallel_loop3A_512 = arith.index_cast %parallel_loop3A_511 : i32 to index
      %parallel_loop3A_513 = arith.index_cast %parallel_loop3A_508 : i32 to index
      %parallel_loop3A_514 = tpu.vector_load %arg12[%parallel_loop3A_512, %parallel_loop3A_513] {strides = array<i32>} : memref<16x640xf32, #tpu.memory_space<vmem>>, vector<16xf32>,
      %parallel_loop3A_515 = arith.addf %parallel_loop3A_510, %parallel_loop3A_514 : vector<16xf32>
      %parallel_loop3A_516 = arith.index_cast %parallel_loop3A_508 : i32 to index
      %parallel_loop3A_517 = tpu.vector_load %arg13[%parallel_loop3A_516] {strides = array<i32>} : memref<640xf32, #tpu.memory_space<vmem>>, vector<16xf32>,
      tpu.vector_store %arg13[%parallel_loop3A_516], %parallel_loop3A_515 {strides = array<i32>} : memref<640xf32, #tpu.memory_space<vmem>>, vector<16xf32>,
    } {sc.loop_unroll_factor = 8 : i64, sc.parallel_access}
    %dma_wait3A_278 = arith.constant 1 : i32
    %dma_wait3A_279 = arith.constant 1 : i32
    %dma_wait3A_280 = arith.constant 0 : i32
    %dma_wait3A_281 = tpu.memref_slice %arg12[%dma_wait3A_279, %dma_wait3A_280] : memref<16x640xf32, #tpu.memory_space<vmem>> -> memref<1x640xf32, #tpu.memory_space<vmem>>
    %dma_wait3A_282 = tpu.memref_squeeze %dma_wait3A_281 : memref<1x640xf32, #tpu.memory_space<vmem>> -> memref<640xf32, #tpu.memory_space<vmem>>
    %dma_wait3A_283 = tpu.memref_slice %arg17[%dma_wait3A_278, %mul3A_51] : memref<16x10240xf32, #tpu.memory_space<vmem_shared>> -> memref<1x640xf32, #tpu.memory_space<vmem_shared>>
    %dma_wait3A_284 = tpu.memref_squeeze %dma_wait3A_283 : memref<1x640xf32, #tpu.memory_space<vmem_shared>> -> memref<640xf32, #tpu.memory_space<vmem_shared>>
    %dma_wait3A_285 = arith.constant 0 : i32
    %dma_wait3A_286 = tpu.memref_slice %arg12[%dma_wait3A_279, %dma_wait3A_285] : memref<16x640xf32, #tpu.memory_space<vmem>> -> memref<1x640xf32, #tpu.memory_space<vmem>>
    %dma_wait3A_287 = tpu.memref_squeeze %dma_wait3A_286 : memref<1x640xf32, #tpu.memory_space<vmem>> -> memref<640xf32, #tpu.memory_space<vmem>>
    %dma_wait3A_288 = tpu.memref_slice %arg17[%dma_wait3A_278, %mul3A_51] : memref<16x10240xf32, #tpu.memory_space<vmem_shared>> -> memref<1x640xf32, #tpu.memory_space<vmem_shared>>
    %dma_wait3A_289 = tpu.memref_squeeze %dma_wait3A_288 : memref<1x640xf32, #tpu.memory_space<vmem_shared>> -> memref<640xf32, #tpu.memory_space<vmem_shared>>
    tpu.wait_dma2 semaphore(%arg14 : memref<!tpu.dma_semaphore, #tpu.memory_space<semaphore_mem>>) src(%dma_wait3A_289 : memref<640xf32, #tpu.memory_space<vmem_shared>>) dst(%dma_wait3A_287 : memref<640xf32, #tpu.memory_space<vmem>>)
    %parallel_loop3A_290 = arith.constant 0 : i32
    %parallel_loop3A_291 = arith.constant 640 : i32
    %parallel_loop3A_292 = arith.constant 16 : i32
    scf.for %parallel_loop3A_508 = %parallel_loop3A_290 to %parallel_loop3A_291 step %parallel_loop3A_292  : i32 {
      %parallel_loop3A_509 = arith.index_cast %parallel_loop3A_508 : i32 to index
      %parallel_loop3A_510 = tpu.vector_load %arg13[%parallel_loop3A_509] {strides = array<i32>} : memref<640xf32, #tpu.memory_space<vmem>>, vector<16xf32>,
      %parallel_loop3A_511 = arith.constant 1 : i32
      %parallel_loop3A_512 = arith.index_cast %parallel_loop3A_511 : i32 to index
      %parallel_loop3A_513 = arith.index_cast %parallel_loop3A_508 : i32 to index
      %parallel_loop3A_514 = tpu.vector_load %arg12[%parallel_loop3A_512, %parallel_loop3A_513] {strides = array<i32>} : memref<16x640xf32, #tpu.memory_space<vmem>>, vector<16xf32>,
      %parallel_loop3A_515 = arith.addf %parallel_loop3A_510, %parallel_loop3A_514 : vector<16xf32>
      %parallel_loop3A_516 = arith.index_cast %parallel_loop3A_508 : i32 to index
      %parallel_loop3A_517 = tpu.vector_load %arg13[%parallel_loop3A_516] {strides = array<i32>} : memref<640xf32, #tpu.memory_space<vmem>>, vector<16xf32>,
      tpu.vector_store %arg13[%parallel_loop3A_516], %parallel_loop3A_515 {strides = array<i32>} : memref<640xf32, #tpu.memory_space<vmem>>, vector<16xf32>,
    } {sc.loop_unroll_factor = 8 : i64, sc.parallel_access}
    %dma_wait3A_293 = arith.constant 2 : i32
    %dma_wait3A_294 = arith.constant 2 : i32
    %dma_wait3A_295 = arith.constant 0 : i32
    %dma_wait3A_296 = tpu.memref_slice %arg12[%dma_wait3A_294, %dma_wait3A_295] : memref<16x640xf32, #tpu.memory_space<vmem>> -> memref<1x640xf32, #tpu.memory_space<vmem>>
    %dma_wait3A_297 = tpu.memref_squeeze %dma_wait3A_296 : memref<1x640xf32, #tpu.memory_space<vmem>> -> memref<640xf32, #tpu.memory_space<vmem>>
    %dma_wait3A_298 = tpu.memref_slice %arg17[%dma_wait3A_293, %mul3A_65] : memref<16x10240xf32, #tpu.memory_space<vmem_shared>> -> memref<1x640xf32, #tpu.memory_space<vmem_shared>>
    %dma_wait3A_299 = tpu.memref_squeeze %dma_wait3A_298 : memref<1x640xf32, #tpu.memory_space<vmem_shared>> -> memref<640xf32, #tpu.memory_space<vmem_shared>>
    %dma_wait3A_300 = arith.constant 0 : i32
    %dma_wait3A_301 = tpu.memref_slice %arg12[%dma_wait3A_294, %dma_wait3A_300] : memref<16x640xf32, #tpu.memory_space<vmem>> -> memref<1x640xf32, #tpu.memory_space<vmem>>
    %dma_wait3A_302 = tpu.memref_squeeze %dma_wait3A_301 : memref<1x640xf32, #tpu.memory_space<vmem>> -> memref<640xf32, #tpu.memory_space<vmem>>
    %dma_wait3A_303 = tpu.memref_slice %arg17[%dma_wait3A_293, %mul3A_65] : memref<16x10240xf32, #tpu.memory_space<vmem_shared>> -> memref<1x640xf32, #tpu.memory_space<vmem_shared>>
    %dma_wait3A_304 = tpu.memref_squeeze %dma_wait3A_303 : memref<1x640xf32, #tpu.memory_space<vmem_shared>> -> memref<640xf32, #tpu.memory_space<vmem_shared>>
    tpu.wait_dma2 semaphore(%arg14 : memref<!tpu.dma_semaphore, #tpu.memory_space<semaphore_mem>>) src(%dma_wait3A_304 : memref<640xf32, #tpu.memory_space<vmem_shared>>) dst(%dma_wait3A_302 : memref<640xf32, #tpu.memory_space<vmem>>)
    %parallel_loop3A_305 = arith.constant 0 : i32
    %parallel_loop3A_306 = arith.constant 640 : i32
    %parallel_loop3A_307 = arith.constant 16 : i32
    scf.for %parallel_loop3A_508 = %parallel_loop3A_305 to %parallel_loop3A_306 step %parallel_loop3A_307  : i32 {
      %parallel_loop3A_509 = arith.index_cast %parallel_loop3A_508 : i32 to index
      %parallel_loop3A_510 = tpu.vector_load %arg13[%parallel_loop3A_509] {strides = array<i32>} : memref<640xf32, #tpu.memory_space<vmem>>, vector<16xf32>,
      %parallel_loop3A_511 = arith.constant 2 : i32
      %parallel_loop3A_512 = arith.index_cast %parallel_loop3A_511 : i32 to index
      %parallel_loop3A_513 = arith.index_cast %parallel_loop3A_508 : i32 to index
      %parallel_loop3A_514 = tpu.vector_load %arg12[%parallel_loop3A_512, %parallel_loop3A_513] {strides = array<i32>} : memref<16x640xf32, #tpu.memory_space<vmem>>, vector<16xf32>,
      %parallel_loop3A_515 = arith.addf %parallel_loop3A_510, %parallel_loop3A_514 : vector<16xf32>
      %parallel_loop3A_516 = arith.index_cast %parallel_loop3A_508 : i32 to index
      %parallel_loop3A_517 = tpu.vector_load %arg13[%parallel_loop3A_516] {strides = array<i32>} : memref<640xf32, #tpu.memory_space<vmem>>, vector<16xf32>,
      tpu.vector_store %arg13[%parallel_loop3A_516], %parallel_loop3A_515 {strides = array<i32>} : memref<640xf32, #tpu.memory_space<vmem>>, vector<16xf32>,
    } {sc.loop_unroll_factor = 8 : i64, sc.parallel_access}
    %dma_wait3A_308 = arith.constant 3 : i32
    %dma_wait3A_309 = arith.constant 3 : i32
    %dma_wait3A_310 = arith.constant 0 : i32
    %dma_wait3A_311 = tpu.memref_slice %arg12[%dma_wait3A_309, %dma_wait3A_310] : memref<16x640xf32, #tpu.memory_space<vmem>> -> memref<1x640xf32, #tpu.memory_space<vmem>>
    %dma_wait3A_312 = tpu.memref_squeeze %dma_wait3A_311 : memref<1x640xf32, #tpu.memory_space<vmem>> -> memref<640xf32, #tpu.memory_space<vmem>>
    %dma_wait3A_313 = tpu.memref_slice %arg17[%dma_wait3A_308, %mul3A_79] : memref<16x10240xf32, #tpu.memory_space<vmem_shared>> -> memref<1x640xf32, #tpu.memory_space<vmem_shared>>
    %dma_wait3A_314 = tpu.memref_squeeze %dma_wait3A_313 : memref<1x640xf32, #tpu.memory_space<vmem_shared>> -> memref<640xf32, #tpu.memory_space<vmem_shared>>
    %dma_wait3A_315 = arith.constant 0 : i32
    %dma_wait3A_316 = tpu.memref_slice %arg12[%dma_wait3A_309, %dma_wait3A_315] : memref<16x640xf32, #tpu.memory_space<vmem>> -> memref<1x640xf32, #tpu.memory_space<vmem>>
    %dma_wait3A_317 = tpu.memref_squeeze %dma_wait3A_316 : memref<1x640xf32, #tpu.memory_space<vmem>> -> memref<640xf32, #tpu.memory_space<vmem>>
    %dma_wait3A_318 = tpu.memref_slice %arg17[%dma_wait3A_308, %mul3A_79] : memref<16x10240xf32, #tpu.memory_space<vmem_shared>> -> memref<1x640xf32, #tpu.memory_space<vmem_shared>>
    %dma_wait3A_319 = tpu.memref_squeeze %dma_wait3A_318 : memref<1x640xf32, #tpu.memory_space<vmem_shared>> -> memref<640xf32, #tpu.memory_space<vmem_shared>>
    tpu.wait_dma2 semaphore(%arg14 : memref<!tpu.dma_semaphore, #tpu.memory_space<semaphore_mem>>) src(%dma_wait3A_319 : memref<640xf32, #tpu.memory_space<vmem_shared>>) dst(%dma_wait3A_317 : memref<640xf32, #tpu.memory_space<vmem>>)
    %parallel_loop3A_320 = arith.constant 0 : i32
    %parallel_loop3A_321 = arith.constant 640 : i32
    %parallel_loop3A_322 = arith.constant 16 : i32
    scf.for %parallel_loop3A_508 = %parallel_loop3A_320 to %parallel_loop3A_321 step %parallel_loop3A_322  : i32 {
      %parallel_loop3A_509 = arith.index_cast %parallel_loop3A_508 : i32 to index
      %parallel_loop3A_510 = tpu.vector_load %arg13[%parallel_loop3A_509] {strides = array<i32>} : memref<640xf32, #tpu.memory_space<vmem>>, vector<16xf32>,
      %parallel_loop3A_511 = arith.constant 3 : i32
      %parallel_loop3A_512 = arith.index_cast %parallel_loop3A_511 : i32 to index
      %parallel_loop3A_513 = arith.index_cast %parallel_loop3A_508 : i32 to index
      %parallel_loop3A_514 = tpu.vector_load %arg12[%parallel_loop3A_512, %parallel_loop3A_513] {strides = array<i32>} : memref<16x640xf32, #tpu.memory_space<vmem>>, vector<16xf32>,
      %parallel_loop3A_515 = arith.addf %parallel_loop3A_510, %parallel_loop3A_514 : vector<16xf32>
      %parallel_loop3A_516 = arith.index_cast %parallel_loop3A_508 : i32 to index
      %parallel_loop3A_517 = tpu.vector_load %arg13[%parallel_loop3A_516] {strides = array<i32>} : memref<640xf32, #tpu.memory_space<vmem>>, vector<16xf32>,
      tpu.vector_store %arg13[%parallel_loop3A_516], %parallel_loop3A_515 {strides = array<i32>} : memref<640xf32, #tpu.memory_space<vmem>>, vector<16xf32>,
    } {sc.loop_unroll_factor = 8 : i64, sc.parallel_access}
    %dma_wait3A_323 = arith.constant 4 : i32
    %dma_wait3A_324 = arith.constant 4 : i32
    %dma_wait3A_325 = arith.constant 0 : i32
    %dma_wait3A_326 = tpu.memref_slice %arg12[%dma_wait3A_324, %dma_wait3A_325] : memref<16x640xf32, #tpu.memory_space<vmem>> -> memref<1x640xf32, #tpu.memory_space<vmem>>
    %dma_wait3A_327 = tpu.memref_squeeze %dma_wait3A_326 : memref<1x640xf32, #tpu.memory_space<vmem>> -> memref<640xf32, #tpu.memory_space<vmem>>
    %dma_wait3A_328 = tpu.memref_slice %arg17[%dma_wait3A_323, %mul3A_93] : memref<16x10240xf32, #tpu.memory_space<vmem_shared>> -> memref<1x640xf32, #tpu.memory_space<vmem_shared>>
    %dma_wait3A_329 = tpu.memref_squeeze %dma_wait3A_328 : memref<1x640xf32, #tpu.memory_space<vmem_shared>> -> memref<640xf32, #tpu.memory_space<vmem_shared>>
    %dma_wait3A_330 = arith.constant 0 : i32
    %dma_wait3A_331 = tpu.memref_slice %arg12[%dma_wait3A_324, %dma_wait3A_330] : memref<16x640xf32, #tpu.memory_space<vmem>> -> memref<1x640xf32, #tpu.memory_space<vmem>>
    %dma_wait3A_332 = tpu.memref_squeeze %dma_wait3A_331 : memref<1x640xf32, #tpu.memory_space<vmem>> -> memref<640xf32, #tpu.memory_space<vmem>>
    %dma_wait3A_333 = tpu.memref_slice %arg17[%dma_wait3A_323, %mul3A_93] : memref<16x10240xf32, #tpu.memory_space<vmem_shared>> -> memref<1x640xf32, #tpu.memory_space<vmem_shared>>
    %dma_wait3A_334 = tpu.memref_squeeze %dma_wait3A_333 : memref<1x640xf32, #tpu.memory_space<vmem_shared>> -> memref<640xf32, #tpu.memory_space<vmem_shared>>
    tpu.wait_dma2 semaphore(%arg14 : memref<!tpu.dma_semaphore, #tpu.memory_space<semaphore_mem>>) src(%dma_wait3A_334 : memref<640xf32, #tpu.memory_space<vmem_shared>>) dst(%dma_wait3A_332 : memref<640xf32, #tpu.memory_space<vmem>>)
    %parallel_loop3A_335 = arith.constant 0 : i32
    %parallel_loop3A_336 = arith.constant 640 : i32
    %parallel_loop3A_337 = arith.constant 16 : i32
    scf.for %parallel_loop3A_508 = %parallel_loop3A_335 to %parallel_loop3A_336 step %parallel_loop3A_337  : i32 {
      %parallel_loop3A_509 = arith.index_cast %parallel_loop3A_508 : i32 to index
      %parallel_loop3A_510 = tpu.vector_load %arg13[%parallel_loop3A_509] {strides = array<i32>} : memref<640xf32, #tpu.memory_space<vmem>>, vector<16xf32>,
      %parallel_loop3A_511 = arith.constant 4 : i32
      %parallel_loop3A_512 = arith.index_cast %parallel_loop3A_511 : i32 to index
      %parallel_loop3A_513 = arith.index_cast %parallel_loop3A_508 : i32 to index
      %parallel_loop3A_514 = tpu.vector_load %arg12[%parallel_loop3A_512, %parallel_loop3A_513] {strides = array<i32>} : memref<16x640xf32, #tpu.memory_space<vmem>>, vector<16xf32>,
      %parallel_loop3A_515 = arith.addf %parallel_loop3A_510, %parallel_loop3A_514 : vector<16xf32>
      %parallel_loop3A_516 = arith.index_cast %parallel_loop3A_508 : i32 to index
      %parallel_loop3A_517 = tpu.vector_load %arg13[%parallel_loop3A_516] {strides = array<i32>} : memref<640xf32, #tpu.memory_space<vmem>>, vector<16xf32>,
      tpu.vector_store %arg13[%parallel_loop3A_516], %parallel_loop3A_515 {strides = array<i32>} : memref<640xf32, #tpu.memory_space<vmem>>, vector<16xf32>,
    } {sc.loop_unroll_factor = 8 : i64, sc.parallel_access}
    %dma_wait3A_338 = arith.constant 5 : i32
    %dma_wait3A_339 = arith.constant 5 : i32
    %dma_wait3A_340 = arith.constant 0 : i32
    %dma_wait3A_341 = tpu.memref_slice %arg12[%dma_wait3A_339, %dma_wait3A_340] : memref<16x640xf32, #tpu.memory_space<vmem>> -> memref<1x640xf32, #tpu.memory_space<vmem>>
    %dma_wait3A_342 = tpu.memref_squeeze %dma_wait3A_341 : memref<1x640xf32, #tpu.memory_space<vmem>> -> memref<640xf32, #tpu.memory_space<vmem>>
    %dma_wait3A_343 = tpu.memref_slice %arg17[%dma_wait3A_338, %mul3A_107] : memref<16x10240xf32, #tpu.memory_space<vmem_shared>> -> memref<1x640xf32, #tpu.memory_space<vmem_shared>>
    %dma_wait3A_344 = tpu.memref_squeeze %dma_wait3A_343 : memref<1x640xf32, #tpu.memory_space<vmem_shared>> -> memref<640xf32, #tpu.memory_space<vmem_shared>>
    %dma_wait3A_345 = arith.constant 0 : i32
    %dma_wait3A_346 = tpu.memref_slice %arg12[%dma_wait3A_339, %dma_wait3A_345] : memref<16x640xf32, #tpu.memory_space<vmem>> -> memref<1x640xf32, #tpu.memory_space<vmem>>
    %dma_wait3A_347 = tpu.memref_squeeze %dma_wait3A_346 : memref<1x640xf32, #tpu.memory_space<vmem>> -> memref<640xf32, #tpu.memory_space<vmem>>
    %dma_wait3A_348 = tpu.memref_slice %arg17[%dma_wait3A_338, %mul3A_107] : memref<16x10240xf32, #tpu.memory_space<vmem_shared>> -> memref<1x640xf32, #tpu.memory_space<vmem_shared>>
    %dma_wait3A_349 = tpu.memref_squeeze %dma_wait3A_348 : memref<1x640xf32, #tpu.memory_space<vmem_shared>> -> memref<640xf32, #tpu.memory_space<vmem_shared>>
    tpu.wait_dma2 semaphore(%arg14 : memref<!tpu.dma_semaphore, #tpu.memory_space<semaphore_mem>>) src(%dma_wait3A_349 : memref<640xf32, #tpu.memory_space<vmem_shared>>) dst(%dma_wait3A_347 : memref<640xf32, #tpu.memory_space<vmem>>)
    %parallel_loop3A_350 = arith.constant 0 : i32
    %parallel_loop3A_351 = arith.constant 640 : i32
    %parallel_loop3A_352 = arith.constant 16 : i32
    scf.for %parallel_loop3A_508 = %parallel_loop3A_350 to %parallel_loop3A_351 step %parallel_loop3A_352  : i32 {
      %parallel_loop3A_509 = arith.index_cast %parallel_loop3A_508 : i32 to index
      %parallel_loop3A_510 = tpu.vector_load %arg13[%parallel_loop3A_509] {strides = array<i32>} : memref<640xf32, #tpu.memory_space<vmem>>, vector<16xf32>,
      %parallel_loop3A_511 = arith.constant 5 : i32
      %parallel_loop3A_512 = arith.index_cast %parallel_loop3A_511 : i32 to index
      %parallel_loop3A_513 = arith.index_cast %parallel_loop3A_508 : i32 to index
      %parallel_loop3A_514 = tpu.vector_load %arg12[%parallel_loop3A_512, %parallel_loop3A_513] {strides = array<i32>} : memref<16x640xf32, #tpu.memory_space<vmem>>, vector<16xf32>,
      %parallel_loop3A_515 = arith.addf %parallel_loop3A_510, %parallel_loop3A_514 : vector<16xf32>
      %parallel_loop3A_516 = arith.index_cast %parallel_loop3A_508 : i32 to index
      %parallel_loop3A_517 = tpu.vector_load %arg13[%parallel_loop3A_516] {strides = array<i32>} : memref<640xf32, #tpu.memory_space<vmem>>, vector<16xf32>,
      tpu.vector_store %arg13[%parallel_loop3A_516], %parallel_loop3A_515 {strides = array<i32>} : memref<640xf32, #tpu.memory_space<vmem>>, vector<16xf32>,
    } {sc.loop_unroll_factor = 8 : i64, sc.parallel_access}
    %dma_wait3A_353 = arith.constant 6 : i32
    %dma_wait3A_354 = arith.constant 6 : i32
    %dma_wait3A_355 = arith.constant 0 : i32
    %dma_wait3A_356 = tpu.memref_slice %arg12[%dma_wait3A_354, %dma_wait3A_355] : memref<16x640xf32, #tpu.memory_space<vmem>> -> memref<1x640xf32, #tpu.memory_space<vmem>>
    %dma_wait3A_357 = tpu.memref_squeeze %dma_wait3A_356 : memref<1x640xf32, #tpu.memory_space<vmem>> -> memref<640xf32, #tpu.memory_space<vmem>>
    %dma_wait3A_358 = tpu.memref_slice %arg17[%dma_wait3A_353, %mul3A_121] : memref<16x10240xf32, #tpu.memory_space<vmem_shared>> -> memref<1x640xf32, #tpu.memory_space<vmem_shared>>
    %dma_wait3A_359 = tpu.memref_squeeze %dma_wait3A_358 : memref<1x640xf32, #tpu.memory_space<vmem_shared>> -> memref<640xf32, #tpu.memory_space<vmem_shared>>
    %dma_wait3A_360 = arith.constant 0 : i32
    %dma_wait3A_361 = tpu.memref_slice %arg12[%dma_wait3A_354, %dma_wait3A_360] : memref<16x640xf32, #tpu.memory_space<vmem>> -> memref<1x640xf32, #tpu.memory_space<vmem>>
    %dma_wait3A_362 = tpu.memref_squeeze %dma_wait3A_361 : memref<1x640xf32, #tpu.memory_space<vmem>> -> memref<640xf32, #tpu.memory_space<vmem>>
    %dma_wait3A_363 = tpu.memref_slice %arg17[%dma_wait3A_353, %mul3A_121] : memref<16x10240xf32, #tpu.memory_space<vmem_shared>> -> memref<1x640xf32, #tpu.memory_space<vmem_shared>>
    %dma_wait3A_364 = tpu.memref_squeeze %dma_wait3A_363 : memref<1x640xf32, #tpu.memory_space<vmem_shared>> -> memref<640xf32, #tpu.memory_space<vmem_shared>>
    tpu.wait_dma2 semaphore(%arg14 : memref<!tpu.dma_semaphore, #tpu.memory_space<semaphore_mem>>) src(%dma_wait3A_364 : memref<640xf32, #tpu.memory_space<vmem_shared>>) dst(%dma_wait3A_362 : memref<640xf32, #tpu.memory_space<vmem>>)
    %parallel_loop3A_365 = arith.constant 0 : i32
    %parallel_loop3A_366 = arith.constant 640 : i32
    %parallel_loop3A_367 = arith.constant 16 : i32
    scf.for %parallel_loop3A_508 = %parallel_loop3A_365 to %parallel_loop3A_366 step %parallel_loop3A_367  : i32 {
      %parallel_loop3A_509 = arith.index_cast %parallel_loop3A_508 : i32 to index
      %parallel_loop3A_510 = tpu.vector_load %arg13[%parallel_loop3A_509] {strides = array<i32>} : memref<640xf32, #tpu.memory_space<vmem>>, vector<16xf32>,
      %parallel_loop3A_511 = arith.constant 6 : i32
      %parallel_loop3A_512 = arith.index_cast %parallel_loop3A_511 : i32 to index
      %parallel_loop3A_513 = arith.index_cast %parallel_loop3A_508 : i32 to index
      %parallel_loop3A_514 = tpu.vector_load %arg12[%parallel_loop3A_512, %parallel_loop3A_513] {strides = array<i32>} : memref<16x640xf32, #tpu.memory_space<vmem>>, vector<16xf32>,
      %parallel_loop3A_515 = arith.addf %parallel_loop3A_510, %parallel_loop3A_514 : vector<16xf32>
      %parallel_loop3A_516 = arith.index_cast %parallel_loop3A_508 : i32 to index
      %parallel_loop3A_517 = tpu.vector_load %arg13[%parallel_loop3A_516] {strides = array<i32>} : memref<640xf32, #tpu.memory_space<vmem>>, vector<16xf32>,
      tpu.vector_store %arg13[%parallel_loop3A_516], %parallel_loop3A_515 {strides = array<i32>} : memref<640xf32, #tpu.memory_space<vmem>>, vector<16xf32>,
    } {sc.loop_unroll_factor = 8 : i64, sc.parallel_access}
    %dma_wait3A_368 = arith.constant 7 : i32
    %dma_wait3A_369 = arith.constant 7 : i32
    %dma_wait3A_370 = arith.constant 0 : i32
    %dma_wait3A_371 = tpu.memref_slice %arg12[%dma_wait3A_369, %dma_wait3A_370] : memref<16x640xf32, #tpu.memory_space<vmem>> -> memref<1x640xf32, #tpu.memory_space<vmem>>
    %dma_wait3A_372 = tpu.memref_squeeze %dma_wait3A_371 : memref<1x640xf32, #tpu.memory_space<vmem>> -> memref<640xf32, #tpu.memory_space<vmem>>
    %dma_wait3A_373 = tpu.memref_slice %arg17[%dma_wait3A_368, %mul3A_135] : memref<16x10240xf32, #tpu.memory_space<vmem_shared>> -> memref<1x640xf32, #tpu.memory_space<vmem_shared>>
    %dma_wait3A_374 = tpu.memref_squeeze %dma_wait3A_373 : memref<1x640xf32, #tpu.memory_space<vmem_shared>> -> memref<640xf32, #tpu.memory_space<vmem_shared>>
    %dma_wait3A_375 = arith.constant 0 : i32
    %dma_wait3A_376 = tpu.memref_slice %arg12[%dma_wait3A_369, %dma_wait3A_375] : memref<16x640xf32, #tpu.memory_space<vmem>> -> memref<1x640xf32, #tpu.memory_space<vmem>>
    %dma_wait3A_377 = tpu.memref_squeeze %dma_wait3A_376 : memref<1x640xf32, #tpu.memory_space<vmem>> -> memref<640xf32, #tpu.memory_space<vmem>>
    %dma_wait3A_378 = tpu.memref_slice %arg17[%dma_wait3A_368, %mul3A_135] : memref<16x10240xf32, #tpu.memory_space<vmem_shared>> -> memref<1x640xf32, #tpu.memory_space<vmem_shared>>
    %dma_wait3A_379 = tpu.memref_squeeze %dma_wait3A_378 : memref<1x640xf32, #tpu.memory_space<vmem_shared>> -> memref<640xf32, #tpu.memory_space<vmem_shared>>
    tpu.wait_dma2 semaphore(%arg14 : memref<!tpu.dma_semaphore, #tpu.memory_space<semaphore_mem>>) src(%dma_wait3A_379 : memref<640xf32, #tpu.memory_space<vmem_shared>>) dst(%dma_wait3A_377 : memref<640xf32, #tpu.memory_space<vmem>>)
    %parallel_loop3A_380 = arith.constant 0 : i32
    %parallel_loop3A_381 = arith.constant 640 : i32
    %parallel_loop3A_382 = arith.constant 16 : i32
    scf.for %parallel_loop3A_508 = %parallel_loop3A_380 to %parallel_loop3A_381 step %parallel_loop3A_382  : i32 {
      %parallel_loop3A_509 = arith.index_cast %parallel_loop3A_508 : i32 to index
      %parallel_loop3A_510 = tpu.vector_load %arg13[%parallel_loop3A_509] {strides = array<i32>} : memref<640xf32, #tpu.memory_space<vmem>>, vector<16xf32>,
      %parallel_loop3A_511 = arith.constant 7 : i32
      %parallel_loop3A_512 = arith.index_cast %parallel_loop3A_511 : i32 to index
      %parallel_loop3A_513 = arith.index_cast %parallel_loop3A_508 : i32 to index
      %parallel_loop3A_514 = tpu.vector_load %arg12[%parallel_loop3A_512, %parallel_loop3A_513] {strides = array<i32>} : memref<16x640xf32, #tpu.memory_space<vmem>>, vector<16xf32>,
      %parallel_loop3A_515 = arith.addf %parallel_loop3A_510, %parallel_loop3A_514 : vector<16xf32>
      %parallel_loop3A_516 = arith.index_cast %parallel_loop3A_508 : i32 to index
      %parallel_loop3A_517 = tpu.vector_load %arg13[%parallel_loop3A_516] {strides = array<i32>} : memref<640xf32, #tpu.memory_space<vmem>>, vector<16xf32>,
      tpu.vector_store %arg13[%parallel_loop3A_516], %parallel_loop3A_515 {strides = array<i32>} : memref<640xf32, #tpu.memory_space<vmem>>, vector<16xf32>,
    } {sc.loop_unroll_factor = 8 : i64, sc.parallel_access}
    %dma_wait3A_383 = arith.constant 8 : i32
    %dma_wait3A_384 = arith.constant 8 : i32
    %dma_wait3A_385 = arith.constant 0 : i32
    %dma_wait3A_386 = tpu.memref_slice %arg12[%dma_wait3A_384, %dma_wait3A_385] : memref<16x640xf32, #tpu.memory_space<vmem>> -> memref<1x640xf32, #tpu.memory_space<vmem>>
    %dma_wait3A_387 = tpu.memref_squeeze %dma_wait3A_386 : memref<1x640xf32, #tpu.memory_space<vmem>> -> memref<640xf32, #tpu.memory_space<vmem>>
    %dma_wait3A_388 = tpu.memref_slice %arg17[%dma_wait3A_383, %mul3A_149] : memref<16x10240xf32, #tpu.memory_space<vmem_shared>> -> memref<1x640xf32, #tpu.memory_space<vmem_shared>>
    %dma_wait3A_389 = tpu.memref_squeeze %dma_wait3A_388 : memref<1x640xf32, #tpu.memory_space<vmem_shared>> -> memref<640xf32, #tpu.memory_space<vmem_shared>>
    %dma_wait3A_390 = arith.constant 0 : i32
    %dma_wait3A_391 = tpu.memref_slice %arg12[%dma_wait3A_384, %dma_wait3A_390] : memref<16x640xf32, #tpu.memory_space<vmem>> -> memref<1x640xf32, #tpu.memory_space<vmem>>
    %dma_wait3A_392 = tpu.memref_squeeze %dma_wait3A_391 : memref<1x640xf32, #tpu.memory_space<vmem>> -> memref<640xf32, #tpu.memory_space<vmem>>
    %dma_wait3A_393 = tpu.memref_slice %arg17[%dma_wait3A_383, %mul3A_149] : memref<16x10240xf32, #tpu.memory_space<vmem_shared>> -> memref<1x640xf32, #tpu.memory_space<vmem_shared>>
    %dma_wait3A_394 = tpu.memref_squeeze %dma_wait3A_393 : memref<1x640xf32, #tpu.memory_space<vmem_shared>> -> memref<640xf32, #tpu.memory_space<vmem_shared>>
    tpu.wait_dma2 semaphore(%arg14 : memref<!tpu.dma_semaphore, #tpu.memory_space<semaphore_mem>>) src(%dma_wait3A_394 : memref<640xf32, #tpu.memory_space<vmem_shared>>) dst(%dma_wait3A_392 : memref<640xf32, #tpu.memory_space<vmem>>)
    %parallel_loop3A_395 = arith.constant 0 : i32
    %parallel_loop3A_396 = arith.constant 640 : i32
    %parallel_loop3A_397 = arith.constant 16 : i32
    scf.for %parallel_loop3A_508 = %parallel_loop3A_395 to %parallel_loop3A_396 step %parallel_loop3A_397  : i32 {
      %parallel_loop3A_509 = arith.index_cast %parallel_loop3A_508 : i32 to index
      %parallel_loop3A_510 = tpu.vector_load %arg13[%parallel_loop3A_509] {strides = array<i32>} : memref<640xf32, #tpu.memory_space<vmem>>, vector<16xf32>,
      %parallel_loop3A_511 = arith.constant 8 : i32
      %parallel_loop3A_512 = arith.index_cast %parallel_loop3A_511 : i32 to index
      %parallel_loop3A_513 = arith.index_cast %parallel_loop3A_508 : i32 to index
      %parallel_loop3A_514 = tpu.vector_load %arg12[%parallel_loop3A_512, %parallel_loop3A_513] {strides = array<i32>} : memref<16x640xf32, #tpu.memory_space<vmem>>, vector<16xf32>,
      %parallel_loop3A_515 = arith.addf %parallel_loop3A_510, %parallel_loop3A_514 : vector<16xf32>
      %parallel_loop3A_516 = arith.index_cast %parallel_loop3A_508 : i32 to index
      %parallel_loop3A_517 = tpu.vector_load %arg13[%parallel_loop3A_516] {strides = array<i32>} : memref<640xf32, #tpu.memory_space<vmem>>, vector<16xf32>,
      tpu.vector_store %arg13[%parallel_loop3A_516], %parallel_loop3A_515 {strides = array<i32>} : memref<640xf32, #tpu.memory_space<vmem>>, vector<16xf32>,
    } {sc.loop_unroll_factor = 8 : i64, sc.parallel_access}
    %dma_wait3A_398 = arith.constant 9 : i32
    %dma_wait3A_399 = arith.constant 9 : i32
    %dma_wait3A_400 = arith.constant 0 : i32
    %dma_wait3A_401 = tpu.memref_slice %arg12[%dma_wait3A_399, %dma_wait3A_400] : memref<16x640xf32, #tpu.memory_space<vmem>> -> memref<1x640xf32, #tpu.memory_space<vmem>>
    %dma_wait3A_402 = tpu.memref_squeeze %dma_wait3A_401 : memref<1x640xf32, #tpu.memory_space<vmem>> -> memref<640xf32, #tpu.memory_space<vmem>>
    %dma_wait3A_403 = tpu.memref_slice %arg17[%dma_wait3A_398, %mul3A_163] : memref<16x10240xf32, #tpu.memory_space<vmem_shared>> -> memref<1x640xf32, #tpu.memory_space<vmem_shared>>
    %dma_wait3A_404 = tpu.memref_squeeze %dma_wait3A_403 : memref<1x640xf32, #tpu.memory_space<vmem_shared>> -> memref<640xf32, #tpu.memory_space<vmem_shared>>
    %dma_wait3A_405 = arith.constant 0 : i32
    %dma_wait3A_406 = tpu.memref_slice %arg12[%dma_wait3A_399, %dma_wait3A_405] : memref<16x640xf32, #tpu.memory_space<vmem>> -> memref<1x640xf32, #tpu.memory_space<vmem>>
    %dma_wait3A_407 = tpu.memref_squeeze %dma_wait3A_406 : memref<1x640xf32, #tpu.memory_space<vmem>> -> memref<640xf32, #tpu.memory_space<vmem>>
    %dma_wait3A_408 = tpu.memref_slice %arg17[%dma_wait3A_398, %mul3A_163] : memref<16x10240xf32, #tpu.memory_space<vmem_shared>> -> memref<1x640xf32, #tpu.memory_space<vmem_shared>>
    %dma_wait3A_409 = tpu.memref_squeeze %dma_wait3A_408 : memref<1x640xf32, #tpu.memory_space<vmem_shared>> -> memref<640xf32, #tpu.memory_space<vmem_shared>>
    tpu.wait_dma2 semaphore(%arg14 : memref<!tpu.dma_semaphore, #tpu.memory_space<semaphore_mem>>) src(%dma_wait3A_409 : memref<640xf32, #tpu.memory_space<vmem_shared>>) dst(%dma_wait3A_407 : memref<640xf32, #tpu.memory_space<vmem>>)
    %parallel_loop3A_410 = arith.constant 0 : i32
    %parallel_loop3A_411 = arith.constant 640 : i32
    %parallel_loop3A_412 = arith.constant 16 : i32
    scf.for %parallel_loop3A_508 = %parallel_loop3A_410 to %parallel_loop3A_411 step %parallel_loop3A_412  : i32 {
      %parallel_loop3A_509 = arith.index_cast %parallel_loop3A_508 : i32 to index
      %parallel_loop3A_510 = tpu.vector_load %arg13[%parallel_loop3A_509] {strides = array<i32>} : memref<640xf32, #tpu.memory_space<vmem>>, vector<16xf32>,
      %parallel_loop3A_511 = arith.constant 9 : i32
      %parallel_loop3A_512 = arith.index_cast %parallel_loop3A_511 : i32 to index
      %parallel_loop3A_513 = arith.index_cast %parallel_loop3A_508 : i32 to index
      %parallel_loop3A_514 = tpu.vector_load %arg12[%parallel_loop3A_512, %parallel_loop3A_513] {strides = array<i32>} : memref<16x640xf32, #tpu.memory_space<vmem>>, vector<16xf32>,
      %parallel_loop3A_515 = arith.addf %parallel_loop3A_510, %parallel_loop3A_514 : vector<16xf32>
      %parallel_loop3A_516 = arith.index_cast %parallel_loop3A_508 : i32 to index
      %parallel_loop3A_517 = tpu.vector_load %arg13[%parallel_loop3A_516] {strides = array<i32>} : memref<640xf32, #tpu.memory_space<vmem>>, vector<16xf32>,
      tpu.vector_store %arg13[%parallel_loop3A_516], %parallel_loop3A_515 {strides = array<i32>} : memref<640xf32, #tpu.memory_space<vmem>>, vector<16xf32>,
    } {sc.loop_unroll_factor = 8 : i64, sc.parallel_access}
    %dma_wait3A_413 = arith.constant 10 : i32
    %dma_wait3A_414 = arith.constant 10 : i32
    %dma_wait3A_415 = arith.constant 0 : i32
    %dma_wait3A_416 = tpu.memref_slice %arg12[%dma_wait3A_414, %dma_wait3A_415] : memref<16x640xf32, #tpu.memory_space<vmem>> -> memref<1x640xf32, #tpu.memory_space<vmem>>
    %dma_wait3A_417 = tpu.memref_squeeze %dma_wait3A_416 : memref<1x640xf32, #tpu.memory_space<vmem>> -> memref<640xf32, #tpu.memory_space<vmem>>
    %dma_wait3A_418 = tpu.memref_slice %arg17[%dma_wait3A_413, %mul3A_177] : memref<16x10240xf32, #tpu.memory_space<vmem_shared>> -> memref<1x640xf32, #tpu.memory_space<vmem_shared>>
    %dma_wait3A_419 = tpu.memref_squeeze %dma_wait3A_418 : memref<1x640xf32, #tpu.memory_space<vmem_shared>> -> memref<640xf32, #tpu.memory_space<vmem_shared>>
    %dma_wait3A_420 = arith.constant 0 : i32
    %dma_wait3A_421 = tpu.memref_slice %arg12[%dma_wait3A_414, %dma_wait3A_420] : memref<16x640xf32, #tpu.memory_space<vmem>> -> memref<1x640xf32, #tpu.memory_space<vmem>>
    %dma_wait3A_422 = tpu.memref_squeeze %dma_wait3A_421 : memref<1x640xf32, #tpu.memory_space<vmem>> -> memref<640xf32, #tpu.memory_space<vmem>>
    %dma_wait3A_423 = tpu.memref_slice %arg17[%dma_wait3A_413, %mul3A_177] : memref<16x10240xf32, #tpu.memory_space<vmem_shared>> -> memref<1x640xf32, #tpu.memory_space<vmem_shared>>
    %dma_wait3A_424 = tpu.memref_squeeze %dma_wait3A_423 : memref<1x640xf32, #tpu.memory_space<vmem_shared>> -> memref<640xf32, #tpu.memory_space<vmem_shared>>
    tpu.wait_dma2 semaphore(%arg14 : memref<!tpu.dma_semaphore, #tpu.memory_space<semaphore_mem>>) src(%dma_wait3A_424 : memref<640xf32, #tpu.memory_space<vmem_shared>>) dst(%dma_wait3A_422 : memref<640xf32, #tpu.memory_space<vmem>>)
    %parallel_loop3A_425 = arith.constant 0 : i32
    %parallel_loop3A_426 = arith.constant 640 : i32
    %parallel_loop3A_427 = arith.constant 16 : i32
    scf.for %parallel_loop3A_508 = %parallel_loop3A_425 to %parallel_loop3A_426 step %parallel_loop3A_427  : i32 {
      %parallel_loop3A_509 = arith.index_cast %parallel_loop3A_508 : i32 to index
      %parallel_loop3A_510 = tpu.vector_load %arg13[%parallel_loop3A_509] {strides = array<i32>} : memref<640xf32, #tpu.memory_space<vmem>>, vector<16xf32>,
      %parallel_loop3A_511 = arith.constant 10 : i32
      %parallel_loop3A_512 = arith.index_cast %parallel_loop3A_511 : i32 to index
      %parallel_loop3A_513 = arith.index_cast %parallel_loop3A_508 : i32 to index
      %parallel_loop3A_514 = tpu.vector_load %arg12[%parallel_loop3A_512, %parallel_loop3A_513] {strides = array<i32>} : memref<16x640xf32, #tpu.memory_space<vmem>>, vector<16xf32>,
      %parallel_loop3A_515 = arith.addf %parallel_loop3A_510, %parallel_loop3A_514 : vector<16xf32>
      %parallel_loop3A_516 = arith.index_cast %parallel_loop3A_508 : i32 to index
      %parallel_loop3A_517 = tpu.vector_load %arg13[%parallel_loop3A_516] {strides = array<i32>} : memref<640xf32, #tpu.memory_space<vmem>>, vector<16xf32>,
      tpu.vector_store %arg13[%parallel_loop3A_516], %parallel_loop3A_515 {strides = array<i32>} : memref<640xf32, #tpu.memory_space<vmem>>, vector<16xf32>,
    } {sc.loop_unroll_factor = 8 : i64, sc.parallel_access}
    %dma_wait3A_428 = arith.constant 11 : i32
    %dma_wait3A_429 = arith.constant 11 : i32
    %dma_wait3A_430 = arith.constant 0 : i32
    %dma_wait3A_431 = tpu.memref_slice %arg12[%dma_wait3A_429, %dma_wait3A_430] : memref<16x640xf32, #tpu.memory_space<vmem>> -> memref<1x640xf32, #tpu.memory_space<vmem>>
    %dma_wait3A_432 = tpu.memref_squeeze %dma_wait3A_431 : memref<1x640xf32, #tpu.memory_space<vmem>> -> memref<640xf32, #tpu.memory_space<vmem>>
    %dma_wait3A_433 = tpu.memref_slice %arg17[%dma_wait3A_428, %mul3A_191] : memref<16x10240xf32, #tpu.memory_space<vmem_shared>> -> memref<1x640xf32, #tpu.memory_space<vmem_shared>>
    %dma_wait3A_434 = tpu.memref_squeeze %dma_wait3A_433 : memref<1x640xf32, #tpu.memory_space<vmem_shared>> -> memref<640xf32, #tpu.memory_space<vmem_shared>>
    %dma_wait3A_435 = arith.constant 0 : i32
    %dma_wait3A_436 = tpu.memref_slice %arg12[%dma_wait3A_429, %dma_wait3A_435] : memref<16x640xf32, #tpu.memory_space<vmem>> -> memref<1x640xf32, #tpu.memory_space<vmem>>
    %dma_wait3A_437 = tpu.memref_squeeze %dma_wait3A_436 : memref<1x640xf32, #tpu.memory_space<vmem>> -> memref<640xf32, #tpu.memory_space<vmem>>
    %dma_wait3A_438 = tpu.memref_slice %arg17[%dma_wait3A_428, %mul3A_191] : memref<16x10240xf32, #tpu.memory_space<vmem_shared>> -> memref<1x640xf32, #tpu.memory_space<vmem_shared>>
    %dma_wait3A_439 = tpu.memref_squeeze %dma_wait3A_438 : memref<1x640xf32, #tpu.memory_space<vmem_shared>> -> memref<640xf32, #tpu.memory_space<vmem_shared>>
    tpu.wait_dma2 semaphore(%arg14 : memref<!tpu.dma_semaphore, #tpu.memory_space<semaphore_mem>>) src(%dma_wait3A_439 : memref<640xf32, #tpu.memory_space<vmem_shared>>) dst(%dma_wait3A_437 : memref<640xf32, #tpu.memory_space<vmem>>)
    %parallel_loop3A_440 = arith.constant 0 : i32
    %parallel_loop3A_441 = arith.constant 640 : i32
    %parallel_loop3A_442 = arith.constant 16 : i32
    scf.for %parallel_loop3A_508 = %parallel_loop3A_440 to %parallel_loop3A_441 step %parallel_loop3A_442  : i32 {
      %parallel_loop3A_509 = arith.index_cast %parallel_loop3A_508 : i32 to index
      %parallel_loop3A_510 = tpu.vector_load %arg13[%parallel_loop3A_509] {strides = array<i32>} : memref<640xf32, #tpu.memory_space<vmem>>, vector<16xf32>,
      %parallel_loop3A_511 = arith.constant 11 : i32
      %parallel_loop3A_512 = arith.index_cast %parallel_loop3A_511 : i32 to index
      %parallel_loop3A_513 = arith.index_cast %parallel_loop3A_508 : i32 to index
      %parallel_loop3A_514 = tpu.vector_load %arg12[%parallel_loop3A_512, %parallel_loop3A_513] {strides = array<i32>} : memref<16x640xf32, #tpu.memory_space<vmem>>, vector<16xf32>,
      %parallel_loop3A_515 = arith.addf %parallel_loop3A_510, %parallel_loop3A_514 : vector<16xf32>
      %parallel_loop3A_516 = arith.index_cast %parallel_loop3A_508 : i32 to index
      %parallel_loop3A_517 = tpu.vector_load %arg13[%parallel_loop3A_516] {strides = array<i32>} : memref<640xf32, #tpu.memory_space<vmem>>, vector<16xf32>,
      tpu.vector_store %arg13[%parallel_loop3A_516], %parallel_loop3A_515 {strides = array<i32>} : memref<640xf32, #tpu.memory_space<vmem>>, vector<16xf32>,
    } {sc.loop_unroll_factor = 8 : i64, sc.parallel_access}
    %dma_wait3A_443 = arith.constant 12 : i32
    %dma_wait3A_444 = arith.constant 12 : i32
    %dma_wait3A_445 = arith.constant 0 : i32
    %dma_wait3A_446 = tpu.memref_slice %arg12[%dma_wait3A_444, %dma_wait3A_445] : memref<16x640xf32, #tpu.memory_space<vmem>> -> memref<1x640xf32, #tpu.memory_space<vmem>>
    %dma_wait3A_447 = tpu.memref_squeeze %dma_wait3A_446 : memref<1x640xf32, #tpu.memory_space<vmem>> -> memref<640xf32, #tpu.memory_space<vmem>>
    %dma_wait3A_448 = tpu.memref_slice %arg17[%dma_wait3A_443, %mul3A_205] : memref<16x10240xf32, #tpu.memory_space<vmem_shared>> -> memref<1x640xf32, #tpu.memory_space<vmem_shared>>
    %dma_wait3A_449 = tpu.memref_squeeze %dma_wait3A_448 : memref<1x640xf32, #tpu.memory_space<vmem_shared>> -> memref<640xf32, #tpu.memory_space<vmem_shared>>
    %dma_wait3A_450 = arith.constant 0 : i32
    %dma_wait3A_451 = tpu.memref_slice %arg12[%dma_wait3A_444, %dma_wait3A_450] : memref<16x640xf32, #tpu.memory_space<vmem>> -> memref<1x640xf32, #tpu.memory_space<vmem>>
    %dma_wait3A_452 = tpu.memref_squeeze %dma_wait3A_451 : memref<1x640xf32, #tpu.memory_space<vmem>> -> memref<640xf32, #tpu.memory_space<vmem>>
    %dma_wait3A_453 = tpu.memref_slice %arg17[%dma_wait3A_443, %mul3A_205] : memref<16x10240xf32, #tpu.memory_space<vmem_shared>> -> memref<1x640xf32, #tpu.memory_space<vmem_shared>>
    %dma_wait3A_454 = tpu.memref_squeeze %dma_wait3A_453 : memref<1x640xf32, #tpu.memory_space<vmem_shared>> -> memref<640xf32, #tpu.memory_space<vmem_shared>>
    tpu.wait_dma2 semaphore(%arg14 : memref<!tpu.dma_semaphore, #tpu.memory_space<semaphore_mem>>) src(%dma_wait3A_454 : memref<640xf32, #tpu.memory_space<vmem_shared>>) dst(%dma_wait3A_452 : memref<640xf32, #tpu.memory_space<vmem>>)
    %parallel_loop3A_455 = arith.constant 0 : i32
    %parallel_loop3A_456 = arith.constant 640 : i32
    %parallel_loop3A_457 = arith.constant 16 : i32
    scf.for %parallel_loop3A_508 = %parallel_loop3A_455 to %parallel_loop3A_456 step %parallel_loop3A_457  : i32 {
      %parallel_loop3A_509 = arith.index_cast %parallel_loop3A_508 : i32 to index
      %parallel_loop3A_510 = tpu.vector_load %arg13[%parallel_loop3A_509] {strides = array<i32>} : memref<640xf32, #tpu.memory_space<vmem>>, vector<16xf32>,
      %parallel_loop3A_511 = arith.constant 12 : i32
      %parallel_loop3A_512 = arith.index_cast %parallel_loop3A_511 : i32 to index
      %parallel_loop3A_513 = arith.index_cast %parallel_loop3A_508 : i32 to index
      %parallel_loop3A_514 = tpu.vector_load %arg12[%parallel_loop3A_512, %parallel_loop3A_513] {strides = array<i32>} : memref<16x640xf32, #tpu.memory_space<vmem>>, vector<16xf32>,
      %parallel_loop3A_515 = arith.addf %parallel_loop3A_510, %parallel_loop3A_514 : vector<16xf32>
      %parallel_loop3A_516 = arith.index_cast %parallel_loop3A_508 : i32 to index
      %parallel_loop3A_517 = tpu.vector_load %arg13[%parallel_loop3A_516] {strides = array<i32>} : memref<640xf32, #tpu.memory_space<vmem>>, vector<16xf32>,
      tpu.vector_store %arg13[%parallel_loop3A_516], %parallel_loop3A_515 {strides = array<i32>} : memref<640xf32, #tpu.memory_space<vmem>>, vector<16xf32>,
    } {sc.loop_unroll_factor = 8 : i64, sc.parallel_access}
    %dma_wait3A_458 = arith.constant 13 : i32
    %dma_wait3A_459 = arith.constant 13 : i32
    %dma_wait3A_460 = arith.constant 0 : i32
    %dma_wait3A_461 = tpu.memref_slice %arg12[%dma_wait3A_459, %dma_wait3A_460] : memref<16x640xf32, #tpu.memory_space<vmem>> -> memref<1x640xf32, #tpu.memory_space<vmem>>
    %dma_wait3A_462 = tpu.memref_squeeze %dma_wait3A_461 : memref<1x640xf32, #tpu.memory_space<vmem>> -> memref<640xf32, #tpu.memory_space<vmem>>
    %dma_wait3A_463 = tpu.memref_slice %arg17[%dma_wait3A_458, %mul3A_219] : memref<16x10240xf32, #tpu.memory_space<vmem_shared>> -> memref<1x640xf32, #tpu.memory_space<vmem_shared>>
    %dma_wait3A_464 = tpu.memref_squeeze %dma_wait3A_463 : memref<1x640xf32, #tpu.memory_space<vmem_shared>> -> memref<640xf32, #tpu.memory_space<vmem_shared>>
    %dma_wait3A_465 = arith.constant 0 : i32
    %dma_wait3A_466 = tpu.memref_slice %arg12[%dma_wait3A_459, %dma_wait3A_465] : memref<16x640xf32, #tpu.memory_space<vmem>> -> memref<1x640xf32, #tpu.memory_space<vmem>>
    %dma_wait3A_467 = tpu.memref_squeeze %dma_wait3A_466 : memref<1x640xf32, #tpu.memory_space<vmem>> -> memref<640xf32, #tpu.memory_space<vmem>>
    %dma_wait3A_468 = tpu.memref_slice %arg17[%dma_wait3A_458, %mul3A_219] : memref<16x10240xf32, #tpu.memory_space<vmem_shared>> -> memref<1x640xf32, #tpu.memory_space<vmem_shared>>
    %dma_wait3A_469 = tpu.memref_squeeze %dma_wait3A_468 : memref<1x640xf32, #tpu.memory_space<vmem_shared>> -> memref<640xf32, #tpu.memory_space<vmem_shared>>
    tpu.wait_dma2 semaphore(%arg14 : memref<!tpu.dma_semaphore, #tpu.memory_space<semaphore_mem>>) src(%dma_wait3A_469 : memref<640xf32, #tpu.memory_space<vmem_shared>>) dst(%dma_wait3A_467 : memref<640xf32, #tpu.memory_space<vmem>>)
    %parallel_loop3A_470 = arith.constant 0 : i32
    %parallel_loop3A_471 = arith.constant 640 : i32
    %parallel_loop3A_472 = arith.constant 16 : i32
    scf.for %parallel_loop3A_508 = %parallel_loop3A_470 to %parallel_loop3A_471 step %parallel_loop3A_472  : i32 {
      %parallel_loop3A_509 = arith.index_cast %parallel_loop3A_508 : i32 to index
      %parallel_loop3A_510 = tpu.vector_load %arg13[%parallel_loop3A_509] {strides = array<i32>} : memref<640xf32, #tpu.memory_space<vmem>>, vector<16xf32>,
      %parallel_loop3A_511 = arith.constant 13 : i32
      %parallel_loop3A_512 = arith.index_cast %parallel_loop3A_511 : i32 to index
      %parallel_loop3A_513 = arith.index_cast %parallel_loop3A_508 : i32 to index
      %parallel_loop3A_514 = tpu.vector_load %arg12[%parallel_loop3A_512, %parallel_loop3A_513] {strides = array<i32>} : memref<16x640xf32, #tpu.memory_space<vmem>>, vector<16xf32>,
      %parallel_loop3A_515 = arith.addf %parallel_loop3A_510, %parallel_loop3A_514 : vector<16xf32>
      %parallel_loop3A_516 = arith.index_cast %parallel_loop3A_508 : i32 to index
      %parallel_loop3A_517 = tpu.vector_load %arg13[%parallel_loop3A_516] {strides = array<i32>} : memref<640xf32, #tpu.memory_space<vmem>>, vector<16xf32>,
      tpu.vector_store %arg13[%parallel_loop3A_516], %parallel_loop3A_515 {strides = array<i32>} : memref<640xf32, #tpu.memory_space<vmem>>, vector<16xf32>,
    } {sc.loop_unroll_factor = 8 : i64, sc.parallel_access}
    %dma_wait3A_473 = arith.constant 14 : i32
    %dma_wait3A_474 = arith.constant 14 : i32
    %dma_wait3A_475 = arith.constant 0 : i32
    %dma_wait3A_476 = tpu.memref_slice %arg12[%dma_wait3A_474, %dma_wait3A_475] : memref<16x640xf32, #tpu.memory_space<vmem>> -> memref<1x640xf32, #tpu.memory_space<vmem>>
    %dma_wait3A_477 = tpu.memref_squeeze %dma_wait3A_476 : memref<1x640xf32, #tpu.memory_space<vmem>> -> memref<640xf32, #tpu.memory_space<vmem>>
    %dma_wait3A_478 = tpu.memref_slice %arg17[%dma_wait3A_473, %mul3A_233] : memref<16x10240xf32, #tpu.memory_space<vmem_shared>> -> memref<1x640xf32, #tpu.memory_space<vmem_shared>>
    %dma_wait3A_479 = tpu.memref_squeeze %dma_wait3A_478 : memref<1x640xf32, #tpu.memory_space<vmem_shared>> -> memref<640xf32, #tpu.memory_space<vmem_shared>>
    %dma_wait3A_480 = arith.constant 0 : i32
    %dma_wait3A_481 = tpu.memref_slice %arg12[%dma_wait3A_474, %dma_wait3A_480] : memref<16x640xf32, #tpu.memory_space<vmem>> -> memref<1x640xf32, #tpu.memory_space<vmem>>
    %dma_wait3A_482 = tpu.memref_squeeze %dma_wait3A_481 : memref<1x640xf32, #tpu.memory_space<vmem>> -> memref<640xf32, #tpu.memory_space<vmem>>
    %dma_wait3A_483 = tpu.memref_slice %arg17[%dma_wait3A_473, %mul3A_233] : memref<16x10240xf32, #tpu.memory_space<vmem_shared>> -> memref<1x640xf32, #tpu.memory_space<vmem_shared>>
    %dma_wait3A_484 = tpu.memref_squeeze %dma_wait3A_483 : memref<1x640xf32, #tpu.memory_space<vmem_shared>> -> memref<640xf32, #tpu.memory_space<vmem_shared>>
    tpu.wait_dma2 semaphore(%arg14 : memref<!tpu.dma_semaphore, #tpu.memory_space<semaphore_mem>>) src(%dma_wait3A_484 : memref<640xf32, #tpu.memory_space<vmem_shared>>) dst(%dma_wait3A_482 : memref<640xf32, #tpu.memory_space<vmem>>)
    %parallel_loop3A_485 = arith.constant 0 : i32
    %parallel_loop3A_486 = arith.constant 640 : i32
    %parallel_loop3A_487 = arith.constant 16 : i32
    scf.for %parallel_loop3A_508 = %parallel_loop3A_485 to %parallel_loop3A_486 step %parallel_loop3A_487  : i32 {
      %parallel_loop3A_509 = arith.index_cast %parallel_loop3A_508 : i32 to index
      %parallel_loop3A_510 = tpu.vector_load %arg13[%parallel_loop3A_509] {strides = array<i32>} : memref<640xf32, #tpu.memory_space<vmem>>, vector<16xf32>,
      %parallel_loop3A_511 = arith.constant 14 : i32
      %parallel_loop3A_512 = arith.index_cast %parallel_loop3A_511 : i32 to index
      %parallel_loop3A_513 = arith.index_cast %parallel_loop3A_508 : i32 to index
      %parallel_loop3A_514 = tpu.vector_load %arg12[%parallel_loop3A_512, %parallel_loop3A_513] {strides = array<i32>} : memref<16x640xf32, #tpu.memory_space<vmem>>, vector<16xf32>,
      %parallel_loop3A_515 = arith.addf %parallel_loop3A_510, %parallel_loop3A_514 : vector<16xf32>
      %parallel_loop3A_516 = arith.index_cast %parallel_loop3A_508 : i32 to index
      %parallel_loop3A_517 = tpu.vector_load %arg13[%parallel_loop3A_516] {strides = array<i32>} : memref<640xf32, #tpu.memory_space<vmem>>, vector<16xf32>,
      tpu.vector_store %arg13[%parallel_loop3A_516], %parallel_loop3A_515 {strides = array<i32>} : memref<640xf32, #tpu.memory_space<vmem>>, vector<16xf32>,
    } {sc.loop_unroll_factor = 8 : i64, sc.parallel_access}
    %dma_wait3A_488 = arith.constant 15 : i32
    %dma_wait3A_489 = arith.constant 15 : i32
    %dma_wait3A_490 = arith.constant 0 : i32
    %dma_wait3A_491 = tpu.memref_slice %arg12[%dma_wait3A_489, %dma_wait3A_490] : memref<16x640xf32, #tpu.memory_space<vmem>> -> memref<1x640xf32, #tpu.memory_space<vmem>>
    %dma_wait3A_492 = tpu.memref_squeeze %dma_wait3A_491 : memref<1x640xf32, #tpu.memory_space<vmem>> -> memref<640xf32, #tpu.memory_space<vmem>>
    %dma_wait3A_493 = tpu.memref_slice %arg17[%dma_wait3A_488, %mul3A_247] : memref<16x10240xf32, #tpu.memory_space<vmem_shared>> -> memref<1x640xf32, #tpu.memory_space<vmem_shared>>
    %dma_wait3A_494 = tpu.memref_squeeze %dma_wait3A_493 : memref<1x640xf32, #tpu.memory_space<vmem_shared>> -> memref<640xf32, #tpu.memory_space<vmem_shared>>
    %dma_wait3A_495 = arith.constant 0 : i32
    %dma_wait3A_496 = tpu.memref_slice %arg12[%dma_wait3A_489, %dma_wait3A_495] : memref<16x640xf32, #tpu.memory_space<vmem>> -> memref<1x640xf32, #tpu.memory_space<vmem>>
    %dma_wait3A_497 = tpu.memref_squeeze %dma_wait3A_496 : memref<1x640xf32, #tpu.memory_space<vmem>> -> memref<640xf32, #tpu.memory_space<vmem>>
    %dma_wait3A_498 = tpu.memref_slice %arg17[%dma_wait3A_488, %mul3A_247] : memref<16x10240xf32, #tpu.memory_space<vmem_shared>> -> memref<1x640xf32, #tpu.memory_space<vmem_shared>>
    %dma_wait3A_499 = tpu.memref_squeeze %dma_wait3A_498 : memref<1x640xf32, #tpu.memory_space<vmem_shared>> -> memref<640xf32, #tpu.memory_space<vmem_shared>>
    tpu.wait_dma2 semaphore(%arg14 : memref<!tpu.dma_semaphore, #tpu.memory_space<semaphore_mem>>) src(%dma_wait3A_499 : memref<640xf32, #tpu.memory_space<vmem_shared>>) dst(%dma_wait3A_497 : memref<640xf32, #tpu.memory_space<vmem>>)
    %parallel_loop3A_500 = arith.constant 0 : i32
    %parallel_loop3A_501 = arith.constant 640 : i32
    %parallel_loop3A_502 = arith.constant 16 : i32
    scf.for %parallel_loop3A_508 = %parallel_loop3A_500 to %parallel_loop3A_501 step %parallel_loop3A_502  : i32 {
      %parallel_loop3A_509 = arith.index_cast %parallel_loop3A_508 : i32 to index
      %parallel_loop3A_510 = tpu.vector_load %arg13[%parallel_loop3A_509] {strides = array<i32>} : memref<640xf32, #tpu.memory_space<vmem>>, vector<16xf32>,
      %parallel_loop3A_511 = arith.constant 15 : i32
      %parallel_loop3A_512 = arith.index_cast %parallel_loop3A_511 : i32 to index
      %parallel_loop3A_513 = arith.index_cast %parallel_loop3A_508 : i32 to index
      %parallel_loop3A_514 = tpu.vector_load %arg12[%parallel_loop3A_512, %parallel_loop3A_513] {strides = array<i32>} : memref<16x640xf32, #tpu.memory_space<vmem>>, vector<16xf32>,
      %parallel_loop3A_515 = arith.addf %parallel_loop3A_510, %parallel_loop3A_514 : vector<16xf32>
      %parallel_loop3A_516 = arith.index_cast %parallel_loop3A_508 : i32 to index
      %parallel_loop3A_517 = tpu.vector_load %arg13[%parallel_loop3A_516] {strides = array<i32>} : memref<640xf32, #tpu.memory_space<vmem>>, vector<16xf32>,
      tpu.vector_store %arg13[%parallel_loop3A_516], %parallel_loop3A_515 {strides = array<i32>} : memref<640xf32, #tpu.memory_space<vmem>>, vector<16xf32>,
    } {sc.loop_unroll_factor = 8 : i64, sc.parallel_access}
    %mul3A_503 = arith.constant 10240 : i32
    %mul3A_504 = arith.muli %arg0, %mul3A_503 : i32
    %mul3A_505 = arith.constant 640 : i32
    %mul3A_506 = arith.muli %arg1, %mul3A_505 : i32
    %add3A_507 = arith.addi %mul3A_504, %mul3A_506 : i32
    "tpu.region"() ({
      %run_scoped3A = tpu.sem_alloc : memref<!tpu.dma_semaphore, #tpu.memory_space<semaphore_mem>>
      %dma_start3A_508 = tpu.memref_slice %arg6[%add3A_507] : memref<20480xf32, #tpu.memory_space<hbm>> -> memref<640xf32, #tpu.memory_space<hbm>>
      %dma_start3A_509 = tpu.memref_slice %arg6[%add3A_507] : memref<20480xf32, #tpu.memory_space<hbm>> -> memref<640xf32, #tpu.memory_space<hbm>>
      tpu.enqueue_dma source(%arg13 : memref<640xf32, #tpu.memory_space<vmem>>) target(%dma_start3A_509 : memref<640xf32, #tpu.memory_space<hbm>>) target_semaphore(%run_scoped3A : memref<!tpu.dma_semaphore, #tpu.memory_space<semaphore_mem>>)
      %dma_wait3A_510 = tpu.memref_slice %arg6[%add3A_507] : memref<20480xf32, #tpu.memory_space<hbm>> -> memref<640xf32, #tpu.memory_space<hbm>>
      %dma_wait3A_511 = tpu.memref_slice %arg6[%add3A_507] : memref<20480xf32, #tpu.memory_space<hbm>> -> memref<640xf32, #tpu.memory_space<hbm>>
      tpu.wait_dma2 semaphore(%run_scoped3A : memref<!tpu.dma_semaphore, #tpu.memory_space<semaphore_mem>>) src(%arg13 : memref<640xf32, #tpu.memory_space<vmem>>) dst(%dma_wait3A_511 : memref<640xf32, #tpu.memory_space<hbm>>)
      tpu.yield
    }) : () -> ()
    return
  }
}

module attributes {stable_mosaic.version = 14 : i64} {
  func.func @_a2_body(%arg0: i32, %arg1: memref<2000x768xf32, #tpu.memory_space<vmem>>, %arg2: memref<1x768xf32, #tpu.memory_space<vmem>>) attributes {dimension_semantics = [#tpu.dimension_semantics<arbitrary>], iteration_bounds = array<i64: 5>, scalar_prefetch = 0 : i64, scratch_operands = 0 : i64, tpu.core_type = #tpu.core_type<tc>, window_params = [{transform_indices = @transform_0, window_bounds = array<i64: 2000, 768>}, {pipeline_mode = #tpu.pipeline_mode<synchronous>, transform_indices = @transform_1, window_bounds = array<i64: 1, 768>}]} {
    %eq3A = arith.constant 0 : i32
    %eq3A_0 = arith.cmpi eq, %arg0, %eq3A : i32
    %convert_element_type3A = arith.extui %eq3A_0 : i1 to i32
    %cond3A = arith.constant 0 : i32
    %cond3A_1 = arith.cmpi ne, %convert_element_type3A, %cond3A : i32
    scf.if %cond3A_1 {
      %broadcast_in_dim3A_10 = arith.constant 0.000000e+00 : f32
      %broadcast_in_dim3A_11 = vector.broadcast %broadcast_in_dim3A_10 : f32 to vector<1x768xf32>
      %swap3A_12 = arith.constant 0 : index
      %swap3A_13 = arith.constant 0 : index
      %swap3A_14 = vector.load %arg2[%swap3A_12, %swap3A_13] : memref<1x768xf32, #tpu.memory_space<vmem>>, vector<1x768xf32>
      tpu.vector_store %arg2[%swap3A_12, %swap3A_13], %broadcast_in_dim3A_11 {strides = array<i32>} : memref<1x768xf32, #tpu.memory_space<vmem>>, vector<1x768xf32>,
    } else {
    }
    %get3A = arith.constant 0 : index
    %get3A_2 = arith.constant 0 : index
    %get3A_3 = vector.load %arg2[%get3A, %get3A_2] : memref<1x768xf32, #tpu.memory_space<vmem>>, vector<1x768xf32>
    %get3A_4 = arith.constant 0 : index
    %get3A_5 = arith.constant 0 : index
    %get3A_6 = vector.load %arg1[%get3A_4, %get3A_5] : memref<2000x768xf32, #tpu.memory_space<vmem>>, vector<2000x768xf32>
    %reduce_sum3A = arith.constant dense<0.000000e+00> : vector<768xf32>
    %reduce_sum3A_7 = vector.multi_reduction <add>, %get3A_6, %reduce_sum3A [0] : vector<2000x768xf32> to vector<768xf32>
    %broadcast_in_dim3A = vector.shape_cast %reduce_sum3A_7 : vector<768xf32> to vector<1x768xf32>
    %add3A = arith.addf %get3A_3, %broadcast_in_dim3A : vector<1x768xf32>
    %swap3A = arith.constant 0 : index
    %swap3A_8 = arith.constant 0 : index
    %swap3A_9 = vector.load %arg2[%swap3A, %swap3A_8] : memref<1x768xf32, #tpu.memory_space<vmem>>, vector<1x768xf32>
    tpu.vector_store %arg2[%swap3A, %swap3A_8], %add3A {strides = array<i32>} : memref<1x768xf32, #tpu.memory_space<vmem>>, vector<1x768xf32>,
    return
  }
  func.func @transform_0(%arg0: i32) -> (i32, i32) {
    %c0_i32 = arith.constant 0 : i32
    %c0_i32_0 = arith.constant 0 : i32
    return %arg0, %c0_i32 : i32, i32
  }
  func.func @transform_1(%arg0: i32) -> (i32, i32) {
    %c0_i32 = arith.constant 0 : i32
    %c0_i32_0 = arith.constant 0 : i32
    %c0_i32_1 = arith.constant 0 : i32
    return %c0_i32, %c0_i32_0 : i32, i32
  }
}

module attributes {stable_mosaic.version = 14 : i64} {
  func.func @_a1_body(%arg0: memref<10000x128xf32, #tpu.memory_space<vmem>>, %arg1: memref<128x128xf32, #tpu.memory_space<vmem>>, %arg2: memref<2x128xf32, #tpu.memory_space<vmem>>, %arg3: memref<10000xf32, #tpu.memory_space<vmem>>, %arg4: memref<10000xf32, #tpu.memory_space<vmem>>) attributes {dimension_semantics = [], scalar_prefetch = 0 : i64, scratch_operands = 0 : i64, tpu.core_type = #tpu.core_type<tc>} {
    %get3A = arith.constant 0 : index
    %get3A_0 = arith.constant 0 : index
    %get3A_1 = vector.load %arg2[%get3A, %get3A_0] : memref<2x128xf32, #tpu.memory_space<vmem>>, vector<2x128xf32>
    %get3A_2 = arith.constant 0 : index
    %get3A_3 = arith.constant 0 : index
    %get3A_4 = vector.load %arg1[%get3A_2, %get3A_3] : memref<128x128xf32, #tpu.memory_space<vmem>>, vector<128x128xf32>
    %dot_general3A = arith.constant dense<0.000000e+00> : vector<2x128xf32>
    %dot_general3A_5 = tpu.matmul %get3A_1, %get3A_4, %dot_general3A {dimension_numbers = #tpu.dot_dimension_numbers<[1], [1], [0], [0], [0, 0, 1, 0], [], []>, transpose_lhs_hint = false} : vector<2x128xf32>, vector<128x128xf32>, vector<2x128xf32> -> vector<2x128xf32>
    %get3A_6 = arith.constant 0 : index
    %get3A_7 = arith.constant 0 : index
    %get3A_8 = vector.load %arg0[%get3A_6, %get3A_7] : memref<10000x128xf32, #tpu.memory_space<vmem>>, vector<10000x128xf32>
    %slice3A = vector.extract_strided_slice %dot_general3A_5 {offsets = [0, 0], sizes = [1, 128], strides = [1, 1]} : vector<2x128xf32> to vector<1x128xf32>
    %dot_general3A_9 = arith.constant dense<0.000000e+00> : vector<1x10000xf32>
    %dot_general3A_10 = tpu.matmul %slice3A, %get3A_8, %dot_general3A_9 {dimension_numbers = #tpu.dot_dimension_numbers<[1], [1], [0], [0], [0, 0, 1, 0], [], []>, transpose_lhs_hint = false} : vector<1x128xf32>, vector<10000x128xf32>, vector<1x10000xf32> -> vector<1x10000xf32>
    %reshape3A = vector.shape_cast %dot_general3A_10 : vector<1x10000xf32> to vector<10000xf32>
    %swap3A = arith.constant 0 : index
    %swap3A_11 = vector.load %arg3[%swap3A] : memref<10000xf32, #tpu.memory_space<vmem>>, vector<10000xf32>
    tpu.vector_store %arg3[%swap3A], %reshape3A {strides = array<i32>} : memref<10000xf32, #tpu.memory_space<vmem>>, vector<10000xf32>,
    %slice3A_12 = vector.extract_strided_slice %dot_general3A_5 {offsets = [1, 0], sizes = [1, 128], strides = [1, 1]} : vector<2x128xf32> to vector<1x128xf32>
    %dot_general3A_13 = arith.constant dense<0.000000e+00> : vector<1x10000xf32>
    %dot_general3A_14 = tpu.matmul %slice3A_12, %get3A_8, %dot_general3A_13 {dimension_numbers = #tpu.dot_dimension_numbers<[1], [1], [0], [0], [0, 0, 1, 0], [], []>, transpose_lhs_hint = false} : vector<1x128xf32>, vector<10000x128xf32>, vector<1x10000xf32> -> vector<1x10000xf32>
    %reshape3A_15 = vector.shape_cast %dot_general3A_14 : vector<1x10000xf32> to vector<10000xf32>
    %swap3A_16 = arith.constant 0 : index
    %swap3A_17 = vector.load %arg4[%swap3A_16] : memref<10000xf32, #tpu.memory_space<vmem>>, vector<10000xf32>
    tpu.vector_store %arg4[%swap3A_16], %reshape3A_15 {strides = array<i32>} : memref<10000xf32, #tpu.memory_space<vmem>>, vector<10000xf32>,
    return
  }
}

module attributes {stable_mosaic.version = 14 : i64} {
  func.func @_stage_c_body(%arg0: memref<20480xf32, #tpu.memory_space<vmem>>, %arg1: memref<10000x128xf32, #tpu.memory_space<vmem>>, %arg2: memref<128x128xf32, #tpu.memory_space<vmem>>, %arg3: memref<1x128xf32, #tpu.memory_space<vmem>>, %arg4: memref<1x768xf32, #tpu.memory_space<vmem>>, %arg5: memref<768x128xf32, #tpu.memory_space<vmem>>, %arg6: memref<1x128xf32, #tpu.memory_space<vmem>>, %arg7: memref<1x1xf32, #tpu.memory_space<vmem>>, %arg8: memref<1x1xf32, #tpu.memory_space<vmem>>, %arg9: memref<128x128xf32, #tpu.memory_space<vmem>>, %arg10: memref<1x128xf32, #tpu.memory_space<vmem>>, %arg11: memref<1x128xf32, #tpu.memory_space<vmem>>) attributes {dimension_semantics = [], scalar_prefetch = 0 : i64, scratch_operands = 0 : i64, tpu.core_type = #tpu.core_type<tc>} {
    %get3A = arith.constant 0 : index
    %get3A_0 = vector.load %arg0[%get3A] : memref<20480xf32, #tpu.memory_space<vmem>>, vector<20480xf32>
    %slice3A = vector.extract_strided_slice %get3A_0 {offsets = [0], sizes = [10000], strides = [1]} : vector<20480xf32> to vector<10000xf32>
    %slice3A_1 = vector.extract_strided_slice %get3A_0 {offsets = [10240], sizes = [10000], strides = [1]} : vector<20480xf32> to vector<10000xf32>
    %add3A = arith.addf %slice3A, %slice3A_1 : vector<10000xf32>
    %reshape3A = vector.shape_cast %add3A : vector<10000xf32> to vector<1x10000xf32>
    %get3A_2 = arith.constant 0 : index
    %get3A_3 = arith.constant 0 : index
    %get3A_4 = vector.load %arg1[%get3A_2, %get3A_3] : memref<10000x128xf32, #tpu.memory_space<vmem>>, vector<10000x128xf32>
    %dot_general3A = arith.constant dense<0.000000e+00> : vector<1x128xf32>
    %dot_general3A_5 = tpu.matmul %reshape3A, %get3A_4, %dot_general3A {dimension_numbers = #tpu.dot_dimension_numbers<[1], [0], [0], [1], [0, 0, 1, 1], [], []>, transpose_lhs_hint = false} : vector<1x10000xf32>, vector<10000x128xf32>, vector<1x128xf32> -> vector<1x128xf32>
    %get3A_6 = arith.constant 0 : index
    %get3A_7 = arith.constant 0 : index
    %get3A_8 = vector.load %arg2[%get3A_6, %get3A_7] : memref<128x128xf32, #tpu.memory_space<vmem>>, vector<128x128xf32>
    %dot_general3A_9 = arith.constant dense<0.000000e+00> : vector<1x128xf32>
    %dot_general3A_10 = tpu.matmul %dot_general3A_5, %get3A_8, %dot_general3A_9 {dimension_numbers = #tpu.dot_dimension_numbers<[1], [0], [0], [1], [0, 0, 1, 1], [], []>, transpose_lhs_hint = false} : vector<1x128xf32>, vector<128x128xf32>, vector<1x128xf32> -> vector<1x128xf32>
    %mul3A = arith.constant 9.99999974E-5 : f32
    %mul3A_11 = vector.broadcast %mul3A : f32 to vector<1x128xf32>
    %mul3A_12 = arith.mulf %dot_general3A_10, %mul3A_11 : vector<1x128xf32>
    %get3A_13 = arith.constant 0 : index
    %get3A_14 = arith.constant 0 : index
    %get3A_15 = vector.load %arg3[%get3A_13, %get3A_14] : memref<1x128xf32, #tpu.memory_space<vmem>>, vector<1x128xf32>
    %add3A_16 = arith.addf %mul3A_12, %get3A_15 : vector<1x128xf32>
    %get3A_17 = arith.constant 0 : index
    %get3A_18 = arith.constant 0 : index
    %get3A_19 = vector.load %arg4[%get3A_17, %get3A_18] : memref<1x768xf32, #tpu.memory_space<vmem>>, vector<1x768xf32>
    %mul3A_20 = arith.constant 9.99999974E-5 : f32
    %mul3A_21 = vector.broadcast %mul3A_20 : f32 to vector<1x768xf32>
    %mul3A_22 = arith.mulf %get3A_19, %mul3A_21 : vector<1x768xf32>
    %get3A_23 = arith.constant 0 : index
    %get3A_24 = arith.constant 0 : index
    %get3A_25 = vector.load %arg5[%get3A_23, %get3A_24] : memref<768x128xf32, #tpu.memory_space<vmem>>, vector<768x128xf32>
    %dot_general3A_26 = arith.constant dense<0.000000e+00> : vector<1x128xf32>
    %dot_general3A_27 = tpu.matmul %mul3A_22, %get3A_25, %dot_general3A_26 {dimension_numbers = #tpu.dot_dimension_numbers<[1], [0], [0], [1], [0, 0, 1, 1], [], []>, transpose_lhs_hint = false} : vector<1x768xf32>, vector<768x128xf32>, vector<1x128xf32> -> vector<1x128xf32>
    %get3A_28 = arith.constant 0 : index
    %get3A_29 = arith.constant 0 : index
    %get3A_30 = vector.load %arg6[%get3A_28, %get3A_29] : memref<1x128xf32, #tpu.memory_space<vmem>>, vector<1x128xf32>
    %add3A_31 = arith.addf %dot_general3A_27, %get3A_30 : vector<1x128xf32>
    %get3A_32 = arith.constant 0 : index
    %get3A_33 = arith.constant 0 : index
    %get3A_34 = vector.load %arg7[%get3A_32, %get3A_33] : memref<1x1xf32, #tpu.memory_space<vmem>>, vector<1x1xf32>
    %exp3A = math.exp %get3A_34 : vector<1x1xf32>
    %get3A_35 = arith.constant 0 : index
    %get3A_36 = arith.constant 0 : index
    %get3A_37 = vector.load %arg8[%get3A_35, %get3A_36] : memref<1x1xf32, #tpu.memory_space<vmem>>, vector<1x1xf32>
    %exp3A_38 = math.exp %get3A_37 : vector<1x1xf32>
    %add3A_39 = arith.addf %exp3A, %exp3A_38 : vector<1x1xf32>
    %div3A = arith.divf %exp3A, %add3A_39 : vector<1x1xf32>
    %add3A_40 = arith.constant 1.000000e-01 : f32
    %add3A_41 = vector.broadcast %add3A_40 : f32 to vector<1x1xf32>
    %add3A_42 = arith.addf %div3A, %add3A_41 : vector<1x1xf32>
    %add3A_43 = arith.addf %exp3A, %exp3A_38 : vector<1x1xf32>
    %div3A_44 = arith.divf %exp3A_38, %add3A_43 : vector<1x1xf32>
    %add3A_45 = arith.constant 1.000000e-01 : f32
    %add3A_46 = vector.broadcast %add3A_45 : f32 to vector<1x1xf32>
    %add3A_47 = arith.addf %div3A_44, %add3A_46 : vector<1x1xf32>
    %mul3A_48 = vector.broadcast %add3A_42 : vector<1x1xf32> to vector<1x128xf32>
    %mul3A_49 = arith.mulf %mul3A_48, %add3A_16 : vector<1x128xf32>
    %mul3A_50 = vector.broadcast %add3A_47 : vector<1x1xf32> to vector<1x128xf32>
    %mul3A_51 = arith.mulf %mul3A_50, %add3A_31 : vector<1x128xf32>
    %add3A_52 = arith.addf %mul3A_49, %mul3A_51 : vector<1x128xf32>
    %get3A_53 = arith.constant 0 : index
    %get3A_54 = arith.constant 0 : index
    %get3A_55 = vector.load %arg9[%get3A_53, %get3A_54] : memref<128x128xf32, #tpu.memory_space<vmem>>, vector<128x128xf32>
    %dot_general3A_56 = arith.constant dense<0.000000e+00> : vector<1x128xf32>
    %dot_general3A_57 = tpu.matmul %add3A_52, %get3A_55, %dot_general3A_56 {dimension_numbers = #tpu.dot_dimension_numbers<[1], [0], [0], [1], [0, 0, 1, 1], [], []>, transpose_lhs_hint = false} : vector<1x128xf32>, vector<128x128xf32>, vector<1x128xf32> -> vector<1x128xf32>
    %get3A_58 = arith.constant 0 : index
    %get3A_59 = arith.constant 0 : index
    %get3A_60 = vector.load %arg10[%get3A_58, %get3A_59] : memref<1x128xf32, #tpu.memory_space<vmem>>, vector<1x128xf32>
    %add3A_61 = arith.addf %dot_general3A_57, %get3A_60 : vector<1x128xf32>
    %swap3A = arith.constant 0 : index
    %swap3A_62 = arith.constant 0 : index
    %swap3A_63 = vector.load %arg11[%swap3A, %swap3A_62] : memref<1x128xf32, #tpu.memory_space<vmem>>, vector<1x128xf32>
    tpu.vector_store %arg11[%swap3A, %swap3A_62], %add3A_61 {strides = array<i32>} : memref<1x128xf32, #tpu.memory_space<vmem>>, vector<1x128xf32>,
    return
  }
}

</mosaic_0001>

<sc_bundles>
// kernel: kernel.10.cloned.1.call-start
scs
__scs_entry_jumppad:
0x0: {  	(pc) =	sbr.rel $0x88, $3  }
0x1: {  	(tag) =	ssettag $0x0;
	lr =	simm.s32 $0x1  }
0x2: {  	[smem:$0x3F94] =	sst lr;
	_ =	strace $0xD0000000  }
0x3: {  	_ = 	snop  }
0x4: {  	_ = 	snop  }
0x5: {  	_ = 	snop  }
0x6: {  	_ = 	snop  }
0x7: {  	_ = 	snop  }
__scs_overlays_trampoline_lowered:
0x8: {  	[smem:$0x3FA3] =	sst s0  }
0x9: {  	[smem:$0x3FA4] =	sst s1  }
0xa: {  	[smem:$0x3FA5] =	sst s2  }
0xb: {  	[smem:$0x3FA6] =	sst s3  }
0xc: {  	[smem:$0x3FA7] =	sst s4  }
0xd: {  	[smem:$0x3FA8] =	sst s5  }
0xe: {  	[smem:$0x3FA9] =	sst s6  }
0xf: {  	[smem:$0x3FAA] =	sst s7  }
0x10: {  	[smem:$0x3FAB] =	sst s8  }
0x11: {  	[smem:$0x3FAC] =	sst s9;
	s0 =	simm.s32 @!p0 $0x0  }
0x12: {  	s1 =	sld [smem:$0x3F92];
	s0 =	simm.s32 @p0 $0x1  }
0x13: {  	[smem:$0x3FAD] =	sst s0;
	s0 =	simm.s32 @!p1 $0x0  }
0x14: {  	s2 =	sld [smem:$0x3F91];
	s0 =	simm.s32 @p1 $0x1  }
0x15: {  	[smem:$0x3FAE] =	sst s0;
	s0 =	simm.s32 @!p2 $0x0  }
0x16: {  	s3 =	sld [smem:$0x3FDB];
	s0 =	simm.s32 @p2 $0x1  }
0x17: {  	s4 =	simm.s32 $0x1BF5;
	[smem:$0x3FB0] =	sst s0  }
0x18: {  	s0 =	sld [smem:$0x3F93];
	_ =	swait.ge [sflag:s4], $0x0  }
0x19: {  	s7 =	sld [smem:$0x3F94]  }
0x1a: {  	s8 =	sadd.s32 $0xFFFFE003, lr  }
0x1b: {  	s9 =	sadd.s32 $0xFFFFFEF7, lr;
	s5 =	simm.s32 $0xFFFFFFFF;
	p2 =	slt.u32 s8, $0xFFFFF086  }
0x1c: {  	p1 =	slt.u32 s9, $0xF7A;
	s5 =	simm.s32 @!p2 $0x0  }
0x1d: {  	s5 =	simm.s32 @p1 $0x1;
	p0 =	seq.s32 s7, s2  }
0x1e: {  	s7 =	smul.u32 @!p0 $0xF7A, s2;
	p2 =	seq.s32 @!p0 s5, $0x0  }
0x1f: {  	s9 =	smul.u32 $0xF7A, s1;
	s8 =	simm.s32 @!p0 $0x1BF5;
	p2 =	por !p2, p0  }
0x20: {  	[sflag:s8] =	ssyncset.s32 @!p0 $0xFFFFF086;
	s6 =	sadd.s32 @!p0 s3, s7;
	s7 =	simm.s32 @!p0 $0x108  }
0x21: {  	s3 =	sadd.s32 s3, s9;
	s6 =	sadd.s32 @!p0 $0x88, s6;
	s7 =	simm.s32 @p2 $0x1082  }
0x22: {  	[simem:s7], [sflag:s8] =	dma.local @!p0 [hbm:s6], $0xF7A  }
0x23: {  	s9 =	sor.u32 $0xD0000000, s2;
	s6 =	simm.s32 $0x108;
	_ =	swait.ge @!p0 [sflag:s8], $0x0  }
0x24: {  	s3 =	sadd.s32 $0x88, s3;
	s6 =	simm.s32 @!p1 $0x1082;
	[sflag:s4] =	ssyncset.s32 $0xFFFFF086  }
0x25: {  	[simem:s6], [sflag:s4] =	dma.local [hbm:s3], $0xF7A  }
0x26: {  	[smem:$0x3F94] =	sst s1;
	(tag) =	ssettag s2;
	_ =	strace s9  }
0x27: {  	s1 =	sld [smem:$0x3FA4]  }
0x28: {  	s2 =	sld [smem:$0x3FA5]  }
0x29: {  	s4 =	sld [smem:$0x3FA7]  }
0x2a: {  	p0 =	seq.s32 s5, $0x0;
	s5 =	sld [smem:$0x3FA8]  }
0x2b: {  	s6 =	sld [smem:$0x3FA9]  }
0x2c: {  	s7 =	sld [smem:$0x3FAA]  }
0x2d: {  	s3 =	simm.s32 $0x108;
	s8 =	sld [smem:$0x3FAB]  }
0x2e: {  	s3 =	simm.s32 @!p0 $0x1082;
	s9 =	sld [smem:$0x3FAC]  }
0x2f: {  	lr =	sadd.s32 s0, s3;
	s0 =	sld [smem:$0x3FA3]  }
0x30: {  	s3 =	sld [smem:$0x3FA6]  }
0x31: {  	[smem:$0x3FAF] =	sst s10  }
0x32: {  	s10 =	sld [smem:$0x3FAD];
	_ =	sdelay $0x3  }
0x33: {  	p0 =	seq.s32 s10, $0x1;
	s10 =	sld [smem:$0x3FAF];
	_ =	sdelay $0x3  }
0x34: {  	[smem:$0x3FAF] =	sst s10  }
0x35: {  	s10 =	sld [smem:$0x3FAE];
	_ =	sdelay $0x3  }
0x36: {  	p1 =	seq.s32 s10, $0x1;
	s10 =	sld [smem:$0x3FAF];
	_ =	sdelay $0x3  }
0x37: {  	[smem:$0x3FAF] =	sst s10  }
0x38: {  	s10 =	sld [smem:$0x3FB0]  }
0x39: {  	_ = 	snop;
	(pc) =	sbr.ind lr, $3  }
0x3a: {  	_ = 	snop  }
0x3b: {  	_ = 	snop  }
0x3c: {  	p2 =	seq.s32 s10, $0x1;
	s10 =	sld [smem:$0x3FAF]  }
0x3d: {  	_ =	shalt  }
0x3e: {  	_ =	shalt  }
0x3f: {  	_ =	shalt  }
0x40: {  	_ =	shalt  }
0x41: {  	_ =	shalt  }
0x42: {  	_ =	shalt  }
0x43: {  	_ =	shalt  }
0x44: {  	_ =	shalt  }
0x45: {  	_ =	shalt  }
0x46: {  	_ =	shalt  }
0x47: {  	_ =	shalt  }
0x48: {  	_ =	shalt  }
0x49: {  	_ =	shalt  }
0x4a: {  	_ =	shalt  }
0x4b: {  	_ =	shalt  }
0x4c: {  	_ =	shalt  }
0x4d: {  	_ =	shalt  }
0x4e: {  	_ =	shalt  }
0x4f: {  	_ =	shalt  }
0x50: {  	_ =	shalt  }
0x51: {  	_ =	shalt  }
0x52: {  	_ =	shalt  }
0x53: {  	_ =	shalt  }
0x54: {  	_ =	shalt  }
0x55: {  	_ =	shalt  }
0x56: {  	_ =	shalt  }
0x57: {  	_ =	shalt  }
0x58: {  	_ =	shalt  }
0x59: {  	_ =	shalt  }
0x5a: {  	_ =	shalt  }
0x5b: {  	_ =	shalt  }
0x5c: {  	_ =	shalt  }
0x5d: {  	_ =	shalt  }
0x5e: {  	_ =	shalt  }
0x5f: {  	_ =	shalt  }
0x60: {  	_ =	shalt  }
0x61: {  	_ =	shalt  }
0x62: {  	_ =	shalt  }
0x63: {  	_ =	shalt  }
0x64: {  	_ =	shalt  }
0x65: {  	_ =	shalt  }
0x66: {  	_ =	shalt  }
0x67: {  	_ =	shalt  }
0x68: {  	_ =	shalt  }
0x69: {  	_ =	shalt  }
0x6a: {  	_ =	shalt  }
0x6b: {  	_ =	shalt  }
0x6c: {  	_ =	shalt  }
0x6d: {  	_ =	shalt  }
0x6e: {  	_ =	shalt  }
0x6f: {  	_ =	shalt  }
0x70: {  	_ =	shalt  }
0x71: {  	_ =	shalt  }
0x72: {  	_ =	shalt  }
0x73: {  	_ =	shalt  }
0x74: {  	_ =	shalt  }
0x75: {  	_ =	shalt  }
0x76: {  	_ =	shalt  }
0x77: {  	_ =	shalt  }
0x78: {  	_ =	shalt  }
0x79: {  	_ =	shalt  }
0x7a: {  	_ =	shalt  }
0x7b: {  	_ =	shalt  }
0x7c: {  	_ =	shalt  }
0x7d: {  	_ =	shalt  }
0x7e: {  	_ =	shalt  }
0x7f: {  	_ =	shalt  }
0x80: {  	_ =	shalt  }
0x81: {  	_ =	shalt  }
0x82: {  	_ =	shalt  }
0x83: {  	_ =	shalt  }
0x84: {  	_ =	shalt  }
0x85: {  	_ =	shalt  }
0x86: {  	_ =	shalt  }
0x87: {  	_ =	shalt  }
.Lfunc_end0:
.L_simem_size_0:
called_computation.1_lowered:
.L_overlay_start_0:
0x88: {  	s2 =	sld [smem:$0x3FD9]  }
0x89: {  	s3 =	sld [smem:$0x3FFE];
	_ =	sdelay $0x1  }
0x8a: {  	s1 =	srdreg.scid  }
0x8b: {  	s0 =	sand.u32 $0x1, s1  }
0x8c: {  	s17 =	sshll.u32 s0, $0xA;
	s2 =	sadd.s32 s3, s2  }
0x8d: {  	s2 =	sadd.s32 s2, s17  }
0x8e: {  	[smem:$0x3FBB] =	sst s2  }
0x8f: {  	_ = 	snop  }
0x90: {  	s2 =	sld [smem:$0x3FC8];
	(tm) =	ssettm $0x1  }
0x91: {  	s18 =	sld [smem:$0x3FFB];
	_ =	sdelay $0x3  }
0x92: {  	_ =	strace s18  }
0x93: {  	s3 =	sld [smem:$0x3FFC];
	_ =	sdelay $0x3  }
0x94: {  	_ =	strace s3  }
0x95: {  	s3 =	sld [smem:$0x3FFD];
	_ =	sdelay $0x3  }
0x96: {  	_ =	strace s3  }
0x97: {  	_ =	strace $0x8FFFFFFF  }
0x98: {  	s19 =	sld [smem:$0x3FDB];
	_ =	sdelay $0x1  }
0x99: {  	s4 =	simm.s32 $_scs_section_size  }
0x9a: {  	s5 =	simm.s32 $_size__tile_overlayer_lowered;
	s6 =	simm.s32 $_tile_overlayer_lowered  }
0x9b: {  	s22 =	simm.s32 $0x1BFF;
	s21 =	sshll.u32 s6, $0x1;
	s3 =	sadd.s32 s4, s19  }
0x9c: {  	s7 =	simm.s32 $0x0;
	s20 =	sshll.u32 s5, $0x1;
	s5 =	sadd.s32 s21, s3  }
0x9d: {  	[timem:s7], [sflag:s22] =	dma.local [hbm:s5], s20  }
0x9e: {  	_ =	swait.ge [sflag:s22], s20  }
0x9f: {  	s4 =	ssub.s32 $0x0, s20;
	[sflag:s22] =	ssyncset.done $0x0  }
0xa0: {  	[sflag:s22] =	ssyncadd.s32 s4;
	_ =	sdelay $0x1  }
0xa1: {  	s23 =	simm.s32 $0x1B8B  }
0xa2: {  	_ =	swait.ge [sflag:s23], $0x1  }
0xa3: {  	[sflag:s23] =	ssyncset.done $0x0  }
0xa4: {  	s25 =	simm.s32 $0x1B8E;
	s24 =	sld [smem:$0x3FFE];
	[sflag:s23] =	ssyncadd.s32 $0xFFFFFFFF  }
0xa5: {  	s26 =	simm.s32 $execute0_lowered;
	[smem:$0x3FD2] =	sst s25  }
0xa6: {  	s5 =	sshll.u32 s26, $0x1;
	_ =	strace $0x80000049;
	[dreg:$0x1] =	wrdreg $0xFFFFFFFF  }
0xa7: {  	s28 =	simm.s32 $_size_execute0_lowered;
	s3 =	sadd.s32 s3, s5;
	[dreg:$0x0] =	wrdreg $0x0  }
0xa8: {  	s5 =	sshll.u32 s28, $0x1;
	[dreg:$0x2] =	wrdreg s3  }
0xa9: {  	[dreg:$0x3] =	wrdreg s5  }
0xaa: {  	[dreg:$0x4] =	wrdreg $0xC0  }
0xab: {  	_ =	task [dreg:s7], $0x5FFFF  }
0xac: {  	[dreg:$0x1] =	wrdreg $0xFFFFFFFF  }
0xad: {  	[dreg:$0x0] =	wrdreg $0x60  }
0xae: {  	[dreg:$0x2] =	wrdreg s24  }
0xaf: {  	[dreg:$0x3] =	wrdreg s2  }
0xb0: {  	[dreg:$0x4] =	wrdreg $0x11A000  }
0xb1: {  	[dreg:$0x5] =	wrdreg $0x9  }
0xb2: {  	_ =	task.clear_ibuf [dreg:s7], $0x6FFFF;
	_ =	strace $0x90000049  }
0xb3: {  	s29 =	simm.s32 $0x9;
	_ =	strace $0x8000004B  }
0xb4: {  	_ =	swait.ge [sflag:s29], $0x1  }
0xb5: {  	[sflag:s29] =	ssyncadd.s32 $0xFFFFFFFF  }
0xb6: {  	_ =	strace $0x9000004B  }
0xb7: {  	_ =	sfence  }
0xb8: {  	s30 =	sld [smem:$0x0];
	_ =	sdelay $0x2  }
0xb9: {  	s31 =	sshll.u32 s1, $0xD;
	s1 =	sshrl.u32 s1, $0x2  }
0xba: {  	s3 =	sand.u32 $0x4000, s31;
	s1 =	sadd.s32 s1, s30  }
0xbb: {  	s0 =	sor.u32 s3, s0;
	s1 =	sshll.u32 s1, $0x11  }
0xbc: {  	s0 =	sor.u32 s1, s0  }
0xbd: {  	s0 =	sadd.s32 $0x8F2B, s0  }
0xbe: {  	[sflag:s0] =	ssyncadd.remote.s32 $0x1  }
0xbf: {  	_ =	sfence.sel $0xFFFF  }
0xc0: {  	[dreg:$0x0] =	wrdreg $0xFFFFFFFF;
	(pc) =	sbr.abs _section_cstart, $3  }
0xc1: {  	[dreg:$0x1] =	wrdreg $0xFFFFFFFF  }
0xc2: {  	_ =	task.clear_ibuf [dreg:s7], $0x2FFFF;
	_ =	strace $0x9FFFFFFF  }
0xc3: {  	(tm) =	ssettm $0x7FFFFFFF  }
tec
execute0_lowered:
.L_overlay_start_1:
0x0: {  	(tag) =	ssettag $0x1  }
0x1: {  	s1 =	rddreg [dreg:$0x0]  }
0x2: {  	s0 =	srdreg.scid;
	s3 =	rddreg [dreg:$0x1]  }
0x3: {  	s11 =	stileid.u32;
	s4 =	rddreg [dreg:$0x2]  }
0x4: {  	s0 =	sand.u32 $0x1, s0;
	s6 =	smul.u32 $0x280, s11;
	s9 =	sadd.s32 $0xCC00, s1  }
0x5: {  	s17 =	smul.u32 $0x5000, s11;
	s2 =	sshll.u32 s0, $0x4;
	s30 =	ssub.s32 $0x2, s0  }
0x6: {  	s7 =	smul.u32 $0x2800, s0;
	s2 =	sor.u32 s11, s2;
	s10 =	sshrl.u32 s30, $0x1  }
0x7: {  	s19 =	sshrl.u32 s17, $0x2;
	s5 =	smul.u32 $0x2710, s2;
	s2 =	simm.s32 $0x0  }
0x8: {  	s6 =	sadd.s32 s6, s7;
	s10 =	ssub.s32 s30, s10;
	s30 =	smul.u32 $0x4E20, s11  }
0x9: {  	[smem:$0x7FF] =	sst s2;
	s6 =	sshrl.u32 s6, $0x3;
	s17 =	smax.u32 s10, $0x1  }
0xa: {  	_ =	strace $0x8000004A;
	s8 =	sshrl.u32 s5, $0x3;
	[dreg:$0x8] =	wrdreg s9  }
0xb: {  	s31 =	sand.u32 $0x7FF80, s5;
	s6 =	sadd.s32 s6, s1;
	[dreg:$0x4] =	wrdreg s30  }
0xc: {  	[dreg:$0x1d] =	wrdreg s17;
	s8 =	sadd.s32 s8, s1;
	s9 =	smin.u32 s31, $0x4BA00  }
0xd: {  	s1 =	sadd.s32 $0xD100, s1;
	s12 =	ssub.s32 s5, s9;
	s9 =	sshrl.u32 s9, $0x2  }
0xe: {  	[dreg:$0x9] =	wrdreg s1;
	s15 =	sadd.s32 $0x2E00, s8;
	s5 =	sand.u32 $0x70, s5  }
0xf: {  	s13 =	sadd.s32 s3, s9;
	[dreg:$0xb] =	wrdreg s15;
	s16 =	sshll.u32 s12, $0x1  }
0x10: {  	s15 =	sadd.s32 $0x2200, s6;
	[dreg:$0xa] =	wrdreg s13;
	s3 =	sand.u32 $0xFFFFFF00, s16  }
0x11: {  	[dreg:$0x1c] =	wrdreg s15;
	s3 =	sor.u32 s5, s3  }
0x12: {  	s16 =	sor.u32 $0x5000, s5;
	s5 =	sadd.s32 s19, s4;
	[dreg:$0xc] =	wrdreg s3  }
0x13: {  	s21 =	sadd.s32 $0x80, s5;
	[dreg:$0xd] =	wrdreg s5  }
0x14: {  	s23 =	sadd.s32 $0x100, s5;
	[dreg:$0xf] =	wrdreg s21  }
0x15: {  	s24 =	sadd.s32 $0x180, s5;
	[dreg:$0x10] =	wrdreg s23  }
0x16: {  	s25 =	sadd.s32 $0x200, s5;
	[dreg:$0x11] =	wrdreg s24  }
0x17: {  	s26 =	sadd.s32 $0x280, s5;
	[dreg:$0x12] =	wrdreg s25  }
0x18: {  	s28 =	sadd.s32 $0x300, s5;
	[dreg:$0x13] =	wrdreg s26  }
0x19: {  	s29 =	sadd.s32 $0x380, s5;
	[dreg:$0x14] =	wrdreg s28  }
0x1a: {  	s14 =	sshrl.u32 s11, $0x3;
	s31 =	sadd.s32 $0x14000, s5;
	[dreg:$0x15] =	wrdreg s29  }
0x1b: {  	s18 =	sshll.u32 s11, $0x7;
	s8 =	sadd.s32 $0x14080, s5;
	[dreg:$0x16] =	wrdreg s31  }
0x1c: {  	s22 =	smul.u32 $0x2710, s11;
	s11 =	sadd.s32 $0x14100, s5;
	[dreg:$0x17] =	wrdreg s8  }
0x1d: {  	s13 =	sadd.s32 $0x14180, s5;
	[dreg:$0x19] =	wrdreg s11  }
0x1e: {  	s1 =	smul.u32 $0x50000, s14;
	s14 =	sadd.s32 $0x14200, s5;
	[dreg:$0x1a] =	wrdreg s13  }
0x1f: {  	s3 =	sand.u32 $0x380, s18;
	s18 =	sadd.s32 $0x14280, s5;
	[dreg:$0x1b] =	wrdreg s14  }
0x20: {  	s19 =	sadd.s32 $0x14300, s5;
	[dreg:$0x1e] =	wrdreg s18  }
0x21: {  	s30 =	sadd.s32 $0x500, s5;
	[dreg:$0x1f] =	wrdreg s19  }
0x22: {  	s6 =	sadd.s32 $0x980, s5;
	[smem:$0x7C6] =	sst s30  }
0x23: {  	s7 =	sadd.s32 $0xD80, s5;
	[smem:$0x7CB] =	sst s6  }
0x24: {  	s10 =	sadd.s32 $0xA00, s5;
	[smem:$0x7CC] =	sst s7  }
0x25: {  	s1 =	sshrl.u32 s1, $0x2;
	s15 =	sadd.s32 $0xE80, s5;
	[smem:$0x7CF] =	sst s10  }
0x26: {  	s1 =	sadd.s32 s1, s4;
	s17 =	sadd.s32 $0x1280, s5;
	[smem:$0x7D4] =	sst s15  }
0x27: {  	s1 =	sadd.s32 s3, s1;
	[smem:$0x7D5] =	sst s17  }
0x28: {  	s21 =	sadd.s32 $0x400, s5;
	[dreg:$0xe] =	wrdreg s1  }
0x29: {  	s23 =	sadd.s32 $0xC00, s5;
	[smem:$0x7BE] =	sst s21  }
0x2a: {  	s24 =	sadd.s32 $0x1000, s5;
	[smem:$0x7C0] =	sst s23  }
0x2b: {  	s25 =	sadd.s32 $0x480, s5;
	[smem:$0x7C1] =	sst s24  }
0x2c: {  	s26 =	sadd.s32 $0x880, s5;
	[smem:$0x7C2] =	sst s25  }
0x2d: {  	s28 =	sadd.s32 $0xC80, s5;
	[smem:$0x7C3] =	sst s26  }
0x2e: {  	s29 =	sadd.s32 $0x1080, s5;
	[smem:$0x7C4] =	sst s28  }
0x2f: {  	s31 =	sadd.s32 $0x900, s5;
	[smem:$0x7C5] =	sst s29  }
0x30: {  	s3 =	sadd.s32 $0x1100, s5;
	[smem:$0x7C7] =	sst s31  }
0x31: {  	s8 =	sadd.s32 $0x1180, s5;
	[smem:$0x7C9] =	sst s3  }
0x32: {  	s11 =	sadd.s32 $0xE00, s5;
	[smem:$0x7CD] =	sst s8  }
0x33: {  	s13 =	sadd.s32 $0x680, s5;
	[smem:$0x7D0] =	sst s11  }
0x34: {  	s14 =	sadd.s32 $0xA80, s5;
	[smem:$0x7D2] =	sst s13  }
0x35: {  	s18 =	sadd.s32 $0x700, s5;
	[smem:$0x7D3] =	sst s14  }
0x36: {  	s19 =	sadd.s32 $0xB00, s5;
	[smem:$0x7D6] =	sst s18  }
0x37: {  	s30 =	sadd.s32 $0x15000, s5;
	[smem:$0x7D7] =	sst s19  }
0x38: {  	s6 =	sadd.s32 $0x14500, s5;
	[smem:$0x7E1] =	sst s30  }
0x39: {  	s7 =	sadd.s32 $0x14900, s5;
	[smem:$0x7E6] =	sst s6  }
0x3a: {  	s10 =	sadd.s32 $0x14580, s5;
	[smem:$0x7E7] =	sst s7  }
0x3b: {  	s20 =	smul.u32 $0x27100, s0;
	s15 =	sadd.s32 $0x14A00, s5;
	[smem:$0x7EA] =	sst s10  }
0x3c: {  	s17 =	sadd.s32 $0x14E00, s5;
	[smem:$0x7EF] =	sst s15  }
0x3d: {  	s1 =	sadd.s32 s22, s20;
	s20 =	sadd.s32 $0x14380, s5;
	[smem:$0x7F0] =	sst s17  }
0x3e: {  	s22 =	sadd.s32 $0x800, s5;
	[smem:$0x7BD] =	sst s20  }
0x3f: {  	s21 =	sadd.s32 $0x1300, s5;
	[smem:$0x7BF] =	sst s22  }
0x40: {  	s23 =	sadd.s32 $0xB80, s5;
	[smem:$0x7D9] =	sst s21  }
0x41: {  	s24 =	sadd.s32 $0xF80, s5;
	[smem:$0x7DB] =	sst s23  }
0x42: {  	s25 =	sadd.s32 $0x1380, s5;
	[smem:$0x7DC] =	sst s24  }
0x43: {  	s26 =	sadd.s32 $0x14400, s5;
	[smem:$0x7DD] =	sst s25  }
0x44: {  	s28 =	sadd.s32 $0x14800, s5;
	[smem:$0x7DE] =	sst s26  }
0x45: {  	s29 =	sadd.s32 $0x14C00, s5;
	[smem:$0x7DF] =	sst s28  }
0x46: {  	s31 =	sadd.s32 $0x14480, s5;
	[smem:$0x7E0] =	sst s29  }
0x47: {  	s3 =	sadd.s32 $0x14C80, s5;
	[smem:$0x7E2] =	sst s31  }
0x48: {  	s8 =	sadd.s32 $0x14D00, s5;
	[smem:$0x7E4] =	sst s3  }
0x49: {  	s11 =	sadd.s32 $0x14980, s5;
	[smem:$0x7E8] =	sst s8  }
0x4a: {  	s13 =	sadd.s32 $0x15180, s5;
	[smem:$0x7EB] =	sst s11  }
0x4b: {  	s14 =	sadd.s32 $0x14600, s5;
	[smem:$0x7ED] =	sst s13  }
0x4c: {  	s18 =	sadd.s32 $0x15200, s5;
	[smem:$0x7EE] =	sst s14  }
0x4d: {  	s19 =	sadd.s32 $0x14680, s5;
	[smem:$0x7F1] =	sst s18  }
0x4e: {  	s30 =	sadd.s32 $0x14F80, s5;
	[smem:$0x7F2] =	sst s19  }
0x4f: {  	s20 =	sadd.s32 $0xF00, s5;
	[smem:$0x7FC] =	sst s30  }
0x50: {  	s22 =	sadd.s32 $0x780, s5;
	[smem:$0x7D8] =	sst s20  }
0x51: {  	s21 =	sadd.s32 $0x14E80, s5;
	[smem:$0x7DA] =	sst s22  }
0x52: {  	s23 =	sadd.s32 $0x14700, s5;
	[smem:$0x7F4] =	sst s21  }
0x53: {  	s24 =	sadd.s32 $0x14B00, s5;
	[smem:$0x7F6] =	sst s23  }
0x54: {  	s25 =	sadd.s32 $0x14F00, s5;
	[smem:$0x7F7] =	sst s24  }
0x55: {  	s26 =	sadd.s32 $0x15300, s5;
	[smem:$0x7F8] =	sst s25  }
0x56: {  	s28 =	sadd.s32 $0x14780, s5;
	[smem:$0x7F9] =	sst s26  }
0x57: {  	s29 =	sadd.s32 $0x14B80, s5;
	[smem:$0x7FA] =	sst s28  }
0x58: {  	s31 =	sadd.s32 $0x15380, s5;
	[smem:$0x7FB] =	sst s29  }
0x59: {  	s4 =	sand.u32 $0x7FF80, s1;
	s20 =	sadd.s32 $0x14A80, s5;
	[smem:$0x7FD] =	sst s31  }
0x5a: {  	s4 =	smin.u32 s4, $0x4BA00;
	s22 =	sadd.s32 $0x15280, s5;
	[smem:$0x7F3] =	sst s20  }
0x5b: {  	s12 =	ssub.s32 s1, s4;
	[smem:$0x7F5] =	sst s22  }
0x5c: {  	s0 =	smul.u32 $0x4E200, s0;
	s1 =	sadd.s32 $0xD00, s5;
	[dreg:$0x5] =	wrdreg s12  }
0x5d: {  	s9 =	sshll.u32 s4, $0x1;
	s4 =	sadd.s32 $0x580, s5;
	[smem:$0x7C8] =	sst s1  }
0x5e: {  	s0 =	ssub.s32 s0, s9;
	[smem:$0x7CA] =	sst s4  }
0x5f: {  	s9 =	sadd.s32 $0x600, s5;
	[dreg:$0x18] =	wrdreg s0  }
0x60: {  	s12 =	sadd.s32 $0x1200, s5;
	[smem:$0x7CE] =	sst s9  }
0x61: {  	s1 =	sadd.s32 $0x14880, s5;
	[smem:$0x7D1] =	sst s12  }
0x62: {  	s4 =	sadd.s32 $0x15080, s5;
	[smem:$0x7E3] =	sst s1  }
0x63: {  	s7 =	simm.s32 $0xC780;
	[smem:$0x7E5] =	sst s4;
	s9 =	sadd.s32 $0x15100, s5  }
0x64: {  	s14 =	simm.s32 $0x0;
	s12 =	sadd.s32 $0x14D80, s5;
	[smem:$0x7E9] =	sst s9  }
0x65: {  	v1 =	vimm.f32 $0.0e+00;
	v0 =	vmov s16;
	s5 =	simm.s32 $0x1;
	s1 =	simm.s32 $0x0;
	[smem:$0x7EC] =	sst s12  }
.LBB2_1:
0x66: {  	[smem:$0x7BC] =	sst s1  }
0x67: {  	s0 =	rddreg [dreg:$0x8]  }
0x68: {  	[tilespmem:s2], [sflag:$0x1] =	stream.linear.gather [hbm4b:s0+s2], $0x2800, $0x38;
	[tilespmem:$0x14200] =	vst v63  }
0x69: {  	s25 =	rddreg [dreg:$0x9];
	s26 =	simm.s32 $0x2800  }
0x6a: {  	[tilespmem:s26], [sflag:$0x2] =	stream.linear.gather [hbm4b:s25+s2], $0x2800, $0x38;
	[tilespmem:$0x14200] =	vst v63  }
0x6b: {  	s28 =	rddreg [dreg:$0xa];
	s29 =	simm.s32 $0x5000  }
0x6c: {  	[tilespmem:s29], [sflag:$0x3] =	stream.linear.gather [hbm4b:s28+s2], $0x5000, $0x38;
	[tilespmem:$0x14200] =	vst v63  }
0x6d: {  	s30 =	rddreg [dreg:$0xb];
	s31 =	simm.s32 $0xA000;
	s0 =	simm.s32 $0xC7C0  }
0x6e: {  	[tilespmem:s31], [sflag:$0x4] =	stream.linear.gather [hbm4b:s30+s2], $0x2710, $0x38;
	[tilespmem:$0x14200] =	vst v63  }
0x6f: {  	[tilespmem:s0+$0xFFFFFFC0] =	vst v1  }
0x70: {  	[tilespmem:s0+$0x30] =	vst v1  }
0x71: {  	[tilespmem:s0+$0x20] =	vst v1  }
0x72: {  	[tilespmem:s0+$0x10] =	vst v1  }
0x73: {  	[tilespmem:s0+$0x0] =	vst v1  }
0x74: {  	[tilespmem:s0+$0xFFFFFFF0] =	vst v1  }
0x75: {  	s1 =	simm.s32 $0x0;
	[tilespmem:s0+$0xFFFFFFE0] =	vst v1  }
.LBB2_2:
0x76: {  	s1 =	sadd.s32 $0x80, s1;
	[tilespmem:s0+$0xFFFFFFD0] =	vst v1;
	s0 =	sadd.s32 $0x80, s0  }
0x77: {  	[tilespmem:s0+$0xFFFFFFC0] =	vst v1;
	p0 =	slt.u32 s1, $0x2780  }
0x78: {  	[tilespmem:s0+$0x30] =	vst v1  }
.Ltmp0:
0x79: {  	[tilespmem:s0+$0x20] =	vst v1;
	(pc) =	sbr.rel @p0 .LBB2_2-.Ltmp0, $4  }
0x7a: {  	[tilespmem:s0+$0x10] =	vst v1  }
0x7b: {  	[tilespmem:s0+$0x0] =	vst v1  }
0x7c: {  	[tilespmem:s0+$0xFFFFFFF0] =	vst v1  }
0x7d: {  	[tilespmem:s0+$0xFFFFFFE0] =	vst v1  }
0x7e: {  	[tilespmem:s0+$0xFFFFFFD0] =	vst v1  }
0x7f: {  	_ =	swait.ge [sflag:s5], $0x2800  }
0x80: {  	[sflag:s5] =	ssyncset.done $0x0  }
0x81: {  	s30 =	simm.s32 $0x2;
	[sflag:s5] =	ssyncadd.s32 $0xFFFFD800  }
0x82: {  	_ =	swait.ge [sflag:s30], $0x2800  }
0x83: {  	[sflag:s30] =	ssyncset.done $0x0  }
0x84: {  	s17 =	simm.s32 $0x40;
	[sflag:s30] =	ssyncadd.s32 $0xFFFFD800  }
0x85: {  	s31 =	simm.s32 $0x2840;
	v2 =	vld [tilespmem:s17+$0x30]  }
0x86: {  	v3 =	vld [tilespmem:s31+$0x30]  }
0x87: {  	v4 =	vld [tilespmem:s31+$0xFFFFFFC0]  }
0x88: {  	v5 =	vld [tilespmem:s17+$0xFFFFFFD0]  }
0x89: {  	v6 =	vld [tilespmem:s31+$0xFFFFFFD0]  }
0x8a: {  	v7 =	vld [tilespmem:s17+$0xFFFFFFE0]  }
0x8b: {  	v8 =	vld [tilespmem:s31+$0xFFFFFFE0]  }
0x8c: {  	v9 =	vld [tilespmem:s17+$0xFFFFFFF0]  }
0x8d: {  	v10 =	vld [tilespmem:s31+$0xFFFFFFF0]  }
0x8e: {  	v11 =	vld [tilespmem:s17+$0x0]  }
0x8f: {  	v12 =	vld [tilespmem:s31+$0x0]  }
0x90: {  	v13 =	vld [tilespmem:s17+$0x10]  }
0x91: {  	v14 =	vld [tilespmem:s31+$0x10]  }
0x92: {  	v2 =	vadd.f32 v3, v2;
	v3 =	vld [tilespmem:s17+$0x20]  }
0x93: {  	v5 =	vadd.f32 v6, v5;
	v6 =	vld [tilespmem:s31+$0x20]  }
0x94: {  	s18 =	simm.s32 $0xC0;
	(erf) = vrcp.f32 v2;
	v2 =	vadd.f32 v8, v7;
	v7 =	vld [tilespmem:s17+$0xFFFFFFC0]  }
0x95: {  	s19 =	simm.s32 $0x28C0;
	v8 =	vld [tilespmem:s18+$0x30]  }
0x96: {  	(erf) = vrcp.f32 v5;
	v5 =	vadd.f32 v10, v9;
	v10 =	vld [tilespmem:s19+$0x30]  }
0x97: {  	v9 =	vadd.f32 v12, v11;
	v11 =	vld [tilespmem:s19+$0xFFFFFFF0];
	(erf) = vrcp.f32 v2  }
0x98: {  	(erf) = vrcp.f32 v5;
	v5 =	vadd.f32 v14, v13;
	v3 =	vadd.f32 v6, v3;
	v6 =	vld [tilespmem:s18+$0xFFFFFFE0]  }
0x99: {  	(erf) = vrcp.f32 v9;
	v9 =	vld [tilespmem:s18+$0xFFFFFFD0]  }
0x9a: {  	(erf) = vrcp.f32 v5;
	v5 =	vld [tilespmem:s19+$0xFFFFFFD0];
	v4 =	vadd.f32 v4, v7  }
0x9b: {  	v7 =	vld [tilespmem:s19+$0xFFFFFFE0];
	(erf) = vrcp.f32 v3  }
0x9c: {  	v8 =	vadd.f32 v10, v8;
	(erf) = vrcp.f32 v4;
	v4 =	vld [tilespmem:s18+$0xFFFFFFF0];
	_ =	sdelay $0x1  }
0x9d: {  	v62 =	vld [tilespmem:s18+$0x0];
	v3 =	vpop (erf);
	(erf) = vrcp.f32 v8  }
0x9e: {  	v2 =	vld [tilespmem:s19+$0xFFFFFFC0];
	v61 =	vpop (erf);
	[tilespmem:s17+$0x30] =	vst v3;
	v9 =	vadd.f32 v5, v9  }
0x9f: {  	v10 =	vld [tilespmem:s19+$0x0];
	[tilespmem:s17+$0xFFFFFFD0] =	vst v61;
	v3 =	vpop (erf)  }
0xa0: {  	v6 =	vadd.f32 v7, v6;
	v5 =	vld [tilespmem:s19+$0x10];
	[tilespmem:s17+$0xFFFFFFE0] =	vst v3;
	v63 =	vpop (erf);
	(erf) = vrcp.f32 v9;
	v9 =	vadd.f32 v11, v4  }
0xa1: {  	v3 =	vld [tilespmem:s18+$0x10];
	[tilespmem:s17+$0xFFFFFFF0] =	vst v63;
	v8 =	vpop (erf)  }
0xa2: {  	v4 =	vld [tilespmem:s18+$0x20];
	(erf) = vrcp.f32 v6;
	[tilespmem:s17+$0x0] =	vst v8;
	v7 =	vpop (erf)  }
0xa3: {  	v6 =	vld [tilespmem:s19+$0x20];
	[tilespmem:s17+$0x10] =	vst v7;
	v11 =	vpop (erf)  }
0xa4: {  	s0 =	simm.s32 $0x80;
	s1 =	simm.s32 $0x140;
	v8 =	vadd.f32 v10, v62;
	(erf) = vrcp.f32 v9;
	v7 =	vld [tilespmem:s18+$0xFFFFFFC0];
	[tilespmem:s17+$0x20] =	vst v11;
	v9 =	vpop (erf)  }
.LBB2_4:
0xa5: {  	v10 =	vld [tilespmem:s1+$0x30];
	s19 =	sadd.s32 $0x80, s19;
	[tilespmem:s17+$0xFFFFFFC0] =	vst v9;
	s17 =	smov.u32 s18;
	s18 =	smov.u32 s1  }
0xa6: {  	s0 =	sadd.s32 $0x80, s0;
	v9 =	vld [tilespmem:s19+$0x30];
	v3 =	vadd.f32 v5, v3;
	(erf) = vrcp.f32 v8;
	v5 =	vpop (erf)  }
0xa7: {  	p0 =	slt.u32 s0, $0x2780;
	v8 =	vld [tilespmem:s19+$0xFFFFFFC0];
	[tilespmem:s17+$0x30] =	vst v5  }
0xa8: {  	v5 =	vld [tilespmem:s1+$0xFFFFFFD0];
	v4 =	vadd.f32 v6, v4;
	(erf) = vrcp.f32 v3  }
0xa9: {  	v3 =	vld [tilespmem:s19+$0xFFFFFFD0];
	v11 =	vadd.f32 v2, v7;
	v6 =	vpop (erf)  }
0xaa: {  	v7 =	vld [tilespmem:s1+$0xFFFFFFE0];
	[tilespmem:s17+$0xFFFFFFD0] =	vst v6;
	(erf) = vrcp.f32 v4  }
0xab: {  	v4 =	vld [tilespmem:s19+$0xFFFFFFE0];
	v10 =	vadd.f32 v9, v10;
	(erf) = vrcp.f32 v11;
	v2 =	vpop (erf)  }
0xac: {  	v9 =	vld [tilespmem:s1+$0xFFFFFFF0];
	[tilespmem:s17+$0xFFFFFFE0] =	vst v2;
	v2 =	vmov v8  }
0xad: {  	v8 =	vld [tilespmem:s19+$0xFFFFFFF0];
	(erf) = vrcp.f32 v10;
	v6 =	vpop (erf)  }
0xae: {  	v5 =	vadd.f32 v3, v5;
	v10 =	vld [tilespmem:s1+$0x0];
	[tilespmem:s17+$0xFFFFFFF0] =	vst v6  }
0xaf: {  	v11 =	vld [tilespmem:s19+$0x0];
	v6 =	vpop (erf)  }
.Ltmp1:
0xb0: {  	v7 =	vadd.f32 v4, v7;
	v3 =	vld [tilespmem:s1+$0x10];
	(erf) = vrcp.f32 v5;
	[tilespmem:s17+$0x0] =	vst v6;
	(pc) =	sbr.rel @p0 .LBB2_4-.Ltmp1, $4  }
0xb1: {  	v5 =	vld [tilespmem:s19+$0x10];
	v6 =	vpop (erf)  }
0xb2: {  	v13 =	vadd.f32 v8, v9;
	v4 =	vld [tilespmem:s1+$0x20];
	(erf) = vrcp.f32 v7;
	[tilespmem:s17+$0x10] =	vst v6  }
0xb3: {  	v6 =	vld [tilespmem:s19+$0x20];
	v12 =	vpop (erf)  }
0xb4: {  	s1 =	sadd.s32 $0x80, s1;
	v7 =	vld [tilespmem:s18+$0xFFFFFFC0];
	v8 =	vadd.f32 v11, v10;
	(erf) = vrcp.f32 v13;
	[tilespmem:s17+$0x20] =	vst v12;
	v9 =	vpop (erf)  }
0xb5: {  	_ =	sdelay $0x1  }
0xb6: {  	v3 =	vadd.f32 v5, v3  }
0xb7: {  	(erf) = vrcp.f32 v8;
	v4 =	vadd.f32 v6, v4  }
0xb8: {  	(erf) = vrcp.f32 v3;
	v2 =	vadd.f32 v2, v7  }
0xb9: {  	(erf) = vrcp.f32 v4  }
0xba: {  	(erf) = vrcp.f32 v2;
	_ =	sdelay $0x1  }
0xbb: {  	[tilespmem:s17+$0xFFFFFFC0] =	vst v9;
	v2 =	vpop (erf)  }
0xbc: {  	v3 =	vpop (erf);
	[tilespmem:s18+$0x30] =	vst v2  }
0xbd: {  	[tilespmem:s18+$0xFFFFFFD0] =	vst v3;
	v2 =	vpop (erf)  }
0xbe: {  	[tilespmem:s18+$0xFFFFFFE0] =	vst v2;
	v2 =	vpop (erf)  }
0xbf: {  	[tilespmem:s18+$0xFFFFFFF0] =	vst v2;
	v2 =	vpop (erf)  }
0xc0: {  	[tilespmem:s18+$0x0] =	vst v2;
	v2 =	vpop (erf)  }
0xc1: {  	[tilespmem:s18+$0x10] =	vst v2;
	v2 =	vpop (erf)  }
0xc2: {  	[tilespmem:s18+$0x20] =	vst v2;
	v2 =	vpop (erf)  }
0xc3: {  	s0 =	simm.s32 $0x3;
	[tilespmem:s18+$0xFFFFFFC0] =	vst v2  }
0xc4: {  	_ =	swait.ge [sflag:s0], $0x5000  }
0xc5: {  	[sflag:s0] =	ssyncset.done $0x0  }
0xc6: {  	s4 =	simm.s32 $0x4;
	[sflag:s0] =	ssyncadd.s32 $0xFFFFB000  }
0xc7: {  	_ =	swait.ge [sflag:s4], $0x2710  }
0xc8: {  	[sflag:s4] =	ssyncset.done $0x0  }
0xc9: {  	s17 =	simm.s32 $0xA080;
	[sflag:s4] =	ssyncadd.s32 $0xFFFFD8F0  }
0xca: {  	v15 =	vld [tilespmem:s17+$0x70]  }
0xcb: {  	v19 =	vld [tilespmem:s17+$0xFFFFFF80]  }
0xcc: {  	v26 =	vld [tilespmem:s17+$0xFFFFFF90]  }
0xcd: {  	v27 =	vld [tilespmem:s17+$0xFFFFFFA0]  }
0xce: {  	v31 =	vld [tilespmem:s17+$0xFFFFFFB0]  }
0xcf: {  	v32 =	vld [tilespmem:s17+$0xFFFFFFC0]  }
0xd0: {  	v33 =	vld [tilespmem:s17+$0xFFFFFFD0]  }
0xd1: {  	v61 =	vld [tilespmem:s17+$0xFFFFFFE0]  }
0xd2: {  	s23 =	rddreg [dreg:$0x4];
	v62 =	vld [tilespmem:s17+$0xFFFFFFF0]  }
0xd3: {  	s1 =	rddreg [dreg:$0x5];
	v41 =	vld [tilespmem:s17+$0x0]  }
0xd4: {  	s6 =	rddreg [dreg:$0x18];
	v42 =	vld [tilespmem:s17+$0x10]  }
0xd5: {  	s18 =	sadd.s32 s6, s23;
	s0 =	sadd.s32 $0xFFFFFF00, s1;
	v43 =	vld [tilespmem:s17+$0x20]  }
0xd6: {  	s1 =	sadd.s32 $0x1F0, s0;
	s3 =	sadd.s32 $0x1E0, s18;
	s24 =	sadd.s32 $0x110, s0;
	v44 =	vld [tilespmem:s17+$0x30]  }
0xd7: {  	s25 =	sadd.s32 $0x20, s18;
	v47 =	vld [tilespmem:s17+$0x40];
	s1 =	sand.u32 $0x70, s1;
	s3 =	sand.u32 $0xFFFFFF00, s3  }
0xd8: {  	s5 =	sadd.s32 $0x120, s0;
	s19 =	sadd.s32 $0x40, s18;
	v63 =	vld [tilespmem:s17+$0x60];
	s1 =	sor.u32 s1, s3  }
0xd9: {  	s26 =	sadd.s32 $0x130, s0;
	s5 =	sand.u32 $0x70, s5;
	s19 =	sand.u32 $0xFFFFFF00, s19;
	v2 =	vld [tilespmem:s1+$0x5080]  }
0xda: {  	s4 =	sand.u32 $0xFFFFFF00, s25;
	s3 =	sand.u32 $0x70, s24;
	s5 =	sor.u32 s5, s19;
	v13 =	vld [tilespmem:s1+$0x5000]  }
0xdb: {  	s21 =	sadd.s32 $0x60, s18;
	s28 =	sadd.s32 $0x140, s0;
	s3 =	sor.u32 s3, s4;
	v17 =	vld [tilespmem:s5+$0x5080]  }
0xdc: {  	s29 =	sadd.s32 $0x80, s18;
	s21 =	sand.u32 $0xFFFFFF00, s21;
	s1 =	sand.u32 $0x70, s26;
	v16 =	vld [tilespmem:s3+$0x5080]  }
0xdd: {  	s19 =	sand.u32 $0xFFFFFF00, s29;
	s4 =	sand.u32 $0x70, s28;
	s1 =	sor.u32 s1, s21;
	v30 =	vld [tilespmem:s3+$0x5000]  }
0xde: {  	s4 =	sor.u32 s4, s19;
	v18 =	vld [tilespmem:s1+$0x5080]  }
0xdf: {  	v20 =	vld [tilespmem:s4+$0x5080]  }
0xe0: {  	s30 =	sadd.s32 $0x150, s0;
	s31 =	sadd.s32 $0xA0, s18;
	s8 =	sadd.s32 $0x160, s0;
	v3 =	vld [tilespmem:s1+$0x5000]  }
0xe1: {  	s21 =	sand.u32 $0x70, s30;
	s19 =	sand.u32 $0xFFFFFF00, s31;
	s31 =	sand.u32 $0xFFFFFF00, s18;
	v5 =	vld [tilespmem:s4+$0x5000]  }
0xe2: {  	s9 =	sadd.s32 $0xC0, s18;
	s12 =	sadd.s32 $0x190, s0;
	s19 =	sor.u32 s21, s19;
	v37 =	vld.idx.msk [tilespmem:v0+s31+$0x80 ss:$0x1], $0xffff  }
0xe3: {  	s13 =	sadd.s32 $0x120, s18;
	s3 =	sand.u32 $0x70, s8;
	s21 =	sand.u32 $0xFFFFFF00, s9;
	v21 =	vld [tilespmem:s19+$0x5080]  }
0xe4: {  	s1 =	sand.u32 $0x70, s12;
	s4 =	sand.u32 $0xFFFFFF00, s13;
	s3 =	sor.u32 s3, s21;
	v6 =	vld [tilespmem:s19+$0x5000]  }
0xe5: {  	s1 =	sor.u32 s1, s4;
	v22 =	vld [tilespmem:s3+$0x5080]  }
0xe6: {  	s15 =	sadd.s32 $0x1A0, s0;
	s16 =	sadd.s32 $0x140, s18;
	v24 =	vld [tilespmem:s1+$0x5080]  }
0xe7: {  	s20 =	sand.u32 $0x70, s15;
	s19 =	sand.u32 $0xFFFFFF00, s16;
	v12 =	vld [tilespmem:s3+$0x5000]  }
0xe8: {  	s4 =	sor.u32 s20, s19;
	v7 =	vld [tilespmem:s1+$0x5000]  }
0xe9: {  	v25 =	vld [tilespmem:s4+$0x5080]  }
0xea: {  	v8 =	vld [tilespmem:s4+$0x5000]  }
0xeb: {  	v4 =	vld.idx.msk [tilespmem:v2+s2+$0x0], $0xffff  }
0xec: {  	s10 =	sadd.s32 $0x170, s0;
	s11 =	sadd.s32 $0xE0, s18;
	v2 =	vld [tilespmem:s5+$0x5000]  }
0xed: {  	s21 =	sand.u32 $0xFFFFFF00, s11;
	s5 =	sand.u32 $0x70, s10;
	v17 =	vld.idx.msk [tilespmem:v17+s2+$0x0], $0xffff  }
0xee: {  	s5 =	sor.u32 s5, s21;
	v16 =	vld.idx.msk [tilespmem:v16+s2+$0x0], $0xffff  }
0xef: {  	v23 =	vld [tilespmem:s5+$0x5080]  }
0xf0: {  	v10 =	vld [tilespmem:s5+$0x5000]  }
0xf1: {  	s22 =	sadd.s32 $0x160, s18;
	s23 =	sadd.s32 $0x1C0, s0;
	s21 =	sadd.s32 $0x1B0, s0;
	v18 =	vld.idx.msk [tilespmem:v18+s2+$0x0], $0xffff  }
0xf2: {  	s24 =	sadd.s32 $0x180, s18;
	s3 =	sand.u32 $0xFFFFFF00, s22;
	s1 =	sand.u32 $0x70, s21;
	v20 =	vld.idx.msk [tilespmem:v20+s2+$0x0], $0xffff  }
0xf3: {  	s25 =	sand.u32 $0x70, s23;
	s4 =	sand.u32 $0xFFFFFF00, s24;
	s1 =	sor.u32 s1, s3;
	v21 =	vld.idx.msk [tilespmem:v21+s2+$0x0], $0xffff  }
0xf4: {  	s3 =	sor.u32 s25, s4;
	v28 =	vld [tilespmem:s1+$0x5080]  }
0xf5: {  	v29 =	vld [tilespmem:s3+$0x5080]  }
0xf6: {  	v11 =	vld [tilespmem:s1+$0x5000]  }
0xf7: {  	v9 =	vld [tilespmem:s3+$0x5000]  }
0xf8: {  	s26 =	sadd.s32 $0x1D0, s0;
	s28 =	sadd.s32 $0x1A0, s18;
	v38 =	vld.idx.msk [tilespmem:v22+s2+$0x0], $0xffff  }
0xf9: {  	s1 =	sand.u32 $0x70, s26;
	s3 =	sand.u32 $0xFFFFFF00, s28;
	v24 =	vld.idx.msk [tilespmem:v24+s2+$0x0], $0xffff  }
0xfa: {  	s1 =	sor.u32 s1, s3;
	v25 =	vld.idx.msk [tilespmem:v25+s2+$0x0], $0xffff  }
0xfb: {  	s29 =	sadd.s32 $0x1C0, s18;
	s30 =	sadd.s32 $0x100, s18;
	s0 =	sadd.s32 $0x1E0, s0;
	v34 =	vld [tilespmem:s1+$0x5080]  }
0xfc: {  	s0 =	sand.u32 $0x70, s0;
	s3 =	sand.u32 $0xFFFFFF00, s29;
	v14 =	vld [tilespmem:s1+$0x5000];
	s1 =	sand.u32 $0xFFFFFF00, s30  }
0xfd: {  	s0 =	sor.u32 s0, s3;
	v36 =	vld.idx.msk [tilespmem:v0+s1+$0x80 ss:$0x1], $0xffff  }
0xfe: {  	v35 =	vld [tilespmem:s0+$0x5080]  }
0xff: {  	v45 =	vmul.f32 v4, v15;
	v15 =	vmul.f32 v18, v31;
	v31 =	vld [tilespmem:s17+$0x50]  }
0x100: {  	v23 =	vld.idx.msk [tilespmem:v23+s2+$0x0], $0xffff  }
0x101: {  	v39 =	vld.idx.msk [tilespmem:v28+s2+$0x0], $0xffff  }
0x102: {  	v40 =	vld.idx.msk [tilespmem:v29+s2+$0x0], $0xffff  }
0x103: {  	v29 =	vld.idx.msk [tilespmem:v37+s2+$0x0], $0xffff  }
0x104: {  	v34 =	vld.idx.msk [tilespmem:v34+s2+$0x0], $0xffff  }
0x105: {  	v17 =	vmul.f32 v17, v27;
	v46 =	vmul.f32 v16, v26;
	v28 =	vld.idx.msk [tilespmem:v36+s2+$0x0], $0xffff  }
0x106: {  	v16 =	vmul.f32 v20, v32;
	v18 =	vmul.f32 v21, v33;
	v35 =	vld.idx.msk [tilespmem:v35+s2+$0x0], $0xffff  }
0x107: {  	v22 =	vld [tilespmem:s0+$0x5000];
	v27 =	vmul.f32 v38, v61;
	v26 =	vmul.f32 v23, v62  }
0x108: {  	[tilespmem:v13+s7+$0x0] =	vst.idx.add.f32.msk $0xffff, v45;
	v4 =	vmul.f32 v29, v19;
	v29 =	vmul.f32 v24, v42  }
0x109: {  	[tilespmem:v30+s7+$0x0] =	vst.idx.add.f32.msk $0xffff, v46;
	v23 =	vmul.f32 v39, v44;
	v21 =	vmul.f32 v40, v47  }
0x10a: {  	v24 =	vld.idx.msk [tilespmem:v0+s31+$0x0 ss:$0x1], $0xffff;
	v20 =	vmul.f32 v34, v31;
	v13 =	vmul.f32 v28, v41  }
0x10b: {  	s2 =	simm.s32 $0x0;
	v28 =	vmul.f32 v25, v43;
	v25 =	vld.idx.msk [tilespmem:v0+s1+$0x0 ss:$0x1], $0xffff;
	v19 =	vmul.f32 v35, v63  }
.LBB2_6:
0x10c: {  	[tilespmem:v2+s7+$0x0] =	vst.idx.add.f32.msk $0xffff, v17  }
0x10d: {  	[tilespmem:v3+s7+$0x0] =	vst.idx.add.f32.msk $0xffff, v15  }
0x10e: {  	[tilespmem:v5+s7+$0x0] =	vst.idx.add.f32.msk $0xffff, v16  }
0x10f: {  	[tilespmem:v6+s7+$0x0] =	vst.idx.add.f32.msk $0xffff, v18  }
0x110: {  	[tilespmem:v12+s7+$0x0] =	vst.idx.add.f32.msk $0xffff, v27  }
0x111: {  	s0 =	rddreg [dreg:$0x4];
	[tilespmem:v10+s7+$0x0] =	vst.idx.add.f32.msk $0xffff, v26  }
0x112: {  	s3 =	rddreg [dreg:$0x5];
	s18 =	sadd.s32 $0x100, s2;
	[tilespmem:v7+s7+$0x0] =	vst.idx.add.f32.msk $0xffff, v29  }
0x113: {  	s1 =	smov.u32 s2;
	s6 =	sadd.s32 $0x200, s6;
	[dreg:$0x6] =	wrdreg s18;
	[tilespmem:v8+s7+$0x0] =	vst.idx.add.f32.msk $0xffff, v28  }
0x114: {  	s17 =	sadd.s32 $0x100, s17;
	p0 =	slt.u32 s18, $0x2600;
	[dreg:$0x7] =	wrdreg s6;
	[tilespmem:v11+s7+$0x0] =	vst.idx.add.f32.msk $0xffff, v23  }
0x115: {  	s21 =	sadd.s32 s6, s0;
	s19 =	sadd.s32 s1, s3;
	s18 =	simm.s32 $0xC780;
	[tilespmem:v9+s7+$0x0] =	vst.idx.add.f32.msk $0xffff, v21  }
0x116: {  	s1 =	sadd.s32 $0x110, s19;
	s3 =	sadd.s32 $0x1F0, s19;
	s4 =	sadd.s32 $0x1E0, s21;
	[tilespmem:v14+s7+$0x0] =	vst.idx.add.f32.msk $0xffff, v20  }
0x117: {  	s5 =	sadd.s32 $0x20, s21;
	s22 =	sadd.s32 $0x120, s19;
	s23 =	sadd.s32 $0x40, s21;
	[tilespmem:v22+s18+$0x0] =	vst.idx.add.f32.msk $0xffff, v19  }
0x118: {  	s24 =	sadd.s32 $0x60, s21;
	s25 =	sadd.s32 $0x140, s19;
	s26 =	sadd.s32 $0x80, s21;
	[tilespmem:v25+s18+$0x0] =	vst.idx.add.f32.msk $0xffff, v13  }
0x119: {  	s28 =	sadd.s32 $0x150, s19;
	s29 =	sadd.s32 $0xA0, s21;
	s30 =	sadd.s32 $0x160, s19;
	[tilespmem:v24+s18+$0x0] =	vst.idx.add.f32.msk $0xffff, v4  }
0x11a: {  	s31 =	sadd.s32 $0xC0, s21;
	s3 =	sand.u32 $0x70, s3;
	s4 =	sand.u32 $0xFFFFFF00, s4;
	v4 =	vld [tilespmem:s17+$0x70]  }
0x11b: {  	s6 =	sadd.s32 $0x170, s19;
	s9 =	sadd.s32 $0xE0, s21;
	s3 =	sor.u32 s3, s4;
	v6 =	vld [tilespmem:s17+$0xFFFFFF90]  }
0x11c: {  	s11 =	sadd.s32 $0x190, s19;
	s12 =	sadd.s32 $0x120, s21;
	s13 =	sadd.s32 $0x1A0, s19;
	v2 =	vld [tilespmem:s3+$0x5080]  }
0x11d: {  	s20 =	sadd.s32 $0x1B0, s19;
	s15 =	sadd.s32 $0x160, s21;
	s8 =	sadd.s32 $0x1C0, s19;
	v3 =	vld [tilespmem:s3+$0x5000]  }
0x11e: {  	s16 =	sadd.s32 $0x180, s21;
	s10 =	sadd.s32 $0x1D0, s19;
	s2 =	sadd.s32 $0x1A0, s21;
	v5 =	vld [tilespmem:s17+$0xFFFFFF80]  }
0x11f: {  	s0 =	sadd.s32 $0x1E0, s19;
	s1 =	sand.u32 $0x70, s1;
	s5 =	sand.u32 $0xFFFFFF00, s5;
	v7 =	vld [tilespmem:s17+$0xFFFFFFA0]  }
0x120: {  	s25 =	sand.u32 $0x70, s25;
	s26 =	sand.u32 $0xFFFFFF00, s26;
	s28 =	sand.u32 $0x70, s28;
	v8 =	vld [tilespmem:s17+$0xFFFFFFB0]  }
0x121: {  	s29 =	sand.u32 $0xFFFFFF00, s29;
	s30 =	sand.u32 $0x70, s30;
	s25 =	sor.u32 s25, s26;
	v9 =	vld [tilespmem:s17+$0xFFFFFFC0]  }
0x122: {  	s31 =	sand.u32 $0xFFFFFF00, s31;
	s6 =	sand.u32 $0x70, s6;
	s26 =	sor.u32 s28, s29;
	v11 =	vld [tilespmem:s25+$0x5080]  }
0x123: {  	s9 =	sand.u32 $0xFFFFFF00, s9;
	s11 =	sand.u32 $0x70, s11;
	s30 =	sor.u32 s30, s31;
	v12 =	vld [tilespmem:s26+$0x5080]  }
0x124: {  	s12 =	sand.u32 $0xFFFFFF00, s12;
	s4 =	sadd.s32 $0x130, s19;
	s9 =	sor.u32 s6, s9;
	v13 =	vld [tilespmem:s30+$0x5080]  }
0x125: {  	s7 =	sadd.s32 $0x140, s21;
	s19 =	sadd.s32 $0x1C0, s21;
	s11 =	sor.u32 s11, s12;
	v14 =	vld [tilespmem:s9+$0x5080]  }
0x126: {  	s3 =	sor.u32 s1, s5;
	s5 =	sadd.s32 $0x100, s21;
	s21 =	sand.u32 $0xFFFFFF00, s21;
	v15 =	vld [tilespmem:s11+$0x5080]  }
0x127: {  	v23 =	vld.idx.msk [tilespmem:v0+s21+$0x80 ss:$0x1], $0xffff  }
0x128: {  	v2 =	vld.idx.msk [tilespmem:v2+s14+$0x0], $0xffff  }
0x129: {  	s24 =	sand.u32 $0xFFFFFF00, s24;
	s4 =	sand.u32 $0x70, s4;
	v31 =	vld [tilespmem:s3+$0x5000]  }
0x12a: {  	s13 =	sand.u32 $0x70, s13;
	s7 =	sand.u32 $0xFFFFFF00, s7;
	s4 =	sor.u32 s4, s24;
	v24 =	vld.idx.msk [tilespmem:v0+s21+$0x0 ss:$0x1], $0xffff  }
0x12b: {  	s20 =	sand.u32 $0x70, s20;
	s15 =	sand.u32 $0xFFFFFF00, s15;
	s12 =	sor.u32 s13, s7;
	v10 =	vld [tilespmem:s4+$0x5080]  }
0x12c: {  	s8 =	sand.u32 $0x70, s8;
	s16 =	sand.u32 $0xFFFFFF00, s16;
	s13 =	sor.u32 s20, s15;
	v16 =	vld [tilespmem:s12+$0x5080]  }
0x12d: {  	s15 =	sor.u32 s8, s16;
	v18 =	vld [tilespmem:s13+$0x5080];
	v2 =	vmul.f32 v2, v4  }
0x12e: {  	v19 =	vld [tilespmem:s15+$0x5080]  }
0x12f: {  	s22 =	sand.u32 $0x70, s22;
	s23 =	sand.u32 $0xFFFFFF00, s23;
	[tilespmem:v3+s18+$0x0] =	vst.idx.add.f32.msk $0xffff, v2  }
0x130: {  	s10 =	sand.u32 $0x70, s10;
	s2 =	sand.u32 $0xFFFFFF00, s2;
	s23 =	sor.u32 s22, s23;
	v2 =	vld [tilespmem:s3+$0x5080]  }
0x131: {  	s0 =	sand.u32 $0x70, s0;
	s19 =	sand.u32 $0xFFFFFF00, s19;
	s16 =	sor.u32 s10, s2;
	v3 =	vld [tilespmem:s23+$0x5080]  }
0x132: {  	s0 =	sor.u32 s0, s19;
	v20 =	vld [tilespmem:s16+$0x5080]  }
0x133: {  	s20 =	sand.u32 $0xFFFFFF00, s5;
	v21 =	vld [tilespmem:s0+$0x5080]  }
0x134: {  	v22 =	vld.idx.msk [tilespmem:v0+s20+$0x80 ss:$0x1], $0xffff  }
0x135: {  	v25 =	vld.idx.msk [tilespmem:v0+s20+$0x0 ss:$0x1], $0xffff  }
0x136: {  	v11 =	vld.idx.msk [tilespmem:v11+s14+$0x0], $0xffff  }
0x137: {  	v12 =	vld.idx.msk [tilespmem:v12+s14+$0x0], $0xffff  }
0x138: {  	v2 =	vld.idx.msk [tilespmem:v2+s14+$0x0], $0xffff  }
0x139: {  	v3 =	vld.idx.msk [tilespmem:v3+s14+$0x0], $0xffff  }
0x13a: {  	v13 =	vld.idx.msk [tilespmem:v13+s14+$0x0], $0xffff  }
0x13b: {  	v10 =	vld.idx.msk [tilespmem:v10+s14+$0x0], $0xffff  }
0x13c: {  	v4 =	vld [tilespmem:s17+$0xFFFFFFD0]  }
0x13d: {  	v30 =	vmul.f32 v2, v6;
	v2 =	vld.idx.msk [tilespmem:v14+s14+$0x0], $0xffff  }
0x13e: {  	v17 =	vmul.f32 v3, v7;
	v3 =	vld.idx.msk [tilespmem:v15+s14+$0x0], $0xffff  }
0x13f: {  	v6 =	vld.idx.msk [tilespmem:v16+s14+$0x0], $0xffff  }
0x140: {  	v7 =	vld.idx.msk [tilespmem:v18+s14+$0x0], $0xffff  }
0x141: {  	v15 =	vmul.f32 v10, v8;
	v8 =	vld.idx.msk [tilespmem:v19+s14+$0x0], $0xffff  }
0x142: {  	v16 =	vmul.f32 v11, v9;
	v9 =	vld.idx.msk [tilespmem:v20+s14+$0x0], $0xffff  }
0x143: {  	v10 =	vld.idx.msk [tilespmem:v21+s14+$0x0], $0xffff  }
0x144: {  	v11 =	vld.idx.msk [tilespmem:v22+s14+$0x0], $0xffff  }
0x145: {  	v18 =	vmul.f32 v12, v4;
	v4 =	vld.idx.msk [tilespmem:v23+s14+$0x0], $0xffff  }
0x146: {  	v12 =	vld [tilespmem:s17+$0xFFFFFFE0]  }
0x147: {  	v14 =	vld [tilespmem:s17+$0xFFFFFFF0]  }
0x148: {  	v19 =	vld [tilespmem:s17+$0x0]  }
0x149: {  	v20 =	vld [tilespmem:s17+$0x10]  }
0x14a: {  	v21 =	vld [tilespmem:s17+$0x20]  }
0x14b: {  	s7 =	simm.s32 $0xC780;
	v22 =	vld [tilespmem:s0+$0x5000]  }
0x14c: {  	[tilespmem:v31+s7+$0x0] =	vst.idx.add.f32.msk $0xffff, v30  }
0x14d: {  	v4 =	vmul.f32 v4, v5;
	v5 =	vld [tilespmem:s17+$0x30]  }
0x14e: {  	v27 =	vmul.f32 v13, v12;
	v12 =	vld [tilespmem:s17+$0x40]  }
0x14f: {  	v13 =	vmul.f32 v11, v19;
	v11 =	vld [tilespmem:s17+$0x50]  }
0x150: {  	v26 =	vmul.f32 v2, v14;
	v14 =	vld [tilespmem:s17+$0x60]  }
0x151: {  	v2 =	vld [tilespmem:s23+$0x5000]  }
0x152: {  	v29 =	vmul.f32 v3, v20;
	v3 =	vld [tilespmem:s4+$0x5000]  }
0x153: {  	v28 =	vmul.f32 v6, v21;
	v6 =	vld [tilespmem:s26+$0x5000]  }
0x154: {  	v23 =	vmul.f32 v7, v5;
	v5 =	vld [tilespmem:s25+$0x5000]  }
0x155: {  	v21 =	vmul.f32 v8, v12;
	v12 =	vld [tilespmem:s30+$0x5000]  }
0x156: {  	v19 =	vmul.f32 v10, v14;
	v10 =	vld [tilespmem:s9+$0x5000]  }
.Ltmp2:
0x157: {  	v7 =	vld [tilespmem:s11+$0x5000];
	(pc) =	sbr.rel @p0 .LBB2_6-.Ltmp2, $4  }
0x158: {  	v8 =	vld [tilespmem:s12+$0x5000]  }
0x159: {  	v20 =	vmul.f32 v9, v11;
	v11 =	vld [tilespmem:s13+$0x5000]  }
0x15a: {  	s6 =	rddreg [dreg:$0x7];
	v9 =	vld [tilespmem:s15+$0x5000]  }
0x15b: {  	s1 =	simm.s32 $0x0;
	s2 =	rddreg [dreg:$0x6];
	v14 =	vld [tilespmem:s16+$0x5000]  }
0x15c: {  	_ =	sdelay $0x3  }
0x15d: {  	[tilespmem:v2+s7+$0x0] =	vst.idx.add.f32.msk $0xffff, v17  }
0x15e: {  	[tilespmem:v3+s7+$0x0] =	vst.idx.add.f32.msk $0xffff, v15  }
0x15f: {  	[tilespmem:v5+s7+$0x0] =	vst.idx.add.f32.msk $0xffff, v16  }
0x160: {  	[tilespmem:v6+s7+$0x0] =	vst.idx.add.f32.msk $0xffff, v18  }
0x161: {  	[tilespmem:v12+s7+$0x0] =	vst.idx.add.f32.msk $0xffff, v27  }
0x162: {  	[tilespmem:v10+s7+$0x0] =	vst.idx.add.f32.msk $0xffff, v26  }
0x163: {  	[tilespmem:v7+s7+$0x0] =	vst.idx.add.f32.msk $0xffff, v29  }
0x164: {  	[tilespmem:v22+s7+$0x0] =	vst.idx.add.f32.msk $0xffff, v19  }
0x165: {  	[tilespmem:v25+s7+$0x0] =	vst.idx.add.f32.msk $0xffff, v13  }
0x166: {  	[tilespmem:v24+s7+$0x0] =	vst.idx.add.f32.msk $0xffff, v4  }
0x167: {  	[tilespmem:v8+s7+$0x0] =	vst.idx.add.f32.msk $0xffff, v28  }
0x168: {  	[tilespmem:v11+s7+$0x0] =	vst.idx.add.f32.msk $0xffff, v23  }
0x169: {  	[tilespmem:v9+s7+$0x0] =	vst.idx.add.f32.msk $0xffff, v21  }
0x16a: {  	[tilespmem:v14+s7+$0x0] =	vst.idx.add.f32.msk $0xffff, v20  }
0x16b: {  	s0 =	rddreg [dreg:$0xc]  }
0x16c: {  	v2 =	vld [tilespmem:s0+$0x9E80];
	_ =	sdelay $0x5  }
0x16d: {  	v4 =	vld [tilespmem:$0xC700]  }
0x16e: {  	v3 =	vld [tilespmem:s0+$0x9E00]  }
0x16f: {  	v2 =	vld.idx.msk [tilespmem:v2+s1+$0x0], $0xffff;
	_ =	sdelay $0x4  }
0x170: {  	v2 =	vmul.f32 v2, v4  }
0x171: {  	s26 =	simm.s32 $0x80  }
0x172: {  	s2 =	simm.s32 $0x400;
	s6 =	simm.s32 $0x5;
	s25 =	rddreg [dreg:$0xe];
	[tilespmem:v3+s7+$0x0] =	vst.idx.add.f32.msk $0xffff, v2  }
0x173: {  	[spmem:s25] =	stream.strided.scatter [tilespmem:s7], [sflag:$0x5], $0x2800, s2, s26, $0x38;
	[tilespmem:$0x14200] =	vst v63  }
0x174: {  	_ =	swait.ge [sflag:s6], $0x2800  }
0x175: {  	[sflag:s6] =	ssyncset.done $0x0  }
0x176: {  	[sflag:s6] =	ssyncadd.s32 $0xFFFFD800  }
0x177: {  	[bflag:$0x0] =	sbarrier.arrive $0xFFFF  }
0x178: {  	s28 =	rddreg [dreg:$0xd]  }
0x179: {  	s29 =	simm.s32 $0xEF80;
	s30 =	sld [smem:$0x7BE]  }
0x17a: {  	[tilespmem:s29], [sflag:$0x1] =	stream.linear.gather [spmem:s28], $0x80, $0x38;
	[tilespmem:$0x14200] =	vst v63  }
0x17b: {  	s31 =	simm.s32 $0xF380;
	s2 =	sld [smem:$0x7BF]  }
0x17c: {  	[tilespmem:s31], [sflag:$0x1] =	stream.linear.gather [spmem:s30], $0x80, $0x38;
	[tilespmem:$0x14200] =	vst v63  }
0x17d: {  	s3 =	simm.s32 $0xF780;
	s4 =	sld [smem:$0x7C0]  }
0x17e: {  	[tilespmem:s3], [sflag:$0x1] =	stream.linear.gather [spmem:s2], $0x80, $0x38;
	[tilespmem:$0x14200] =	vst v63  }
0x17f: {  	s5 =	simm.s32 $0xFB80;
	s8 =	sld [smem:$0x7C1]  }
0x180: {  	[tilespmem:s5], [sflag:$0x1] =	stream.linear.gather [spmem:s4], $0x80, $0x38;
	[tilespmem:$0x14200] =	vst v63  }
0x181: {  	s9 =	simm.s32 $0xFF80;
	s10 =	rddreg [dreg:$0xf]  }
0x182: {  	[tilespmem:s9], [sflag:$0x1] =	stream.linear.gather [spmem:s8], $0x80, $0x38;
	[tilespmem:$0x14200] =	vst v63  }
0x183: {  	s11 =	simm.s32 $0xF000;
	s12 =	sld [smem:$0x7C2]  }
0x184: {  	[tilespmem:s11], [sflag:$0x1] =	stream.linear.gather [spmem:s10], $0x80, $0x38;
	[tilespmem:$0x14200] =	vst v63  }
0x185: {  	s13 =	simm.s32 $0xF400;
	s15 =	sld [smem:$0x7C3]  }
0x186: {  	[tilespmem:s13], [sflag:$0x1] =	stream.linear.gather [spmem:s12], $0x80, $0x38;
	[tilespmem:$0x14200] =	vst v63  }
0x187: {  	s16 =	simm.s32 $0xF800;
	s17 =	sld [smem:$0x7C4]  }
0x188: {  	[tilespmem:s16], [sflag:$0x1] =	stream.linear.gather [spmem:s15], $0x80, $0x38;
	[tilespmem:$0x14200] =	vst v63  }
0x189: {  	s18 =	simm.s32 $0xFC00;
	s19 =	sld [smem:$0x7C5]  }
0x18a: {  	[tilespmem:s18], [sflag:$0x1] =	stream.linear.gather [spmem:s17], $0x80, $0x38;
	[tilespmem:$0x14200] =	vst v63  }
0x18b: {  	s20 =	simm.s32 $0x10000;
	s21 =	rddreg [dreg:$0x10]  }
0x18c: {  	[tilespmem:s20], [sflag:$0x1] =	stream.linear.gather [spmem:s19], $0x80, $0x38;
	[tilespmem:$0x14200] =	vst v63  }
0x18d: {  	s22 =	simm.s32 $0xF080;
	s23 =	sld [smem:$0x7C6]  }
0x18e: {  	[tilespmem:s22], [sflag:$0x1] =	stream.linear.gather [spmem:s21], $0x80, $0x38;
	[tilespmem:$0x14200] =	vst v63  }
0x18f: {  	s24 =	simm.s32 $0xF480;
	s25 =	sld [smem:$0x7C7]  }
0x190: {  	[tilespmem:s24], [sflag:$0x1] =	stream.linear.gather [spmem:s23], $0x80, $0x38;
	[tilespmem:$0x14200] =	vst v63  }
0x191: {  	s26 =	simm.s32 $0xF880;
	s28 =	sld [smem:$0x7C8]  }
0x192: {  	[tilespmem:s26], [sflag:$0x1] =	stream.linear.gather [spmem:s25], $0x80, $0x38;
	[tilespmem:$0x14200] =	vst v63  }
0x193: {  	s29 =	simm.s32 $0xFC80;
	s30 =	sld [smem:$0x7C9]  }
0x194: {  	[tilespmem:s29], [sflag:$0x1] =	stream.linear.gather [spmem:s28], $0x80, $0x38;
	[tilespmem:$0x14200] =	vst v63  }
0x195: {  	s31 =	simm.s32 $0x10080;
	s2 =	rddreg [dreg:$0x11]  }
0x196: {  	[tilespmem:s31], [sflag:$0x1] =	stream.linear.gather [spmem:s30], $0x80, $0x38;
	[tilespmem:$0x14200] =	vst v63  }
0x197: {  	s3 =	simm.s32 $0xF100;
	s4 =	sld [smem:$0x7CA]  }
0x198: {  	[tilespmem:s3], [sflag:$0x1] =	stream.linear.gather [spmem:s2], $0x80, $0x38;
	[tilespmem:$0x14200] =	vst v63  }
0x199: {  	s5 =	simm.s32 $0xF500;
	s8 =	sld [smem:$0x7CB]  }
0x19a: {  	[tilespmem:s5], [sflag:$0x1] =	stream.linear.gather [spmem:s4], $0x80, $0x38;
	[tilespmem:$0x14200] =	vst v63  }
0x19b: {  	s9 =	simm.s32 $0xF900;
	s10 =	sld [smem:$0x7CC]  }
0x19c: {  	[tilespmem:s9], [sflag:$0x1] =	stream.linear.gather [spmem:s8], $0x80, $0x38;
	[tilespmem:$0x14200] =	vst v63  }
0x19d: {  	s11 =	simm.s32 $0xFD00;
	s12 =	sld [smem:$0x7CD]  }
0x19e: {  	[tilespmem:s11], [sflag:$0x1] =	stream.linear.gather [spmem:s10], $0x80, $0x38;
	[tilespmem:$0x14200] =	vst v63  }
0x19f: {  	s13 =	simm.s32 $0x10100;
	s15 =	rddreg [dreg:$0x12]  }
0x1a0: {  	[tilespmem:s13], [sflag:$0x1] =	stream.linear.gather [spmem:s12], $0x80, $0x38;
	[tilespmem:$0x14200] =	vst v63  }
0x1a1: {  	s16 =	simm.s32 $0xF180;
	s17 =	sld [smem:$0x7CE]  }
0x1a2: {  	[tilespmem:s16], [sflag:$0x1] =	stream.linear.gather [spmem:s15], $0x80, $0x38;
	[tilespmem:$0x14200] =	vst v63  }
0x1a3: {  	s18 =	simm.s32 $0xF580;
	s19 =	sld [smem:$0x7CF]  }
0x1a4: {  	[tilespmem:s18], [sflag:$0x1] =	stream.linear.gather [spmem:s17], $0x80, $0x38;
	[tilespmem:$0x14200] =	vst v63  }
0x1a5: {  	s20 =	simm.s32 $0xF980;
	s21 =	sld [smem:$0x7D0]  }
0x1a6: {  	[tilespmem:s20], [sflag:$0x1] =	stream.linear.gather [spmem:s19], $0x80, $0x38;
	[tilespmem:$0x14200] =	vst v63  }
0x1a7: {  	s22 =	simm.s32 $0xFD80;
	s23 =	sld [smem:$0x7D1]  }
0x1a8: {  	[tilespmem:s22], [sflag:$0x1] =	stream.linear.gather [spmem:s21], $0x80, $0x38;
	[tilespmem:$0x14200] =	vst v63  }
0x1a9: {  	s24 =	simm.s32 $0x10180;
	s25 =	rddreg [dreg:$0x13]  }
0x1aa: {  	[tilespmem:s24], [sflag:$0x1] =	stream.linear.gather [spmem:s23], $0x80, $0x38;
	[tilespmem:$0x14200] =	vst v63  }
0x1ab: {  	s26 =	simm.s32 $0xF200;
	s28 =	sld [smem:$0x7D2]  }
0x1ac: {  	[tilespmem:s26], [sflag:$0x1] =	stream.linear.gather [spmem:s25], $0x80, $0x38;
	[tilespmem:$0x14200] =	vst v63  }
0x1ad: {  	s29 =	simm.s32 $0xF600;
	s30 =	sld [smem:$0x7D3]  }
0x1ae: {  	[tilespmem:s29], [sflag:$0x1] =	stream.linear.gather [spmem:s28], $0x80, $0x38;
	[tilespmem:$0x14200] =	vst v63  }
0x1af: {  	s31 =	simm.s32 $0xFA00;
	s2 =	sld [smem:$0x7D4]  }
0x1b0: {  	[tilespmem:s31], [sflag:$0x1] =	stream.linear.gather [spmem:s30], $0x80, $0x38;
	[tilespmem:$0x14200] =	vst v63  }
0x1b1: {  	s3 =	simm.s32 $0xFE00;
	s4 =	sld [smem:$0x7D5]  }
0x1b2: {  	[tilespmem:s3], [sflag:$0x1] =	stream.linear.gather [spmem:s2], $0x80, $0x38;
	[tilespmem:$0x14200] =	vst v63  }
0x1b3: {  	s5 =	simm.s32 $0x10200;
	s8 =	rddreg [dreg:$0x14]  }
0x1b4: {  	[tilespmem:s5], [sflag:$0x1] =	stream.linear.gather [spmem:s4], $0x80, $0x38;
	[tilespmem:$0x14200] =	vst v63  }
0x1b5: {  	s9 =	simm.s32 $0xF280;
	s10 =	sld [smem:$0x7D6]  }
0x1b6: {  	[tilespmem:s9], [sflag:$0x1] =	stream.linear.gather [spmem:s8], $0x80, $0x38;
	[tilespmem:$0x14200] =	vst v63  }
0x1b7: {  	s11 =	simm.s32 $0xF680;
	s12 =	sld [smem:$0x7D7]  }
0x1b8: {  	[tilespmem:s11], [sflag:$0x1] =	stream.linear.gather [spmem:s10], $0x80, $0x38;
	[tilespmem:$0x14200] =	vst v63  }
0x1b9: {  	s13 =	simm.s32 $0xFA80;
	s15 =	sld [smem:$0x7D8]  }
0x1ba: {  	[tilespmem:s13], [sflag:$0x1] =	stream.linear.gather [spmem:s12], $0x80, $0x38;
	[tilespmem:$0x14200] =	vst v63  }
0x1bb: {  	s16 =	simm.s32 $0xFE80;
	s17 =	sld [smem:$0x7D9]  }
0x1bc: {  	[tilespmem:s16], [sflag:$0x1] =	stream.linear.gather [spmem:s15], $0x80, $0x38;
	[tilespmem:$0x14200] =	vst v63  }
0x1bd: {  	s18 =	simm.s32 $0x10280;
	s19 =	rddreg [dreg:$0x15]  }
0x1be: {  	[tilespmem:s18], [sflag:$0x1] =	stream.linear.gather [spmem:s17], $0x80, $0x38;
	[tilespmem:$0x14200] =	vst v63  }
0x1bf: {  	s20 =	simm.s32 $0xF300;
	s21 =	sld [smem:$0x7DA]  }
0x1c0: {  	[tilespmem:s20], [sflag:$0x1] =	stream.linear.gather [spmem:s19], $0x80, $0x38;
	[tilespmem:$0x14200] =	vst v63  }
0x1c1: {  	s22 =	simm.s32 $0xF700;
	s23 =	sld [smem:$0x7DB]  }
0x1c2: {  	[tilespmem:s22], [sflag:$0x1] =	stream.linear.gather [spmem:s21], $0x80, $0x38;
	[tilespmem:$0x14200] =	vst v63  }
0x1c3: {  	s24 =	simm.s32 $0xFB00;
	s25 =	sld [smem:$0x7DC]  }
0x1c4: {  	[tilespmem:s24], [sflag:$0x1] =	stream.linear.gather [spmem:s23], $0x80, $0x38;
	[tilespmem:$0x14200] =	vst v63  }
0x1c5: {  	s26 =	simm.s32 $0xFF00;
	s28 =	sld [smem:$0x7DD]  }
0x1c6: {  	[tilespmem:s26], [sflag:$0x1] =	stream.linear.gather [spmem:s25], $0x80, $0x38;
	[tilespmem:$0x14200] =	vst v63  }
0x1c7: {  	s29 =	simm.s32 $0x10300;
	s30 =	rddreg [dreg:$0x16]  }
0x1c8: {  	[tilespmem:s29], [sflag:$0x1] =	stream.linear.gather [spmem:s28], $0x80, $0x38;
	[tilespmem:$0x14200] =	vst v63  }
0x1c9: {  	s31 =	simm.s32 $0x10380;
	s2 =	sld [smem:$0x7DE]  }
0x1ca: {  	[tilespmem:s31], [sflag:$0x1] =	stream.linear.gather [spmem:s30], $0x80, $0x38;
	[tilespmem:$0x14200] =	vst v63  }
0x1cb: {  	s3 =	simm.s32 $0x10780;
	s4 =	sld [smem:$0x7DF]  }
0x1cc: {  	[tilespmem:s3], [sflag:$0x1] =	stream.linear.gather [spmem:s2], $0x80, $0x38;
	[tilespmem:$0x14200] =	vst v63  }
0x1cd: {  	s5 =	simm.s32 $0x10B80;
	s8 =	sld [smem:$0x7E0]  }
0x1ce: {  	[tilespmem:s5], [sflag:$0x1] =	stream.linear.gather [spmem:s4], $0x80, $0x38;
	[tilespmem:$0x14200] =	vst v63  }
0x1cf: {  	s9 =	simm.s32 $0x10F80;
	s10 =	sld [smem:$0x7E1]  }
0x1d0: {  	[tilespmem:s9], [sflag:$0x1] =	stream.linear.gather [spmem:s8], $0x80, $0x38;
	[tilespmem:$0x14200] =	vst v63  }
0x1d1: {  	s11 =	simm.s32 $0x11380;
	s12 =	rddreg [dreg:$0x17]  }
0x1d2: {  	[tilespmem:s11], [sflag:$0x1] =	stream.linear.gather [spmem:s10], $0x80, $0x38;
	[tilespmem:$0x14200] =	vst v63  }
0x1d3: {  	s13 =	simm.s32 $0x10400;
	s15 =	sld [smem:$0x7E2]  }
0x1d4: {  	[tilespmem:s13], [sflag:$0x1] =	stream.linear.gather [spmem:s12], $0x80, $0x38;
	[tilespmem:$0x14200] =	vst v63  }
0x1d5: {  	s16 =	simm.s32 $0x10800;
	s17 =	sld [smem:$0x7E3]  }
0x1d6: {  	[tilespmem:s16], [sflag:$0x1] =	stream.linear.gather [spmem:s15], $0x80, $0x38;
	[tilespmem:$0x14200] =	vst v63  }
0x1d7: {  	s18 =	simm.s32 $0x10C00;
	s19 =	sld [smem:$0x7E4]  }
0x1d8: {  	[tilespmem:s18], [sflag:$0x1] =	stream.linear.gather [spmem:s17], $0x80, $0x38;
	[tilespmem:$0x14200] =	vst v63  }
0x1d9: {  	s20 =	simm.s32 $0x11000;
	s21 =	sld [smem:$0x7E5]  }
0x1da: {  	[tilespmem:s20], [sflag:$0x1] =	stream.linear.gather [spmem:s19], $0x80, $0x38;
	[tilespmem:$0x14200] =	vst v63  }
0x1db: {  	s22 =	simm.s32 $0x11400;
	s23 =	rddreg [dreg:$0x19]  }
0x1dc: {  	[tilespmem:s22], [sflag:$0x1] =	stream.linear.gather [spmem:s21], $0x80, $0x38;
	[tilespmem:$0x14200] =	vst v63  }
0x1dd: {  	s24 =	simm.s32 $0x10480;
	s25 =	sld [smem:$0x7E6]  }
0x1de: {  	[tilespmem:s24], [sflag:$0x1] =	stream.linear.gather [spmem:s23], $0x80, $0x38;
	[tilespmem:$0x14200] =	vst v63  }
0x1df: {  	s26 =	simm.s32 $0x10880;
	s28 =	sld [smem:$0x7E7]  }
0x1e0: {  	[tilespmem:s26], [sflag:$0x1] =	stream.linear.gather [spmem:s25], $0x80, $0x38;
	[tilespmem:$0x14200] =	vst v63  }
0x1e1: {  	s29 =	simm.s32 $0x10C80;
	s30 =	sld [smem:$0x7E8]  }
0x1e2: {  	[tilespmem:s29], [sflag:$0x1] =	stream.linear.gather [spmem:s28], $0x80, $0x38;
	[tilespmem:$0x14200] =	vst v63  }
0x1e3: {  	s31 =	simm.s32 $0x11080;
	s2 =	sld [smem:$0x7E9]  }
0x1e4: {  	[tilespmem:s31], [sflag:$0x1] =	stream.linear.gather [spmem:s30], $0x80, $0x38;
	[tilespmem:$0x14200] =	vst v63  }
0x1e5: {  	s3 =	simm.s32 $0x11480;
	s4 =	rddreg [dreg:$0x1a]  }
0x1e6: {  	[tilespmem:s3], [sflag:$0x1] =	stream.linear.gather [spmem:s2], $0x80, $0x38;
	[tilespmem:$0x14200] =	vst v63  }
0x1e7: {  	s5 =	simm.s32 $0x10500;
	s8 =	sld [smem:$0x7EA]  }
0x1e8: {  	[tilespmem:s5], [sflag:$0x1] =	stream.linear.gather [spmem:s4], $0x80, $0x38;
	[tilespmem:$0x14200] =	vst v63  }
0x1e9: {  	s9 =	simm.s32 $0x10900;
	s10 =	sld [smem:$0x7EB]  }
0x1ea: {  	[tilespmem:s9], [sflag:$0x1] =	stream.linear.gather [spmem:s8], $0x80, $0x38;
	[tilespmem:$0x14200] =	vst v63  }
0x1eb: {  	s11 =	simm.s32 $0x10D00;
	s12 =	sld [smem:$0x7EC]  }
0x1ec: {  	[tilespmem:s11], [sflag:$0x1] =	stream.linear.gather [spmem:s10], $0x80, $0x38;
	[tilespmem:$0x14200] =	vst v63  }
0x1ed: {  	s13 =	simm.s32 $0x11100;
	s15 =	sld [smem:$0x7ED]  }
0x1ee: {  	[tilespmem:s13], [sflag:$0x1] =	stream.linear.gather [spmem:s12], $0x80, $0x38;
	[tilespmem:$0x14200] =	vst v63  }
0x1ef: {  	s16 =	simm.s32 $0x11500;
	s17 =	rddreg [dreg:$0x1b]  }
0x1f0: {  	[tilespmem:s16], [sflag:$0x1] =	stream.linear.gather [spmem:s15], $0x80, $0x38;
	[tilespmem:$0x14200] =	vst v63  }
0x1f1: {  	s18 =	simm.s32 $0x10580;
	s19 =	sld [smem:$0x7EE]  }
0x1f2: {  	[tilespmem:s18], [sflag:$0x1] =	stream.linear.gather [spmem:s17], $0x80, $0x38;
	[tilespmem:$0x14200] =	vst v63  }
0x1f3: {  	s20 =	simm.s32 $0x10980;
	s21 =	sld [smem:$0x7EF]  }
0x1f4: {  	[tilespmem:s20], [sflag:$0x1] =	stream.linear.gather [spmem:s19], $0x80, $0x38;
	[tilespmem:$0x14200] =	vst v63  }
0x1f5: {  	s22 =	simm.s32 $0x10D80;
	s23 =	sld [smem:$0x7F0]  }
0x1f6: {  	[tilespmem:s22], [sflag:$0x1] =	stream.linear.gather [spmem:s21], $0x80, $0x38;
	[tilespmem:$0x14200] =	vst v63  }
0x1f7: {  	s24 =	simm.s32 $0x11180;
	s25 =	sld [smem:$0x7F1]  }
0x1f8: {  	[tilespmem:s24], [sflag:$0x1] =	stream.linear.gather [spmem:s23], $0x80, $0x38;
	[tilespmem:$0x14200] =	vst v63  }
0x1f9: {  	s26 =	simm.s32 $0x11580;
	s28 =	rddreg [dreg:$0x1e]  }
0x1fa: {  	[tilespmem:s26], [sflag:$0x1] =	stream.linear.gather [spmem:s25], $0x80, $0x38;
	[tilespmem:$0x14200] =	vst v63  }
0x1fb: {  	s29 =	simm.s32 $0x10600;
	s30 =	sld [smem:$0x7F2]  }
0x1fc: {  	[tilespmem:s29], [sflag:$0x1] =	stream.linear.gather [spmem:s28], $0x80, $0x38;
	[tilespmem:$0x14200] =	vst v63  }
0x1fd: {  	s31 =	simm.s32 $0x10A00;
	s2 =	sld [smem:$0x7F3]  }
0x1fe: {  	[tilespmem:s31], [sflag:$0x1] =	stream.linear.gather [spmem:s30], $0x80, $0x38;
	[tilespmem:$0x14200] =	vst v63  }
0x1ff: {  	s3 =	simm.s32 $0x10E00;
	s4 =	sld [smem:$0x7F4]  }
0x200: {  	[tilespmem:s3], [sflag:$0x1] =	stream.linear.gather [spmem:s2], $0x80, $0x38;
	[tilespmem:$0x14200] =	vst v63  }
0x201: {  	s5 =	simm.s32 $0x11200;
	s8 =	sld [smem:$0x7F5]  }
0x202: {  	[tilespmem:s5], [sflag:$0x1] =	stream.linear.gather [spmem:s4], $0x80, $0x38;
	[tilespmem:$0x14200] =	vst v63  }
0x203: {  	s9 =	simm.s32 $0x11600;
	s10 =	rddreg [dreg:$0x1f]  }
0x204: {  	[tilespmem:s9], [sflag:$0x1] =	stream.linear.gather [spmem:s8], $0x80, $0x38;
	[tilespmem:$0x14200] =	vst v63  }
0x205: {  	s11 =	simm.s32 $0x10680;
	s12 =	sld [smem:$0x7F6]  }
0x206: {  	[tilespmem:s11], [sflag:$0x1] =	stream.linear.gather [spmem:s10], $0x80, $0x38;
	[tilespmem:$0x14200] =	vst v63  }
0x207: {  	s13 =	simm.s32 $0x10A80;
	s15 =	sld [smem:$0x7F7]  }
0x208: {  	[tilespmem:s13], [sflag:$0x1] =	stream.linear.gather [spmem:s12], $0x80, $0x38;
	[tilespmem:$0x14200] =	vst v63  }
0x209: {  	s16 =	simm.s32 $0x10E80;
	s17 =	sld [smem:$0x7F8]  }
0x20a: {  	[tilespmem:s16], [sflag:$0x1] =	stream.linear.gather [spmem:s15], $0x80, $0x38;
	[tilespmem:$0x14200] =	vst v63  }
0x20b: {  	s18 =	simm.s32 $0x11280;
	s19 =	sld [smem:$0x7F9]  }
0x20c: {  	[tilespmem:s18], [sflag:$0x1] =	stream.linear.gather [spmem:s17], $0x80, $0x38;
	[tilespmem:$0x14200] =	vst v63  }
0x20d: {  	s20 =	simm.s32 $0x11680;
	s21 =	sld [smem:$0x7BD]  }
0x20e: {  	[tilespmem:s20], [sflag:$0x1] =	stream.linear.gather [spmem:s19], $0x80, $0x38;
	[tilespmem:$0x14200] =	vst v63  }
0x20f: {  	s22 =	simm.s32 $0x10700;
	s23 =	sld [smem:$0x7FA]  }
0x210: {  	[tilespmem:s22], [sflag:$0x1] =	stream.linear.gather [spmem:s21], $0x80, $0x38;
	[tilespmem:$0x14200] =	vst v63  }
0x211: {  	s24 =	simm.s32 $0x10B00;
	s25 =	sld [smem:$0x7FB]  }
0x212: {  	[tilespmem:s24], [sflag:$0x1] =	stream.linear.gather [spmem:s23], $0x80, $0x38;
	[tilespmem:$0x14200] =	vst v63  }
0x213: {  	s26 =	simm.s32 $0x10F00;
	s28 =	sld [smem:$0x7FC]  }
0x214: {  	[tilespmem:s26], [sflag:$0x1] =	stream.linear.gather [spmem:s25], $0x80, $0x38;
	[tilespmem:$0x14200] =	vst v63  }
0x215: {  	s29 =	simm.s32 $0x11300;
	s30 =	sld [smem:$0x7FD]  }
0x216: {  	[tilespmem:s29], [sflag:$0x1] =	stream.linear.gather [spmem:s28], $0x80, $0x38;
	[tilespmem:$0x14200] =	vst v63  }
0x217: {  	s0 =	simm.s32 $0x117C0;
	s31 =	simm.s32 $0x11700  }
0x218: {  	[tilespmem:s31], [sflag:$0x1] =	stream.linear.gather [spmem:s30], $0x80, $0x38;
	[tilespmem:$0x14200] =	vst v63  }
0x219: {  	[tilespmem:s0+$0xFFFFFFC0] =	vst v1  }
0x21a: {  	[tilespmem:s0+$0x30] =	vst v1  }
0x21b: {  	[tilespmem:s0+$0x20] =	vst v1  }
0x21c: {  	[tilespmem:s0+$0x10] =	vst v1  }
0x21d: {  	[tilespmem:s0+$0x0] =	vst v1  }
0x21e: {  	[tilespmem:s0+$0xFFFFFFF0] =	vst v1  }
0x21f: {  	s1 =	simm.s32 $0x0;
	s2 =	simm.s32 $0x0;
	s5 =	simm.s32 $0x1;
	[tilespmem:s0+$0xFFFFFFE0] =	vst v1  }
.LBB2_8:
0x220: {  	s1 =	sadd.s32 $0x80, s1;
	[tilespmem:s0+$0xFFFFFFD0] =	vst v1;
	s0 =	sadd.s32 $0x80, s0  }
0x221: {  	[tilespmem:s0+$0xFFFFFFC0] =	vst v1;
	p0 =	slt.u32 s1, $0x200  }
0x222: {  	[tilespmem:s0+$0x30] =	vst v1  }
.Ltmp3:
0x223: {  	[tilespmem:s0+$0x20] =	vst v1;
	(pc) =	sbr.rel @p0 .LBB2_8-.Ltmp3, $4  }
0x224: {  	[tilespmem:s0+$0x10] =	vst v1  }
0x225: {  	[tilespmem:s0+$0x0] =	vst v1  }
0x226: {  	[tilespmem:s0+$0xFFFFFFF0] =	vst v1  }
0x227: {  	[tilespmem:s0+$0xFFFFFFE0] =	vst v1  }
0x228: {  	[tilespmem:s0+$0xFFFFFFD0] =	vst v1  }
0x229: {  	_ =	swait.ge [sflag:s5], $0x280  }
0x22a: {  	[sflag:s5] =	ssyncset.done $0x0  }
0x22b: {  	s0 =	simm.s32 $0x117C0;
	[sflag:s5] =	ssyncadd.s32 $0xFFFFFD80  }
0x22c: {  	s1 =	simm.s32 $0xEFC0;
	v3 =	vld [tilespmem:s0+$0x30]  }
0x22d: {  	v4 =	vld [tilespmem:s1+$0x30]  }
0x22e: {  	v2 =	vld [tilespmem:s1+$0xFFFFFFC0]  }
0x22f: {  	v5 =	vld [tilespmem:s0+$0xFFFFFFD0]  }
0x230: {  	v6 =	vld [tilespmem:s1+$0xFFFFFFD0]  }
0x231: {  	v7 =	vld [tilespmem:s0+$0xFFFFFFE0]  }
0x232: {  	v8 =	vld [tilespmem:s1+$0xFFFFFFE0]  }
0x233: {  	v9 =	vld [tilespmem:s0+$0xFFFFFFF0]  }
0x234: {  	v10 =	vld [tilespmem:s1+$0xFFFFFFF0]  }
0x235: {  	v11 =	vld [tilespmem:s0+$0x0]  }
0x236: {  	v12 =	vld [tilespmem:s1+$0x0];
	v4 =	vadd.f32 v4, v3  }
0x237: {  	v6 =	vadd.f32 v6, v5;
	v3 =	vld [tilespmem:s0+$0x10]  }
0x238: {  	v7 =	vadd.f32 v8, v7;
	v5 =	vld [tilespmem:s1+$0x10];
	[tilespmem:s0+$0x30] =	vst v4  }
0x239: {  	v8 =	vadd.f32 v10, v9;
	[tilespmem:s0+$0xFFFFFFD0] =	vst v6;
	v4 =	vld [tilespmem:s0+$0x20]  }
0x23a: {  	[tilespmem:s0+$0xFFFFFFE0] =	vst v7;
	v7 =	vld [tilespmem:s1+$0x20]  }
0x23b: {  	s3 =	simm.s32 $0x0;
	s4 =	simm.s32 $0x11840;
	v6 =	vld [tilespmem:s0+$0xFFFFFFC0];
	[tilespmem:s0+$0xFFFFFFF0] =	vst v8;
	v8 =	vadd.f32 v12, v11  }
.LBB2_10:
0x23c: {  	v9 =	vld [tilespmem:s4+$0x30];
	s1 =	sadd.s32 $0x400, s1  }
0x23d: {  	s3 =	sadd.s32 $0x80, s3;
	v10 =	vld [tilespmem:s1+$0x30];
	[tilespmem:s0+$0x0] =	vst v8;
	v3 =	vadd.f32 v5, v3  }
0x23e: {  	p0 =	slt.u32 s3, $0x200;
	v5 =	vld [tilespmem:s1+$0xFFFFFFC0]  }
0x23f: {  	v8 =	vld [tilespmem:s4+$0xFFFFFFD0];
	[tilespmem:s0+$0x10] =	vst v3;
	v3 =	vadd.f32 v7, v4  }
0x240: {  	v4 =	vld [tilespmem:s1+$0xFFFFFFD0];
	v11 =	vadd.f32 v2, v6  }
0x241: {  	v6 =	vld [tilespmem:s4+$0xFFFFFFE0];
	[tilespmem:s0+$0x20] =	vst v3  }
0x242: {  	v3 =	vld [tilespmem:s1+$0xFFFFFFE0];
	v7 =	vadd.f32 v10, v9;
	[tilespmem:s0+$0xFFFFFFC0] =	vst v11;
	s0 =	smov.u32 s4  }
0x243: {  	v9 =	vld [tilespmem:s4+$0xFFFFFFF0];
	v2 =	vmov v5  }
0x244: {  	v10 =	vld [tilespmem:s1+$0xFFFFFFF0];
	[tilespmem:s4+$0x30] =	vst v7  }
0x245: {  	v4 =	vadd.f32 v4, v8;
	v8 =	vld [tilespmem:s4+$0x0]  }
0x246: {  	v11 =	vld [tilespmem:s1+$0x0]  }
.Ltmp4:
0x247: {  	[tilespmem:s4+$0xFFFFFFD0] =	vst v4;
	v4 =	vadd.f32 v3, v6;
	v3 =	vld [tilespmem:s4+$0x10];
	(pc) =	sbr.rel @p0 .LBB2_10-.Ltmp4, $4  }
0x248: {  	v5 =	vld [tilespmem:s1+$0x10]  }
0x249: {  	[tilespmem:s4+$0xFFFFFFE0] =	vst v4;
	v9 =	vadd.f32 v10, v9;
	v4 =	vld [tilespmem:s4+$0x20]  }
0x24a: {  	v7 =	vld [tilespmem:s1+$0x20]  }
0x24b: {  	s4 =	sadd.s32 $0x80, s4;
	v6 =	vld [tilespmem:s0+$0xFFFFFFC0];
	[tilespmem:s0+$0xFFFFFFF0] =	vst v9;
	v8 =	vadd.f32 v11, v8  }
0x24c: {  	_ =	sdelay $0x1  }
0x24d: {  	v3 =	vadd.f32 v5, v3  }
0x24e: {  	[tilespmem:s0+$0x0] =	vst v8;
	v4 =	vadd.f32 v7, v4  }
0x24f: {  	[tilespmem:s0+$0x10] =	vst v3;
	v2 =	vadd.f32 v2, v6  }
0x250: {  	[tilespmem:s0+$0x20] =	vst v4  }
0x251: {  	[tilespmem:s0+$0xFFFFFFC0] =	vst v2  }
0x252: {  	_ =	swait.ge [sflag:s5], $0x280  }
0x253: {  	[sflag:s5] =	ssyncset.done $0x0  }
0x254: {  	s0 =	simm.s32 $0x117C0;
	[sflag:s5] =	ssyncadd.s32 $0xFFFFFD80  }
0x255: {  	s1 =	simm.s32 $0xF070;
	v3 =	vld [tilespmem:s0+$0x30]  }
0x256: {  	v4 =	vld [tilespmem:s1+$0x0]  }
0x257: {  	v2 =	vld [tilespmem:s1+$0xFFFFFF90]  }
0x258: {  	v5 =	vld [tilespmem:s0+$0xFFFFFFD0]  }
0x259: {  	v6 =	vld [tilespmem:s1+$0xFFFFFFA0]  }
0x25a: {  	v7 =	vld [tilespmem:s0+$0xFFFFFFE0]  }
0x25b: {  	v8 =	vld [tilespmem:s1+$0xFFFFFFB0]  }
0x25c: {  	v9 =	vld [tilespmem:s0+$0xFFFFFFF0]  }
0x25d: {  	v10 =	vld [tilespmem:s1+$0xFFFFFFC0]  }
0x25e: {  	v11 =	vld [tilespmem:s0+$0x0]  }
0x25f: {  	v12 =	vld [tilespmem:s1+$0xFFFFFFD0];
	v4 =	vadd.f32 v4, v3  }
0x260: {  	v6 =	vadd.f32 v6, v5;
	v3 =	vld [tilespmem:s0+$0x10]  }
0x261: {  	v7 =	vadd.f32 v8, v7;
	v5 =	vld [tilespmem:s1+$0xFFFFFFE0];
	[tilespmem:s0+$0x30] =	vst v4  }
0x262: {  	v8 =	vadd.f32 v10, v9;
	[tilespmem:s0+$0xFFFFFFD0] =	vst v6;
	v4 =	vld [tilespmem:s0+$0x20]  }
0x263: {  	[tilespmem:s0+$0xFFFFFFE0] =	vst v7;
	v7 =	vld [tilespmem:s1+$0xFFFFFFF0]  }
0x264: {  	s3 =	simm.s32 $0x0;
	s4 =	simm.s32 $0x11840;
	v6 =	vld [tilespmem:s0+$0xFFFFFFC0];
	[tilespmem:s0+$0xFFFFFFF0] =	vst v8;
	v8 =	vadd.f32 v12, v11  }
.LBB2_12:
0x265: {  	v9 =	vld [tilespmem:s4+$0x30];
	s1 =	sadd.s32 $0x400, s1  }
0x266: {  	s3 =	sadd.s32 $0x80, s3;
	v10 =	vld [tilespmem:s1+$0x0];
	[tilespmem:s0+$0x0] =	vst v8;
	v3 =	vadd.f32 v5, v3  }
0x267: {  	p0 =	slt.u32 s3, $0x200;
	v5 =	vld [tilespmem:s1+$0xFFFFFF90]  }
0x268: {  	v8 =	vld [tilespmem:s4+$0xFFFFFFD0];
	[tilespmem:s0+$0x10] =	vst v3;
	v3 =	vadd.f32 v7, v4  }
0x269: {  	v4 =	vld [tilespmem:s1+$0xFFFFFFA0];
	v11 =	vadd.f32 v2, v6  }
0x26a: {  	v6 =	vld [tilespmem:s4+$0xFFFFFFE0];
	[tilespmem:s0+$0x20] =	vst v3  }
0x26b: {  	v3 =	vld [tilespmem:s1+$0xFFFFFFB0];
	v7 =	vadd.f32 v10, v9;
	[tilespmem:s0+$0xFFFFFFC0] =	vst v11;
	s0 =	smov.u32 s4  }
0x26c: {  	v9 =	vld [tilespmem:s4+$0xFFFFFFF0];
	v2 =	vmov v5  }
0x26d: {  	v10 =	vld [tilespmem:s1+$0xFFFFFFC0];
	[tilespmem:s4+$0x30] =	vst v7  }
0x26e: {  	v4 =	vadd.f32 v4, v8;
	v8 =	vld [tilespmem:s4+$0x0]  }
0x26f: {  	v11 =	vld [tilespmem:s1+$0xFFFFFFD0]  }
.Ltmp5:
0x270: {  	[tilespmem:s4+$0xFFFFFFD0] =	vst v4;
	v4 =	vadd.f32 v3, v6;
	v3 =	vld [tilespmem:s4+$0x10];
	(pc) =	sbr.rel @p0 .LBB2_12-.Ltmp5, $4  }
0x271: {  	v5 =	vld [tilespmem:s1+$0xFFFFFFE0]  }
0x272: {  	[tilespmem:s4+$0xFFFFFFE0] =	vst v4;
	v9 =	vadd.f32 v10, v9;
	v4 =	vld [tilespmem:s4+$0x20]  }
0x273: {  	v7 =	vld [tilespmem:s1+$0xFFFFFFF0]  }
0x274: {  	s4 =	sadd.s32 $0x80, s4;
	v6 =	vld [tilespmem:s0+$0xFFFFFFC0];
	[tilespmem:s0+$0xFFFFFFF0] =	vst v9;
	v8 =	vadd.f32 v11, v8  }
0x275: {  	_ =	sdelay $0x1  }
0x276: {  	v3 =	vadd.f32 v5, v3  }
0x277: {  	[tilespmem:s0+$0x0] =	vst v8;
	v4 =	vadd.f32 v7, v4  }
0x278: {  	[tilespmem:s0+$0x10] =	vst v3;
	v2 =	vadd.f32 v2, v6  }
0x279: {  	[tilespmem:s0+$0x20] =	vst v4  }
0x27a: {  	[tilespmem:s0+$0xFFFFFFC0] =	vst v2  }
0x27b: {  	_ =	swait.ge [sflag:s5], $0x280  }
0x27c: {  	[sflag:s5] =	ssyncset.done $0x0  }
0x27d: {  	s0 =	simm.s32 $0x117C0;
	[sflag:s5] =	ssyncadd.s32 $0xFFFFFD80  }
0x27e: {  	s1 =	simm.s32 $0xF0F0;
	v3 =	vld [tilespmem:s0+$0x30]  }
0x27f: {  	v4 =	vld [tilespmem:s1+$0x0]  }
0x280: {  	v2 =	vld [tilespmem:s1+$0xFFFFFF90]  }
0x281: {  	v5 =	vld [tilespmem:s0+$0xFFFFFFD0]  }
0x282: {  	v6 =	vld [tilespmem:s1+$0xFFFFFFA0]  }
0x283: {  	v7 =	vld [tilespmem:s0+$0xFFFFFFE0]  }
0x284: {  	v8 =	vld [tilespmem:s1+$0xFFFFFFB0]  }
0x285: {  	v9 =	vld [tilespmem:s0+$0xFFFFFFF0]  }
0x286: {  	v10 =	vld [tilespmem:s1+$0xFFFFFFC0]  }
0x287: {  	v11 =	vld [tilespmem:s0+$0x0]  }
0x288: {  	v12 =	vld [tilespmem:s1+$0xFFFFFFD0];
	v4 =	vadd.f32 v4, v3  }
0x289: {  	v6 =	vadd.f32 v6, v5;
	v3 =	vld [tilespmem:s0+$0x10]  }
0x28a: {  	v7 =	vadd.f32 v8, v7;
	v5 =	vld [tilespmem:s1+$0xFFFFFFE0];
	[tilespmem:s0+$0x30] =	vst v4  }
0x28b: {  	v8 =	vadd.f32 v10, v9;
	[tilespmem:s0+$0xFFFFFFD0] =	vst v6;
	v4 =	vld [tilespmem:s0+$0x20]  }
0x28c: {  	[tilespmem:s0+$0xFFFFFFE0] =	vst v7;
	v7 =	vld [tilespmem:s1+$0xFFFFFFF0]  }
0x28d: {  	s3 =	simm.s32 $0x0;
	s4 =	simm.s32 $0x11840;
	v6 =	vld [tilespmem:s0+$0xFFFFFFC0];
	[tilespmem:s0+$0xFFFFFFF0] =	vst v8;
	v8 =	vadd.f32 v12, v11  }
.LBB2_14:
0x28e: {  	v9 =	vld [tilespmem:s4+$0x30];
	s1 =	sadd.s32 $0x400, s1  }
0x28f: {  	s3 =	sadd.s32 $0x80, s3;
	v10 =	vld [tilespmem:s1+$0x0];
	[tilespmem:s0+$0x0] =	vst v8;
	v3 =	vadd.f32 v5, v3  }
0x290: {  	p0 =	slt.u32 s3, $0x200;
	v5 =	vld [tilespmem:s1+$0xFFFFFF90]  }
0x291: {  	v8 =	vld [tilespmem:s4+$0xFFFFFFD0];
	[tilespmem:s0+$0x10] =	vst v3;
	v3 =	vadd.f32 v7, v4  }
0x292: {  	v4 =	vld [tilespmem:s1+$0xFFFFFFA0];
	v11 =	vadd.f32 v2, v6  }
0x293: {  	v6 =	vld [tilespmem:s4+$0xFFFFFFE0];
	[tilespmem:s0+$0x20] =	vst v3  }
0x294: {  	v3 =	vld [tilespmem:s1+$0xFFFFFFB0];
	v7 =	vadd.f32 v10, v9;
	[tilespmem:s0+$0xFFFFFFC0] =	vst v11;
	s0 =	smov.u32 s4  }
0x295: {  	v9 =	vld [tilespmem:s4+$0xFFFFFFF0];
	v2 =	vmov v5  }
0x296: {  	v10 =	vld [tilespmem:s1+$0xFFFFFFC0];
	[tilespmem:s4+$0x30] =	vst v7  }
0x297: {  	v4 =	vadd.f32 v4, v8;
	v8 =	vld [tilespmem:s4+$0x0]  }
0x298: {  	v11 =	vld [tilespmem:s1+$0xFFFFFFD0]  }
.Ltmp6:
0x299: {  	[tilespmem:s4+$0xFFFFFFD0] =	vst v4;
	v4 =	vadd.f32 v3, v6;
	v3 =	vld [tilespmem:s4+$0x10];
	(pc) =	sbr.rel @p0 .LBB2_14-.Ltmp6, $4  }
0x29a: {  	v5 =	vld [tilespmem:s1+$0xFFFFFFE0]  }
0x29b: {  	[tilespmem:s4+$0xFFFFFFE0] =	vst v4;
	v9 =	vadd.f32 v10, v9;
	v4 =	vld [tilespmem:s4+$0x20]  }
0x29c: {  	v7 =	vld [tilespmem:s1+$0xFFFFFFF0]  }
0x29d: {  	s4 =	sadd.s32 $0x80, s4;
	v6 =	vld [tilespmem:s0+$0xFFFFFFC0];
	[tilespmem:s0+$0xFFFFFFF0] =	vst v9;
	v8 =	vadd.f32 v11, v8  }
0x29e: {  	_ =	sdelay $0x1  }
0x29f: {  	v3 =	vadd.f32 v5, v3  }
0x2a0: {  	[tilespmem:s0+$0x0] =	vst v8;
	v4 =	vadd.f32 v7, v4  }
0x2a1: {  	[tilespmem:s0+$0x10] =	vst v3;
	v2 =	vadd.f32 v2, v6  }
0x2a2: {  	[tilespmem:s0+$0x20] =	vst v4  }
0x2a3: {  	[tilespmem:s0+$0xFFFFFFC0] =	vst v2  }
0x2a4: {  	_ =	swait.ge [sflag:s5], $0x280  }
0x2a5: {  	[sflag:s5] =	ssyncset.done $0x0  }
0x2a6: {  	s0 =	simm.s32 $0x117C0;
	[sflag:s5] =	ssyncadd.s32 $0xFFFFFD80  }
0x2a7: {  	s1 =	simm.s32 $0xF170;
	v3 =	vld [tilespmem:s0+$0x30]  }
0x2a8: {  	v4 =	vld [tilespmem:s1+$0x0]  }
0x2a9: {  	v2 =	vld [tilespmem:s1+$0xFFFFFF90]  }
0x2aa: {  	v5 =	vld [tilespmem:s0+$0xFFFFFFD0]  }
0x2ab: {  	v6 =	vld [tilespmem:s1+$0xFFFFFFA0]  }
0x2ac: {  	v7 =	vld [tilespmem:s0+$0xFFFFFFE0]  }
0x2ad: {  	v8 =	vld [tilespmem:s1+$0xFFFFFFB0]  }
0x2ae: {  	v9 =	vld [tilespmem:s0+$0xFFFFFFF0]  }
0x2af: {  	v10 =	vld [tilespmem:s1+$0xFFFFFFC0]  }
0x2b0: {  	v11 =	vld [tilespmem:s0+$0x0]  }
0x2b1: {  	v12 =	vld [tilespmem:s1+$0xFFFFFFD0];
	v4 =	vadd.f32 v4, v3  }
0x2b2: {  	v6 =	vadd.f32 v6, v5;
	v3 =	vld [tilespmem:s0+$0x10]  }
0x2b3: {  	v7 =	vadd.f32 v8, v7;
	v5 =	vld [tilespmem:s1+$0xFFFFFFE0];
	[tilespmem:s0+$0x30] =	vst v4  }
0x2b4: {  	v8 =	vadd.f32 v10, v9;
	[tilespmem:s0+$0xFFFFFFD0] =	vst v6;
	v4 =	vld [tilespmem:s0+$0x20]  }
0x2b5: {  	[tilespmem:s0+$0xFFFFFFE0] =	vst v7;
	v7 =	vld [tilespmem:s1+$0xFFFFFFF0]  }
0x2b6: {  	s3 =	simm.s32 $0x0;
	s4 =	simm.s32 $0x11840;
	v6 =	vld [tilespmem:s0+$0xFFFFFFC0];
	[tilespmem:s0+$0xFFFFFFF0] =	vst v8;
	v8 =	vadd.f32 v12, v11  }
.LBB2_16:
0x2b7: {  	v9 =	vld [tilespmem:s4+$0x30];
	s1 =	sadd.s32 $0x400, s1  }
0x2b8: {  	s3 =	sadd.s32 $0x80, s3;
	v10 =	vld [tilespmem:s1+$0x0];
	[tilespmem:s0+$0x0] =	vst v8;
	v3 =	vadd.f32 v5, v3  }
0x2b9: {  	p0 =	slt.u32 s3, $0x200;
	v5 =	vld [tilespmem:s1+$0xFFFFFF90]  }
0x2ba: {  	v8 =	vld [tilespmem:s4+$0xFFFFFFD0];
	[tilespmem:s0+$0x10] =	vst v3;
	v3 =	vadd.f32 v7, v4  }
0x2bb: {  	v4 =	vld [tilespmem:s1+$0xFFFFFFA0];
	v11 =	vadd.f32 v2, v6  }
0x2bc: {  	v6 =	vld [tilespmem:s4+$0xFFFFFFE0];
	[tilespmem:s0+$0x20] =	vst v3  }
0x2bd: {  	v3 =	vld [tilespmem:s1+$0xFFFFFFB0];
	v7 =	vadd.f32 v10, v9;
	[tilespmem:s0+$0xFFFFFFC0] =	vst v11;
	s0 =	smov.u32 s4  }
0x2be: {  	v9 =	vld [tilespmem:s4+$0xFFFFFFF0];
	v2 =	vmov v5  }
0x2bf: {  	v10 =	vld [tilespmem:s1+$0xFFFFFFC0];
	[tilespmem:s4+$0x30] =	vst v7  }
0x2c0: {  	v4 =	vadd.f32 v4, v8;
	v8 =	vld [tilespmem:s4+$0x0]  }
0x2c1: {  	v11 =	vld [tilespmem:s1+$0xFFFFFFD0]  }
.Ltmp7:
0x2c2: {  	[tilespmem:s4+$0xFFFFFFD0] =	vst v4;
	v4 =	vadd.f32 v3, v6;
	v3 =	vld [tilespmem:s4+$0x10];
	(pc) =	sbr.rel @p0 .LBB2_16-.Ltmp7, $4  }
0x2c3: {  	v5 =	vld [tilespmem:s1+$0xFFFFFFE0]  }
0x2c4: {  	[tilespmem:s4+$0xFFFFFFE0] =	vst v4;
	v9 =	vadd.f32 v10, v9;
	v4 =	vld [tilespmem:s4+$0x20]  }
0x2c5: {  	v7 =	vld [tilespmem:s1+$0xFFFFFFF0]  }
0x2c6: {  	s4 =	sadd.s32 $0x80, s4;
	v6 =	vld [tilespmem:s0+$0xFFFFFFC0];
	[tilespmem:s0+$0xFFFFFFF0] =	vst v9;
	v8 =	vadd.f32 v11, v8  }
0x2c7: {  	_ =	sdelay $0x1  }
0x2c8: {  	v3 =	vadd.f32 v5, v3  }
0x2c9: {  	[tilespmem:s0+$0x0] =	vst v8;
	v4 =	vadd.f32 v7, v4  }
0x2ca: {  	[tilespmem:s0+$0x10] =	vst v3;
	v2 =	vadd.f32 v2, v6  }
0x2cb: {  	[tilespmem:s0+$0x20] =	vst v4  }
0x2cc: {  	[tilespmem:s0+$0xFFFFFFC0] =	vst v2  }
0x2cd: {  	_ =	swait.ge [sflag:s5], $0x280  }
0x2ce: {  	[sflag:s5] =	ssyncset.done $0x0  }
0x2cf: {  	s0 =	simm.s32 $0x117C0;
	[sflag:s5] =	ssyncadd.s32 $0xFFFFFD80  }
0x2d0: {  	s1 =	simm.s32 $0xF1F0;
	v3 =	vld [tilespmem:s0+$0x30]  }
0x2d1: {  	v4 =	vld [tilespmem:s1+$0x0]  }
0x2d2: {  	v2 =	vld [tilespmem:s1+$0xFFFFFF90]  }
0x2d3: {  	v5 =	vld [tilespmem:s0+$0xFFFFFFD0]  }
0x2d4: {  	v6 =	vld [tilespmem:s1+$0xFFFFFFA0]  }
0x2d5: {  	v7 =	vld [tilespmem:s0+$0xFFFFFFE0]  }
0x2d6: {  	v8 =	vld [tilespmem:s1+$0xFFFFFFB0]  }
0x2d7: {  	v9 =	vld [tilespmem:s0+$0xFFFFFFF0]  }
0x2d8: {  	v10 =	vld [tilespmem:s1+$0xFFFFFFC0]  }
0x2d9: {  	v11 =	vld [tilespmem:s0+$0x0]  }
0x2da: {  	v12 =	vld [tilespmem:s1+$0xFFFFFFD0];
	v4 =	vadd.f32 v4, v3  }
0x2db: {  	v6 =	vadd.f32 v6, v5;
	v3 =	vld [tilespmem:s0+$0x10]  }
0x2dc: {  	v7 =	vadd.f32 v8, v7;
	v5 =	vld [tilespmem:s1+$0xFFFFFFE0];
	[tilespmem:s0+$0x30] =	vst v4  }
0x2dd: {  	v8 =	vadd.f32 v10, v9;
	[tilespmem:s0+$0xFFFFFFD0] =	vst v6;
	v4 =	vld [tilespmem:s0+$0x20]  }
0x2de: {  	[tilespmem:s0+$0xFFFFFFE0] =	vst v7;
	v7 =	vld [tilespmem:s1+$0xFFFFFFF0]  }
0x2df: {  	s3 =	simm.s32 $0x0;
	s4 =	simm.s32 $0x11840;
	v6 =	vld [tilespmem:s0+$0xFFFFFFC0];
	[tilespmem:s0+$0xFFFFFFF0] =	vst v8;
	v8 =	vadd.f32 v12, v11  }
.LBB2_18:
0x2e0: {  	v9 =	vld [tilespmem:s4+$0x30];
	s1 =	sadd.s32 $0x400, s1  }
0x2e1: {  	s3 =	sadd.s32 $0x80, s3;
	v10 =	vld [tilespmem:s1+$0x0];
	[tilespmem:s0+$0x0] =	vst v8;
	v3 =	vadd.f32 v5, v3  }
0x2e2: {  	p0 =	slt.u32 s3, $0x200;
	v5 =	vld [tilespmem:s1+$0xFFFFFF90]  }
0x2e3: {  	v8 =	vld [tilespmem:s4+$0xFFFFFFD0];
	[tilespmem:s0+$0x10] =	vst v3;
	v3 =	vadd.f32 v7, v4  }
0x2e4: {  	v4 =	vld [tilespmem:s1+$0xFFFFFFA0];
	v11 =	vadd.f32 v2, v6  }
0x2e5: {  	v6 =	vld [tilespmem:s4+$0xFFFFFFE0];
	[tilespmem:s0+$0x20] =	vst v3  }
0x2e6: {  	v3 =	vld [tilespmem:s1+$0xFFFFFFB0];
	v7 =	vadd.f32 v10, v9;
	[tilespmem:s0+$0xFFFFFFC0] =	vst v11;
	s0 =	smov.u32 s4  }
0x2e7: {  	v9 =	vld [tilespmem:s4+$0xFFFFFFF0];
	v2 =	vmov v5  }
0x2e8: {  	v10 =	vld [tilespmem:s1+$0xFFFFFFC0];
	[tilespmem:s4+$0x30] =	vst v7  }
0x2e9: {  	v4 =	vadd.f32 v4, v8;
	v8 =	vld [tilespmem:s4+$0x0]  }
0x2ea: {  	v11 =	vld [tilespmem:s1+$0xFFFFFFD0]  }
.Ltmp8:
0x2eb: {  	[tilespmem:s4+$0xFFFFFFD0] =	vst v4;
	v4 =	vadd.f32 v3, v6;
	v3 =	vld [tilespmem:s4+$0x10];
	(pc) =	sbr.rel @p0 .LBB2_18-.Ltmp8, $4  }
0x2ec: {  	v5 =	vld [tilespmem:s1+$0xFFFFFFE0]  }
0x2ed: {  	[tilespmem:s4+$0xFFFFFFE0] =	vst v4;
	v9 =	vadd.f32 v10, v9;
	v4 =	vld [tilespmem:s4+$0x20]  }
0x2ee: {  	v7 =	vld [tilespmem:s1+$0xFFFFFFF0]  }
0x2ef: {  	s4 =	sadd.s32 $0x80, s4;
	v6 =	vld [tilespmem:s0+$0xFFFFFFC0];
	[tilespmem:s0+$0xFFFFFFF0] =	vst v9;
	v8 =	vadd.f32 v11, v8  }
0x2f0: {  	_ =	sdelay $0x1  }
0x2f1: {  	v3 =	vadd.f32 v5, v3  }
0x2f2: {  	[tilespmem:s0+$0x0] =	vst v8;
	v4 =	vadd.f32 v7, v4  }
0x2f3: {  	[tilespmem:s0+$0x10] =	vst v3;
	v2 =	vadd.f32 v2, v6  }
0x2f4: {  	[tilespmem:s0+$0x20] =	vst v4  }
0x2f5: {  	[tilespmem:s0+$0xFFFFFFC0] =	vst v2  }
0x2f6: {  	_ =	swait.ge [sflag:s5], $0x280  }
0x2f7: {  	[sflag:s5] =	ssyncset.done $0x0  }
0x2f8: {  	s0 =	simm.s32 $0x117C0;
	[sflag:s5] =	ssyncadd.s32 $0xFFFFFD80  }
0x2f9: {  	s1 =	simm.s32 $0xF270;
	v3 =	vld [tilespmem:s0+$0x30]  }
0x2fa: {  	v4 =	vld [tilespmem:s1+$0x0]  }
0x2fb: {  	v2 =	vld [tilespmem:s1+$0xFFFFFF90]  }
0x2fc: {  	v5 =	vld [tilespmem:s0+$0xFFFFFFD0]  }
0x2fd: {  	v6 =	vld [tilespmem:s1+$0xFFFFFFA0]  }
0x2fe: {  	v7 =	vld [tilespmem:s0+$0xFFFFFFE0]  }
0x2ff: {  	v8 =	vld [tilespmem:s1+$0xFFFFFFB0]  }
0x300: {  	v9 =	vld [tilespmem:s0+$0xFFFFFFF0]  }
0x301: {  	v10 =	vld [tilespmem:s1+$0xFFFFFFC0]  }
0x302: {  	v11 =	vld [tilespmem:s0+$0x0]  }
0x303: {  	v12 =	vld [tilespmem:s1+$0xFFFFFFD0];
	v4 =	vadd.f32 v4, v3  }
0x304: {  	v6 =	vadd.f32 v6, v5;
	v3 =	vld [tilespmem:s0+$0x10]  }
0x305: {  	v7 =	vadd.f32 v8, v7;
	v5 =	vld [tilespmem:s1+$0xFFFFFFE0];
	[tilespmem:s0+$0x30] =	vst v4  }
0x306: {  	v8 =	vadd.f32 v10, v9;
	[tilespmem:s0+$0xFFFFFFD0] =	vst v6;
	v4 =	vld [tilespmem:s0+$0x20]  }
0x307: {  	[tilespmem:s0+$0xFFFFFFE0] =	vst v7;
	v7 =	vld [tilespmem:s1+$0xFFFFFFF0]  }
0x308: {  	s3 =	simm.s32 $0x0;
	s4 =	simm.s32 $0x11840;
	v6 =	vld [tilespmem:s0+$0xFFFFFFC0];
	[tilespmem:s0+$0xFFFFFFF0] =	vst v8;
	v8 =	vadd.f32 v12, v11  }
.LBB2_20:
0x309: {  	v9 =	vld [tilespmem:s4+$0x30];
	s1 =	sadd.s32 $0x400, s1  }
0x30a: {  	s3 =	sadd.s32 $0x80, s3;
	v10 =	vld [tilespmem:s1+$0x0];
	[tilespmem:s0+$0x0] =	vst v8;
	v3 =	vadd.f32 v5, v3  }
0x30b: {  	p0 =	slt.u32 s3, $0x200;
	v5 =	vld [tilespmem:s1+$0xFFFFFF90]  }
0x30c: {  	v8 =	vld [tilespmem:s4+$0xFFFFFFD0];
	[tilespmem:s0+$0x10] =	vst v3;
	v3 =	vadd.f32 v7, v4  }
0x30d: {  	v4 =	vld [tilespmem:s1+$0xFFFFFFA0];
	v11 =	vadd.f32 v2, v6  }
0x30e: {  	v6 =	vld [tilespmem:s4+$0xFFFFFFE0];
	[tilespmem:s0+$0x20] =	vst v3  }
0x30f: {  	v3 =	vld [tilespmem:s1+$0xFFFFFFB0];
	v7 =	vadd.f32 v10, v9;
	[tilespmem:s0+$0xFFFFFFC0] =	vst v11;
	s0 =	smov.u32 s4  }
0x310: {  	v9 =	vld [tilespmem:s4+$0xFFFFFFF0];
	v2 =	vmov v5  }
0x311: {  	v10 =	vld [tilespmem:s1+$0xFFFFFFC0];
	[tilespmem:s4+$0x30] =	vst v7  }
0x312: {  	v4 =	vadd.f32 v4, v8;
	v8 =	vld [tilespmem:s4+$0x0]  }
0x313: {  	v11 =	vld [tilespmem:s1+$0xFFFFFFD0]  }
.Ltmp9:
0x314: {  	[tilespmem:s4+$0xFFFFFFD0] =	vst v4;
	v4 =	vadd.f32 v3, v6;
	v3 =	vld [tilespmem:s4+$0x10];
	(pc) =	sbr.rel @p0 .LBB2_20-.Ltmp9, $4  }
0x315: {  	v5 =	vld [tilespmem:s1+$0xFFFFFFE0]  }
0x316: {  	[tilespmem:s4+$0xFFFFFFE0] =	vst v4;
	v9 =	vadd.f32 v10, v9;
	v4 =	vld [tilespmem:s4+$0x20]  }
0x317: {  	v7 =	vld [tilespmem:s1+$0xFFFFFFF0]  }
0x318: {  	s4 =	sadd.s32 $0x80, s4;
	v6 =	vld [tilespmem:s0+$0xFFFFFFC0];
	[tilespmem:s0+$0xFFFFFFF0] =	vst v9;
	v8 =	vadd.f32 v11, v8  }
0x319: {  	_ =	sdelay $0x1  }
0x31a: {  	v3 =	vadd.f32 v5, v3  }
0x31b: {  	[tilespmem:s0+$0x0] =	vst v8;
	v4 =	vadd.f32 v7, v4  }
0x31c: {  	[tilespmem:s0+$0x10] =	vst v3;
	v2 =	vadd.f32 v2, v6  }
0x31d: {  	[tilespmem:s0+$0x20] =	vst v4  }
0x31e: {  	[tilespmem:s0+$0xFFFFFFC0] =	vst v2  }
0x31f: {  	_ =	swait.ge [sflag:s5], $0x280  }
0x320: {  	[sflag:s5] =	ssyncset.done $0x0  }
0x321: {  	s0 =	simm.s32 $0x117C0;
	[sflag:s5] =	ssyncadd.s32 $0xFFFFFD80  }
0x322: {  	s1 =	simm.s32 $0xF2F0;
	v3 =	vld [tilespmem:s0+$0x30]  }
0x323: {  	v4 =	vld [tilespmem:s1+$0x0]  }
0x324: {  	v2 =	vld [tilespmem:s1+$0xFFFFFF90]  }
0x325: {  	v5 =	vld [tilespmem:s0+$0xFFFFFFD0]  }
0x326: {  	v6 =	vld [tilespmem:s1+$0xFFFFFFA0]  }
0x327: {  	v7 =	vld [tilespmem:s0+$0xFFFFFFE0]  }
0x328: {  	v8 =	vld [tilespmem:s1+$0xFFFFFFB0]  }
0x329: {  	v9 =	vld [tilespmem:s0+$0xFFFFFFF0]  }
0x32a: {  	v10 =	vld [tilespmem:s1+$0xFFFFFFC0]  }
0x32b: {  	v11 =	vld [tilespmem:s0+$0x0]  }
0x32c: {  	v12 =	vld [tilespmem:s1+$0xFFFFFFD0];
	v4 =	vadd.f32 v4, v3  }
0x32d: {  	v6 =	vadd.f32 v6, v5;
	v3 =	vld [tilespmem:s0+$0x10]  }
0x32e: {  	v7 =	vadd.f32 v8, v7;
	v5 =	vld [tilespmem:s1+$0xFFFFFFE0];
	[tilespmem:s0+$0x30] =	vst v4  }
0x32f: {  	v8 =	vadd.f32 v10, v9;
	[tilespmem:s0+$0xFFFFFFD0] =	vst v6;
	v4 =	vld [tilespmem:s0+$0x20]  }
0x330: {  	[tilespmem:s0+$0xFFFFFFE0] =	vst v7;
	v7 =	vld [tilespmem:s1+$0xFFFFFFF0]  }
0x331: {  	s3 =	simm.s32 $0x0;
	s4 =	simm.s32 $0x11840;
	v6 =	vld [tilespmem:s0+$0xFFFFFFC0];
	[tilespmem:s0+$0xFFFFFFF0] =	vst v8;
	v8 =	vadd.f32 v12, v11  }
.LBB2_22:
0x332: {  	v9 =	vld [tilespmem:s4+$0x30];
	s1 =	sadd.s32 $0x400, s1  }
0x333: {  	s3 =	sadd.s32 $0x80, s3;
	v10 =	vld [tilespmem:s1+$0x0];
	[tilespmem:s0+$0x0] =	vst v8;
	v3 =	vadd.f32 v5, v3  }
0x334: {  	p0 =	slt.u32 s3, $0x200;
	v5 =	vld [tilespmem:s1+$0xFFFFFF90]  }
0x335: {  	v8 =	vld [tilespmem:s4+$0xFFFFFFD0];
	[tilespmem:s0+$0x10] =	vst v3;
	v3 =	vadd.f32 v7, v4  }
0x336: {  	v4 =	vld [tilespmem:s1+$0xFFFFFFA0];
	v11 =	vadd.f32 v2, v6  }
0x337: {  	v6 =	vld [tilespmem:s4+$0xFFFFFFE0];
	[tilespmem:s0+$0x20] =	vst v3  }
0x338: {  	v3 =	vld [tilespmem:s1+$0xFFFFFFB0];
	v7 =	vadd.f32 v10, v9;
	[tilespmem:s0+$0xFFFFFFC0] =	vst v11;
	s0 =	smov.u32 s4  }
0x339: {  	v9 =	vld [tilespmem:s4+$0xFFFFFFF0];
	v2 =	vmov v5  }
0x33a: {  	v10 =	vld [tilespmem:s1+$0xFFFFFFC0];
	[tilespmem:s4+$0x30] =	vst v7  }
0x33b: {  	v4 =	vadd.f32 v4, v8;
	v8 =	vld [tilespmem:s4+$0x0]  }
0x33c: {  	v11 =	vld [tilespmem:s1+$0xFFFFFFD0]  }
.Ltmp10:
0x33d: {  	[tilespmem:s4+$0xFFFFFFD0] =	vst v4;
	v4 =	vadd.f32 v3, v6;
	v3 =	vld [tilespmem:s4+$0x10];
	(pc) =	sbr.rel @p0 .LBB2_22-.Ltmp10, $4  }
0x33e: {  	v5 =	vld [tilespmem:s1+$0xFFFFFFE0]  }
0x33f: {  	[tilespmem:s4+$0xFFFFFFE0] =	vst v4;
	v9 =	vadd.f32 v10, v9;
	v4 =	vld [tilespmem:s4+$0x20]  }
0x340: {  	v7 =	vld [tilespmem:s1+$0xFFFFFFF0]  }
0x341: {  	s4 =	sadd.s32 $0x80, s4;
	v6 =	vld [tilespmem:s0+$0xFFFFFFC0];
	[tilespmem:s0+$0xFFFFFFF0] =	vst v9;
	v8 =	vadd.f32 v11, v8  }
0x342: {  	_ =	sdelay $0x1  }
0x343: {  	v3 =	vadd.f32 v5, v3  }
0x344: {  	[tilespmem:s0+$0x0] =	vst v8;
	v4 =	vadd.f32 v7, v4  }
0x345: {  	[tilespmem:s0+$0x10] =	vst v3;
	v2 =	vadd.f32 v2, v6  }
0x346: {  	[tilespmem:s0+$0x20] =	vst v4  }
0x347: {  	[tilespmem:s0+$0xFFFFFFC0] =	vst v2  }
0x348: {  	_ =	swait.ge [sflag:s5], $0x280  }
0x349: {  	[sflag:s5] =	ssyncset.done $0x0  }
0x34a: {  	s0 =	simm.s32 $0x117C0;
	[sflag:s5] =	ssyncadd.s32 $0xFFFFFD80  }
0x34b: {  	s1 =	simm.s32 $0xF370;
	v3 =	vld [tilespmem:s0+$0x30]  }
0x34c: {  	v4 =	vld [tilespmem:s1+$0x0]  }
0x34d: {  	v2 =	vld [tilespmem:s1+$0xFFFFFF90]  }
0x34e: {  	v5 =	vld [tilespmem:s0+$0xFFFFFFD0]  }
0x34f: {  	v6 =	vld [tilespmem:s1+$0xFFFFFFA0]  }
0x350: {  	v7 =	vld [tilespmem:s0+$0xFFFFFFE0]  }
0x351: {  	v8 =	vld [tilespmem:s1+$0xFFFFFFB0]  }
0x352: {  	v9 =	vld [tilespmem:s0+$0xFFFFFFF0]  }
0x353: {  	v10 =	vld [tilespmem:s1+$0xFFFFFFC0]  }
0x354: {  	v11 =	vld [tilespmem:s0+$0x0]  }
0x355: {  	v12 =	vld [tilespmem:s1+$0xFFFFFFD0];
	v4 =	vadd.f32 v4, v3  }
0x356: {  	v6 =	vadd.f32 v6, v5;
	v3 =	vld [tilespmem:s0+$0x10]  }
0x357: {  	v7 =	vadd.f32 v8, v7;
	v5 =	vld [tilespmem:s1+$0xFFFFFFE0];
	[tilespmem:s0+$0x30] =	vst v4  }
0x358: {  	v8 =	vadd.f32 v10, v9;
	[tilespmem:s0+$0xFFFFFFD0] =	vst v6;
	v4 =	vld [tilespmem:s0+$0x20]  }
0x359: {  	[tilespmem:s0+$0xFFFFFFE0] =	vst v7;
	v7 =	vld [tilespmem:s1+$0xFFFFFFF0]  }
0x35a: {  	s3 =	simm.s32 $0x0;
	s4 =	simm.s32 $0x11840;
	v6 =	vld [tilespmem:s0+$0xFFFFFFC0];
	[tilespmem:s0+$0xFFFFFFF0] =	vst v8;
	v8 =	vadd.f32 v12, v11  }
.LBB2_24:
0x35b: {  	v9 =	vld [tilespmem:s4+$0x30];
	s1 =	sadd.s32 $0x400, s1  }
0x35c: {  	s3 =	sadd.s32 $0x80, s3;
	v10 =	vld [tilespmem:s1+$0x0];
	[tilespmem:s0+$0x0] =	vst v8;
	v3 =	vadd.f32 v5, v3  }
0x35d: {  	p0 =	slt.u32 s3, $0x200;
	v5 =	vld [tilespmem:s1+$0xFFFFFF90]  }
0x35e: {  	v8 =	vld [tilespmem:s4+$0xFFFFFFD0];
	[tilespmem:s0+$0x10] =	vst v3;
	v3 =	vadd.f32 v7, v4  }
0x35f: {  	v4 =	vld [tilespmem:s1+$0xFFFFFFA0];
	v11 =	vadd.f32 v2, v6  }
0x360: {  	v6 =	vld [tilespmem:s4+$0xFFFFFFE0];
	[tilespmem:s0+$0x20] =	vst v3  }
0x361: {  	v3 =	vld [tilespmem:s1+$0xFFFFFFB0];
	v7 =	vadd.f32 v10, v9;
	[tilespmem:s0+$0xFFFFFFC0] =	vst v11;
	s0 =	smov.u32 s4  }
0x362: {  	v9 =	vld [tilespmem:s4+$0xFFFFFFF0];
	v2 =	vmov v5  }
0x363: {  	v10 =	vld [tilespmem:s1+$0xFFFFFFC0];
	[tilespmem:s4+$0x30] =	vst v7  }
0x364: {  	v4 =	vadd.f32 v4, v8;
	v8 =	vld [tilespmem:s4+$0x0]  }
0x365: {  	v11 =	vld [tilespmem:s1+$0xFFFFFFD0]  }
.Ltmp11:
0x366: {  	[tilespmem:s4+$0xFFFFFFD0] =	vst v4;
	v4 =	vadd.f32 v3, v6;
	v3 =	vld [tilespmem:s4+$0x10];
	(pc) =	sbr.rel @p0 .LBB2_24-.Ltmp11, $4  }
0x367: {  	v5 =	vld [tilespmem:s1+$0xFFFFFFE0]  }
0x368: {  	[tilespmem:s4+$0xFFFFFFE0] =	vst v4;
	v9 =	vadd.f32 v10, v9;
	v4 =	vld [tilespmem:s4+$0x20]  }
0x369: {  	v7 =	vld [tilespmem:s1+$0xFFFFFFF0]  }
0x36a: {  	s4 =	sadd.s32 $0x80, s4;
	v6 =	vld [tilespmem:s0+$0xFFFFFFC0];
	[tilespmem:s0+$0xFFFFFFF0] =	vst v9;
	v8 =	vadd.f32 v11, v8  }
0x36b: {  	_ =	sdelay $0x1  }
0x36c: {  	v3 =	vadd.f32 v5, v3  }
0x36d: {  	[tilespmem:s0+$0x0] =	vst v8;
	v4 =	vadd.f32 v7, v4  }
0x36e: {  	[tilespmem:s0+$0x10] =	vst v3;
	v2 =	vadd.f32 v2, v6  }
0x36f: {  	[tilespmem:s0+$0x20] =	vst v4  }
0x370: {  	[tilespmem:s0+$0xFFFFFFC0] =	vst v2  }
0x371: {  	_ =	swait.ge [sflag:s5], $0x280  }
0x372: {  	[sflag:s5] =	ssyncset.done $0x0  }
0x373: {  	s0 =	simm.s32 $0x117C0;
	[sflag:s5] =	ssyncadd.s32 $0xFFFFFD80  }
0x374: {  	s1 =	simm.s32 $0x103F0;
	v3 =	vld [tilespmem:s0+$0x30]  }
0x375: {  	v4 =	vld [tilespmem:s1+$0x0]  }
0x376: {  	v2 =	vld [tilespmem:s1+$0xFFFFFF90]  }
0x377: {  	v5 =	vld [tilespmem:s0+$0xFFFFFFD0]  }
0x378: {  	v6 =	vld [tilespmem:s1+$0xFFFFFFA0]  }
0x379: {  	v7 =	vld [tilespmem:s0+$0xFFFFFFE0]  }
0x37a: {  	v8 =	vld [tilespmem:s1+$0xFFFFFFB0]  }
0x37b: {  	v9 =	vld [tilespmem:s0+$0xFFFFFFF0]  }
0x37c: {  	v10 =	vld [tilespmem:s1+$0xFFFFFFC0]  }
0x37d: {  	v11 =	vld [tilespmem:s0+$0x0]  }
0x37e: {  	v12 =	vld [tilespmem:s1+$0xFFFFFFD0];
	v4 =	vadd.f32 v4, v3  }
0x37f: {  	v6 =	vadd.f32 v6, v5;
	v3 =	vld [tilespmem:s0+$0x10]  }
0x380: {  	v7 =	vadd.f32 v8, v7;
	v5 =	vld [tilespmem:s1+$0xFFFFFFE0];
	[tilespmem:s0+$0x30] =	vst v4  }
0x381: {  	v8 =	vadd.f32 v10, v9;
	[tilespmem:s0+$0xFFFFFFD0] =	vst v6;
	v4 =	vld [tilespmem:s0+$0x20]  }
0x382: {  	[tilespmem:s0+$0xFFFFFFE0] =	vst v7;
	v7 =	vld [tilespmem:s1+$0xFFFFFFF0]  }
0x383: {  	s3 =	simm.s32 $0x0;
	s4 =	simm.s32 $0x11840;
	v6 =	vld [tilespmem:s0+$0xFFFFFFC0];
	[tilespmem:s0+$0xFFFFFFF0] =	vst v8;
	v8 =	vadd.f32 v12, v11  }
.LBB2_26:
0x384: {  	v9 =	vld [tilespmem:s4+$0x30];
	s1 =	sadd.s32 $0x400, s1  }
0x385: {  	s3 =	sadd.s32 $0x80, s3;
	v10 =	vld [tilespmem:s1+$0x0];
	[tilespmem:s0+$0x0] =	vst v8;
	v3 =	vadd.f32 v5, v3  }
0x386: {  	p0 =	slt.u32 s3, $0x200;
	v5 =	vld [tilespmem:s1+$0xFFFFFF90]  }
0x387: {  	v8 =	vld [tilespmem:s4+$0xFFFFFFD0];
	[tilespmem:s0+$0x10] =	vst v3;
	v3 =	vadd.f32 v7, v4  }
0x388: {  	v4 =	vld [tilespmem:s1+$0xFFFFFFA0];
	v11 =	vadd.f32 v2, v6  }
0x389: {  	v6 =	vld [tilespmem:s4+$0xFFFFFFE0];
	[tilespmem:s0+$0x20] =	vst v3  }
0x38a: {  	v3 =	vld [tilespmem:s1+$0xFFFFFFB0];
	v7 =	vadd.f32 v10, v9;
	[tilespmem:s0+$0xFFFFFFC0] =	vst v11;
	s0 =	smov.u32 s4  }
0x38b: {  	v9 =	vld [tilespmem:s4+$0xFFFFFFF0];
	v2 =	vmov v5  }
0x38c: {  	v10 =	vld [tilespmem:s1+$0xFFFFFFC0];
	[tilespmem:s4+$0x30] =	vst v7  }
0x38d: {  	v4 =	vadd.f32 v4, v8;
	v8 =	vld [tilespmem:s4+$0x0]  }
0x38e: {  	v11 =	vld [tilespmem:s1+$0xFFFFFFD0]  }
.Ltmp12:
0x38f: {  	[tilespmem:s4+$0xFFFFFFD0] =	vst v4;
	v4 =	vadd.f32 v3, v6;
	v3 =	vld [tilespmem:s4+$0x10];
	(pc) =	sbr.rel @p0 .LBB2_26-.Ltmp12, $4  }
0x390: {  	v5 =	vld [tilespmem:s1+$0xFFFFFFE0]  }
0x391: {  	[tilespmem:s4+$0xFFFFFFE0] =	vst v4;
	v9 =	vadd.f32 v10, v9;
	v4 =	vld [tilespmem:s4+$0x20]  }
0x392: {  	v7 =	vld [tilespmem:s1+$0xFFFFFFF0]  }
0x393: {  	s4 =	sadd.s32 $0x80, s4;
	v6 =	vld [tilespmem:s0+$0xFFFFFFC0];
	[tilespmem:s0+$0xFFFFFFF0] =	vst v9;
	v8 =	vadd.f32 v11, v8  }
0x394: {  	_ =	sdelay $0x1  }
0x395: {  	v3 =	vadd.f32 v5, v3  }
0x396: {  	[tilespmem:s0+$0x0] =	vst v8;
	v4 =	vadd.f32 v7, v4  }
0x397: {  	[tilespmem:s0+$0x10] =	vst v3;
	v2 =	vadd.f32 v2, v6  }
0x398: {  	[tilespmem:s0+$0x20] =	vst v4  }
0x399: {  	[tilespmem:s0+$0xFFFFFFC0] =	vst v2  }
0x39a: {  	_ =	swait.ge [sflag:s5], $0x280  }
0x39b: {  	[sflag:s5] =	ssyncset.done $0x0  }
0x39c: {  	s0 =	simm.s32 $0x117C0;
	[sflag:s5] =	ssyncadd.s32 $0xFFFFFD80  }
0x39d: {  	s1 =	simm.s32 $0x10470;
	v3 =	vld [tilespmem:s0+$0x30]  }
0x39e: {  	v4 =	vld [tilespmem:s1+$0x0]  }
0x39f: {  	v2 =	vld [tilespmem:s1+$0xFFFFFF90]  }
0x3a0: {  	v5 =	vld [tilespmem:s0+$0xFFFFFFD0]  }
0x3a1: {  	v6 =	vld [tilespmem:s1+$0xFFFFFFA0]  }
0x3a2: {  	v7 =	vld [tilespmem:s0+$0xFFFFFFE0]  }
0x3a3: {  	v8 =	vld [tilespmem:s1+$0xFFFFFFB0]  }
0x3a4: {  	v9 =	vld [tilespmem:s0+$0xFFFFFFF0]  }
0x3a5: {  	v10 =	vld [tilespmem:s1+$0xFFFFFFC0]  }
0x3a6: {  	v11 =	vld [tilespmem:s0+$0x0]  }
0x3a7: {  	v12 =	vld [tilespmem:s1+$0xFFFFFFD0];
	v4 =	vadd.f32 v4, v3  }
0x3a8: {  	v6 =	vadd.f32 v6, v5;
	v3 =	vld [tilespmem:s0+$0x10]  }
0x3a9: {  	v7 =	vadd.f32 v8, v7;
	v5 =	vld [tilespmem:s1+$0xFFFFFFE0];
	[tilespmem:s0+$0x30] =	vst v4  }
0x3aa: {  	v8 =	vadd.f32 v10, v9;
	[tilespmem:s0+$0xFFFFFFD0] =	vst v6;
	v4 =	vld [tilespmem:s0+$0x20]  }
0x3ab: {  	[tilespmem:s0+$0xFFFFFFE0] =	vst v7;
	v7 =	vld [tilespmem:s1+$0xFFFFFFF0]  }
0x3ac: {  	s3 =	simm.s32 $0x0;
	s4 =	simm.s32 $0x11840;
	v6 =	vld [tilespmem:s0+$0xFFFFFFC0];
	[tilespmem:s0+$0xFFFFFFF0] =	vst v8;
	v8 =	vadd.f32 v12, v11  }
.LBB2_28:
0x3ad: {  	v9 =	vld [tilespmem:s4+$0x30];
	s1 =	sadd.s32 $0x400, s1  }
0x3ae: {  	s3 =	sadd.s32 $0x80, s3;
	v10 =	vld [tilespmem:s1+$0x0];
	[tilespmem:s0+$0x0] =	vst v8;
	v3 =	vadd.f32 v5, v3  }
0x3af: {  	p0 =	slt.u32 s3, $0x200;
	v5 =	vld [tilespmem:s1+$0xFFFFFF90]  }
0x3b0: {  	v8 =	vld [tilespmem:s4+$0xFFFFFFD0];
	[tilespmem:s0+$0x10] =	vst v3;
	v3 =	vadd.f32 v7, v4  }
0x3b1: {  	v4 =	vld [tilespmem:s1+$0xFFFFFFA0];
	v11 =	vadd.f32 v2, v6  }
0x3b2: {  	v6 =	vld [tilespmem:s4+$0xFFFFFFE0];
	[tilespmem:s0+$0x20] =	vst v3  }
0x3b3: {  	v3 =	vld [tilespmem:s1+$0xFFFFFFB0];
	v7 =	vadd.f32 v10, v9;
	[tilespmem:s0+$0xFFFFFFC0] =	vst v11;
	s0 =	smov.u32 s4  }
0x3b4: {  	v9 =	vld [tilespmem:s4+$0xFFFFFFF0];
	v2 =	vmov v5  }
0x3b5: {  	v10 =	vld [tilespmem:s1+$0xFFFFFFC0];
	[tilespmem:s4+$0x30] =	vst v7  }
0x3b6: {  	v4 =	vadd.f32 v4, v8;
	v8 =	vld [tilespmem:s4+$0x0]  }
0x3b7: {  	v11 =	vld [tilespmem:s1+$0xFFFFFFD0]  }
.Ltmp13:
0x3b8: {  	[tilespmem:s4+$0xFFFFFFD0] =	vst v4;
	v4 =	vadd.f32 v3, v6;
	v3 =	vld [tilespmem:s4+$0x10];
	(pc) =	sbr.rel @p0 .LBB2_28-.Ltmp13, $4  }
0x3b9: {  	v5 =	vld [tilespmem:s1+$0xFFFFFFE0]  }
0x3ba: {  	[tilespmem:s4+$0xFFFFFFE0] =	vst v4;
	v9 =	vadd.f32 v10, v9;
	v4 =	vld [tilespmem:s4+$0x20]  }
0x3bb: {  	v7 =	vld [tilespmem:s1+$0xFFFFFFF0]  }
0x3bc: {  	s4 =	sadd.s32 $0x80, s4;
	v6 =	vld [tilespmem:s0+$0xFFFFFFC0];
	[tilespmem:s0+$0xFFFFFFF0] =	vst v9;
	v8 =	vadd.f32 v11, v8  }
0x3bd: {  	_ =	sdelay $0x1  }
0x3be: {  	v3 =	vadd.f32 v5, v3  }
0x3bf: {  	[tilespmem:s0+$0x0] =	vst v8;
	v4 =	vadd.f32 v7, v4  }
0x3c0: {  	[tilespmem:s0+$0x10] =	vst v3;
	v2 =	vadd.f32 v2, v6  }
0x3c1: {  	[tilespmem:s0+$0x20] =	vst v4  }
0x3c2: {  	[tilespmem:s0+$0xFFFFFFC0] =	vst v2  }
0x3c3: {  	_ =	swait.ge [sflag:s5], $0x280  }
0x3c4: {  	[sflag:s5] =	ssyncset.done $0x0  }
0x3c5: {  	s0 =	simm.s32 $0x117C0;
	[sflag:s5] =	ssyncadd.s32 $0xFFFFFD80  }
0x3c6: {  	s1 =	simm.s32 $0x104F0;
	v3 =	vld [tilespmem:s0+$0x30]  }
0x3c7: {  	v4 =	vld [tilespmem:s1+$0x0]  }
0x3c8: {  	v2 =	vld [tilespmem:s1+$0xFFFFFF90]  }
0x3c9: {  	v5 =	vld [tilespmem:s0+$0xFFFFFFD0]  }
0x3ca: {  	v6 =	vld [tilespmem:s1+$0xFFFFFFA0]  }
0x3cb: {  	v7 =	vld [tilespmem:s0+$0xFFFFFFE0]  }
0x3cc: {  	v8 =	vld [tilespmem:s1+$0xFFFFFFB0]  }
0x3cd: {  	v9 =	vld [tilespmem:s0+$0xFFFFFFF0]  }
0x3ce: {  	v10 =	vld [tilespmem:s1+$0xFFFFFFC0]  }
0x3cf: {  	v11 =	vld [tilespmem:s0+$0x0]  }
0x3d0: {  	v12 =	vld [tilespmem:s1+$0xFFFFFFD0];
	v4 =	vadd.f32 v4, v3  }
0x3d1: {  	v6 =	vadd.f32 v6, v5;
	v3 =	vld [tilespmem:s0+$0x10]  }
0x3d2: {  	v7 =	vadd.f32 v8, v7;
	v5 =	vld [tilespmem:s1+$0xFFFFFFE0];
	[tilespmem:s0+$0x30] =	vst v4  }
0x3d3: {  	v8 =	vadd.f32 v10, v9;
	[tilespmem:s0+$0xFFFFFFD0] =	vst v6;
	v4 =	vld [tilespmem:s0+$0x20]  }
0x3d4: {  	[tilespmem:s0+$0xFFFFFFE0] =	vst v7;
	v7 =	vld [tilespmem:s1+$0xFFFFFFF0]  }
0x3d5: {  	s3 =	simm.s32 $0x0;
	s4 =	simm.s32 $0x11840;
	v6 =	vld [tilespmem:s0+$0xFFFFFFC0];
	[tilespmem:s0+$0xFFFFFFF0] =	vst v8;
	v8 =	vadd.f32 v12, v11  }
.LBB2_30:
0x3d6: {  	v9 =	vld [tilespmem:s4+$0x30];
	s1 =	sadd.s32 $0x400, s1  }
0x3d7: {  	s3 =	sadd.s32 $0x80, s3;
	v10 =	vld [tilespmem:s1+$0x0];
	[tilespmem:s0+$0x0] =	vst v8;
	v3 =	vadd.f32 v5, v3  }
0x3d8: {  	p0 =	slt.u32 s3, $0x200;
	v5 =	vld [tilespmem:s1+$0xFFFFFF90]  }
0x3d9: {  	v8 =	vld [tilespmem:s4+$0xFFFFFFD0];
	[tilespmem:s0+$0x10] =	vst v3;
	v3 =	vadd.f32 v7, v4  }
0x3da: {  	v4 =	vld [tilespmem:s1+$0xFFFFFFA0];
	v11 =	vadd.f32 v2, v6  }
0x3db: {  	v6 =	vld [tilespmem:s4+$0xFFFFFFE0];
	[tilespmem:s0+$0x20] =	vst v3  }
0x3dc: {  	v3 =	vld [tilespmem:s1+$0xFFFFFFB0];
	v7 =	vadd.f32 v10, v9;
	[tilespmem:s0+$0xFFFFFFC0] =	vst v11;
	s0 =	smov.u32 s4  }
0x3dd: {  	v9 =	vld [tilespmem:s4+$0xFFFFFFF0];
	v2 =	vmov v5  }
0x3de: {  	v10 =	vld [tilespmem:s1+$0xFFFFFFC0];
	[tilespmem:s4+$0x30] =	vst v7  }
0x3df: {  	v4 =	vadd.f32 v4, v8;
	v8 =	vld [tilespmem:s4+$0x0]  }
0x3e0: {  	v11 =	vld [tilespmem:s1+$0xFFFFFFD0]  }
.Ltmp14:
0x3e1: {  	[tilespmem:s4+$0xFFFFFFD0] =	vst v4;
	v4 =	vadd.f32 v3, v6;
	v3 =	vld [tilespmem:s4+$0x10];
	(pc) =	sbr.rel @p0 .LBB2_30-.Ltmp14, $4  }
0x3e2: {  	v5 =	vld [tilespmem:s1+$0xFFFFFFE0]  }
0x3e3: {  	[tilespmem:s4+$0xFFFFFFE0] =	vst v4;
	v9 =	vadd.f32 v10, v9;
	v4 =	vld [tilespmem:s4+$0x20]  }
0x3e4: {  	v7 =	vld [tilespmem:s1+$0xFFFFFFF0]  }
0x3e5: {  	s4 =	sadd.s32 $0x80, s4;
	v6 =	vld [tilespmem:s0+$0xFFFFFFC0];
	[tilespmem:s0+$0xFFFFFFF0] =	vst v9;
	v8 =	vadd.f32 v11, v8  }
0x3e6: {  	_ =	sdelay $0x1  }
0x3e7: {  	v3 =	vadd.f32 v5, v3  }
0x3e8: {  	[tilespmem:s0+$0x0] =	vst v8;
	v4 =	vadd.f32 v7, v4  }
0x3e9: {  	[tilespmem:s0+$0x10] =	vst v3;
	v2 =	vadd.f32 v2, v6  }
0x3ea: {  	[tilespmem:s0+$0x20] =	vst v4  }
0x3eb: {  	[tilespmem:s0+$0xFFFFFFC0] =	vst v2  }
0x3ec: {  	_ =	swait.ge [sflag:s5], $0x280  }
0x3ed: {  	[sflag:s5] =	ssyncset.done $0x0  }
0x3ee: {  	s0 =	simm.s32 $0x117C0;
	[sflag:s5] =	ssyncadd.s32 $0xFFFFFD80  }
0x3ef: {  	s1 =	simm.s32 $0x10570;
	v3 =	vld [tilespmem:s0+$0x30]  }
0x3f0: {  	v4 =	vld [tilespmem:s1+$0x0]  }
0x3f1: {  	v2 =	vld [tilespmem:s1+$0xFFFFFF90]  }
0x3f2: {  	v5 =	vld [tilespmem:s0+$0xFFFFFFD0]  }
0x3f3: {  	v6 =	vld [tilespmem:s1+$0xFFFFFFA0]  }
0x3f4: {  	v7 =	vld [tilespmem:s0+$0xFFFFFFE0]  }
0x3f5: {  	v8 =	vld [tilespmem:s1+$0xFFFFFFB0]  }
0x3f6: {  	v9 =	vld [tilespmem:s0+$0xFFFFFFF0]  }
0x3f7: {  	v10 =	vld [tilespmem:s1+$0xFFFFFFC0]  }
0x3f8: {  	v11 =	vld [tilespmem:s0+$0x0]  }
0x3f9: {  	v12 =	vld [tilespmem:s1+$0xFFFFFFD0];
	v4 =	vadd.f32 v4, v3  }
0x3fa: {  	v6 =	vadd.f32 v6, v5;
	v3 =	vld [tilespmem:s0+$0x10]  }
0x3fb: {  	v7 =	vadd.f32 v8, v7;
	v5 =	vld [tilespmem:s1+$0xFFFFFFE0];
	[tilespmem:s0+$0x30] =	vst v4  }
0x3fc: {  	v8 =	vadd.f32 v10, v9;
	[tilespmem:s0+$0xFFFFFFD0] =	vst v6;
	v4 =	vld [tilespmem:s0+$0x20]  }
0x3fd: {  	[tilespmem:s0+$0xFFFFFFE0] =	vst v7;
	v7 =	vld [tilespmem:s1+$0xFFFFFFF0]  }
0x3fe: {  	s3 =	simm.s32 $0x0;
	s4 =	simm.s32 $0x11840;
	v6 =	vld [tilespmem:s0+$0xFFFFFFC0];
	[tilespmem:s0+$0xFFFFFFF0] =	vst v8;
	v8 =	vadd.f32 v12, v11  }
.LBB2_32:
0x3ff: {  	v9 =	vld [tilespmem:s4+$0x30];
	s1 =	sadd.s32 $0x400, s1  }
0x400: {  	s3 =	sadd.s32 $0x80, s3;
	v10 =	vld [tilespmem:s1+$0x0];
	[tilespmem:s0+$0x0] =	vst v8;
	v3 =	vadd.f32 v5, v3  }
0x401: {  	p0 =	slt.u32 s3, $0x200;
	v5 =	vld [tilespmem:s1+$0xFFFFFF90]  }
0x402: {  	v8 =	vld [tilespmem:s4+$0xFFFFFFD0];
	[tilespmem:s0+$0x10] =	vst v3;
	v3 =	vadd.f32 v7, v4  }
0x403: {  	v4 =	vld [tilespmem:s1+$0xFFFFFFA0];
	v11 =	vadd.f32 v2, v6  }
0x404: {  	v6 =	vld [tilespmem:s4+$0xFFFFFFE0];
	[tilespmem:s0+$0x20] =	vst v3  }
0x405: {  	v3 =	vld [tilespmem:s1+$0xFFFFFFB0];
	v7 =	vadd.f32 v10, v9;
	[tilespmem:s0+$0xFFFFFFC0] =	vst v11;
	s0 =	smov.u32 s4  }
0x406: {  	v9 =	vld [tilespmem:s4+$0xFFFFFFF0];
	v2 =	vmov v5  }
0x407: {  	v10 =	vld [tilespmem:s1+$0xFFFFFFC0];
	[tilespmem:s4+$0x30] =	vst v7  }
0x408: {  	v4 =	vadd.f32 v4, v8;
	v8 =	vld [tilespmem:s4+$0x0]  }
0x409: {  	v11 =	vld [tilespmem:s1+$0xFFFFFFD0]  }
.Ltmp15:
0x40a: {  	[tilespmem:s4+$0xFFFFFFD0] =	vst v4;
	v4 =	vadd.f32 v3, v6;
	v3 =	vld [tilespmem:s4+$0x10];
	(pc) =	sbr.rel @p0 .LBB2_32-.Ltmp15, $4  }
0x40b: {  	v5 =	vld [tilespmem:s1+$0xFFFFFFE0]  }
0x40c: {  	[tilespmem:s4+$0xFFFFFFE0] =	vst v4;
	v9 =	vadd.f32 v10, v9;
	v4 =	vld [tilespmem:s4+$0x20]  }
0x40d: {  	v7 =	vld [tilespmem:s1+$0xFFFFFFF0]  }
0x40e: {  	s4 =	sadd.s32 $0x80, s4;
	v6 =	vld [tilespmem:s0+$0xFFFFFFC0];
	[tilespmem:s0+$0xFFFFFFF0] =	vst v9;
	v8 =	vadd.f32 v11, v8  }
0x40f: {  	_ =	sdelay $0x1  }
0x410: {  	v3 =	vadd.f32 v5, v3  }
0x411: {  	[tilespmem:s0+$0x0] =	vst v8;
	v4 =	vadd.f32 v7, v4  }
0x412: {  	[tilespmem:s0+$0x10] =	vst v3;
	v2 =	vadd.f32 v2, v6  }
0x413: {  	[tilespmem:s0+$0x20] =	vst v4  }
0x414: {  	[tilespmem:s0+$0xFFFFFFC0] =	vst v2  }
0x415: {  	_ =	swait.ge [sflag:s5], $0x280  }
0x416: {  	[sflag:s5] =	ssyncset.done $0x0  }
0x417: {  	s0 =	simm.s32 $0x117C0;
	[sflag:s5] =	ssyncadd.s32 $0xFFFFFD80  }
0x418: {  	s1 =	simm.s32 $0x105F0;
	v3 =	vld [tilespmem:s0+$0x30]  }
0x419: {  	v4 =	vld [tilespmem:s1+$0x0]  }
0x41a: {  	v2 =	vld [tilespmem:s1+$0xFFFFFF90]  }
0x41b: {  	v5 =	vld [tilespmem:s0+$0xFFFFFFD0]  }
0x41c: {  	v6 =	vld [tilespmem:s1+$0xFFFFFFA0]  }
0x41d: {  	v7 =	vld [tilespmem:s0+$0xFFFFFFE0]  }
0x41e: {  	v8 =	vld [tilespmem:s1+$0xFFFFFFB0]  }
0x41f: {  	v9 =	vld [tilespmem:s0+$0xFFFFFFF0]  }
0x420: {  	v10 =	vld [tilespmem:s1+$0xFFFFFFC0]  }
0x421: {  	v11 =	vld [tilespmem:s0+$0x0]  }
0x422: {  	v12 =	vld [tilespmem:s1+$0xFFFFFFD0];
	v4 =	vadd.f32 v4, v3  }
0x423: {  	v6 =	vadd.f32 v6, v5;
	v3 =	vld [tilespmem:s0+$0x10]  }
0x424: {  	v7 =	vadd.f32 v8, v7;
	v5 =	vld [tilespmem:s1+$0xFFFFFFE0];
	[tilespmem:s0+$0x30] =	vst v4  }
0x425: {  	v8 =	vadd.f32 v10, v9;
	[tilespmem:s0+$0xFFFFFFD0] =	vst v6;
	v4 =	vld [tilespmem:s0+$0x20]  }
0x426: {  	[tilespmem:s0+$0xFFFFFFE0] =	vst v7;
	v7 =	vld [tilespmem:s1+$0xFFFFFFF0]  }
0x427: {  	s3 =	simm.s32 $0x0;
	s4 =	simm.s32 $0x11840;
	v6 =	vld [tilespmem:s0+$0xFFFFFFC0];
	[tilespmem:s0+$0xFFFFFFF0] =	vst v8;
	v8 =	vadd.f32 v12, v11  }
.LBB2_34:
0x428: {  	v9 =	vld [tilespmem:s4+$0x30];
	s1 =	sadd.s32 $0x400, s1  }
0x429: {  	s3 =	sadd.s32 $0x80, s3;
	v10 =	vld [tilespmem:s1+$0x0];
	[tilespmem:s0+$0x0] =	vst v8;
	v3 =	vadd.f32 v5, v3  }
0x42a: {  	p0 =	slt.u32 s3, $0x200;
	v5 =	vld [tilespmem:s1+$0xFFFFFF90]  }
0x42b: {  	v8 =	vld [tilespmem:s4+$0xFFFFFFD0];
	[tilespmem:s0+$0x10] =	vst v3;
	v3 =	vadd.f32 v7, v4  }
0x42c: {  	v4 =	vld [tilespmem:s1+$0xFFFFFFA0];
	v11 =	vadd.f32 v2, v6  }
0x42d: {  	v6 =	vld [tilespmem:s4+$0xFFFFFFE0];
	[tilespmem:s0+$0x20] =	vst v3  }
0x42e: {  	v3 =	vld [tilespmem:s1+$0xFFFFFFB0];
	v7 =	vadd.f32 v10, v9;
	[tilespmem:s0+$0xFFFFFFC0] =	vst v11;
	s0 =	smov.u32 s4  }
0x42f: {  	v9 =	vld [tilespmem:s4+$0xFFFFFFF0];
	v2 =	vmov v5  }
0x430: {  	v10 =	vld [tilespmem:s1+$0xFFFFFFC0];
	[tilespmem:s4+$0x30] =	vst v7  }
0x431: {  	v4 =	vadd.f32 v4, v8;
	v8 =	vld [tilespmem:s4+$0x0]  }
0x432: {  	v11 =	vld [tilespmem:s1+$0xFFFFFFD0]  }
.Ltmp16:
0x433: {  	[tilespmem:s4+$0xFFFFFFD0] =	vst v4;
	v4 =	vadd.f32 v3, v6;
	v3 =	vld [tilespmem:s4+$0x10];
	(pc) =	sbr.rel @p0 .LBB2_34-.Ltmp16, $4  }
0x434: {  	v5 =	vld [tilespmem:s1+$0xFFFFFFE0]  }
0x435: {  	[tilespmem:s4+$0xFFFFFFE0] =	vst v4;
	v9 =	vadd.f32 v10, v9;
	v4 =	vld [tilespmem:s4+$0x20]  }
0x436: {  	v7 =	vld [tilespmem:s1+$0xFFFFFFF0]  }
0x437: {  	s4 =	sadd.s32 $0x80, s4;
	v6 =	vld [tilespmem:s0+$0xFFFFFFC0];
	[tilespmem:s0+$0xFFFFFFF0] =	vst v9;
	v8 =	vadd.f32 v11, v8  }
0x438: {  	_ =	sdelay $0x1  }
0x439: {  	v3 =	vadd.f32 v5, v3  }
0x43a: {  	[tilespmem:s0+$0x0] =	vst v8;
	v4 =	vadd.f32 v7, v4  }
0x43b: {  	[tilespmem:s0+$0x10] =	vst v3;
	v2 =	vadd.f32 v2, v6  }
0x43c: {  	[tilespmem:s0+$0x20] =	vst v4  }
0x43d: {  	[tilespmem:s0+$0xFFFFFFC0] =	vst v2  }
0x43e: {  	_ =	swait.ge [sflag:s5], $0x280  }
0x43f: {  	[sflag:s5] =	ssyncset.done $0x0  }
0x440: {  	s0 =	simm.s32 $0x117C0;
	[sflag:s5] =	ssyncadd.s32 $0xFFFFFD80  }
0x441: {  	s1 =	simm.s32 $0x10670;
	v3 =	vld [tilespmem:s0+$0x30]  }
0x442: {  	v4 =	vld [tilespmem:s1+$0x0]  }
0x443: {  	v2 =	vld [tilespmem:s1+$0xFFFFFF90]  }
0x444: {  	v5 =	vld [tilespmem:s0+$0xFFFFFFD0]  }
0x445: {  	v6 =	vld [tilespmem:s1+$0xFFFFFFA0]  }
0x446: {  	v7 =	vld [tilespmem:s0+$0xFFFFFFE0]  }
0x447: {  	v8 =	vld [tilespmem:s1+$0xFFFFFFB0]  }
0x448: {  	v9 =	vld [tilespmem:s0+$0xFFFFFFF0]  }
0x449: {  	v10 =	vld [tilespmem:s1+$0xFFFFFFC0]  }
0x44a: {  	v11 =	vld [tilespmem:s0+$0x0]  }
0x44b: {  	v12 =	vld [tilespmem:s1+$0xFFFFFFD0];
	v4 =	vadd.f32 v4, v3  }
0x44c: {  	v6 =	vadd.f32 v6, v5;
	v3 =	vld [tilespmem:s0+$0x10]  }
0x44d: {  	v7 =	vadd.f32 v8, v7;
	v5 =	vld [tilespmem:s1+$0xFFFFFFE0];
	[tilespmem:s0+$0x30] =	vst v4  }
0x44e: {  	v8 =	vadd.f32 v10, v9;
	[tilespmem:s0+$0xFFFFFFD0] =	vst v6;
	v4 =	vld [tilespmem:s0+$0x20]  }
0x44f: {  	[tilespmem:s0+$0xFFFFFFE0] =	vst v7;
	v7 =	vld [tilespmem:s1+$0xFFFFFFF0]  }
0x450: {  	s3 =	simm.s32 $0x0;
	s4 =	simm.s32 $0x11840;
	v6 =	vld [tilespmem:s0+$0xFFFFFFC0];
	[tilespmem:s0+$0xFFFFFFF0] =	vst v8;
	v8 =	vadd.f32 v12, v11  }
.LBB2_36:
0x451: {  	v9 =	vld [tilespmem:s4+$0x30];
	s1 =	sadd.s32 $0x400, s1  }
0x452: {  	s3 =	sadd.s32 $0x80, s3;
	v10 =	vld [tilespmem:s1+$0x0];
	[tilespmem:s0+$0x0] =	vst v8;
	v3 =	vadd.f32 v5, v3  }
0x453: {  	p0 =	slt.u32 s3, $0x200;
	v5 =	vld [tilespmem:s1+$0xFFFFFF90]  }
0x454: {  	v8 =	vld [tilespmem:s4+$0xFFFFFFD0];
	[tilespmem:s0+$0x10] =	vst v3;
	v3 =	vadd.f32 v7, v4  }
0x455: {  	v4 =	vld [tilespmem:s1+$0xFFFFFFA0];
	v11 =	vadd.f32 v2, v6  }
0x456: {  	v6 =	vld [tilespmem:s4+$0xFFFFFFE0];
	[tilespmem:s0+$0x20] =	vst v3  }
0x457: {  	v3 =	vld [tilespmem:s1+$0xFFFFFFB0];
	v7 =	vadd.f32 v10, v9;
	[tilespmem:s0+$0xFFFFFFC0] =	vst v11;
	s0 =	smov.u32 s4  }
0x458: {  	v9 =	vld [tilespmem:s4+$0xFFFFFFF0];
	v2 =	vmov v5  }
0x459: {  	v10 =	vld [tilespmem:s1+$0xFFFFFFC0];
	[tilespmem:s4+$0x30] =	vst v7  }
0x45a: {  	v4 =	vadd.f32 v4, v8;
	v8 =	vld [tilespmem:s4+$0x0]  }
0x45b: {  	v11 =	vld [tilespmem:s1+$0xFFFFFFD0]  }
.Ltmp17:
0x45c: {  	[tilespmem:s4+$0xFFFFFFD0] =	vst v4;
	v4 =	vadd.f32 v3, v6;
	v3 =	vld [tilespmem:s4+$0x10];
	(pc) =	sbr.rel @p0 .LBB2_36-.Ltmp17, $4  }
0x45d: {  	v5 =	vld [tilespmem:s1+$0xFFFFFFE0]  }
0x45e: {  	[tilespmem:s4+$0xFFFFFFE0] =	vst v4;
	v9 =	vadd.f32 v10, v9;
	v4 =	vld [tilespmem:s4+$0x20]  }
0x45f: {  	v7 =	vld [tilespmem:s1+$0xFFFFFFF0]  }
0x460: {  	s4 =	sadd.s32 $0x80, s4;
	v6 =	vld [tilespmem:s0+$0xFFFFFFC0];
	[tilespmem:s0+$0xFFFFFFF0] =	vst v9;
	v8 =	vadd.f32 v11, v8  }
0x461: {  	_ =	sdelay $0x1  }
0x462: {  	v3 =	vadd.f32 v5, v3  }
0x463: {  	[tilespmem:s0+$0x0] =	vst v8;
	v4 =	vadd.f32 v7, v4  }
0x464: {  	[tilespmem:s0+$0x10] =	vst v3;
	v2 =	vadd.f32 v2, v6  }
0x465: {  	[tilespmem:s0+$0x20] =	vst v4  }
0x466: {  	[tilespmem:s0+$0xFFFFFFC0] =	vst v2  }
0x467: {  	_ =	swait.ge [sflag:s5], $0x280  }
0x468: {  	[sflag:s5] =	ssyncset.done $0x0  }
0x469: {  	s0 =	simm.s32 $0x117C0;
	[sflag:s5] =	ssyncadd.s32 $0xFFFFFD80  }
0x46a: {  	s1 =	simm.s32 $0x106F0;
	v3 =	vld [tilespmem:s0+$0x30]  }
0x46b: {  	v4 =	vld [tilespmem:s1+$0x0]  }
0x46c: {  	v2 =	vld [tilespmem:s1+$0xFFFFFF90]  }
0x46d: {  	v5 =	vld [tilespmem:s0+$0xFFFFFFD0]  }
0x46e: {  	v6 =	vld [tilespmem:s1+$0xFFFFFFA0]  }
0x46f: {  	v7 =	vld [tilespmem:s0+$0xFFFFFFE0]  }
0x470: {  	v8 =	vld [tilespmem:s1+$0xFFFFFFB0]  }
0x471: {  	v9 =	vld [tilespmem:s0+$0xFFFFFFF0]  }
0x472: {  	v10 =	vld [tilespmem:s1+$0xFFFFFFC0]  }
0x473: {  	v11 =	vld [tilespmem:s0+$0x0]  }
0x474: {  	v12 =	vld [tilespmem:s1+$0xFFFFFFD0];
	v4 =	vadd.f32 v4, v3  }
0x475: {  	v6 =	vadd.f32 v6, v5;
	v3 =	vld [tilespmem:s0+$0x10]  }
0x476: {  	v7 =	vadd.f32 v8, v7;
	v5 =	vld [tilespmem:s1+$0xFFFFFFE0];
	[tilespmem:s0+$0x30] =	vst v4  }
0x477: {  	v8 =	vadd.f32 v10, v9;
	[tilespmem:s0+$0xFFFFFFD0] =	vst v6;
	v4 =	vld [tilespmem:s0+$0x20]  }
0x478: {  	[tilespmem:s0+$0xFFFFFFE0] =	vst v7;
	v7 =	vld [tilespmem:s1+$0xFFFFFFF0]  }
0x479: {  	s3 =	simm.s32 $0x0;
	s4 =	simm.s32 $0x11840;
	v6 =	vld [tilespmem:s0+$0xFFFFFFC0];
	[tilespmem:s0+$0xFFFFFFF0] =	vst v8;
	v8 =	vadd.f32 v12, v11  }
.LBB2_38:
0x47a: {  	v9 =	vld [tilespmem:s4+$0x30];
	s1 =	sadd.s32 $0x400, s1  }
0x47b: {  	s3 =	sadd.s32 $0x80, s3;
	v10 =	vld [tilespmem:s1+$0x0];
	[tilespmem:s0+$0x0] =	vst v8;
	v3 =	vadd.f32 v5, v3  }
0x47c: {  	p0 =	slt.u32 s3, $0x200;
	v5 =	vld [tilespmem:s1+$0xFFFFFF90]  }
0x47d: {  	v8 =	vld [tilespmem:s4+$0xFFFFFFD0];
	[tilespmem:s0+$0x10] =	vst v3;
	v3 =	vadd.f32 v7, v4  }
0x47e: {  	v4 =	vld [tilespmem:s1+$0xFFFFFFA0];
	v11 =	vadd.f32 v2, v6  }
0x47f: {  	v6 =	vld [tilespmem:s4+$0xFFFFFFE0];
	[tilespmem:s0+$0x20] =	vst v3  }
0x480: {  	v3 =	vld [tilespmem:s1+$0xFFFFFFB0];
	v7 =	vadd.f32 v10, v9;
	[tilespmem:s0+$0xFFFFFFC0] =	vst v11;
	s0 =	smov.u32 s4  }
0x481: {  	v9 =	vld [tilespmem:s4+$0xFFFFFFF0];
	v2 =	vmov v5  }
0x482: {  	v10 =	vld [tilespmem:s1+$0xFFFFFFC0];
	[tilespmem:s4+$0x30] =	vst v7  }
0x483: {  	v4 =	vadd.f32 v4, v8;
	v8 =	vld [tilespmem:s4+$0x0]  }
0x484: {  	v11 =	vld [tilespmem:s1+$0xFFFFFFD0]  }
.Ltmp18:
0x485: {  	[tilespmem:s4+$0xFFFFFFD0] =	vst v4;
	v4 =	vadd.f32 v3, v6;
	v3 =	vld [tilespmem:s4+$0x10];
	(pc) =	sbr.rel @p0 .LBB2_38-.Ltmp18, $4  }
0x486: {  	v5 =	vld [tilespmem:s1+$0xFFFFFFE0]  }
0x487: {  	[tilespmem:s4+$0xFFFFFFE0] =	vst v4;
	v9 =	vadd.f32 v10, v9;
	v4 =	vld [tilespmem:s4+$0x20]  }
0x488: {  	v7 =	vld [tilespmem:s1+$0xFFFFFFF0]  }
0x489: {  	s4 =	sadd.s32 $0x80, s4;
	v6 =	vld [tilespmem:s0+$0xFFFFFFC0];
	[tilespmem:s0+$0xFFFFFFF0] =	vst v9;
	v8 =	vadd.f32 v11, v8  }
0x48a: {  	_ =	sdelay $0x1  }
0x48b: {  	v3 =	vadd.f32 v5, v3  }
0x48c: {  	[tilespmem:s0+$0x0] =	vst v8;
	v4 =	vadd.f32 v7, v4  }
0x48d: {  	[tilespmem:s0+$0x10] =	vst v3;
	v2 =	vadd.f32 v2, v6  }
0x48e: {  	[tilespmem:s0+$0x20] =	vst v4  }
0x48f: {  	[tilespmem:s0+$0xFFFFFFC0] =	vst v2  }
0x490: {  	_ =	swait.ge [sflag:s5], $0x280  }
0x491: {  	[sflag:s5] =	ssyncset.done $0x0  }
0x492: {  	s0 =	simm.s32 $0x117C0;
	[sflag:s5] =	ssyncadd.s32 $0xFFFFFD80  }
0x493: {  	s1 =	simm.s32 $0x10770;
	v3 =	vld [tilespmem:s0+$0x30]  }
0x494: {  	v4 =	vld [tilespmem:s1+$0x0]  }
0x495: {  	v2 =	vld [tilespmem:s1+$0xFFFFFF90]  }
0x496: {  	v5 =	vld [tilespmem:s0+$0xFFFFFFD0]  }
0x497: {  	v6 =	vld [tilespmem:s1+$0xFFFFFFA0]  }
0x498: {  	v7 =	vld [tilespmem:s0+$0xFFFFFFE0]  }
0x499: {  	v8 =	vld [tilespmem:s1+$0xFFFFFFB0]  }
0x49a: {  	v9 =	vld [tilespmem:s0+$0xFFFFFFF0]  }
0x49b: {  	v10 =	vld [tilespmem:s1+$0xFFFFFFC0]  }
0x49c: {  	v11 =	vld [tilespmem:s0+$0x0]  }
0x49d: {  	v12 =	vld [tilespmem:s1+$0xFFFFFFD0];
	v4 =	vadd.f32 v4, v3  }
0x49e: {  	v6 =	vadd.f32 v6, v5;
	v3 =	vld [tilespmem:s0+$0x10]  }
0x49f: {  	v7 =	vadd.f32 v8, v7;
	v5 =	vld [tilespmem:s1+$0xFFFFFFE0];
	[tilespmem:s0+$0x30] =	vst v4  }
0x4a0: {  	v8 =	vadd.f32 v10, v9;
	[tilespmem:s0+$0xFFFFFFD0] =	vst v6;
	v4 =	vld [tilespmem:s0+$0x20]  }
0x4a1: {  	[tilespmem:s0+$0xFFFFFFE0] =	vst v7;
	v7 =	vld [tilespmem:s1+$0xFFFFFFF0]  }
0x4a2: {  	s3 =	simm.s32 $0x0;
	s4 =	simm.s32 $0x11840;
	v6 =	vld [tilespmem:s0+$0xFFFFFFC0];
	[tilespmem:s0+$0xFFFFFFF0] =	vst v8;
	v8 =	vadd.f32 v12, v11  }
.LBB2_40:
0x4a3: {  	v9 =	vld [tilespmem:s4+$0x30];
	s1 =	sadd.s32 $0x400, s1  }
0x4a4: {  	s3 =	sadd.s32 $0x80, s3;
	v10 =	vld [tilespmem:s1+$0x0];
	[tilespmem:s0+$0x0] =	vst v8;
	v3 =	vadd.f32 v5, v3  }
0x4a5: {  	p0 =	slt.u32 s3, $0x200;
	v5 =	vld [tilespmem:s1+$0xFFFFFF90]  }
0x4a6: {  	v8 =	vld [tilespmem:s4+$0xFFFFFFD0];
	[tilespmem:s0+$0x10] =	vst v3;
	v3 =	vadd.f32 v7, v4  }
0x4a7: {  	v4 =	vld [tilespmem:s1+$0xFFFFFFA0];
	v11 =	vadd.f32 v2, v6  }
0x4a8: {  	v6 =	vld [tilespmem:s4+$0xFFFFFFE0];
	[tilespmem:s0+$0x20] =	vst v3  }
0x4a9: {  	v3 =	vld [tilespmem:s1+$0xFFFFFFB0];
	v7 =	vadd.f32 v10, v9;
	[tilespmem:s0+$0xFFFFFFC0] =	vst v11;
	s0 =	smov.u32 s4  }
0x4aa: {  	v9 =	vld [tilespmem:s4+$0xFFFFFFF0];
	v2 =	vmov v5  }
0x4ab: {  	v10 =	vld [tilespmem:s1+$0xFFFFFFC0];
	[tilespmem:s4+$0x30] =	vst v7  }
0x4ac: {  	v4 =	vadd.f32 v4, v8;
	v8 =	vld [tilespmem:s4+$0x0]  }
0x4ad: {  	v11 =	vld [tilespmem:s1+$0xFFFFFFD0]  }
.Ltmp19:
0x4ae: {  	[tilespmem:s4+$0xFFFFFFD0] =	vst v4;
	v4 =	vadd.f32 v3, v6;
	v3 =	vld [tilespmem:s4+$0x10];
	(pc) =	sbr.rel @p0 .LBB2_40-.Ltmp19, $4  }
0x4af: {  	v5 =	vld [tilespmem:s1+$0xFFFFFFE0]  }
0x4b0: {  	[tilespmem:s4+$0xFFFFFFE0] =	vst v4;
	v9 =	vadd.f32 v10, v9;
	v4 =	vld [tilespmem:s4+$0x20]  }
0x4b1: {  	v7 =	vld [tilespmem:s1+$0xFFFFFFF0]  }
0x4b2: {  	s4 =	sadd.s32 $0x80, s4;
	v6 =	vld [tilespmem:s0+$0xFFFFFFC0];
	[tilespmem:s0+$0xFFFFFFF0] =	vst v9;
	v8 =	vadd.f32 v11, v8  }
0x4b3: {  	_ =	sdelay $0x1  }
0x4b4: {  	v3 =	vadd.f32 v5, v3  }
0x4b5: {  	[tilespmem:s0+$0x0] =	vst v8;
	v4 =	vadd.f32 v7, v4  }
0x4b6: {  	[tilespmem:s0+$0x10] =	vst v3;
	v2 =	vadd.f32 v2, v6  }
0x4b7: {  	[tilespmem:s0+$0x20] =	vst v4  }
0x4b8: {  	[tilespmem:s0+$0xFFFFFFC0] =	vst v2  }
0x4b9: {  	s1 =	simm.s32 $0x11780;
	s0 =	rddreg [dreg:$0x1c]  }
0x4ba: {  	[hbm4b:s0+s2] =	stream.linear.scatter [tilespmem:s1], [sflag:$0x5], $0x280, $0x38;
	[tilespmem:$0x14200] =	vst v63  }
0x4bb: {  	_ =	swait.ge [sflag:s6], $0x280  }
0x4bc: {  	s30 =	sld [smem:$0x7BC];
	_ =	sdelay $0x2  }
0x4bd: {  	s31 =	rddreg [dreg:$0x1d];
	s1 =	sadd.s32 $0x1, s30  }
0x4be: {  	p0 =	sne.s32 s1, s31  }
.Ltmp20:
0x4bf: {  	_ = 	snop;
	(pc) =	sbr.rel @p0 .LBB2_1-.Ltmp20, $3  }
0x4c0: {  	_ =	sdelay $0x1  }
0x4c1: {  	[sflag:s6] =	ssyncset.done $0x0  }
0x4c2: {  	[sflag:s6] =	ssyncadd.s32 $0xFFFFFD80  }
0x4c3: {  	_ =	sfence.sel $0x180000  }
0x4c4: {  	[bflag:$0x0] =	sbarrier.arrive $0xFFFF  }
0x4c5: {  	_ =	strace $0x9000004A  }
0x4c6: {  	s0 =	stileid.u32;
	[bflag:$0x2] =	sbarrier.arrive $0xFFFF  }
0x4c7: {  	p0 =	sne.s32 s0, $0x0;
	s0 =	rddreg [dreg:$0x3]  }
0x4c8: {  	s0 =	sadd.s32 @!p0 $0x100000, s0  }
0x4c9: {  	[sflag:s0] =	ssyncadd.tile.s32 @!p0 $0x1;
	_ =	shalt  }
.Lfunc_end2:
_tile_overlayer_lowered:
.L_overlay_start_2:
0x4ca: {  	(tag) =	ssettag $0x2  }
0x4cb: {  	s0 =	rddreg [dreg:$0x0];
	s2 =	stileid.u32  }
0x4cc: {  	s1 =	rddreg [dreg:$0x1];
	p0 =	sne.s32 s2, $0x0  }
0x4cd: {  	s3 =	rddreg [dreg:$0x2];
	[bflag:$0x3] =	sbarrier.arrive $0xFFFF;
	s2 =	simm.s32 @!p0 $0x1C05  }
0x4ce: {  	[timem:s3], [sflag:s2] =	dma.local @!p0 [hbm:s0], s1  }
0x4cf: {  	s0 =	simm.s32 @!p0 $0x5  }
0x4d0: {  	_ =	swait.ge @!p0 [sflag:s0], s1  }
0x4d1: {  	s1 =	ssub.s32 @!p0 $0x0, s1;
	[sflag:s0] =	ssyncset.done @!p0 $0x0  }
0x4d2: {  	[sflag:s0] =	ssyncadd.s32 @!p0 s1  }
0x4d3: {  	[bflag:$0x3] =	sbarrier.arrive $0xFFFF  }
0x4d4: {  	_ =	shalt  }

// kernel: kernel.7.cloned.1.call-start
scs
__scs_entry_jumppad:
0x0: {  	(pc) =	sbr.rel $0x88, $3  }
0x1: {  	(tag) =	ssettag $0x0;
	lr =	simm.s32 $0x1  }
0x2: {  	[smem:$0x3F94] =	sst lr;
	_ =	strace $0xD0000000  }
0x3: {  	_ = 	snop  }
0x4: {  	_ = 	snop  }
0x5: {  	_ = 	snop  }
0x6: {  	_ = 	snop  }
0x7: {  	_ = 	snop  }
__scs_overlays_trampoline_lowered:
0x8: {  	[smem:$0x3FA3] =	sst s0  }
0x9: {  	[smem:$0x3FA4] =	sst s1  }
0xa: {  	[smem:$0x3FA5] =	sst s2  }
0xb: {  	[smem:$0x3FA6] =	sst s3  }
0xc: {  	[smem:$0x3FA7] =	sst s4  }
0xd: {  	[smem:$0x3FA8] =	sst s5  }
0xe: {  	[smem:$0x3FA9] =	sst s6  }
0xf: {  	[smem:$0x3FAA] =	sst s7  }
0x10: {  	[smem:$0x3FAB] =	sst s8  }
0x11: {  	[smem:$0x3FAC] =	sst s9;
	s0 =	simm.s32 @!p0 $0x0  }
0x12: {  	s1 =	sld [smem:$0x3F92];
	s0 =	simm.s32 @p0 $0x1  }
0x13: {  	[smem:$0x3FAD] =	sst s0;
	s0 =	simm.s32 @!p1 $0x0  }
0x14: {  	s2 =	sld [smem:$0x3F91];
	s0 =	simm.s32 @p1 $0x1  }
0x15: {  	[smem:$0x3FAE] =	sst s0;
	s0 =	simm.s32 @!p2 $0x0  }
0x16: {  	s3 =	sld [smem:$0x3FDB];
	s0 =	simm.s32 @p2 $0x1  }
0x17: {  	s4 =	simm.s32 $0x1BF5;
	[smem:$0x3FB0] =	sst s0  }
0x18: {  	s0 =	sld [smem:$0x3F93];
	_ =	swait.ge [sflag:s4], $0x0  }
0x19: {  	s7 =	sld [smem:$0x3F94]  }
0x1a: {  	s8 =	sadd.s32 $0xFFFFE003, lr  }
0x1b: {  	s9 =	sadd.s32 $0xFFFFFEF7, lr;
	s5 =	simm.s32 $0xFFFFFFFF;
	p2 =	slt.u32 s8, $0xFFFFF086  }
0x1c: {  	p1 =	slt.u32 s9, $0xF7A;
	s5 =	simm.s32 @!p2 $0x0  }
0x1d: {  	s5 =	simm.s32 @p1 $0x1;
	p0 =	seq.s32 s7, s2  }
0x1e: {  	s7 =	smul.u32 @!p0 $0xF7A, s2;
	p2 =	seq.s32 @!p0 s5, $0x0  }
0x1f: {  	s9 =	smul.u32 $0xF7A, s1;
	s8 =	simm.s32 @!p0 $0x1BF5;
	p2 =	por !p2, p0  }
0x20: {  	[sflag:s8] =	ssyncset.s32 @!p0 $0xFFFFF086;
	s6 =	sadd.s32 @!p0 s3, s7;
	s7 =	simm.s32 @!p0 $0x108  }
0x21: {  	s3 =	sadd.s32 s3, s9;
	s6 =	sadd.s32 @!p0 $0x88, s6;
	s7 =	simm.s32 @p2 $0x1082  }
0x22: {  	[simem:s7], [sflag:s8] =	dma.local @!p0 [hbm:s6], $0xF7A  }
0x23: {  	s9 =	sor.u32 $0xD0000000, s2;
	s6 =	simm.s32 $0x108;
	_ =	swait.ge @!p0 [sflag:s8], $0x0  }
0x24: {  	s3 =	sadd.s32 $0x88, s3;
	s6 =	simm.s32 @!p1 $0x1082;
	[sflag:s4] =	ssyncset.s32 $0xFFFFF086  }
0x25: {  	[simem:s6], [sflag:s4] =	dma.local [hbm:s3], $0xF7A  }
0x26: {  	[smem:$0x3F94] =	sst s1;
	(tag) =	ssettag s2;
	_ =	strace s9  }
0x27: {  	s1 =	sld [smem:$0x3FA4]  }
0x28: {  	s2 =	sld [smem:$0x3FA5]  }
0x29: {  	s4 =	sld [smem:$0x3FA7]  }
0x2a: {  	p0 =	seq.s32 s5, $0x0;
	s5 =	sld [smem:$0x3FA8]  }
0x2b: {  	s6 =	sld [smem:$0x3FA9]  }
0x2c: {  	s7 =	sld [smem:$0x3FAA]  }
0x2d: {  	s3 =	simm.s32 $0x108;
	s8 =	sld [smem:$0x3FAB]  }
0x2e: {  	s3 =	simm.s32 @!p0 $0x1082;
	s9 =	sld [smem:$0x3FAC]  }
0x2f: {  	lr =	sadd.s32 s0, s3;
	s0 =	sld [smem:$0x3FA3]  }
0x30: {  	s3 =	sld [smem:$0x3FA6]  }
0x31: {  	[smem:$0x3FAF] =	sst s10  }
0x32: {  	s10 =	sld [smem:$0x3FAD];
	_ =	sdelay $0x3  }
0x33: {  	p0 =	seq.s32 s10, $0x1;
	s10 =	sld [smem:$0x3FAF];
	_ =	sdelay $0x3  }
0x34: {  	[smem:$0x3FAF] =	sst s10  }
0x35: {  	s10 =	sld [smem:$0x3FAE];
	_ =	sdelay $0x3  }
0x36: {  	p1 =	seq.s32 s10, $0x1;
	s10 =	sld [smem:$0x3FAF];
	_ =	sdelay $0x3  }
0x37: {  	[smem:$0x3FAF] =	sst s10  }
0x38: {  	s10 =	sld [smem:$0x3FB0]  }
0x39: {  	_ = 	snop;
	(pc) =	sbr.ind lr, $3  }
0x3a: {  	_ = 	snop  }
0x3b: {  	_ = 	snop  }
0x3c: {  	p2 =	seq.s32 s10, $0x1;
	s10 =	sld [smem:$0x3FAF]  }
0x3d: {  	_ =	shalt  }
0x3e: {  	_ =	shalt  }
0x3f: {  	_ =	shalt  }
0x40: {  	_ =	shalt  }
0x41: {  	_ =	shalt  }
0x42: {  	_ =	shalt  }
0x43: {  	_ =	shalt  }
0x44: {  	_ =	shalt  }
0x45: {  	_ =	shalt  }
0x46: {  	_ =	shalt  }
0x47: {  	_ =	shalt  }
0x48: {  	_ =	shalt  }
0x49: {  	_ =	shalt  }
0x4a: {  	_ =	shalt  }
0x4b: {  	_ =	shalt  }
0x4c: {  	_ =	shalt  }
0x4d: {  	_ =	shalt  }
0x4e: {  	_ =	shalt  }
0x4f: {  	_ =	shalt  }
0x50: {  	_ =	shalt  }
0x51: {  	_ =	shalt  }
0x52: {  	_ =	shalt  }
0x53: {  	_ =	shalt  }
0x54: {  	_ =	shalt  }
0x55: {  	_ =	shalt  }
0x56: {  	_ =	shalt  }
0x57: {  	_ =	shalt  }
0x58: {  	_ =	shalt  }
0x59: {  	_ =	shalt  }
0x5a: {  	_ =	shalt  }
0x5b: {  	_ =	shalt  }
0x5c: {  	_ =	shalt  }
0x5d: {  	_ =	shalt  }
0x5e: {  	_ =	shalt  }
0x5f: {  	_ =	shalt  }
0x60: {  	_ =	shalt  }
0x61: {  	_ =	shalt  }
0x62: {  	_ =	shalt  }
0x63: {  	_ =	shalt  }
0x64: {  	_ =	shalt  }
0x65: {  	_ =	shalt  }
0x66: {  	_ =	shalt  }
0x67: {  	_ =	shalt  }
0x68: {  	_ =	shalt  }
0x69: {  	_ =	shalt  }
0x6a: {  	_ =	shalt  }
0x6b: {  	_ =	shalt  }
0x6c: {  	_ =	shalt  }
0x6d: {  	_ =	shalt  }
0x6e: {  	_ =	shalt  }
0x6f: {  	_ =	shalt  }
0x70: {  	_ =	shalt  }
0x71: {  	_ =	shalt  }
0x72: {  	_ =	shalt  }
0x73: {  	_ =	shalt  }
0x74: {  	_ =	shalt  }
0x75: {  	_ =	shalt  }
0x76: {  	_ =	shalt  }
0x77: {  	_ =	shalt  }
0x78: {  	_ =	shalt  }
0x79: {  	_ =	shalt  }
0x7a: {  	_ =	shalt  }
0x7b: {  	_ =	shalt  }
0x7c: {  	_ =	shalt  }
0x7d: {  	_ =	shalt  }
0x7e: {  	_ =	shalt  }
0x7f: {  	_ =	shalt  }
0x80: {  	_ =	shalt  }
0x81: {  	_ =	shalt  }
0x82: {  	_ =	shalt  }
0x83: {  	_ =	shalt  }
0x84: {  	_ =	shalt  }
0x85: {  	_ =	shalt  }
0x86: {  	_ =	shalt  }
0x87: {  	_ =	shalt  }
.Lfunc_end0:
.L_simem_size_0:
called_computation_lowered:
.L_overlay_start_0:
0x88: {  	s2 =	sld [smem:$0x3FD9]  }
0x89: {  	s3 =	sld [smem:$0x3FFE];
	_ =	sdelay $0x1  }
0x8a: {  	s1 =	srdreg.scid  }
0x8b: {  	s0 =	sand.u32 $0x1, s1  }
0x8c: {  	s17 =	sshll.u32 s0, $0xA;
	s2 =	sadd.s32 s3, s2  }
0x8d: {  	s2 =	sadd.s32 s2, s17  }
0x8e: {  	[smem:$0x3FBB] =	sst s2  }
0x8f: {  	_ = 	snop  }
0x90: {  	s2 =	sld [smem:$0x3FC8];
	(tm) =	ssettm $0x1  }
0x91: {  	s18 =	sld [smem:$0x3FFB];
	_ =	sdelay $0x3  }
0x92: {  	_ =	strace s18  }
0x93: {  	s3 =	sld [smem:$0x3FFC];
	_ =	sdelay $0x3  }
0x94: {  	_ =	strace s3  }
0x95: {  	s3 =	sld [smem:$0x3FFD];
	_ =	sdelay $0x3  }
0x96: {  	_ =	strace s3  }
0x97: {  	_ =	strace $0x8FFFFFFF  }
0x98: {  	s19 =	sld [smem:$0x3FDB];
	_ =	sdelay $0x1  }
0x99: {  	s4 =	simm.s32 $_scs_section_size  }
0x9a: {  	s5 =	simm.s32 $_size__tile_overlayer_lowered;
	s6 =	simm.s32 $_tile_overlayer_lowered  }
0x9b: {  	s22 =	simm.s32 $0x1BFF;
	s21 =	sshll.u32 s6, $0x1;
	s3 =	sadd.s32 s4, s19  }
0x9c: {  	s7 =	simm.s32 $0x0;
	s20 =	sshll.u32 s5, $0x1;
	s5 =	sadd.s32 s21, s3  }
0x9d: {  	[timem:s7], [sflag:s22] =	dma.local [hbm:s5], s20  }
0x9e: {  	_ =	swait.ge [sflag:s22], s20  }
0x9f: {  	s4 =	ssub.s32 $0x0, s20;
	[sflag:s22] =	ssyncset.done $0x0  }
0xa0: {  	[sflag:s22] =	ssyncadd.s32 s4;
	_ =	sdelay $0x1  }
0xa1: {  	s23 =	simm.s32 $0x1B8B  }
0xa2: {  	_ =	swait.ge [sflag:s23], $0x1  }
0xa3: {  	[sflag:s23] =	ssyncset.done $0x0  }
0xa4: {  	s25 =	simm.s32 $0x1B8E;
	s24 =	sld [smem:$0x3FFE];
	[sflag:s23] =	ssyncadd.s32 $0xFFFFFFFF  }
0xa5: {  	s26 =	simm.s32 $execute0_lowered;
	[smem:$0x3FD2] =	sst s25  }
0xa6: {  	s5 =	sshll.u32 s26, $0x1;
	_ =	strace $0x80000046;
	[dreg:$0x1] =	wrdreg $0xFFFFFFFF  }
0xa7: {  	s28 =	simm.s32 $_size_execute0_lowered;
	s3 =	sadd.s32 s3, s5;
	[dreg:$0x0] =	wrdreg $0x0  }
0xa8: {  	s5 =	sshll.u32 s28, $0x1;
	[dreg:$0x2] =	wrdreg s3  }
0xa9: {  	[dreg:$0x3] =	wrdreg s5  }
0xaa: {  	[dreg:$0x4] =	wrdreg $0xC0  }
0xab: {  	_ =	task [dreg:s7], $0x5FFFF  }
0xac: {  	[dreg:$0x1] =	wrdreg $0xFFFFFFFF  }
0xad: {  	[dreg:$0x0] =	wrdreg $0x60  }
0xae: {  	[dreg:$0x2] =	wrdreg s24  }
0xaf: {  	[dreg:$0x3] =	wrdreg s2  }
0xb0: {  	[dreg:$0x4] =	wrdreg $0x119000  }
0xb1: {  	[dreg:$0x5] =	wrdreg $0x9  }
0xb2: {  	_ =	task.clear_ibuf [dreg:s7], $0x6FFFF;
	_ =	strace $0x90000046  }
0xb3: {  	s29 =	simm.s32 $0x9;
	_ =	strace $0x80000048  }
0xb4: {  	_ =	swait.ge [sflag:s29], $0x1  }
0xb5: {  	[sflag:s29] =	ssyncadd.s32 $0xFFFFFFFF  }
0xb6: {  	_ =	strace $0x90000048  }
0xb7: {  	_ =	sfence  }
0xb8: {  	s30 =	sld [smem:$0x0];
	_ =	sdelay $0x2  }
0xb9: {  	s31 =	sshll.u32 s1, $0xD;
	s1 =	sshrl.u32 s1, $0x2  }
0xba: {  	s3 =	sand.u32 $0x4000, s31;
	s1 =	sadd.s32 s1, s30  }
0xbb: {  	s0 =	sor.u32 s3, s0;
	s1 =	sshll.u32 s1, $0x11  }
0xbc: {  	s0 =	sor.u32 s1, s0  }
0xbd: {  	s0 =	sadd.s32 $0x8F2B, s0  }
0xbe: {  	[sflag:s0] =	ssyncadd.remote.s32 $0x1  }
0xbf: {  	_ =	sfence.sel $0xFFFF  }
0xc0: {  	[dreg:$0x0] =	wrdreg $0xFFFFFFFF;
	(pc) =	sbr.abs _section_cstart, $3  }
0xc1: {  	[dreg:$0x1] =	wrdreg $0xFFFFFFFF  }
0xc2: {  	_ =	task.clear_ibuf [dreg:s7], $0x2FFFF;
	_ =	strace $0x9FFFFFFF  }
0xc3: {  	(tm) =	ssettm $0x7FFFFFFF  }
tec
execute0_lowered:
.L_overlay_start_1:
0x0: {  	(tag) =	ssettag $0x1  }
0x1: {  	s1 =	rddreg [dreg:$0x0]  }
0x2: {  	s0 =	srdreg.scid;
	s3 =	rddreg [dreg:$0x1]  }
0x3: {  	s11 =	stileid.u32;
	s4 =	rddreg [dreg:$0x2]  }
0x4: {  	s0 =	sand.u32 $0x1, s0;
	s6 =	smul.u32 $0x280, s11;
	s8 =	sadd.s32 $0x2200, s1  }
0x5: {  	s9 =	sadd.s32 $0x2800, s1;
	s15 =	sshrl.u32 s11, $0x3;
	s18 =	smul.u32 $0x5000, s11  }
0x6: {  	s2 =	sshll.u32 s0, $0x4;
	s7 =	smul.u32 $0x2800, s0;
	s12 =	ssub.s32 $0x2, s0  }
0x7: {  	s17 =	smul.u32 $0x50000, s15;
	s5 =	sor.u32 s11, s2;
	s2 =	simm.s32 $0x0  }
0x8: {  	s5 =	smul.u32 $0x2710, s5;
	[smem:$0x7FF] =	sst s2;
	s6 =	sadd.s32 s6, s7  }
0x9: {  	s21 =	sshrl.u32 s17, $0x2;
	_ =	strace $0x80000047;
	[dreg:$0x8] =	wrdreg s8  }
0xa: {  	[dreg:$0x9] =	wrdreg s9;
	s9 =	sshrl.u32 s12, $0x1;
	s10 =	sshrl.u32 s5, $0x3  }
0xb: {  	s6 =	sshrl.u32 s6, $0x3;
	s7 =	ssub.s32 s12, s9;
	s8 =	sadd.s32 s10, s1  }
0xc: {  	s10 =	sand.u32 $0x7FF80, s5;
	s1 =	sadd.s32 s6, s1;
	s17 =	smax.u32 s7, $0x1  }
0xd: {  	s13 =	smin.u32 s10, $0x4BA00;
	s19 =	sadd.s32 $0x2E00, s8;
	[dreg:$0x1d] =	wrdreg s17  }
0xe: {  	s8 =	smul.u32 $0x4E20, s11;
	s15 =	sadd.s32 $0xCC00, s1;
	[dreg:$0xc] =	wrdreg s19  }
0xf: {  	s6 =	sshrl.u32 s13, $0x2;
	[dreg:$0x1c] =	wrdreg s15  }
0x10: {  	s22 =	sshrl.u32 s18, $0x2;
	s3 =	sadd.s32 s3, s6;
	[dreg:$0x4] =	wrdreg s8  }
0x11: {  	s6 =	sadd.s32 s22, s4;
	[dreg:$0xa] =	wrdreg s3  }
0x12: {  	s23 =	sadd.s32 $0x80, s6;
	[dreg:$0xd] =	wrdreg s6  }
0x13: {  	s25 =	sadd.s32 $0x180, s6;
	[dreg:$0xf] =	wrdreg s23  }
0x14: {  	s28 =	sadd.s32 $0x200, s6;
	[dreg:$0x11] =	wrdreg s25  }
0x15: {  	s29 =	sadd.s32 $0x280, s6;
	[dreg:$0x12] =	wrdreg s28  }
0x16: {  	s30 =	sadd.s32 $0x300, s6;
	[dreg:$0x13] =	wrdreg s29  }
0x17: {  	s31 =	sadd.s32 $0x380, s6;
	[dreg:$0x14] =	wrdreg s30  }
0x18: {  	s9 =	sadd.s32 $0x14000, s6;
	[dreg:$0x15] =	wrdreg s31  }
0x19: {  	s10 =	sadd.s32 $0x14080, s6;
	[dreg:$0x16] =	wrdreg s9  }
0x1a: {  	s12 =	sadd.s32 $0x14100, s6;
	[dreg:$0x17] =	wrdreg s10  }
0x1b: {  	s14 =	ssub.s32 s5, s13;
	s13 =	sadd.s32 $0x14180, s6;
	[dreg:$0x18] =	wrdreg s12  }
0x1c: {  	s16 =	sshll.u32 s14, $0x1;
	s14 =	sadd.s32 $0x14200, s6;
	[dreg:$0x1a] =	wrdreg s13  }
0x1d: {  	s18 =	sadd.s32 $0x14280, s6;
	[dreg:$0x1b] =	wrdreg s14  }
0x1e: {  	s19 =	sadd.s32 $0x14300, s6;
	[dreg:$0x1e] =	wrdreg s18  }
0x1f: {  	s22 =	sadd.s32 $0x800, s6;
	[dreg:$0x1f] =	wrdreg s19  }
0x20: {  	s1 =	sadd.s32 $0xD00, s6;
	[smem:$0x7BF] =	sst s22  }
0x21: {  	s7 =	sadd.s32 $0xD80, s6;
	[smem:$0x7C8] =	sst s1  }
0x22: {  	s8 =	sadd.s32 $0x1180, s6;
	[smem:$0x7CC] =	sst s7  }
0x23: {  	s5 =	sand.u32 $0x70, s5;
	s15 =	sadd.s32 $0xE80, s6;
	[smem:$0x7CD] =	sst s8  }
0x24: {  	s3 =	sand.u32 $0xFFFFFF00, s16;
	s17 =	sadd.s32 $0x1280, s6;
	[smem:$0x7D4] =	sst s15  }
0x25: {  	s16 =	sor.u32 $0x4F00, s5;
	s3 =	sor.u32 s5, s3;
	[smem:$0x7D5] =	sst s17  }
0x26: {  	s5 =	sadd.s32 s21, s4;
	s4 =	sadd.s32 $0x100, s6;
	[dreg:$0xb] =	wrdreg s3  }
0x27: {  	s21 =	sadd.s32 $0x400, s6;
	[dreg:$0x10] =	wrdreg s4  }
0x28: {  	s23 =	sadd.s32 $0xC00, s6;
	[smem:$0x7BE] =	sst s21  }
0x29: {  	s25 =	sadd.s32 $0x480, s6;
	[smem:$0x7C0] =	sst s23  }
0x2a: {  	s28 =	sadd.s32 $0xC80, s6;
	[smem:$0x7C2] =	sst s25  }
0x2b: {  	s29 =	sadd.s32 $0x1080, s6;
	[smem:$0x7C4] =	sst s28  }
0x2c: {  	s30 =	sadd.s32 $0x500, s6;
	[smem:$0x7C5] =	sst s29  }
0x2d: {  	s31 =	sadd.s32 $0x900, s6;
	[smem:$0x7C6] =	sst s30  }
0x2e: {  	s9 =	sadd.s32 $0x600, s6;
	[smem:$0x7C7] =	sst s31  }
0x2f: {  	s10 =	sadd.s32 $0xA00, s6;
	[smem:$0x7CE] =	sst s9  }
0x30: {  	s12 =	sadd.s32 $0x1200, s6;
	[smem:$0x7CF] =	sst s10  }
0x31: {  	s13 =	sadd.s32 $0x680, s6;
	[smem:$0x7D1] =	sst s12  }
0x32: {  	s14 =	sadd.s32 $0xA80, s6;
	[smem:$0x7D2] =	sst s13  }
0x33: {  	s18 =	sadd.s32 $0x700, s6;
	[smem:$0x7D3] =	sst s14  }
0x34: {  	s19 =	sadd.s32 $0xB00, s6;
	[smem:$0x7D6] =	sst s18  }
0x35: {  	s22 =	sadd.s32 $0x780, s6;
	[smem:$0x7D7] =	sst s19  }
0x36: {  	s1 =	sadd.s32 $0x14880, s6;
	[smem:$0x7DA] =	sst s22  }
0x37: {  	s7 =	sadd.s32 $0x14900, s6;
	[smem:$0x7E3] =	sst s1  }
0x38: {  	s8 =	sadd.s32 $0x14D00, s6;
	[smem:$0x7E7] =	sst s7  }
0x39: {  	s15 =	sadd.s32 $0x14A00, s6;
	[smem:$0x7E8] =	sst s8  }
0x3a: {  	s20 =	sshll.u32 s11, $0x7;
	s17 =	sadd.s32 $0x14E00, s6;
	[smem:$0x7EF] =	sst s15  }
0x3b: {  	s3 =	sand.u32 $0x380, s20;
	s20 =	sadd.s32 $0x14380, s6;
	[smem:$0x7F0] =	sst s17  }
0x3c: {  	s21 =	sadd.s32 $0x1300, s6;
	[smem:$0x7BD] =	sst s20  }
0x3d: {  	s23 =	sadd.s32 $0xB80, s6;
	[smem:$0x7D9] =	sst s21  }
0x3e: {  	s25 =	sadd.s32 $0x1380, s6;
	[smem:$0x7DB] =	sst s23  }
0x3f: {  	s28 =	sadd.s32 $0x14800, s6;
	[smem:$0x7DD] =	sst s25  }
0x40: {  	s29 =	sadd.s32 $0x14C00, s6;
	[smem:$0x7DF] =	sst s28  }
0x41: {  	s30 =	sadd.s32 $0x15000, s6;
	[smem:$0x7E0] =	sst s29  }
0x42: {  	s31 =	sadd.s32 $0x14480, s6;
	[smem:$0x7E1] =	sst s30  }
0x43: {  	s9 =	sadd.s32 $0x15100, s6;
	[smem:$0x7E2] =	sst s31  }
0x44: {  	s10 =	sadd.s32 $0x14580, s6;
	[smem:$0x7E9] =	sst s9  }
0x45: {  	s12 =	sadd.s32 $0x14D80, s6;
	[smem:$0x7EA] =	sst s10  }
0x46: {  	s13 =	sadd.s32 $0x15180, s6;
	[smem:$0x7EC] =	sst s12  }
0x47: {  	s14 =	sadd.s32 $0x14600, s6;
	[smem:$0x7ED] =	sst s13  }
0x48: {  	s18 =	sadd.s32 $0x15200, s6;
	[smem:$0x7EE] =	sst s14  }
0x49: {  	s19 =	sadd.s32 $0x14680, s6;
	[smem:$0x7F1] =	sst s18  }
0x4a: {  	s22 =	sadd.s32 $0x15280, s6;
	[smem:$0x7F2] =	sst s19  }
0x4b: {  	s3 =	sadd.s32 s3, s5;
	[smem:$0x7F5] =	sst s22  }
0x4c: {  	s5 =	sadd.s32 $0x980, s6;
	[dreg:$0xe] =	wrdreg s3  }
0x4d: {  	s20 =	sadd.s32 $0xF00, s6;
	[smem:$0x7CB] =	sst s5  }
0x4e: {  	s21 =	sadd.s32 $0x14E80, s6;
	[smem:$0x7D8] =	sst s20  }
0x4f: {  	s23 =	sadd.s32 $0x14700, s6;
	[smem:$0x7F4] =	sst s21  }
0x50: {  	s25 =	sadd.s32 $0x14F00, s6;
	[smem:$0x7F6] =	sst s23  }
0x51: {  	s28 =	sadd.s32 $0x14780, s6;
	[smem:$0x7F8] =	sst s25  }
0x52: {  	s26 =	smul.u32 $0x2710, s11;
	s29 =	sadd.s32 $0x14B80, s6;
	[smem:$0x7FA] =	sst s28  }
0x53: {  	s24 =	smul.u32 $0x27100, s0;
	s30 =	sadd.s32 $0x14F80, s6;
	[smem:$0x7FB] =	sst s29  }
0x54: {  	s31 =	sadd.s32 $0x15380, s6;
	[smem:$0x7FC] =	sst s30  }
0x55: {  	s3 =	sadd.s32 s26, s24;
	s24 =	sadd.s32 $0x1000, s6;
	[smem:$0x7FD] =	sst s31  }
0x56: {  	s26 =	sadd.s32 $0x880, s6;
	[smem:$0x7C1] =	sst s24  }
0x57: {  	s5 =	sadd.s32 $0x14500, s6;
	[smem:$0x7C3] =	sst s26  }
0x58: {  	s20 =	sadd.s32 $0x14A80, s6;
	[smem:$0x7E6] =	sst s5  }
0x59: {  	s24 =	sadd.s32 $0xF80, s6;
	[smem:$0x7F3] =	sst s20  }
0x5a: {  	s11 =	sand.u32 $0x7FF80, s3;
	s26 =	sadd.s32 $0x14400, s6;
	[smem:$0x7DC] =	sst s24  }
0x5b: {  	s4 =	smin.u32 s11, $0x4BA00;
	s11 =	sadd.s32 $0xE00, s6;
	[smem:$0x7DE] =	sst s26  }
0x5c: {  	s24 =	sadd.s32 $0x14B00, s6;
	[smem:$0x7D0] =	sst s11  }
0x5d: {  	s26 =	sadd.s32 $0x15300, s6;
	[smem:$0x7F7] =	sst s24  }
0x5e: {  	s0 =	smul.u32 $0x4E200, s0;
	s3 =	ssub.s32 s3, s4;
	[smem:$0x7F9] =	sst s26  }
0x5f: {  	s4 =	sshll.u32 s4, $0x1;
	s11 =	sadd.s32 $0x14980, s6;
	[dreg:$0x5] =	wrdreg s3  }
0x60: {  	s0 =	ssub.s32 s0, s4;
	[smem:$0x7EB] =	sst s11  }
0x61: {  	s3 =	sadd.s32 $0x1100, s6;
	[dreg:$0x19] =	wrdreg s0  }
0x62: {  	s1 =	simm.s32 $0x2780;
	s4 =	sadd.s32 $0x580, s6;
	[smem:$0x7C9] =	sst s3  }
0x63: {  	s14 =	simm.s32 $0xC680;
	[smem:$0x7CA] =	sst s4;
	s3 =	sadd.s32 $0x14C80, s6  }
0x64: {  	s4 =	sadd.s32 $0x15080, s6;
	s6 =	simm.s32 $0x0;
	[smem:$0x7E4] =	sst s3  }
0x65: {  	v1 =	vimm.f32 $0.0e+00;
	v0 =	vmov s16;
	[smem:$0x7E5] =	sst s4;
	s3 =	simm.s32 $0x1;
	s4 =	simm.s32 $0xC680  }
.LBB2_1:
0x66: {  	[smem:$0x7BC] =	sst s6  }
0x67: {  	s0 =	rddreg [dreg:$0x8]  }
0x68: {  	[tilespmem:s2], [sflag:$0x1] =	stream.linear.gather [hbm4b:s0+s2], $0x2780, $0x38;
	[tilespmem:$0x14100] =	vst v63  }
0x69: {  	s29 =	rddreg [dreg:$0x9]  }
0x6a: {  	[tilespmem:s1], [sflag:$0x2] =	stream.linear.gather [hbm4b:s29+s2], $0x2780, $0x38;
	[tilespmem:$0x14100] =	vst v63  }
0x6b: {  	s30 =	rddreg [dreg:$0xa];
	s31 =	simm.s32 $0x4F00;
	s17 =	simm.s32 $0xC6C0  }
0x6c: {  	[tilespmem:s31], [sflag:$0x3] =	stream.linear.gather [hbm4b:s30+s2], $0x5000, $0x38;
	[tilespmem:$0x14100] =	vst v63  }
0x6d: {  	[tilespmem:s17+$0xFFFFFFC0] =	vst v1  }
0x6e: {  	[tilespmem:s17+$0x30] =	vst v1  }
0x6f: {  	[tilespmem:s17+$0x20] =	vst v1  }
0x70: {  	[tilespmem:s17+$0x10] =	vst v1  }
0x71: {  	[tilespmem:s17+$0x0] =	vst v1  }
0x72: {  	[tilespmem:s17+$0xFFFFFFF0] =	vst v1  }
0x73: {  	s18 =	simm.s32 $0x0;
	[tilespmem:s17+$0xFFFFFFE0] =	vst v1  }
.LBB2_2:
0x74: {  	s18 =	sadd.s32 $0x80, s18;
	[tilespmem:s17+$0xFFFFFFD0] =	vst v1;
	s17 =	sadd.s32 $0x80, s17  }
0x75: {  	[tilespmem:s17+$0xFFFFFFC0] =	vst v1;
	p0 =	slt.u32 s18, $0x2780  }
0x76: {  	[tilespmem:s17+$0x30] =	vst v1  }
.Ltmp0:
0x77: {  	[tilespmem:s17+$0x20] =	vst v1;
	(pc) =	sbr.rel @p0 .LBB2_2-.Ltmp0, $4  }
0x78: {  	[tilespmem:s17+$0x10] =	vst v1  }
0x79: {  	[tilespmem:s17+$0x0] =	vst v1  }
0x7a: {  	[tilespmem:s17+$0xFFFFFFF0] =	vst v1  }
0x7b: {  	[tilespmem:s17+$0xFFFFFFE0] =	vst v1  }
0x7c: {  	[tilespmem:s17+$0xFFFFFFD0] =	vst v1  }
0x7d: {  	_ =	swait.ge [sflag:s3], $0x2780  }
0x7e: {  	[sflag:s3] =	ssyncset.done $0x0  }
0x7f: {  	s0 =	simm.s32 $0x2;
	[sflag:s3] =	ssyncadd.s32 $0xFFFFD880  }
0x80: {  	_ =	swait.ge [sflag:s0], $0x2780  }
0x81: {  	[sflag:s0] =	ssyncset.done $0x0  }
0x82: {  	s1 =	simm.s32 $0x3;
	[sflag:s0] =	ssyncadd.s32 $0xFFFFD880  }
0x83: {  	_ =	swait.ge [sflag:s1], $0x5000  }
0x84: {  	s28 =	rddreg [dreg:$0x4]  }
0x85: {  	s20 =	rddreg [dreg:$0x5]  }
0x86: {  	s0 =	rddreg [dreg:$0x19];
	[sflag:s1] =	ssyncset.done $0x0  }
0x87: {  	s18 =	sadd.s32 s0, s28;
	s17 =	sadd.s32 $0xFFFFFF00, s20;
	[sflag:s1] =	ssyncadd.s32 $0xFFFFB000  }
0x88: {  	s20 =	sadd.s32 $0x1F0, s17;
	s21 =	sadd.s32 $0x1E0, s18;
	s29 =	sadd.s32 $0x110, s17  }
0x89: {  	s30 =	sadd.s32 $0x20, s18;
	s22 =	sadd.s32 $0x120, s17;
	s31 =	sadd.s32 $0x40, s18  }
0x8a: {  	s3 =	sadd.s32 $0x60, s18;
	s20 =	sand.u32 $0x70, s20;
	s21 =	sand.u32 $0xFFFFFF00, s21  }
0x8b: {  	s6 =	sadd.s32 $0x80, s18;
	s8 =	sadd.s32 $0xA0, s18;
	s20 =	sor.u32 s20, s21  }
0x8c: {  	s10 =	sadd.s32 $0xC0, s18;
	s12 =	sadd.s32 $0xE0, s18;
	s15 =	sadd.s32 $0x120, s18;
	v2 =	vld [tilespmem:s20+$0x4F00]  }
0x8d: {  	s19 =	sadd.s32 $0x140, s18;
	s21 =	sand.u32 $0xFFFFFF00, s30;
	v4 =	vld [tilespmem:s20+$0x4F80];
	s20 =	sand.u32 $0x70, s29  }
0x8e: {  	s24 =	sadd.s32 $0x160, s18;
	s26 =	sadd.s32 $0x180, s18;
	s20 =	sor.u32 s20, s21  }
0x8f: {  	s22 =	sand.u32 $0x70, s22;
	s30 =	sadd.s32 $0x1C0, s18;
	s29 =	sadd.s32 $0x1A0, s18;
	v17 =	vld [tilespmem:s20+$0x4F00]  }
0x90: {  	s21 =	sand.u32 $0xFFFFFF00, s31;
	s31 =	sadd.s32 $0x100, s18;
	s18 =	sand.u32 $0xFFFFFF00, s18;
	v15 =	vld [tilespmem:s20+$0x4F80]  }
0x91: {  	s2 =	sadd.s32 $0x130, s17;
	s21 =	sor.u32 s22, s21;
	v31 =	vld.idx.msk [tilespmem:v0+s18+$0x0 ss:$0x1], $0xffff  }
0x92: {  	s20 =	sand.u32 $0x70, s2;
	s22 =	sand.u32 $0xFFFFFF00, s3;
	v18 =	vld [tilespmem:s21+$0x4F00]  }
0x93: {  	s5 =	sadd.s32 $0x140, s17;
	v16 =	vld [tilespmem:s21+$0x4F80];
	s20 =	sor.u32 s20, s22  }
0x94: {  	s21 =	sand.u32 $0x70, s5;
	s22 =	sand.u32 $0xFFFFFF00, s6;
	v19 =	vld [tilespmem:s20+$0x4F00]  }
0x95: {  	s7 =	sadd.s32 $0x150, s17;
	s21 =	sor.u32 s21, s22;
	v14 =	vld [tilespmem:s20+$0x4F80]  }
0x96: {  	s22 =	sand.u32 $0x70, s7;
	s20 =	sand.u32 $0xFFFFFF00, s8;
	v20 =	vld [tilespmem:s21+$0x4F00]  }
0x97: {  	s9 =	sadd.s32 $0x160, s17;
	s20 =	sor.u32 s22, s20;
	v13 =	vld [tilespmem:s21+$0x4F80]  }
0x98: {  	s22 =	sand.u32 $0x70, s9;
	s21 =	sand.u32 $0xFFFFFF00, s10;
	v21 =	vld [tilespmem:s20+$0x4F00]  }
0x99: {  	s21 =	sor.u32 s22, s21;
	v12 =	vld [tilespmem:s20+$0x4F80]  }
0x9a: {  	v22 =	vld [tilespmem:s21+$0x4F00]  }
0x9b: {  	s1 =	simm.s32 $0x0;
	s11 =	sadd.s32 $0x170, s17;
	v11 =	vld [tilespmem:s21+$0x4F80]  }
0x9c: {  	s2 =	simm.s32 $0x2780;
	s22 =	sand.u32 $0x70, s11;
	s20 =	sand.u32 $0xFFFFFF00, s12;
	v2 =	vld.idx.msk [tilespmem:v2+s1+$0x0], $0xffff  }
0x9d: {  	s13 =	sadd.s32 $0x190, s17;
	s20 =	sor.u32 s22, s20;
	v3 =	vld.idx.msk [tilespmem:v4+s2+$0x0], $0xffff  }
0x9e: {  	s22 =	sand.u32 $0x70, s13;
	s21 =	sand.u32 $0xFFFFFF00, s15;
	v23 =	vld [tilespmem:s20+$0x4F00]  }
0x9f: {  	s16 =	sadd.s32 $0x1A0, s17;
	s21 =	sor.u32 s22, s21;
	v7 =	vld [tilespmem:s20+$0x4F80]  }
0xa0: {  	s22 =	sand.u32 $0x70, s16;
	s20 =	sand.u32 $0xFFFFFF00, s19;
	v24 =	vld [tilespmem:s21+$0x4F00]  }
0xa1: {  	s20 =	sor.u32 s22, s20;
	v8 =	vld [tilespmem:s21+$0x4F80]  }
0xa2: {  	v25 =	vld [tilespmem:s20+$0x4F00]  }
0xa3: {  	s23 =	sadd.s32 $0x1B0, s17;
	v10 =	vld [tilespmem:s20+$0x4F80]  }
0xa4: {  	s22 =	sand.u32 $0x70, s23;
	s21 =	sand.u32 $0xFFFFFF00, s24;
	v17 =	vld.idx.msk [tilespmem:v17+s1+$0x0], $0xffff  }
0xa5: {  	s21 =	sor.u32 s22, s21;
	v32 =	vld.idx.msk [tilespmem:v15+s2+$0x0], $0xffff  }
0xa6: {  	v26 =	vld [tilespmem:s21+$0x4F00]  }
0xa7: {  	s25 =	sadd.s32 $0x1C0, s17;
	v9 =	vld [tilespmem:s21+$0x4F80]  }
0xa8: {  	s22 =	sand.u32 $0x70, s25;
	s20 =	sand.u32 $0xFFFFFF00, s26;
	v18 =	vld.idx.msk [tilespmem:v18+s1+$0x0], $0xffff  }
0xa9: {  	s20 =	sor.u32 s22, s20;
	v33 =	vld.idx.msk [tilespmem:v16+s2+$0x0], $0xffff  }
0xaa: {  	s28 =	sadd.s32 $0x1D0, s17;
	v27 =	vld [tilespmem:s20+$0x4F00]  }
0xab: {  	s22 =	sand.u32 $0x70, s28;
	s21 =	sand.u32 $0xFFFFFF00, s29;
	v19 =	vld.idx.msk [tilespmem:v19+s1+$0x0], $0xffff  }
0xac: {  	s21 =	sor.u32 s22, s21;
	v34 =	vld.idx.msk [tilespmem:v14+s2+$0x0], $0xffff  }
0xad: {  	v28 =	vld [tilespmem:s21+$0x4F00]  }
0xae: {  	v5 =	vld [tilespmem:s21+$0x4F80]  }
0xaf: {  	v20 =	vld.idx.msk [tilespmem:v20+s1+$0x0], $0xffff  }
0xb0: {  	v2 =	vadd.f32 v3, v2;
	v35 =	vld.idx.msk [tilespmem:v13+s2+$0x0], $0xffff  }
0xb1: {  	v21 =	vld.idx.msk [tilespmem:v21+s1+$0x0], $0xffff  }
0xb2: {  	v50 =	vld.idx.msk [tilespmem:v12+s2+$0x0], $0xffff;
	v3 =	vmul.f32 $2.000000030e-01, v2  }
0xb3: {  	vm0 =	vge.f32 v2, $0.0e+00;
	v22 =	vld.idx.msk [tilespmem:v22+s1+$0x0], $0xffff  }
0xb4: {  	v36 =	vld.idx.msk [tilespmem:v11+s2+$0x0], $0xffff;
	v2 =	vsel vm0, v2, v3  }
0xb5: {  	v23 =	vld.idx.msk [tilespmem:v23+s1+$0x0], $0xffff;
	v2 =	vmul.f32 $1.442695020e+00, v2  }
0xb6: {  	v54 =	vld.idx.msk [tilespmem:v7+s2+$0x0], $0xffff  }
0xb7: {  	v3 =	vld [tilespmem:s20+$0x4F80];
	(erf) = vpow2.f32 v2  }
0xb8: {  	s17 =	sadd.s32 $0x1E0, s17;
	v17 =	vadd.f32 v32, v17;
	v24 =	vld.idx.msk [tilespmem:v24+s1+$0x0], $0xffff  }
0xb9: {  	s17 =	sand.u32 $0x70, s17;
	v18 =	vadd.f32 v33, v18;
	s20 =	sand.u32 $0xFFFFFF00, s30;
	v56 =	vld.idx.msk [tilespmem:v8+s2+$0x0], $0xffff  }
0xba: {  	v51 =	vmul.f32 $2.000000030e-01, v17;
	v19 =	vadd.f32 v34, v19;
	s20 =	sor.u32 s17, s20;
	v57 =	vld.idx.msk [tilespmem:v10+s2+$0x0], $0xffff  }
0xbb: {  	vm0 =	vge.f32 v17, $0.0e+00;
	vm1 =	vge.f32 v18, $0.0e+00;
	v52 =	vmul.f32 $2.000000030e-01, v18;
	v29 =	vld [tilespmem:s20+$0x4F00]  }
0xbc: {  	v20 =	vadd.f32 v35, v20;
	v6 =	vld [tilespmem:s20+$0x4F80];
	v17 =	vsel vm0, v17, v51;
	vm0 =	vge.f32 v19, $0.0e+00  }
0xbd: {  	s20 =	sand.u32 $0xFFFFFF00, s31;
	v53 =	vmul.f32 $2.000000030e-01, v19;
	v21 =	vadd.f32 v50, v21;
	v58 =	vld.idx.msk [tilespmem:v9+s2+$0x0], $0xffff;
	v17 =	vmul.f32 $1.442695020e+00, v17  }
0xbe: {  	v30 =	vld.idx.msk [tilespmem:v0+s20+$0x0 ss:$0x1], $0xffff;
	v18 =	vsel vm1, v18, v52;
	vm1 =	vge.f32 v20, $0.0e+00;
	v55 =	vmul.f32 $2.000000030e-01, v20  }
0xbf: {  	v22 =	vadd.f32 v36, v22;
	v18 =	vmul.f32 $1.442695020e+00, v18;
	v19 =	vsel vm0, v19, v53;
	v60 =	vld.idx.msk [tilespmem:v5+s2+$0x0], $0xffff  }
0xc0: {  	s17 =	simm.s32 $0x9F80;
	vm0 =	vge.f32 v21, $0.0e+00;
	v19 =	vmul.f32 $1.442695020e+00, v19;
	v2 =	vpop (erf);
	(erf) = vpow2.f32 v17;
	v17 =	vld.idx.msk [tilespmem:v25+s1+$0x0], $0xffff  }
0xc1: {  	v23 =	vadd.f32 v54, v23;
	v25 =	vmul.f32 $2.000000030e-01, v21;
	[tilespmem:s17+$0x70] =	vst v2;
	(erf) = vpow2.f32 v18;
	v18 =	vld.idx.msk [tilespmem:v26+s1+$0x0], $0xffff  }
0xc2: {  	v20 =	vsel vm1, v20, v55;
	vm1 =	vge.f32 v22, $0.0e+00;
	v24 =	vadd.f32 v56, v24;
	[tilespmem:v4+s4+$0x0] =	vst.idx.add.f32.msk $0xffff, v2  }
0xc3: {  	v20 =	vmul.f32 $1.442695020e+00, v20;
	v26 =	vmul.f32 $2.000000030e-01, v22;
	v4 =	vld.idx.msk [tilespmem:v0+s20+$0x80 ss:$0x1], $0xffff;
	v21 =	vsel vm0, v21, v25  }
0xc4: {  	(erf) = vpow2.f32 v19;
	v19 =	vld.idx.msk [tilespmem:v27+s1+$0x0], $0xffff;
	vm0 =	vge.f32 v23, $0.0e+00;
	v25 =	vmul.f32 $2.000000030e-01, v23  }
0xc5: {  	v27 =	vld.idx.msk [tilespmem:v3+s2+$0x0], $0xffff;
	v21 =	vmul.f32 $1.442695020e+00, v21;
	v22 =	vsel vm1, v22, v26;
	(erf) = vpow2.f32 v20  }
0xc6: {  	v2 =	vld.idx.msk [tilespmem:v0+s18+$0x80 ss:$0x1], $0xffff;
	vm1 =	vge.f32 v24, $0.0e+00;
	v26 =	vmul.f32 $2.000000030e-01, v24;
	v59 =	vadd.f32 v57, v17  }
0xc7: {  	v20 =	vld.idx.msk [tilespmem:v28+s1+$0x0], $0xffff;
	v17 =	vmul.f32 $1.442695020e+00, v22;
	v22 =	vsel vm0, v23, v25;
	(erf) = vpow2.f32 v21  }
0xc8: {  	v61 =	vld.idx.msk [tilespmem:v6+s2+$0x0], $0xffff;
	v25 =	vadd.f32 v58, v18;
	v18 =	vmul.f32 $1.442695020e+00, v22;
	v22 =	vsel vm1, v24, v26  }
0xc9: {  	v23 =	vld.idx.msk [tilespmem:v29+s1+$0x0], $0xffff;
	vm0 =	vge.f32 v59, $0.0e+00;
	v21 =	vmul.f32 $2.000000030e-01, v59;
	(erf) = vpow2.f32 v17  }
0xca: {  	v17 =	vld.idx.msk [tilespmem:v30+s1+$0x0], $0xffff;
	v27 =	vadd.f32 v27, v19;
	v22 =	vmul.f32 $1.442695020e+00, v22;
	vm1 =	vge.f32 v25, $0.0e+00;
	v24 =	vpop (erf)  }
0xcb: {  	v26 =	vmul.f32 $2.000000030e-01, v25;
	v28 =	vsel vm0, v59, v21;
	(erf) = vpow2.f32 v18;
	v18 =	vld.idx.msk [tilespmem:v31+s1+$0x0], $0xffff;
	[tilespmem:s17+$0xFFFFFF90] =	vst v24;
	v62 =	vpop (erf)  }
0xcc: {  	vm2 =	vge.f32 v27, $0.0e+00;
	v63 =	vmul.f32 $2.000000030e-01, v27;
	v21 =	vadd.f32 v60, v20;
	v19 =	vld.idx.msk [tilespmem:v4+s2+$0x0], $0xffff;
	[tilespmem:s17+$0xFFFFFFA0] =	vst v62  }
0xcd: {  	v28 =	vmul.f32 $1.442695020e+00, v28;
	(erf) = vpow2.f32 v22;
	[tilespmem:v15+s4+$0x0] =	vst.idx.add.f32.msk $0xffff, v24;
	v24 =	vsel vm1, v25, v26  }
0xce: {  	v22 =	vpop (erf);
	vm0 =	vge.f32 v21, $0.0e+00;
	v15 =	vadd.f32 v61, v23;
	[tilespmem:v16+s4+$0x0] =	vst.idx.add.f32.msk $0xffff, v62;
	v16 =	vmul.f32 $2.000000030e-01, v21  }
0xcf: {  	s3 =	simm.s32 $0x0;
	v20 =	vld.idx.msk [tilespmem:v2+s2+$0x0], $0xffff;
	v25 =	vsel vm2, v27, v63;
	v23 =	vpop (erf);
	[tilespmem:s17+$0xFFFFFFB0] =	vst v22;
	v24 =	vmul.f32 $1.442695020e+00, v24;
	(erf) = vpow2.f32 v28  }
.LBB2_4:
0xd0: {  	s21 =	rddreg [dreg:$0x4];
	s22 =	smov.u32 s3  }
0xd1: {  	s23 =	rddreg [dreg:$0x5];
	s19 =	sadd.s32 $0x100, s3;
	s0 =	sadd.s32 $0x200, s0  }
0xd2: {  	[dreg:$0x7] =	wrdreg s0;
	s21 =	sadd.s32 s0, s21;
	s22 =	sadd.s32 s22, s23  }
0xd3: {  	[tilespmem:v14+s4+$0x0] =	vst.idx.add.f32.msk $0xffff, v22;
	s23 =	sadd.s32 $0x110, s22;
	s24 =	sadd.s32 $0x1F0, s22;
	s25 =	sadd.s32 $0x1E0, s21  }
0xd4: {  	[tilespmem:s17+$0xFFFFFFC0] =	vst v23;
	s26 =	sadd.s32 $0x20, s21;
	s28 =	sadd.s32 $0x120, s22;
	s29 =	sadd.s32 $0x40, s21  }
0xd5: {  	[tilespmem:v13+s4+$0x0] =	vst.idx.add.f32.msk $0xffff, v23;
	s20 =	sadd.s32 $0x130, s22;
	s30 =	sadd.s32 $0x60, s21;
	s0 =	sadd.s32 $0x150, s22;
	v14 =	vadd.f32 v19, v17;
	v19 =	vpop (erf)  }
0xd6: {  	s3 =	sadd.s32 $0xA0, s21;
	s24 =	sand.u32 $0x70, s24;
	s25 =	sand.u32 $0xFFFFFF00, s25;
	[tilespmem:s17+$0xFFFFFFD0] =	vst v19  }
0xd7: {  	v22 =	vmul.f32 $1.442695020e+00, v25;
	v16 =	vsel vm0, v21, v16;
	s23 =	sand.u32 $0x70, s23;
	s26 =	sand.u32 $0xFFFFFF00, s26;
	s28 =	sand.u32 $0x70, s28;
	v18 =	vadd.f32 v20, v18;
	v20 =	vpop (erf);
	[tilespmem:v12+s4+$0x0] =	vst.idx.add.f32.msk $0xffff, v19  }
0xd8: {  	v16 =	vmul.f32 $1.442695020e+00, v16;
	s29 =	sand.u32 $0xFFFFFF00, s29;
	s30 =	sand.u32 $0xFFFFFF00, s30;
	(erf) = vpow2.f32 v24;
	s24 =	sor.u32 s24, s25;
	[tilespmem:s17+$0xFFFFFFE0] =	vst v20  }
0xd9: {  	v17 =	vmul.f32 $2.000000030e-01, v15;
	s25 =	sand.u32 $0x70, s20;
	s23 =	sor.u32 s23, s26;
	s26 =	sor.u32 s28, s29;
	(erf) = vpow2.f32 v22;
	v13 =	vpop (erf);
	[tilespmem:v11+s4+$0x0] =	vst.idx.add.f32.msk $0xffff, v20  }
0xda: {  	vm1 =	vge.f32 v15, $0.0e+00;
	s0 =	sand.u32 $0x70, s0;
	s3 =	sand.u32 $0xFFFFFF00, s3;
	s25 =	sor.u32 s25, s30;
	v11 =	vpop (erf);
	(erf) = vpow2.f32 v16;
	v16 =	vld [tilespmem:s26+$0x4F80]  }
0xdb: {  	s0 =	sor.u32 s0, s3;
	v21 =	vmul.f32 $2.000000030e-01, v14;
	v15 =	vsel vm1, v15, v17;
	v17 =	vmul.f32 $2.000000030e-01, v18;
	v20 =	vld [tilespmem:s25+$0x4F00]  }
0xdc: {  	vm0 =	vge.f32 v14, $0.0e+00;
	vm1 =	vge.f32 v18, $0.0e+00;
	v22 =	vld [tilespmem:s0+$0x4F00]  }
0xdd: {  	s31 =	sadd.s32 $0x140, s22;
	s1 =	sadd.s32 $0x80, s21;
	[tilespmem:s17+$0xFFFFFFF0] =	vst v13;
	v12 =	vsel vm0, v14, v21;
	v14 =	vmul.f32 $1.442695020e+00, v15;
	v15 =	vsel vm1, v18, v17;
	v17 =	vld [tilespmem:s24+$0x4F80]  }
0xde: {  	s31 =	sand.u32 $0x70, s31;
	s1 =	sand.u32 $0xFFFFFF00, s1;
	[tilespmem:v7+s14+$0x0] =	vst.idx.add.f32.msk $0xffff, v13  }
0xdf: {  	s1 =	sor.u32 s31, s1;
	v18 =	vld [tilespmem:s23+$0x4F00]  }
0xe0: {  	s5 =	sadd.s32 $0x170, s22;
	s7 =	sadd.s32 $0xE0, s21;
	v21 =	vld [tilespmem:s1+$0x4F00]  }
0xe1: {  	s5 =	sand.u32 $0x70, s5;
	s7 =	sand.u32 $0xFFFFFF00, s7;
	[tilespmem:s17+$0x10] =	vst v11;
	v13 =	vld [tilespmem:s1+$0x4F80]  }
0xe2: {  	s7 =	sor.u32 s5, s7;
	[tilespmem:v8+s14+$0x0] =	vst.idx.add.f32.msk $0xffff, v11  }
0xe3: {  	v19 =	vmul.f32 $1.442695020e+00, v12;
	v24 =	vld [tilespmem:s7+$0x4F00]  }
0xe4: {  	v15 =	vmul.f32 $1.442695020e+00, v15;
	(erf) = vpow2.f32 v14;
	v14 =	vld [tilespmem:s24+$0x4F00]  }
0xe5: {  	s9 =	sadd.s32 $0x190, s22;
	s4 =	sadd.s32 $0xC0, s21;
	s24 =	sadd.s32 $0x160, s22;
	(erf) = vpow2.f32 v19;
	v12 =	vpop (erf);
	v19 =	vld [tilespmem:s26+$0x4F00]  }
0xe6: {  	s12 =	sadd.s32 $0x120, s21;
	s4 =	sand.u32 $0xFFFFFF00, s4;
	s24 =	sand.u32 $0x70, s24;
	[tilespmem:s17+$0x20] =	vst v12;
	(erf) = vpow2.f32 v15;
	v15 =	vld [tilespmem:s23+$0x4F80]  }
0xe7: {  	s9 =	sand.u32 $0x70, s9;
	s12 =	sand.u32 $0xFFFFFF00, s12;
	s4 =	sor.u32 s24, s4;
	[tilespmem:v10+s14+$0x0] =	vst.idx.add.f32.msk $0xffff, v12  }
0xe8: {  	s23 =	sor.u32 s9, s12;
	v7 =	vpop (erf);
	v23 =	vld [tilespmem:s4+$0x4F00]  }
0xe9: {  	v25 =	vld [tilespmem:s23+$0x4F00];
	[tilespmem:s17+$0x30] =	vst v7  }
0xea: {  	s18 =	simm.s32 $0x2780;
	[tilespmem:v9+s14+$0x0] =	vst.idx.add.f32.msk $0xffff, v7  }
0xeb: {  	s20 =	simm.s32 $0x0;
	v33 =	vld.idx.msk [tilespmem:v16+s18+$0x0], $0xffff  }
0xec: {  	v20 =	vld.idx.msk [tilespmem:v20+s20+$0x0], $0xffff  }
0xed: {  	[dreg:$0x6] =	wrdreg s19;
	v8 =	vpop (erf);
	v22 =	vld.idx.msk [tilespmem:v22+s20+$0x0], $0xffff  }
0xee: {  	p0 =	slt.u32 s19, $0x2600;
	s19 =	sadd.s32 $0x1B0, s22;
	s8 =	sadd.s32 $0x160, s21;
	[tilespmem:s17+$0x40] =	vst v8;
	v11 =	vld.idx.msk [tilespmem:v17+s18+$0x0], $0xffff  }
0xef: {  	s19 =	sand.u32 $0x70, s19;
	s8 =	sand.u32 $0xFFFFFF00, s8;
	[tilespmem:v3+s14+$0x0] =	vst.idx.add.f32.msk $0xffff, v8  }
0xf0: {  	s24 =	sor.u32 s19, s8;
	v8 =	vld [tilespmem:s23+$0x4F80]  }
0xf1: {  	v26 =	vld [tilespmem:s24+$0x4F00]  }
0xf2: {  	s15 =	sadd.s32 $0x1C0, s22;
	s16 =	sadd.s32 $0x180, s21;
	v18 =	vld.idx.msk [tilespmem:v18+s20+$0x0], $0xffff  }
0xf3: {  	s15 =	sand.u32 $0x70, s15;
	s16 =	sand.u32 $0xFFFFFF00, s16;
	v21 =	vld.idx.msk [tilespmem:v21+s20+$0x0], $0xffff  }
0xf4: {  	s29 =	sor.u32 s15, s16;
	v47 =	vld.idx.msk [tilespmem:v13+s18+$0x0], $0xffff  }
0xf5: {  	v27 =	vld [tilespmem:s29+$0x4F00]  }
0xf6: {  	v7 =	vpop (erf);
	v24 =	vld.idx.msk [tilespmem:v24+s20+$0x0], $0xffff  }
0xf7: {  	[tilespmem:s17+$0x50] =	vst v7;
	v9 =	vld.idx.msk [tilespmem:v14+s20+$0x0], $0xffff  }
0xf8: {  	s11 =	sadd.s32 $0x1D0, s22;
	s2 =	sadd.s32 $0x1A0, s21;
	[tilespmem:v5+s14+$0x0] =	vst.idx.add.f32.msk $0xffff, v7  }
0xf9: {  	s11 =	sand.u32 $0x70, s11;
	s2 =	sand.u32 $0xFFFFFF00, s2;
	v14 =	vld [tilespmem:s25+$0x4F80]  }
0xfa: {  	s2 =	sor.u32 s11, s2;
	v7 =	vld [tilespmem:s7+$0x4F80]  }
0xfb: {  	v10 =	vpop (erf);
	v28 =	vld [tilespmem:s2+$0x4F00]  }
0xfc: {  	v5 =	vld [tilespmem:s2+$0x4F80];
	[tilespmem:s17+$0x60] =	vst v10;
	v12 =	vpop (erf)  }
0xfd: {  	v19 =	vld.idx.msk [tilespmem:v19+s20+$0x0], $0xffff;
	[tilespmem:s17+$0x0] =	vst v12  }
0xfe: {  	v3 =	vpop (erf);
	[tilespmem:v4+s14+$0x0] =	vst.idx.add.f32.msk $0xffff, v12;
	v4 =	vadd.f32 v11, v9  }
0xff: {  	s13 =	sadd.s32 $0x1A0, s22;
	s6 =	sadd.s32 $0x140, s21;
	v32 =	vld.idx.msk [tilespmem:v15+s18+$0x0], $0xffff;
	[tilespmem:s17+$0xFFFFFF80] =	vst v3  }
0x100: {  	s13 =	sand.u32 $0x70, s13;
	s6 =	sand.u32 $0xFFFFFF00, s6;
	[tilespmem:v2+s14+$0x0] =	vst.idx.add.f32.msk $0xffff, v3;
	v2 =	vmul.f32 $2.000000030e-01, v4  }
0x101: {  	s6 =	sor.u32 s13, s6;
	[tilespmem:v6+s14+$0x0] =	vst.idx.add.f32.msk $0xffff, v10;
	vm0 =	vge.f32 v4, $0.0e+00  }
0x102: {  	v10 =	vld [tilespmem:s6+$0x4F80];
	v2 =	vsel vm0, v4, v2  }
0x103: {  	s10 =	sadd.s32 $0x1C0, s21;
	s22 =	sadd.s32 $0x1E0, s22;
	v23 =	vld.idx.msk [tilespmem:v23+s20+$0x0], $0xffff;
	v2 =	vmul.f32 $1.442695020e+00, v2  }
0x104: {  	s10 =	sand.u32 $0xFFFFFF00, s10;
	s22 =	sand.u32 $0x70, s22;
	v25 =	vld.idx.msk [tilespmem:v25+s20+$0x0], $0xffff  }
0x105: {  	s10 =	sor.u32 s22, s10;
	v12 =	vld [tilespmem:s0+$0x4F80];
	(erf) = vpow2.f32 v2  }
0x106: {  	v29 =	vld [tilespmem:s10+$0x4F00]  }
0x107: {  	v6 =	vld [tilespmem:s10+$0x4F80]  }
0x108: {  	v11 =	vld [tilespmem:s4+$0x4F80]  }
0x109: {  	v9 =	vld [tilespmem:s24+$0x4F80]  }
0x10a: {  	s31 =	sand.u32 $0xFFFFFF00, s21;
	v3 =	vld [tilespmem:s29+$0x4F80]  }
0x10b: {  	v31 =	vld.idx.msk [tilespmem:v0+s31+$0x0 ss:$0x1], $0xffff  }
0x10c: {  	v53 =	vld.idx.msk [tilespmem:v8+s18+$0x0], $0xffff  }
0x10d: {  	v34 =	vld.idx.msk [tilespmem:v14+s18+$0x0], $0xffff  }
0x10e: {  	s17 =	sadd.s32 $0x100, s17;
	v19 =	vadd.f32 v33, v19;
	v26 =	vld.idx.msk [tilespmem:v26+s20+$0x0], $0xffff;
	v2 =	vpop (erf)  }
0x10f: {  	v21 =	vadd.f32 v47, v21;
	s4 =	simm.s32 $0xC680;
	v18 =	vadd.f32 v32, v18;
	v48 =	vld.idx.msk [tilespmem:v12+s18+$0x0], $0xffff;
	[tilespmem:s17+$0x70] =	vst v2  }
0x110: {  	v36 =	vmul.f32 $2.000000030e-01, v19;
	[tilespmem:v17+s4+$0x0] =	vst.idx.add.f32.msk $0xffff, v2  }
0x111: {  	v52 =	vmul.f32 $2.000000030e-01, v21;
	vm1 =	vge.f32 v19, $0.0e+00;
	v35 =	vmul.f32 $2.000000030e-01, v18;
	v17 =	vld [tilespmem:s6+$0x4F00]  }
0x112: {  	vm0 =	vge.f32 v18, $0.0e+00;
	v19 =	vsel vm1, v19, v36;
	v20 =	vadd.f32 v34, v20;
	v49 =	vld.idx.msk [tilespmem:v11+s18+$0x0], $0xffff  }
0x113: {  	s28 =	sadd.s32 $0x100, s21;
	v51 =	vld.idx.msk [tilespmem:v7+s18+$0x0], $0xffff;
	vm1 =	vge.f32 v21, $0.0e+00;
	v18 =	vsel vm0, v18, v35;
	v19 =	vmul.f32 $1.442695020e+00, v19  }
0x114: {  	s30 =	sand.u32 $0xFFFFFF00, s28;
	v18 =	vmul.f32 $1.442695020e+00, v18;
	v55 =	vld.idx.msk [tilespmem:v9+s18+$0x0], $0xffff;
	v50 =	vmul.f32 $2.000000030e-01, v20;
	v22 =	vadd.f32 v48, v22  }
0x115: {  	v4 =	vld.idx.msk [tilespmem:v0+s30+$0x80 ss:$0x1], $0xffff;
	v21 =	vsel vm1, v21, v52;
	v25 =	vadd.f32 v53, v25;
	vm0 =	vge.f32 v20, $0.0e+00  }
0x116: {  	v57 =	vld.idx.msk [tilespmem:v5+s18+$0x0], $0xffff;
	v20 =	vsel vm0, v20, v50;
	(erf) = vpow2.f32 v18;
	v18 =	vmul.f32 $2.000000030e-01, v22  }
0x117: {  	v54 =	vld.idx.msk [tilespmem:v10+s18+$0x0], $0xffff;
	v23 =	vadd.f32 v49, v23;
	vm0 =	vge.f32 v22, $0.0e+00;
	(erf) = vpow2.f32 v19  }
0x118: {  	v21 =	vmul.f32 $1.442695020e+00, v21;
	v20 =	vmul.f32 $1.442695020e+00, v20;
	v18 =	vsel vm0, v22, v18;
	v22 =	vld.idx.msk [tilespmem:v27+s20+$0x0], $0xffff  }
0x119: {  	v24 =	vadd.f32 v51, v24;
	v26 =	vadd.f32 v55, v26;
	v19 =	vmul.f32 $2.000000030e-01, v23;
	v17 =	vld.idx.msk [tilespmem:v17+s20+$0x0], $0xffff  }
0x11a: {  	vm1 =	vge.f32 v23, $0.0e+00;
	(erf) = vpow2.f32 v20;
	v27 =	vld.idx.msk [tilespmem:v3+s18+$0x0], $0xffff;
	v18 =	vmul.f32 $1.442695020e+00, v18  }
0x11b: {  	v19 =	vsel vm1, v23, v19;
	v23 =	vld.idx.msk [tilespmem:v28+s20+$0x0], $0xffff;
	(erf) = vpow2.f32 v21;
	v21 =	vmul.f32 $2.000000030e-01, v25  }
0x11c: {  	v30 =	vld.idx.msk [tilespmem:v0+s30+$0x0 ss:$0x1], $0xffff;
	vm0 =	vge.f32 v24, $0.0e+00;
	v20 =	vmul.f32 $2.000000030e-01, v24;
	vm1 =	vge.f32 v25, $0.0e+00  }
0x11d: {  	v2 =	vld.idx.msk [tilespmem:v0+s31+$0x80 ss:$0x1], $0xffff;
	v19 =	vmul.f32 $1.442695020e+00, v19;
	(erf) = vpow2.f32 v18;
	v21 =	vsel vm1, v25, v21  }
0x11e: {  	v58 =	vld.idx.msk [tilespmem:v6+s18+$0x0], $0xffff;
	vm1 =	vge.f32 v26, $0.0e+00;
	v25 =	vmul.f32 $2.000000030e-01, v26;
	v56 =	vadd.f32 v54, v17  }
0x11f: {  	v62 =	vmul.f32 $1.442695020e+00, v21;
	v27 =	vadd.f32 v27, v22;
	v59 =	vpop (erf);
	v17 =	vsel vm0, v24, v20;
	v24 =	vld.idx.msk [tilespmem:v29+s20+$0x0], $0xffff  }
0x120: {  	v18 =	vld.idx.msk [tilespmem:v31+s20+$0x0], $0xffff;
	v25 =	vsel vm1, v26, v25;
	v21 =	vadd.f32 v57, v23;
	[tilespmem:s17+$0xFFFFFF90] =	vst v59;
	v61 =	vpop (erf);
	v20 =	vmul.f32 $2.000000030e-01, v56  }
.Ltmp1:
0x121: {  	(erf) = vpow2.f32 v19;
	v19 =	vld.idx.msk [tilespmem:v4+s18+$0x0], $0xffff;
	[tilespmem:s17+$0xFFFFFFA0] =	vst v61;
	v60 =	vmul.f32 $1.442695020e+00, v17;
	vm0 =	vge.f32 v56, $0.0e+00;
	(pc) =	sbr.rel @p0 .LBB2_4-.Ltmp1, $4  }
0x122: {  	v63 =	vmul.f32 $2.000000030e-01, v27;
	[tilespmem:v16+s4+$0x0] =	vst.idx.add.f32.msk $0xffff, v61;
	v16 =	vmul.f32 $2.000000030e-01, v21;
	v28 =	vsel vm0, v56, v20  }
0x123: {  	vm2 =	vge.f32 v27, $0.0e+00;
	[tilespmem:v15+s4+$0x0] =	vst.idx.add.f32.msk $0xffff, v59;
	(erf) = vpow2.f32 v60;
	v28 =	vmul.f32 $1.442695020e+00, v28  }
0x124: {  	s3 =	rddreg [dreg:$0x6];
	v22 =	vpop (erf);
	v17 =	vld.idx.msk [tilespmem:v30+s20+$0x0], $0xffff;
	(erf) = vpow2.f32 v62;
	vm0 =	vge.f32 v21, $0.0e+00;
	v15 =	vadd.f32 v58, v24  }
0x125: {  	s1 =	simm.s32 $0x2780;
	s0 =	rddreg [dreg:$0x7];
	v23 =	vpop (erf);
	[tilespmem:s17+$0xFFFFFFB0] =	vst v22;
	v20 =	vld.idx.msk [tilespmem:v2+s18+$0x0], $0xffff;
	v24 =	vmul.f32 $1.442695020e+00, v25;
	v25 =	vsel vm2, v27, v63;
	(erf) = vpow2.f32 v28  }
0x126: {  	_ =	sdelay $0x3  }
0x127: {  	[tilespmem:v14+s4+$0x0] =	vst.idx.add.f32.msk $0xffff, v22  }
0x128: {  	[tilespmem:s17+$0xFFFFFFC0] =	vst v23  }
0x129: {  	v47 =	vmul.f32 $2.000000030e-01, v15;
	v48 =	vpop (erf);
	[tilespmem:v13+s4+$0x0] =	vst.idx.add.f32.msk $0xffff, v23  }
0x12a: {  	v49 =	vmul.f32 $1.442695020e+00, v25;
	(erf) = vpow2.f32 v24;
	[tilespmem:s17+$0xFFFFFFD0] =	vst v48  }
0x12b: {  	vm1 =	vge.f32 v15, $0.0e+00;
	v16 =	vsel vm0, v21, v16;
	[tilespmem:v12+s4+$0x0] =	vst.idx.add.f32.msk $0xffff, v48;
	v17 =	vadd.f32 v19, v17;
	v50 =	vpop (erf)  }
0x12c: {  	v16 =	vmul.f32 $1.442695020e+00, v16;
	v14 =	vsel vm1, v15, v47;
	(erf) = vpow2.f32 v49;
	[tilespmem:s17+$0xFFFFFFE0] =	vst v50  }
0x12d: {  	v51 =	vmul.f32 $1.442695020e+00, v14;
	v52 =	vadd.f32 v20, v18;
	v53 =	vmul.f32 $2.000000030e-01, v17;
	v54 =	vpop (erf);
	[tilespmem:v11+s4+$0x0] =	vst.idx.add.f32.msk $0xffff, v50  }
0x12e: {  	vm13 =	vge.f32 v17, $0.0e+00;
	(erf) = vpow2.f32 v16;
	v55 =	vpop (erf);
	[tilespmem:s17+$0xFFFFFFF0] =	vst v54  }
0x12f: {  	v56 =	vmul.f32 $2.000000030e-01, v52;
	(erf) = vpow2.f32 v51;
	v14 =	vsel vm13, v17, v53;
	[tilespmem:s17+$0x10] =	vst v55  }
0x130: {  	vm14 =	vge.f32 v52, $0.0e+00;
	v57 =	vpop (erf);
	v14 =	vmul.f32 $1.442695020e+00, v14;
	[tilespmem:v7+s4+$0x0] =	vst.idx.add.f32.msk $0xffff, v54  }
0x131: {  	v12 =	vsel vm14, v52, v56;
	[tilespmem:s17+$0x20] =	vst v57  }
0x132: {  	v58 =	vmul.f32 $1.442695020e+00, v12;
	[tilespmem:v8+s4+$0x0] =	vst.idx.add.f32.msk $0xffff, v55;
	(erf) = vpow2.f32 v14  }
0x133: {  	v59 =	vpop (erf);
	[tilespmem:v10+s4+$0x0] =	vst.idx.add.f32.msk $0xffff, v57  }
0x134: {  	(erf) = vpow2.f32 v58;
	[tilespmem:s17+$0x30] =	vst v59  }
0x135: {  	[tilespmem:v9+s4+$0x0] =	vst.idx.add.f32.msk $0xffff, v59;
	v60 =	vpop (erf)  }
0x136: {  	[tilespmem:s17+$0x40] =	vst v60  }
0x137: {  	v61 =	vpop (erf);
	[tilespmem:v3+s4+$0x0] =	vst.idx.add.f32.msk $0xffff, v60  }
0x138: {  	[tilespmem:s17+$0x50] =	vst v61;
	v62 =	vpop (erf)  }
0x139: {  	[tilespmem:s17+$0x60] =	vst v62  }
0x13a: {  	[tilespmem:v5+s4+$0x0] =	vst.idx.add.f32.msk $0xffff, v61  }
0x13b: {  	[tilespmem:v6+s4+$0x0] =	vst.idx.add.f32.msk $0xffff, v62;
	v3 =	vpop (erf)  }
0x13c: {  	[tilespmem:s17+$0x0] =	vst v3  }
0x13d: {  	v63 =	vpop (erf);
	[tilespmem:v4+s4+$0x0] =	vst.idx.add.f32.msk $0xffff, v3  }
0x13e: {  	[tilespmem:s17+$0xFFFFFF80] =	vst v63  }
0x13f: {  	[tilespmem:v2+s4+$0x0] =	vst.idx.add.f32.msk $0xffff, v63  }
0x140: {  	s0 =	rddreg [dreg:$0xb]  }
0x141: {  	v2 =	vld [tilespmem:s0+$0x9D00]  }
0x142: {  	v3 =	vld [tilespmem:s0+$0x9D80];
	_ =	sdelay $0x5  }
0x143: {  	s2 =	simm.s32 $0x0  }
0x144: {  	v2 =	vld.idx.msk [tilespmem:v2+s2+$0x0], $0xffff  }
0x145: {  	v4 =	vld.idx.msk [tilespmem:v3+s1+$0x0], $0xffff;
	_ =	sdelay $0x4  }
0x146: {  	v2 =	vadd.f32 v4, v2;
	_ =	sdelay $0x1  }
0x147: {  	v4 =	vmul.f32 $2.000000030e-01, v2  }
0x148: {  	vm15 =	vge.f32 v2, $0.0e+00  }
0x149: {  	v2 =	vsel vm15, v2, v4  }
0x14a: {  	v2 =	vmul.f32 $1.442695020e+00, v2;
	_ =	sdelay $0x1  }
0x14b: {  	(erf) = vpow2.f32 v2;
	_ =	sdelay $0x8  }
0x14c: {  	v2 =	vpop (erf)  }
0x14d: {  	[tilespmem:$0xC600] =	vst v2  }
0x14e: {  	s23 =	simm.s32 $0x9F00;
	s5 =	simm.s32 $0x4;
	s22 =	rddreg [dreg:$0xc];
	[tilespmem:v3+s4+$0x0] =	vst.idx.add.f32.msk $0xffff, v2  }
0x14f: {  	[hbm4b:s22+s2] =	stream.linear.scatter [tilespmem:s23], [sflag:$0x4], $0x2710, $0x38;
	[tilespmem:$0x14100] =	vst v63  }
0x150: {  	_ =	swait.ge [sflag:s5], $0x2710  }
0x151: {  	s25 =	simm.s32 $0x80;
	[sflag:s5] =	ssyncset.done $0x0  }
0x152: {  	s26 =	simm.s32 $0x400;
	s24 =	rddreg [dreg:$0xe];
	[sflag:s5] =	ssyncadd.s32 $0xFFFFD8F0  }
0x153: {  	[spmem:s24] =	stream.strided.scatter [tilespmem:s4], [sflag:$0x4], $0x2800, s26, s25, $0x38;
	[tilespmem:$0x14100] =	vst v63  }
0x154: {  	_ =	swait.ge [sflag:s5], $0x2800  }
0x155: {  	[sflag:s5] =	ssyncset.done $0x0  }
0x156: {  	[sflag:s5] =	ssyncadd.s32 $0xFFFFD800  }
0x157: {  	[bflag:$0x0] =	sbarrier.arrive $0xFFFF  }
0x158: {  	s28 =	rddreg [dreg:$0xd]  }
0x159: {  	s29 =	simm.s32 $0xEE80;
	s30 =	sld [smem:$0x7BE]  }
0x15a: {  	[tilespmem:s29], [sflag:$0x1] =	stream.linear.gather [spmem:s28], $0x80, $0x38;
	[tilespmem:$0x14100] =	vst v63  }
0x15b: {  	s31 =	simm.s32 $0xF280;
	s2 =	sld [smem:$0x7BF]  }
0x15c: {  	[tilespmem:s31], [sflag:$0x1] =	stream.linear.gather [spmem:s30], $0x80, $0x38;
	[tilespmem:$0x14100] =	vst v63  }
0x15d: {  	s3 =	simm.s32 $0xF680;
	s6 =	sld [smem:$0x7C0]  }
0x15e: {  	[tilespmem:s3], [sflag:$0x1] =	stream.linear.gather [spmem:s2], $0x80, $0x38;
	[tilespmem:$0x14100] =	vst v63  }
0x15f: {  	s7 =	simm.s32 $0xFA80;
	s8 =	sld [smem:$0x7C1]  }
0x160: {  	[tilespmem:s7], [sflag:$0x1] =	stream.linear.gather [spmem:s6], $0x80, $0x38;
	[tilespmem:$0x14100] =	vst v63  }
0x161: {  	s9 =	simm.s32 $0xFE80;
	s10 =	rddreg [dreg:$0xf]  }
0x162: {  	[tilespmem:s9], [sflag:$0x1] =	stream.linear.gather [spmem:s8], $0x80, $0x38;
	[tilespmem:$0x14100] =	vst v63  }
0x163: {  	s11 =	simm.s32 $0xEF00;
	s12 =	sld [smem:$0x7C2]  }
0x164: {  	[tilespmem:s11], [sflag:$0x1] =	stream.linear.gather [spmem:s10], $0x80, $0x38;
	[tilespmem:$0x14100] =	vst v63  }
0x165: {  	s13 =	simm.s32 $0xF300;
	s15 =	sld [smem:$0x7C3]  }
0x166: {  	[tilespmem:s13], [sflag:$0x1] =	stream.linear.gather [spmem:s12], $0x80, $0x38;
	[tilespmem:$0x14100] =	vst v63  }
0x167: {  	s16 =	simm.s32 $0xF700;
	s17 =	sld [smem:$0x7C4]  }
0x168: {  	[tilespmem:s16], [sflag:$0x1] =	stream.linear.gather [spmem:s15], $0x80, $0x38;
	[tilespmem:$0x14100] =	vst v63  }
0x169: {  	s18 =	simm.s32 $0xFB00;
	s19 =	sld [smem:$0x7C5]  }
0x16a: {  	[tilespmem:s18], [sflag:$0x1] =	stream.linear.gather [spmem:s17], $0x80, $0x38;
	[tilespmem:$0x14100] =	vst v63  }
0x16b: {  	s20 =	simm.s32 $0xFF00;
	s21 =	rddreg [dreg:$0x10]  }
0x16c: {  	[tilespmem:s20], [sflag:$0x1] =	stream.linear.gather [spmem:s19], $0x80, $0x38;
	[tilespmem:$0x14100] =	vst v63  }
0x16d: {  	s22 =	simm.s32 $0xEF80;
	s23 =	sld [smem:$0x7C6]  }
0x16e: {  	[tilespmem:s22], [sflag:$0x1] =	stream.linear.gather [spmem:s21], $0x80, $0x38;
	[tilespmem:$0x14100] =	vst v63  }
0x16f: {  	s24 =	simm.s32 $0xF380;
	s25 =	sld [smem:$0x7C7]  }
0x170: {  	[tilespmem:s24], [sflag:$0x1] =	stream.linear.gather [spmem:s23], $0x80, $0x38;
	[tilespmem:$0x14100] =	vst v63  }
0x171: {  	s26 =	simm.s32 $0xF780;
	s28 =	sld [smem:$0x7C8]  }
0x172: {  	[tilespmem:s26], [sflag:$0x1] =	stream.linear.gather [spmem:s25], $0x80, $0x38;
	[tilespmem:$0x14100] =	vst v63  }
0x173: {  	s29 =	simm.s32 $0xFB80;
	s30 =	sld [smem:$0x7C9]  }
0x174: {  	[tilespmem:s29], [sflag:$0x1] =	stream.linear.gather [spmem:s28], $0x80, $0x38;
	[tilespmem:$0x14100] =	vst v63  }
0x175: {  	s31 =	simm.s32 $0xFF80;
	s2 =	rddreg [dreg:$0x11]  }
0x176: {  	[tilespmem:s31], [sflag:$0x1] =	stream.linear.gather [spmem:s30], $0x80, $0x38;
	[tilespmem:$0x14100] =	vst v63  }
0x177: {  	s3 =	simm.s32 $0xF000;
	s6 =	sld [smem:$0x7CA]  }
0x178: {  	[tilespmem:s3], [sflag:$0x1] =	stream.linear.gather [spmem:s2], $0x80, $0x38;
	[tilespmem:$0x14100] =	vst v63  }
0x179: {  	s7 =	simm.s32 $0xF400;
	s8 =	sld [smem:$0x7CB]  }
0x17a: {  	[tilespmem:s7], [sflag:$0x1] =	stream.linear.gather [spmem:s6], $0x80, $0x38;
	[tilespmem:$0x14100] =	vst v63  }
0x17b: {  	s9 =	simm.s32 $0xF800;
	s10 =	sld [smem:$0x7CC]  }
0x17c: {  	[tilespmem:s9], [sflag:$0x1] =	stream.linear.gather [spmem:s8], $0x80, $0x38;
	[tilespmem:$0x14100] =	vst v63  }
0x17d: {  	s11 =	simm.s32 $0xFC00;
	s12 =	sld [smem:$0x7CD]  }
0x17e: {  	[tilespmem:s11], [sflag:$0x1] =	stream.linear.gather [spmem:s10], $0x80, $0x38;
	[tilespmem:$0x14100] =	vst v63  }
0x17f: {  	s13 =	simm.s32 $0x10000;
	s15 =	rddreg [dreg:$0x12]  }
0x180: {  	[tilespmem:s13], [sflag:$0x1] =	stream.linear.gather [spmem:s12], $0x80, $0x38;
	[tilespmem:$0x14100] =	vst v63  }
0x181: {  	s16 =	simm.s32 $0xF080;
	s17 =	sld [smem:$0x7CE]  }
0x182: {  	[tilespmem:s16], [sflag:$0x1] =	stream.linear.gather [spmem:s15], $0x80, $0x38;
	[tilespmem:$0x14100] =	vst v63  }
0x183: {  	s18 =	simm.s32 $0xF480;
	s19 =	sld [smem:$0x7CF]  }
0x184: {  	[tilespmem:s18], [sflag:$0x1] =	stream.linear.gather [spmem:s17], $0x80, $0x38;
	[tilespmem:$0x14100] =	vst v63  }
0x185: {  	s20 =	simm.s32 $0xF880;
	s21 =	sld [smem:$0x7D0]  }
0x186: {  	[tilespmem:s20], [sflag:$0x1] =	stream.linear.gather [spmem:s19], $0x80, $0x38;
	[tilespmem:$0x14100] =	vst v63  }
0x187: {  	s22 =	simm.s32 $0xFC80;
	s23 =	sld [smem:$0x7D1]  }
0x188: {  	[tilespmem:s22], [sflag:$0x1] =	stream.linear.gather [spmem:s21], $0x80, $0x38;
	[tilespmem:$0x14100] =	vst v63  }
0x189: {  	s24 =	simm.s32 $0x10080;
	s25 =	rddreg [dreg:$0x13]  }
0x18a: {  	[tilespmem:s24], [sflag:$0x1] =	stream.linear.gather [spmem:s23], $0x80, $0x38;
	[tilespmem:$0x14100] =	vst v63  }
0x18b: {  	s26 =	simm.s32 $0xF100;
	s28 =	sld [smem:$0x7D2]  }
0x18c: {  	[tilespmem:s26], [sflag:$0x1] =	stream.linear.gather [spmem:s25], $0x80, $0x38;
	[tilespmem:$0x14100] =	vst v63  }
0x18d: {  	s29 =	simm.s32 $0xF500;
	s30 =	sld [smem:$0x7D3]  }
0x18e: {  	[tilespmem:s29], [sflag:$0x1] =	stream.linear.gather [spmem:s28], $0x80, $0x38;
	[tilespmem:$0x14100] =	vst v63  }
0x18f: {  	s31 =	simm.s32 $0xF900;
	s2 =	sld [smem:$0x7D4]  }
0x190: {  	[tilespmem:s31], [sflag:$0x1] =	stream.linear.gather [spmem:s30], $0x80, $0x38;
	[tilespmem:$0x14100] =	vst v63  }
0x191: {  	s3 =	simm.s32 $0xFD00;
	s6 =	sld [smem:$0x7D5]  }
0x192: {  	[tilespmem:s3], [sflag:$0x1] =	stream.linear.gather [spmem:s2], $0x80, $0x38;
	[tilespmem:$0x14100] =	vst v63  }
0x193: {  	s7 =	simm.s32 $0x10100;
	s8 =	rddreg [dreg:$0x14]  }
0x194: {  	[tilespmem:s7], [sflag:$0x1] =	stream.linear.gather [spmem:s6], $0x80, $0x38;
	[tilespmem:$0x14100] =	vst v63  }
0x195: {  	s9 =	simm.s32 $0xF180;
	s10 =	sld [smem:$0x7D6]  }
0x196: {  	[tilespmem:s9], [sflag:$0x1] =	stream.linear.gather [spmem:s8], $0x80, $0x38;
	[tilespmem:$0x14100] =	vst v63  }
0x197: {  	s11 =	simm.s32 $0xF580;
	s12 =	sld [smem:$0x7D7]  }
0x198: {  	[tilespmem:s11], [sflag:$0x1] =	stream.linear.gather [spmem:s10], $0x80, $0x38;
	[tilespmem:$0x14100] =	vst v63  }
0x199: {  	s13 =	simm.s32 $0xF980;
	s15 =	sld [smem:$0x7D8]  }
0x19a: {  	[tilespmem:s13], [sflag:$0x1] =	stream.linear.gather [spmem:s12], $0x80, $0x38;
	[tilespmem:$0x14100] =	vst v63  }
0x19b: {  	s16 =	simm.s32 $0xFD80;
	s17 =	sld [smem:$0x7D9]  }
0x19c: {  	[tilespmem:s16], [sflag:$0x1] =	stream.linear.gather [spmem:s15], $0x80, $0x38;
	[tilespmem:$0x14100] =	vst v63  }
0x19d: {  	s18 =	simm.s32 $0x10180;
	s19 =	rddreg [dreg:$0x15]  }
0x19e: {  	[tilespmem:s18], [sflag:$0x1] =	stream.linear.gather [spmem:s17], $0x80, $0x38;
	[tilespmem:$0x14100] =	vst v63  }
0x19f: {  	s20 =	simm.s32 $0xF200;
	s21 =	sld [smem:$0x7DA]  }
0x1a0: {  	[tilespmem:s20], [sflag:$0x1] =	stream.linear.gather [spmem:s19], $0x80, $0x38;
	[tilespmem:$0x14100] =	vst v63  }
0x1a1: {  	s22 =	simm.s32 $0xF600;
	s23 =	sld [smem:$0x7DB]  }
0x1a2: {  	[tilespmem:s22], [sflag:$0x1] =	stream.linear.gather [spmem:s21], $0x80, $0x38;
	[tilespmem:$0x14100] =	vst v63  }
0x1a3: {  	s24 =	simm.s32 $0xFA00;
	s25 =	sld [smem:$0x7DC]  }
0x1a4: {  	[tilespmem:s24], [sflag:$0x1] =	stream.linear.gather [spmem:s23], $0x80, $0x38;
	[tilespmem:$0x14100] =	vst v63  }
0x1a5: {  	s26 =	simm.s32 $0xFE00;
	s28 =	sld [smem:$0x7DD]  }
0x1a6: {  	[tilespmem:s26], [sflag:$0x1] =	stream.linear.gather [spmem:s25], $0x80, $0x38;
	[tilespmem:$0x14100] =	vst v63  }
0x1a7: {  	s29 =	simm.s32 $0x10200;
	s30 =	rddreg [dreg:$0x16]  }
0x1a8: {  	[tilespmem:s29], [sflag:$0x1] =	stream.linear.gather [spmem:s28], $0x80, $0x38;
	[tilespmem:$0x14100] =	vst v63  }
0x1a9: {  	s31 =	simm.s32 $0x10280;
	s2 =	sld [smem:$0x7DE]  }
0x1aa: {  	[tilespmem:s31], [sflag:$0x1] =	stream.linear.gather [spmem:s30], $0x80, $0x38;
	[tilespmem:$0x14100] =	vst v63  }
0x1ab: {  	s3 =	simm.s32 $0x10680;
	s6 =	sld [smem:$0x7DF]  }
0x1ac: {  	[tilespmem:s3], [sflag:$0x1] =	stream.linear.gather [spmem:s2], $0x80, $0x38;
	[tilespmem:$0x14100] =	vst v63  }
0x1ad: {  	s7 =	simm.s32 $0x10A80;
	s8 =	sld [smem:$0x7E0]  }
0x1ae: {  	[tilespmem:s7], [sflag:$0x1] =	stream.linear.gather [spmem:s6], $0x80, $0x38;
	[tilespmem:$0x14100] =	vst v63  }
0x1af: {  	s9 =	simm.s32 $0x10E80;
	s10 =	sld [smem:$0x7E1]  }
0x1b0: {  	[tilespmem:s9], [sflag:$0x1] =	stream.linear.gather [spmem:s8], $0x80, $0x38;
	[tilespmem:$0x14100] =	vst v63  }
0x1b1: {  	s11 =	simm.s32 $0x11280;
	s12 =	rddreg [dreg:$0x17]  }
0x1b2: {  	[tilespmem:s11], [sflag:$0x1] =	stream.linear.gather [spmem:s10], $0x80, $0x38;
	[tilespmem:$0x14100] =	vst v63  }
0x1b3: {  	s13 =	simm.s32 $0x10300;
	s15 =	sld [smem:$0x7E2]  }
0x1b4: {  	[tilespmem:s13], [sflag:$0x1] =	stream.linear.gather [spmem:s12], $0x80, $0x38;
	[tilespmem:$0x14100] =	vst v63  }
0x1b5: {  	s16 =	simm.s32 $0x10700;
	s17 =	sld [smem:$0x7E3]  }
0x1b6: {  	[tilespmem:s16], [sflag:$0x1] =	stream.linear.gather [spmem:s15], $0x80, $0x38;
	[tilespmem:$0x14100] =	vst v63  }
0x1b7: {  	s18 =	simm.s32 $0x10B00;
	s19 =	sld [smem:$0x7E4]  }
0x1b8: {  	[tilespmem:s18], [sflag:$0x1] =	stream.linear.gather [spmem:s17], $0x80, $0x38;
	[tilespmem:$0x14100] =	vst v63  }
0x1b9: {  	s20 =	simm.s32 $0x10F00;
	s21 =	sld [smem:$0x7E5]  }
0x1ba: {  	[tilespmem:s20], [sflag:$0x1] =	stream.linear.gather [spmem:s19], $0x80, $0x38;
	[tilespmem:$0x14100] =	vst v63  }
0x1bb: {  	s22 =	simm.s32 $0x11300;
	s23 =	rddreg [dreg:$0x18]  }
0x1bc: {  	[tilespmem:s22], [sflag:$0x1] =	stream.linear.gather [spmem:s21], $0x80, $0x38;
	[tilespmem:$0x14100] =	vst v63  }
0x1bd: {  	s24 =	simm.s32 $0x10380;
	s25 =	sld [smem:$0x7E6]  }
0x1be: {  	[tilespmem:s24], [sflag:$0x1] =	stream.linear.gather [spmem:s23], $0x80, $0x38;
	[tilespmem:$0x14100] =	vst v63  }
0x1bf: {  	s26 =	simm.s32 $0x10780;
	s28 =	sld [smem:$0x7E7]  }
0x1c0: {  	[tilespmem:s26], [sflag:$0x1] =	stream.linear.gather [spmem:s25], $0x80, $0x38;
	[tilespmem:$0x14100] =	vst v63  }
0x1c1: {  	s29 =	simm.s32 $0x10B80;
	s30 =	sld [smem:$0x7E8]  }
0x1c2: {  	[tilespmem:s29], [sflag:$0x1] =	stream.linear.gather [spmem:s28], $0x80, $0x38;
	[tilespmem:$0x14100] =	vst v63  }
0x1c3: {  	s31 =	simm.s32 $0x10F80;
	s2 =	sld [smem:$0x7E9]  }
0x1c4: {  	[tilespmem:s31], [sflag:$0x1] =	stream.linear.gather [spmem:s30], $0x80, $0x38;
	[tilespmem:$0x14100] =	vst v63  }
0x1c5: {  	s3 =	simm.s32 $0x11380;
	s6 =	rddreg [dreg:$0x1a]  }
0x1c6: {  	[tilespmem:s3], [sflag:$0x1] =	stream.linear.gather [spmem:s2], $0x80, $0x38;
	[tilespmem:$0x14100] =	vst v63  }
0x1c7: {  	s7 =	simm.s32 $0x10400;
	s8 =	sld [smem:$0x7EA]  }
0x1c8: {  	[tilespmem:s7], [sflag:$0x1] =	stream.linear.gather [spmem:s6], $0x80, $0x38;
	[tilespmem:$0x14100] =	vst v63  }
0x1c9: {  	s9 =	simm.s32 $0x10800;
	s10 =	sld [smem:$0x7EB]  }
0x1ca: {  	[tilespmem:s9], [sflag:$0x1] =	stream.linear.gather [spmem:s8], $0x80, $0x38;
	[tilespmem:$0x14100] =	vst v63  }
0x1cb: {  	s11 =	simm.s32 $0x10C00;
	s12 =	sld [smem:$0x7EC]  }
0x1cc: {  	[tilespmem:s11], [sflag:$0x1] =	stream.linear.gather [spmem:s10], $0x80, $0x38;
	[tilespmem:$0x14100] =	vst v63  }
0x1cd: {  	s13 =	simm.s32 $0x11000;
	s15 =	sld [smem:$0x7ED]  }
0x1ce: {  	[tilespmem:s13], [sflag:$0x1] =	stream.linear.gather [spmem:s12], $0x80, $0x38;
	[tilespmem:$0x14100] =	vst v63  }
0x1cf: {  	s16 =	simm.s32 $0x11400;
	s17 =	rddreg [dreg:$0x1b]  }
0x1d0: {  	[tilespmem:s16], [sflag:$0x1] =	stream.linear.gather [spmem:s15], $0x80, $0x38;
	[tilespmem:$0x14100] =	vst v63  }
0x1d1: {  	s18 =	simm.s32 $0x10480;
	s19 =	sld [smem:$0x7EE]  }
0x1d2: {  	[tilespmem:s18], [sflag:$0x1] =	stream.linear.gather [spmem:s17], $0x80, $0x38;
	[tilespmem:$0x14100] =	vst v63  }
0x1d3: {  	s20 =	simm.s32 $0x10880;
	s21 =	sld [smem:$0x7EF]  }
0x1d4: {  	[tilespmem:s20], [sflag:$0x1] =	stream.linear.gather [spmem:s19], $0x80, $0x38;
	[tilespmem:$0x14100] =	vst v63  }
0x1d5: {  	s22 =	simm.s32 $0x10C80;
	s23 =	sld [smem:$0x7F0]  }
0x1d6: {  	[tilespmem:s22], [sflag:$0x1] =	stream.linear.gather [spmem:s21], $0x80, $0x38;
	[tilespmem:$0x14100] =	vst v63  }
0x1d7: {  	s24 =	simm.s32 $0x11080;
	s25 =	sld [smem:$0x7F1]  }
0x1d8: {  	[tilespmem:s24], [sflag:$0x1] =	stream.linear.gather [spmem:s23], $0x80, $0x38;
	[tilespmem:$0x14100] =	vst v63  }
0x1d9: {  	s26 =	simm.s32 $0x11480;
	s28 =	rddreg [dreg:$0x1e]  }
0x1da: {  	[tilespmem:s26], [sflag:$0x1] =	stream.linear.gather [spmem:s25], $0x80, $0x38;
	[tilespmem:$0x14100] =	vst v63  }
0x1db: {  	s29 =	simm.s32 $0x10500;
	s30 =	sld [smem:$0x7F2]  }
0x1dc: {  	[tilespmem:s29], [sflag:$0x1] =	stream.linear.gather [spmem:s28], $0x80, $0x38;
	[tilespmem:$0x14100] =	vst v63  }
0x1dd: {  	s31 =	simm.s32 $0x10900;
	s2 =	sld [smem:$0x7F3]  }
0x1de: {  	[tilespmem:s31], [sflag:$0x1] =	stream.linear.gather [spmem:s30], $0x80, $0x38;
	[tilespmem:$0x14100] =	vst v63  }
0x1df: {  	s3 =	simm.s32 $0x10D00;
	s6 =	sld [smem:$0x7F4]  }
0x1e0: {  	[tilespmem:s3], [sflag:$0x1] =	stream.linear.gather [spmem:s2], $0x80, $0x38;
	[tilespmem:$0x14100] =	vst v63  }
0x1e1: {  	s7 =	simm.s32 $0x11100;
	s8 =	sld [smem:$0x7F5]  }
0x1e2: {  	[tilespmem:s7], [sflag:$0x1] =	stream.linear.gather [spmem:s6], $0x80, $0x38;
	[tilespmem:$0x14100] =	vst v63  }
0x1e3: {  	s9 =	simm.s32 $0x11500;
	s10 =	rddreg [dreg:$0x1f]  }
0x1e4: {  	[tilespmem:s9], [sflag:$0x1] =	stream.linear.gather [spmem:s8], $0x80, $0x38;
	[tilespmem:$0x14100] =	vst v63  }
0x1e5: {  	s11 =	simm.s32 $0x10580;
	s12 =	sld [smem:$0x7F6]  }
0x1e6: {  	[tilespmem:s11], [sflag:$0x1] =	stream.linear.gather [spmem:s10], $0x80, $0x38;
	[tilespmem:$0x14100] =	vst v63  }
0x1e7: {  	s13 =	simm.s32 $0x10980;
	s15 =	sld [smem:$0x7F7]  }
0x1e8: {  	[tilespmem:s13], [sflag:$0x1] =	stream.linear.gather [spmem:s12], $0x80, $0x38;
	[tilespmem:$0x14100] =	vst v63  }
0x1e9: {  	s16 =	simm.s32 $0x10D80;
	s17 =	sld [smem:$0x7F8]  }
0x1ea: {  	[tilespmem:s16], [sflag:$0x1] =	stream.linear.gather [spmem:s15], $0x80, $0x38;
	[tilespmem:$0x14100] =	vst v63  }
0x1eb: {  	s18 =	simm.s32 $0x11180;
	s19 =	sld [smem:$0x7F9]  }
0x1ec: {  	[tilespmem:s18], [sflag:$0x1] =	stream.linear.gather [spmem:s17], $0x80, $0x38;
	[tilespmem:$0x14100] =	vst v63  }
0x1ed: {  	s20 =	simm.s32 $0x11580;
	s21 =	sld [smem:$0x7BD]  }
0x1ee: {  	[tilespmem:s20], [sflag:$0x1] =	stream.linear.gather [spmem:s19], $0x80, $0x38;
	[tilespmem:$0x14100] =	vst v63  }
0x1ef: {  	s22 =	simm.s32 $0x10600;
	s23 =	sld [smem:$0x7FA]  }
0x1f0: {  	[tilespmem:s22], [sflag:$0x1] =	stream.linear.gather [spmem:s21], $0x80, $0x38;
	[tilespmem:$0x14100] =	vst v63  }
0x1f1: {  	s24 =	simm.s32 $0x10A00;
	s25 =	sld [smem:$0x7FB]  }
0x1f2: {  	[tilespmem:s24], [sflag:$0x1] =	stream.linear.gather [spmem:s23], $0x80, $0x38;
	[tilespmem:$0x14100] =	vst v63  }
0x1f3: {  	s26 =	simm.s32 $0x10E00;
	s28 =	sld [smem:$0x7FC]  }
0x1f4: {  	[tilespmem:s26], [sflag:$0x1] =	stream.linear.gather [spmem:s25], $0x80, $0x38;
	[tilespmem:$0x14100] =	vst v63  }
0x1f5: {  	s29 =	simm.s32 $0x11200;
	s30 =	sld [smem:$0x7FD]  }
0x1f6: {  	[tilespmem:s29], [sflag:$0x1] =	stream.linear.gather [spmem:s28], $0x80, $0x38;
	[tilespmem:$0x14100] =	vst v63  }
0x1f7: {  	s31 =	simm.s32 $0x11600;
	s17 =	simm.s32 $0x116C0  }
0x1f8: {  	[tilespmem:s31], [sflag:$0x1] =	stream.linear.gather [spmem:s30], $0x80, $0x38;
	[tilespmem:$0x14100] =	vst v63  }
0x1f9: {  	[tilespmem:s17+$0xFFFFFFC0] =	vst v1  }
0x1fa: {  	[tilespmem:s17+$0x30] =	vst v1  }
0x1fb: {  	[tilespmem:s17+$0x20] =	vst v1  }
0x1fc: {  	[tilespmem:s17+$0x10] =	vst v1  }
0x1fd: {  	[tilespmem:s17+$0x0] =	vst v1  }
0x1fe: {  	[tilespmem:s17+$0xFFFFFFF0] =	vst v1  }
0x1ff: {  	s18 =	simm.s32 $0x0;
	[tilespmem:s17+$0xFFFFFFE0] =	vst v1  }
.LBB2_6:
0x200: {  	s18 =	sadd.s32 $0x80, s18;
	[tilespmem:s17+$0xFFFFFFD0] =	vst v1;
	s17 =	sadd.s32 $0x80, s17  }
0x201: {  	[tilespmem:s17+$0xFFFFFFC0] =	vst v1;
	p0 =	slt.u32 s18, $0x200  }
0x202: {  	[tilespmem:s17+$0x30] =	vst v1  }
.Ltmp2:
0x203: {  	[tilespmem:s17+$0x20] =	vst v1;
	(pc) =	sbr.rel @p0 .LBB2_6-.Ltmp2, $4  }
0x204: {  	[tilespmem:s17+$0x10] =	vst v1  }
0x205: {  	[tilespmem:s17+$0x0] =	vst v1  }
0x206: {  	[tilespmem:s17+$0xFFFFFFF0] =	vst v1  }
0x207: {  	[tilespmem:s17+$0xFFFFFFE0] =	vst v1  }
0x208: {  	[tilespmem:s17+$0xFFFFFFD0] =	vst v1;
	s3 =	simm.s32 $0x1  }
0x209: {  	_ =	swait.ge [sflag:s3], $0x280  }
0x20a: {  	[sflag:s3] =	ssyncset.done $0x0  }
0x20b: {  	s17 =	simm.s32 $0x116C0;
	[sflag:s3] =	ssyncadd.s32 $0xFFFFFD80  }
0x20c: {  	s18 =	simm.s32 $0xEEC0;
	v3 =	vld [tilespmem:s17+$0x30]  }
0x20d: {  	v4 =	vld [tilespmem:s18+$0x30]  }
0x20e: {  	v2 =	vld [tilespmem:s18+$0xFFFFFFC0]  }
0x20f: {  	v5 =	vld [tilespmem:s17+$0xFFFFFFD0]  }
0x210: {  	v6 =	vld [tilespmem:s18+$0xFFFFFFD0]  }
0x211: {  	v7 =	vld [tilespmem:s17+$0xFFFFFFE0]  }
0x212: {  	v8 =	vld [tilespmem:s18+$0xFFFFFFE0]  }
0x213: {  	v9 =	vld [tilespmem:s17+$0xFFFFFFF0]  }
0x214: {  	v10 =	vld [tilespmem:s18+$0xFFFFFFF0]  }
0x215: {  	v11 =	vld [tilespmem:s17+$0x0]  }
0x216: {  	v12 =	vld [tilespmem:s18+$0x0];
	v4 =	vadd.f32 v4, v3  }
0x217: {  	v6 =	vadd.f32 v6, v5;
	v3 =	vld [tilespmem:s17+$0x10]  }
0x218: {  	v7 =	vadd.f32 v8, v7;
	v5 =	vld [tilespmem:s18+$0x10];
	[tilespmem:s17+$0x30] =	vst v4  }
0x219: {  	v8 =	vadd.f32 v10, v9;
	[tilespmem:s17+$0xFFFFFFD0] =	vst v6;
	v4 =	vld [tilespmem:s17+$0x20]  }
0x21a: {  	[tilespmem:s17+$0xFFFFFFE0] =	vst v7;
	v7 =	vld [tilespmem:s18+$0x20]  }
0x21b: {  	s20 =	simm.s32 $0x0;
	s21 =	simm.s32 $0x11740;
	v6 =	vld [tilespmem:s17+$0xFFFFFFC0];
	[tilespmem:s17+$0xFFFFFFF0] =	vst v8;
	v8 =	vadd.f32 v12, v11  }
.LBB2_8:
0x21c: {  	v9 =	vld [tilespmem:s21+$0x30];
	s18 =	sadd.s32 $0x400, s18  }
0x21d: {  	s20 =	sadd.s32 $0x80, s20;
	v10 =	vld [tilespmem:s18+$0x30];
	[tilespmem:s17+$0x0] =	vst v8;
	v3 =	vadd.f32 v5, v3  }
0x21e: {  	p0 =	slt.u32 s20, $0x200;
	v5 =	vld [tilespmem:s18+$0xFFFFFFC0]  }
0x21f: {  	v8 =	vld [tilespmem:s21+$0xFFFFFFD0];
	[tilespmem:s17+$0x10] =	vst v3;
	v3 =	vadd.f32 v7, v4  }
0x220: {  	v4 =	vld [tilespmem:s18+$0xFFFFFFD0];
	v11 =	vadd.f32 v2, v6  }
0x221: {  	v6 =	vld [tilespmem:s21+$0xFFFFFFE0];
	[tilespmem:s17+$0x20] =	vst v3  }
0x222: {  	v3 =	vld [tilespmem:s18+$0xFFFFFFE0];
	v7 =	vadd.f32 v10, v9;
	[tilespmem:s17+$0xFFFFFFC0] =	vst v11;
	s17 =	smov.u32 s21  }
0x223: {  	v9 =	vld [tilespmem:s21+$0xFFFFFFF0];
	v2 =	vmov v5  }
0x224: {  	v10 =	vld [tilespmem:s18+$0xFFFFFFF0];
	[tilespmem:s21+$0x30] =	vst v7  }
0x225: {  	v4 =	vadd.f32 v4, v8;
	v8 =	vld [tilespmem:s21+$0x0]  }
0x226: {  	v11 =	vld [tilespmem:s18+$0x0]  }
.Ltmp3:
0x227: {  	[tilespmem:s21+$0xFFFFFFD0] =	vst v4;
	v4 =	vadd.f32 v3, v6;
	v3 =	vld [tilespmem:s21+$0x10];
	(pc) =	sbr.rel @p0 .LBB2_8-.Ltmp3, $4  }
0x228: {  	v5 =	vld [tilespmem:s18+$0x10]  }
0x229: {  	[tilespmem:s21+$0xFFFFFFE0] =	vst v4;
	v9 =	vadd.f32 v10, v9;
	v4 =	vld [tilespmem:s21+$0x20]  }
0x22a: {  	v7 =	vld [tilespmem:s18+$0x20]  }
0x22b: {  	s21 =	sadd.s32 $0x80, s21;
	v6 =	vld [tilespmem:s17+$0xFFFFFFC0];
	[tilespmem:s17+$0xFFFFFFF0] =	vst v9;
	v8 =	vadd.f32 v11, v8  }
0x22c: {  	_ =	sdelay $0x1  }
0x22d: {  	v3 =	vadd.f32 v5, v3  }
0x22e: {  	[tilespmem:s17+$0x0] =	vst v8;
	v4 =	vadd.f32 v7, v4  }
0x22f: {  	[tilespmem:s17+$0x10] =	vst v3;
	v2 =	vadd.f32 v2, v6  }
0x230: {  	[tilespmem:s17+$0x20] =	vst v4  }
0x231: {  	[tilespmem:s17+$0xFFFFFFC0] =	vst v2  }
0x232: {  	_ =	swait.ge [sflag:s3], $0x280  }
0x233: {  	[sflag:s3] =	ssyncset.done $0x0  }
0x234: {  	s17 =	simm.s32 $0x116C0;
	[sflag:s3] =	ssyncadd.s32 $0xFFFFFD80  }
0x235: {  	s18 =	simm.s32 $0xEF70;
	v3 =	vld [tilespmem:s17+$0x30]  }
0x236: {  	v4 =	vld [tilespmem:s18+$0x0]  }
0x237: {  	v2 =	vld [tilespmem:s18+$0xFFFFFF90]  }
0x238: {  	v5 =	vld [tilespmem:s17+$0xFFFFFFD0]  }
0x239: {  	v6 =	vld [tilespmem:s18+$0xFFFFFFA0]  }
0x23a: {  	v7 =	vld [tilespmem:s17+$0xFFFFFFE0]  }
0x23b: {  	v8 =	vld [tilespmem:s18+$0xFFFFFFB0]  }
0x23c: {  	v9 =	vld [tilespmem:s17+$0xFFFFFFF0]  }
0x23d: {  	v10 =	vld [tilespmem:s18+$0xFFFFFFC0]  }
0x23e: {  	v11 =	vld [tilespmem:s17+$0x0]  }
0x23f: {  	v12 =	vld [tilespmem:s18+$0xFFFFFFD0];
	v4 =	vadd.f32 v4, v3  }
0x240: {  	v6 =	vadd.f32 v6, v5;
	v3 =	vld [tilespmem:s17+$0x10]  }
0x241: {  	v7 =	vadd.f32 v8, v7;
	v5 =	vld [tilespmem:s18+$0xFFFFFFE0];
	[tilespmem:s17+$0x30] =	vst v4  }
0x242: {  	v8 =	vadd.f32 v10, v9;
	[tilespmem:s17+$0xFFFFFFD0] =	vst v6;
	v4 =	vld [tilespmem:s17+$0x20]  }
0x243: {  	[tilespmem:s17+$0xFFFFFFE0] =	vst v7;
	v7 =	vld [tilespmem:s18+$0xFFFFFFF0]  }
0x244: {  	s20 =	simm.s32 $0x0;
	s21 =	simm.s32 $0x11740;
	s1 =	simm.s32 $0x2780;
	v6 =	vld [tilespmem:s17+$0xFFFFFFC0];
	[tilespmem:s17+$0xFFFFFFF0] =	vst v8;
	v8 =	vadd.f32 v12, v11  }
.LBB2_10:
0x245: {  	v9 =	vld [tilespmem:s21+$0x30];
	s18 =	sadd.s32 $0x400, s18  }
0x246: {  	s20 =	sadd.s32 $0x80, s20;
	v10 =	vld [tilespmem:s18+$0x0];
	[tilespmem:s17+$0x0] =	vst v8;
	v3 =	vadd.f32 v5, v3  }
0x247: {  	p0 =	slt.u32 s20, $0x200;
	v5 =	vld [tilespmem:s18+$0xFFFFFF90]  }
0x248: {  	v8 =	vld [tilespmem:s21+$0xFFFFFFD0];
	[tilespmem:s17+$0x10] =	vst v3;
	v3 =	vadd.f32 v7, v4  }
0x249: {  	v4 =	vld [tilespmem:s18+$0xFFFFFFA0];
	v11 =	vadd.f32 v2, v6  }
0x24a: {  	v6 =	vld [tilespmem:s21+$0xFFFFFFE0];
	[tilespmem:s17+$0x20] =	vst v3  }
0x24b: {  	v3 =	vld [tilespmem:s18+$0xFFFFFFB0];
	v7 =	vadd.f32 v10, v9;
	[tilespmem:s17+$0xFFFFFFC0] =	vst v11;
	s17 =	smov.u32 s21  }
0x24c: {  	v9 =	vld [tilespmem:s21+$0xFFFFFFF0];
	v2 =	vmov v5  }
0x24d: {  	v10 =	vld [tilespmem:s18+$0xFFFFFFC0];
	[tilespmem:s21+$0x30] =	vst v7  }
0x24e: {  	v4 =	vadd.f32 v4, v8;
	v8 =	vld [tilespmem:s21+$0x0]  }
0x24f: {  	v11 =	vld [tilespmem:s18+$0xFFFFFFD0]  }
.Ltmp4:
0x250: {  	[tilespmem:s21+$0xFFFFFFD0] =	vst v4;
	v4 =	vadd.f32 v3, v6;
	v3 =	vld [tilespmem:s21+$0x10];
	(pc) =	sbr.rel @p0 .LBB2_10-.Ltmp4, $4  }
0x251: {  	v5 =	vld [tilespmem:s18+$0xFFFFFFE0]  }
0x252: {  	[tilespmem:s21+$0xFFFFFFE0] =	vst v4;
	v9 =	vadd.f32 v10, v9;
	v4 =	vld [tilespmem:s21+$0x20]  }
0x253: {  	v7 =	vld [tilespmem:s18+$0xFFFFFFF0]  }
0x254: {  	s21 =	sadd.s32 $0x80, s21;
	v6 =	vld [tilespmem:s17+$0xFFFFFFC0];
	[tilespmem:s17+$0xFFFFFFF0] =	vst v9;
	v8 =	vadd.f32 v11, v8  }
0x255: {  	_ =	sdelay $0x1  }
0x256: {  	v3 =	vadd.f32 v5, v3  }
0x257: {  	[tilespmem:s17+$0x0] =	vst v8;
	v4 =	vadd.f32 v7, v4  }
0x258: {  	[tilespmem:s17+$0x10] =	vst v3;
	v2 =	vadd.f32 v2, v6  }
0x259: {  	[tilespmem:s17+$0x20] =	vst v4  }
0x25a: {  	[tilespmem:s17+$0xFFFFFFC0] =	vst v2  }
0x25b: {  	_ =	swait.ge [sflag:s3], $0x280  }
0x25c: {  	[sflag:s3] =	ssyncset.done $0x0  }
0x25d: {  	s17 =	simm.s32 $0x116C0;
	[sflag:s3] =	ssyncadd.s32 $0xFFFFFD80  }
0x25e: {  	s18 =	simm.s32 $0xEFF0;
	v3 =	vld [tilespmem:s17+$0x30]  }
0x25f: {  	v4 =	vld [tilespmem:s18+$0x0]  }
0x260: {  	v2 =	vld [tilespmem:s18+$0xFFFFFF90]  }
0x261: {  	v5 =	vld [tilespmem:s17+$0xFFFFFFD0]  }
0x262: {  	v6 =	vld [tilespmem:s18+$0xFFFFFFA0]  }
0x263: {  	v7 =	vld [tilespmem:s17+$0xFFFFFFE0]  }
0x264: {  	v8 =	vld [tilespmem:s18+$0xFFFFFFB0]  }
0x265: {  	v9 =	vld [tilespmem:s17+$0xFFFFFFF0]  }
0x266: {  	v10 =	vld [tilespmem:s18+$0xFFFFFFC0]  }
0x267: {  	v11 =	vld [tilespmem:s17+$0x0]  }
0x268: {  	v12 =	vld [tilespmem:s18+$0xFFFFFFD0];
	v4 =	vadd.f32 v4, v3  }
0x269: {  	v6 =	vadd.f32 v6, v5;
	v3 =	vld [tilespmem:s17+$0x10]  }
0x26a: {  	v7 =	vadd.f32 v8, v7;
	v5 =	vld [tilespmem:s18+$0xFFFFFFE0];
	[tilespmem:s17+$0x30] =	vst v4  }
0x26b: {  	v8 =	vadd.f32 v10, v9;
	[tilespmem:s17+$0xFFFFFFD0] =	vst v6;
	v4 =	vld [tilespmem:s17+$0x20]  }
0x26c: {  	[tilespmem:s17+$0xFFFFFFE0] =	vst v7;
	v7 =	vld [tilespmem:s18+$0xFFFFFFF0]  }
0x26d: {  	s20 =	simm.s32 $0x0;
	s21 =	simm.s32 $0x11740;
	v6 =	vld [tilespmem:s17+$0xFFFFFFC0];
	[tilespmem:s17+$0xFFFFFFF0] =	vst v8;
	v8 =	vadd.f32 v12, v11  }
.LBB2_12:
0x26e: {  	v9 =	vld [tilespmem:s21+$0x30];
	s18 =	sadd.s32 $0x400, s18  }
0x26f: {  	s20 =	sadd.s32 $0x80, s20;
	v10 =	vld [tilespmem:s18+$0x0];
	[tilespmem:s17+$0x0] =	vst v8;
	v3 =	vadd.f32 v5, v3  }
0x270: {  	p0 =	slt.u32 s20, $0x200;
	v5 =	vld [tilespmem:s18+$0xFFFFFF90]  }
0x271: {  	v8 =	vld [tilespmem:s21+$0xFFFFFFD0];
	[tilespmem:s17+$0x10] =	vst v3;
	v3 =	vadd.f32 v7, v4  }
0x272: {  	v4 =	vld [tilespmem:s18+$0xFFFFFFA0];
	v11 =	vadd.f32 v2, v6  }
0x273: {  	v6 =	vld [tilespmem:s21+$0xFFFFFFE0];
	[tilespmem:s17+$0x20] =	vst v3  }
0x274: {  	v3 =	vld [tilespmem:s18+$0xFFFFFFB0];
	v7 =	vadd.f32 v10, v9;
	[tilespmem:s17+$0xFFFFFFC0] =	vst v11;
	s17 =	smov.u32 s21  }
0x275: {  	v9 =	vld [tilespmem:s21+$0xFFFFFFF0];
	v2 =	vmov v5  }
0x276: {  	v10 =	vld [tilespmem:s18+$0xFFFFFFC0];
	[tilespmem:s21+$0x30] =	vst v7  }
0x277: {  	v4 =	vadd.f32 v4, v8;
	v8 =	vld [tilespmem:s21+$0x0]  }
0x278: {  	v11 =	vld [tilespmem:s18+$0xFFFFFFD0]  }
.Ltmp5:
0x279: {  	[tilespmem:s21+$0xFFFFFFD0] =	vst v4;
	v4 =	vadd.f32 v3, v6;
	v3 =	vld [tilespmem:s21+$0x10];
	(pc) =	sbr.rel @p0 .LBB2_12-.Ltmp5, $4  }
0x27a: {  	v5 =	vld [tilespmem:s18+$0xFFFFFFE0]  }
0x27b: {  	[tilespmem:s21+$0xFFFFFFE0] =	vst v4;
	v9 =	vadd.f32 v10, v9;
	v4 =	vld [tilespmem:s21+$0x20]  }
0x27c: {  	v7 =	vld [tilespmem:s18+$0xFFFFFFF0]  }
0x27d: {  	s21 =	sadd.s32 $0x80, s21;
	v6 =	vld [tilespmem:s17+$0xFFFFFFC0];
	[tilespmem:s17+$0xFFFFFFF0] =	vst v9;
	v8 =	vadd.f32 v11, v8  }
0x27e: {  	_ =	sdelay $0x1  }
0x27f: {  	v3 =	vadd.f32 v5, v3  }
0x280: {  	[tilespmem:s17+$0x0] =	vst v8;
	v4 =	vadd.f32 v7, v4  }
0x281: {  	[tilespmem:s17+$0x10] =	vst v3;
	v2 =	vadd.f32 v2, v6  }
0x282: {  	[tilespmem:s17+$0x20] =	vst v4  }
0x283: {  	[tilespmem:s17+$0xFFFFFFC0] =	vst v2  }
0x284: {  	_ =	swait.ge [sflag:s3], $0x280  }
0x285: {  	[sflag:s3] =	ssyncset.done $0x0  }
0x286: {  	s17 =	simm.s32 $0x116C0;
	[sflag:s3] =	ssyncadd.s32 $0xFFFFFD80  }
0x287: {  	s18 =	simm.s32 $0xF070;
	v3 =	vld [tilespmem:s17+$0x30]  }
0x288: {  	v4 =	vld [tilespmem:s18+$0x0]  }
0x289: {  	v2 =	vld [tilespmem:s18+$0xFFFFFF90]  }
0x28a: {  	v5 =	vld [tilespmem:s17+$0xFFFFFFD0]  }
0x28b: {  	v6 =	vld [tilespmem:s18+$0xFFFFFFA0]  }
0x28c: {  	v7 =	vld [tilespmem:s17+$0xFFFFFFE0]  }
0x28d: {  	v8 =	vld [tilespmem:s18+$0xFFFFFFB0]  }
0x28e: {  	v9 =	vld [tilespmem:s17+$0xFFFFFFF0]  }
0x28f: {  	v10 =	vld [tilespmem:s18+$0xFFFFFFC0]  }
0x290: {  	v11 =	vld [tilespmem:s17+$0x0]  }
0x291: {  	v12 =	vld [tilespmem:s18+$0xFFFFFFD0];
	v4 =	vadd.f32 v4, v3  }
0x292: {  	v6 =	vadd.f32 v6, v5;
	v3 =	vld [tilespmem:s17+$0x10]  }
0x293: {  	v7 =	vadd.f32 v8, v7;
	v5 =	vld [tilespmem:s18+$0xFFFFFFE0];
	[tilespmem:s17+$0x30] =	vst v4  }
0x294: {  	v8 =	vadd.f32 v10, v9;
	[tilespmem:s17+$0xFFFFFFD0] =	vst v6;
	v4 =	vld [tilespmem:s17+$0x20]  }
0x295: {  	[tilespmem:s17+$0xFFFFFFE0] =	vst v7;
	v7 =	vld [tilespmem:s18+$0xFFFFFFF0]  }
0x296: {  	s20 =	simm.s32 $0x0;
	s21 =	simm.s32 $0x11740;
	v6 =	vld [tilespmem:s17+$0xFFFFFFC0];
	[tilespmem:s17+$0xFFFFFFF0] =	vst v8;
	v8 =	vadd.f32 v12, v11  }
.LBB2_14:
0x297: {  	v9 =	vld [tilespmem:s21+$0x30];
	s18 =	sadd.s32 $0x400, s18  }
0x298: {  	s20 =	sadd.s32 $0x80, s20;
	v10 =	vld [tilespmem:s18+$0x0];
	[tilespmem:s17+$0x0] =	vst v8;
	v3 =	vadd.f32 v5, v3  }
0x299: {  	p0 =	slt.u32 s20, $0x200;
	v5 =	vld [tilespmem:s18+$0xFFFFFF90]  }
0x29a: {  	v8 =	vld [tilespmem:s21+$0xFFFFFFD0];
	[tilespmem:s17+$0x10] =	vst v3;
	v3 =	vadd.f32 v7, v4  }
0x29b: {  	v4 =	vld [tilespmem:s18+$0xFFFFFFA0];
	v11 =	vadd.f32 v2, v6  }
0x29c: {  	v6 =	vld [tilespmem:s21+$0xFFFFFFE0];
	[tilespmem:s17+$0x20] =	vst v3  }
0x29d: {  	v3 =	vld [tilespmem:s18+$0xFFFFFFB0];
	v7 =	vadd.f32 v10, v9;
	[tilespmem:s17+$0xFFFFFFC0] =	vst v11;
	s17 =	smov.u32 s21  }
0x29e: {  	v9 =	vld [tilespmem:s21+$0xFFFFFFF0];
	v2 =	vmov v5  }
0x29f: {  	v10 =	vld [tilespmem:s18+$0xFFFFFFC0];
	[tilespmem:s21+$0x30] =	vst v7  }
0x2a0: {  	v4 =	vadd.f32 v4, v8;
	v8 =	vld [tilespmem:s21+$0x0]  }
0x2a1: {  	v11 =	vld [tilespmem:s18+$0xFFFFFFD0]  }
.Ltmp6:
0x2a2: {  	[tilespmem:s21+$0xFFFFFFD0] =	vst v4;
	v4 =	vadd.f32 v3, v6;
	v3 =	vld [tilespmem:s21+$0x10];
	(pc) =	sbr.rel @p0 .LBB2_14-.Ltmp6, $4  }
0x2a3: {  	v5 =	vld [tilespmem:s18+$0xFFFFFFE0]  }
0x2a4: {  	[tilespmem:s21+$0xFFFFFFE0] =	vst v4;
	v9 =	vadd.f32 v10, v9;
	v4 =	vld [tilespmem:s21+$0x20]  }
0x2a5: {  	v7 =	vld [tilespmem:s18+$0xFFFFFFF0]  }
0x2a6: {  	s21 =	sadd.s32 $0x80, s21;
	v6 =	vld [tilespmem:s17+$0xFFFFFFC0];
	[tilespmem:s17+$0xFFFFFFF0] =	vst v9;
	v8 =	vadd.f32 v11, v8  }
0x2a7: {  	_ =	sdelay $0x1  }
0x2a8: {  	v3 =	vadd.f32 v5, v3  }
0x2a9: {  	[tilespmem:s17+$0x0] =	vst v8;
	v4 =	vadd.f32 v7, v4  }
0x2aa: {  	[tilespmem:s17+$0x10] =	vst v3;
	v2 =	vadd.f32 v2, v6  }
0x2ab: {  	[tilespmem:s17+$0x20] =	vst v4  }
0x2ac: {  	[tilespmem:s17+$0xFFFFFFC0] =	vst v2  }
0x2ad: {  	_ =	swait.ge [sflag:s3], $0x280  }
0x2ae: {  	[sflag:s3] =	ssyncset.done $0x0  }
0x2af: {  	s17 =	simm.s32 $0x116C0;
	[sflag:s3] =	ssyncadd.s32 $0xFFFFFD80  }
0x2b0: {  	s18 =	simm.s32 $0xF0F0;
	v3 =	vld [tilespmem:s17+$0x30]  }
0x2b1: {  	v4 =	vld [tilespmem:s18+$0x0]  }
0x2b2: {  	v2 =	vld [tilespmem:s18+$0xFFFFFF90]  }
0x2b3: {  	v5 =	vld [tilespmem:s17+$0xFFFFFFD0]  }
0x2b4: {  	v6 =	vld [tilespmem:s18+$0xFFFFFFA0]  }
0x2b5: {  	v7 =	vld [tilespmem:s17+$0xFFFFFFE0]  }
0x2b6: {  	v8 =	vld [tilespmem:s18+$0xFFFFFFB0]  }
0x2b7: {  	v9 =	vld [tilespmem:s17+$0xFFFFFFF0]  }
0x2b8: {  	v10 =	vld [tilespmem:s18+$0xFFFFFFC0]  }
0x2b9: {  	v11 =	vld [tilespmem:s17+$0x0]  }
0x2ba: {  	v12 =	vld [tilespmem:s18+$0xFFFFFFD0];
	v4 =	vadd.f32 v4, v3  }
0x2bb: {  	v6 =	vadd.f32 v6, v5;
	v3 =	vld [tilespmem:s17+$0x10]  }
0x2bc: {  	v7 =	vadd.f32 v8, v7;
	v5 =	vld [tilespmem:s18+$0xFFFFFFE0];
	[tilespmem:s17+$0x30] =	vst v4  }
0x2bd: {  	v8 =	vadd.f32 v10, v9;
	[tilespmem:s17+$0xFFFFFFD0] =	vst v6;
	v4 =	vld [tilespmem:s17+$0x20]  }
0x2be: {  	[tilespmem:s17+$0xFFFFFFE0] =	vst v7;
	v7 =	vld [tilespmem:s18+$0xFFFFFFF0]  }
0x2bf: {  	s20 =	simm.s32 $0x0;
	s21 =	simm.s32 $0x11740;
	v6 =	vld [tilespmem:s17+$0xFFFFFFC0];
	[tilespmem:s17+$0xFFFFFFF0] =	vst v8;
	v8 =	vadd.f32 v12, v11  }
.LBB2_16:
0x2c0: {  	v9 =	vld [tilespmem:s21+$0x30];
	s18 =	sadd.s32 $0x400, s18  }
0x2c1: {  	s20 =	sadd.s32 $0x80, s20;
	v10 =	vld [tilespmem:s18+$0x0];
	[tilespmem:s17+$0x0] =	vst v8;
	v3 =	vadd.f32 v5, v3  }
0x2c2: {  	p0 =	slt.u32 s20, $0x200;
	v5 =	vld [tilespmem:s18+$0xFFFFFF90]  }
0x2c3: {  	v8 =	vld [tilespmem:s21+$0xFFFFFFD0];
	[tilespmem:s17+$0x10] =	vst v3;
	v3 =	vadd.f32 v7, v4  }
0x2c4: {  	v4 =	vld [tilespmem:s18+$0xFFFFFFA0];
	v11 =	vadd.f32 v2, v6  }
0x2c5: {  	v6 =	vld [tilespmem:s21+$0xFFFFFFE0];
	[tilespmem:s17+$0x20] =	vst v3  }
0x2c6: {  	v3 =	vld [tilespmem:s18+$0xFFFFFFB0];
	v7 =	vadd.f32 v10, v9;
	[tilespmem:s17+$0xFFFFFFC0] =	vst v11;
	s17 =	smov.u32 s21  }
0x2c7: {  	v9 =	vld [tilespmem:s21+$0xFFFFFFF0];
	v2 =	vmov v5  }
0x2c8: {  	v10 =	vld [tilespmem:s18+$0xFFFFFFC0];
	[tilespmem:s21+$0x30] =	vst v7  }
0x2c9: {  	v4 =	vadd.f32 v4, v8;
	v8 =	vld [tilespmem:s21+$0x0]  }
0x2ca: {  	v11 =	vld [tilespmem:s18+$0xFFFFFFD0]  }
.Ltmp7:
0x2cb: {  	[tilespmem:s21+$0xFFFFFFD0] =	vst v4;
	v4 =	vadd.f32 v3, v6;
	v3 =	vld [tilespmem:s21+$0x10];
	(pc) =	sbr.rel @p0 .LBB2_16-.Ltmp7, $4  }
0x2cc: {  	v5 =	vld [tilespmem:s18+$0xFFFFFFE0]  }
0x2cd: {  	[tilespmem:s21+$0xFFFFFFE0] =	vst v4;
	v9 =	vadd.f32 v10, v9;
	v4 =	vld [tilespmem:s21+$0x20]  }
0x2ce: {  	v7 =	vld [tilespmem:s18+$0xFFFFFFF0]  }
0x2cf: {  	s21 =	sadd.s32 $0x80, s21;
	v6 =	vld [tilespmem:s17+$0xFFFFFFC0];
	[tilespmem:s17+$0xFFFFFFF0] =	vst v9;
	v8 =	vadd.f32 v11, v8  }
0x2d0: {  	_ =	sdelay $0x1  }
0x2d1: {  	v3 =	vadd.f32 v5, v3  }
0x2d2: {  	[tilespmem:s17+$0x0] =	vst v8;
	v4 =	vadd.f32 v7, v4  }
0x2d3: {  	[tilespmem:s17+$0x10] =	vst v3;
	v2 =	vadd.f32 v2, v6  }
0x2d4: {  	[tilespmem:s17+$0x20] =	vst v4  }
0x2d5: {  	[tilespmem:s17+$0xFFFFFFC0] =	vst v2  }
0x2d6: {  	_ =	swait.ge [sflag:s3], $0x280  }
0x2d7: {  	[sflag:s3] =	ssyncset.done $0x0  }
0x2d8: {  	s17 =	simm.s32 $0x116C0;
	[sflag:s3] =	ssyncadd.s32 $0xFFFFFD80  }
0x2d9: {  	s18 =	simm.s32 $0xF170;
	v3 =	vld [tilespmem:s17+$0x30]  }
0x2da: {  	v4 =	vld [tilespmem:s18+$0x0]  }
0x2db: {  	v2 =	vld [tilespmem:s18+$0xFFFFFF90]  }
0x2dc: {  	v5 =	vld [tilespmem:s17+$0xFFFFFFD0]  }
0x2dd: {  	v6 =	vld [tilespmem:s18+$0xFFFFFFA0]  }
0x2de: {  	v7 =	vld [tilespmem:s17+$0xFFFFFFE0]  }
0x2df: {  	v8 =	vld [tilespmem:s18+$0xFFFFFFB0]  }
0x2e0: {  	v9 =	vld [tilespmem:s17+$0xFFFFFFF0]  }
0x2e1: {  	v10 =	vld [tilespmem:s18+$0xFFFFFFC0]  }
0x2e2: {  	v11 =	vld [tilespmem:s17+$0x0]  }
0x2e3: {  	v12 =	vld [tilespmem:s18+$0xFFFFFFD0];
	v4 =	vadd.f32 v4, v3  }
0x2e4: {  	v6 =	vadd.f32 v6, v5;
	v3 =	vld [tilespmem:s17+$0x10]  }
0x2e5: {  	v7 =	vadd.f32 v8, v7;
	v5 =	vld [tilespmem:s18+$0xFFFFFFE0];
	[tilespmem:s17+$0x30] =	vst v4  }
0x2e6: {  	v8 =	vadd.f32 v10, v9;
	[tilespmem:s17+$0xFFFFFFD0] =	vst v6;
	v4 =	vld [tilespmem:s17+$0x20]  }
0x2e7: {  	[tilespmem:s17+$0xFFFFFFE0] =	vst v7;
	v7 =	vld [tilespmem:s18+$0xFFFFFFF0]  }
0x2e8: {  	s20 =	simm.s32 $0x0;
	s21 =	simm.s32 $0x11740;
	v6 =	vld [tilespmem:s17+$0xFFFFFFC0];
	[tilespmem:s17+$0xFFFFFFF0] =	vst v8;
	v8 =	vadd.f32 v12, v11  }
.LBB2_18:
0x2e9: {  	v9 =	vld [tilespmem:s21+$0x30];
	s18 =	sadd.s32 $0x400, s18  }
0x2ea: {  	s20 =	sadd.s32 $0x80, s20;
	v10 =	vld [tilespmem:s18+$0x0];
	[tilespmem:s17+$0x0] =	vst v8;
	v3 =	vadd.f32 v5, v3  }
0x2eb: {  	p0 =	slt.u32 s20, $0x200;
	v5 =	vld [tilespmem:s18+$0xFFFFFF90]  }
0x2ec: {  	v8 =	vld [tilespmem:s21+$0xFFFFFFD0];
	[tilespmem:s17+$0x10] =	vst v3;
	v3 =	vadd.f32 v7, v4  }
0x2ed: {  	v4 =	vld [tilespmem:s18+$0xFFFFFFA0];
	v11 =	vadd.f32 v2, v6  }
0x2ee: {  	v6 =	vld [tilespmem:s21+$0xFFFFFFE0];
	[tilespmem:s17+$0x20] =	vst v3  }
0x2ef: {  	v3 =	vld [tilespmem:s18+$0xFFFFFFB0];
	v7 =	vadd.f32 v10, v9;
	[tilespmem:s17+$0xFFFFFFC0] =	vst v11;
	s17 =	smov.u32 s21  }
0x2f0: {  	v9 =	vld [tilespmem:s21+$0xFFFFFFF0];
	v2 =	vmov v5  }
0x2f1: {  	v10 =	vld [tilespmem:s18+$0xFFFFFFC0];
	[tilespmem:s21+$0x30] =	vst v7  }
0x2f2: {  	v4 =	vadd.f32 v4, v8;
	v8 =	vld [tilespmem:s21+$0x0]  }
0x2f3: {  	v11 =	vld [tilespmem:s18+$0xFFFFFFD0]  }
.Ltmp8:
0x2f4: {  	[tilespmem:s21+$0xFFFFFFD0] =	vst v4;
	v4 =	vadd.f32 v3, v6;
	v3 =	vld [tilespmem:s21+$0x10];
	(pc) =	sbr.rel @p0 .LBB2_18-.Ltmp8, $4  }
0x2f5: {  	v5 =	vld [tilespmem:s18+$0xFFFFFFE0]  }
0x2f6: {  	[tilespmem:s21+$0xFFFFFFE0] =	vst v4;
	v9 =	vadd.f32 v10, v9;
	v4 =	vld [tilespmem:s21+$0x20]  }
0x2f7: {  	v7 =	vld [tilespmem:s18+$0xFFFFFFF0]  }
0x2f8: {  	s21 =	sadd.s32 $0x80, s21;
	v6 =	vld [tilespmem:s17+$0xFFFFFFC0];
	[tilespmem:s17+$0xFFFFFFF0] =	vst v9;
	v8 =	vadd.f32 v11, v8  }
0x2f9: {  	_ =	sdelay $0x1  }
0x2fa: {  	v3 =	vadd.f32 v5, v3  }
0x2fb: {  	[tilespmem:s17+$0x0] =	vst v8;
	v4 =	vadd.f32 v7, v4  }
0x2fc: {  	[tilespmem:s17+$0x10] =	vst v3;
	v2 =	vadd.f32 v2, v6  }
0x2fd: {  	[tilespmem:s17+$0x20] =	vst v4  }
0x2fe: {  	[tilespmem:s17+$0xFFFFFFC0] =	vst v2  }
0x2ff: {  	_ =	swait.ge [sflag:s3], $0x280  }
0x300: {  	[sflag:s3] =	ssyncset.done $0x0  }
0x301: {  	s17 =	simm.s32 $0x116C0;
	[sflag:s3] =	ssyncadd.s32 $0xFFFFFD80  }
0x302: {  	s18 =	simm.s32 $0xF1F0;
	v3 =	vld [tilespmem:s17+$0x30]  }
0x303: {  	v4 =	vld [tilespmem:s18+$0x0]  }
0x304: {  	v2 =	vld [tilespmem:s18+$0xFFFFFF90]  }
0x305: {  	v5 =	vld [tilespmem:s17+$0xFFFFFFD0]  }
0x306: {  	v6 =	vld [tilespmem:s18+$0xFFFFFFA0]  }
0x307: {  	v7 =	vld [tilespmem:s17+$0xFFFFFFE0]  }
0x308: {  	v8 =	vld [tilespmem:s18+$0xFFFFFFB0]  }
0x309: {  	v9 =	vld [tilespmem:s17+$0xFFFFFFF0]  }
0x30a: {  	v10 =	vld [tilespmem:s18+$0xFFFFFFC0]  }
0x30b: {  	v11 =	vld [tilespmem:s17+$0x0]  }
0x30c: {  	v12 =	vld [tilespmem:s18+$0xFFFFFFD0];
	v4 =	vadd.f32 v4, v3  }
0x30d: {  	v6 =	vadd.f32 v6, v5;
	v3 =	vld [tilespmem:s17+$0x10]  }
0x30e: {  	v7 =	vadd.f32 v8, v7;
	v5 =	vld [tilespmem:s18+$0xFFFFFFE0];
	[tilespmem:s17+$0x30] =	vst v4  }
0x30f: {  	v8 =	vadd.f32 v10, v9;
	[tilespmem:s17+$0xFFFFFFD0] =	vst v6;
	v4 =	vld [tilespmem:s17+$0x20]  }
0x310: {  	[tilespmem:s17+$0xFFFFFFE0] =	vst v7;
	v7 =	vld [tilespmem:s18+$0xFFFFFFF0]  }
0x311: {  	s20 =	simm.s32 $0x0;
	s21 =	simm.s32 $0x11740;
	v6 =	vld [tilespmem:s17+$0xFFFFFFC0];
	[tilespmem:s17+$0xFFFFFFF0] =	vst v8;
	v8 =	vadd.f32 v12, v11  }
.LBB2_20:
0x312: {  	v9 =	vld [tilespmem:s21+$0x30];
	s18 =	sadd.s32 $0x400, s18  }
0x313: {  	s20 =	sadd.s32 $0x80, s20;
	v10 =	vld [tilespmem:s18+$0x0];
	[tilespmem:s17+$0x0] =	vst v8;
	v3 =	vadd.f32 v5, v3  }
0x314: {  	p0 =	slt.u32 s20, $0x200;
	v5 =	vld [tilespmem:s18+$0xFFFFFF90]  }
0x315: {  	v8 =	vld [tilespmem:s21+$0xFFFFFFD0];
	[tilespmem:s17+$0x10] =	vst v3;
	v3 =	vadd.f32 v7, v4  }
0x316: {  	v4 =	vld [tilespmem:s18+$0xFFFFFFA0];
	v11 =	vadd.f32 v2, v6  }
0x317: {  	v6 =	vld [tilespmem:s21+$0xFFFFFFE0];
	[tilespmem:s17+$0x20] =	vst v3  }
0x318: {  	v3 =	vld [tilespmem:s18+$0xFFFFFFB0];
	v7 =	vadd.f32 v10, v9;
	[tilespmem:s17+$0xFFFFFFC0] =	vst v11;
	s17 =	smov.u32 s21  }
0x319: {  	v9 =	vld [tilespmem:s21+$0xFFFFFFF0];
	v2 =	vmov v5  }
0x31a: {  	v10 =	vld [tilespmem:s18+$0xFFFFFFC0];
	[tilespmem:s21+$0x30] =	vst v7  }
0x31b: {  	v4 =	vadd.f32 v4, v8;
	v8 =	vld [tilespmem:s21+$0x0]  }
0x31c: {  	v11 =	vld [tilespmem:s18+$0xFFFFFFD0]  }
.Ltmp9:
0x31d: {  	[tilespmem:s21+$0xFFFFFFD0] =	vst v4;
	v4 =	vadd.f32 v3, v6;
	v3 =	vld [tilespmem:s21+$0x10];
	(pc) =	sbr.rel @p0 .LBB2_20-.Ltmp9, $4  }
0x31e: {  	v5 =	vld [tilespmem:s18+$0xFFFFFFE0]  }
0x31f: {  	[tilespmem:s21+$0xFFFFFFE0] =	vst v4;
	v9 =	vadd.f32 v10, v9;
	v4 =	vld [tilespmem:s21+$0x20]  }
0x320: {  	v7 =	vld [tilespmem:s18+$0xFFFFFFF0]  }
0x321: {  	s21 =	sadd.s32 $0x80, s21;
	v6 =	vld [tilespmem:s17+$0xFFFFFFC0];
	[tilespmem:s17+$0xFFFFFFF0] =	vst v9;
	v8 =	vadd.f32 v11, v8  }
0x322: {  	_ =	sdelay $0x1  }
0x323: {  	v3 =	vadd.f32 v5, v3  }
0x324: {  	[tilespmem:s17+$0x0] =	vst v8;
	v4 =	vadd.f32 v7, v4  }
0x325: {  	[tilespmem:s17+$0x10] =	vst v3;
	v2 =	vadd.f32 v2, v6  }
0x326: {  	[tilespmem:s17+$0x20] =	vst v4  }
0x327: {  	[tilespmem:s17+$0xFFFFFFC0] =	vst v2  }
0x328: {  	_ =	swait.ge [sflag:s3], $0x280  }
0x329: {  	[sflag:s3] =	ssyncset.done $0x0  }
0x32a: {  	s17 =	simm.s32 $0x116C0;
	[sflag:s3] =	ssyncadd.s32 $0xFFFFFD80  }
0x32b: {  	s18 =	simm.s32 $0xF270;
	v3 =	vld [tilespmem:s17+$0x30]  }
0x32c: {  	v4 =	vld [tilespmem:s18+$0x0]  }
0x32d: {  	v2 =	vld [tilespmem:s18+$0xFFFFFF90]  }
0x32e: {  	v5 =	vld [tilespmem:s17+$0xFFFFFFD0]  }
0x32f: {  	v6 =	vld [tilespmem:s18+$0xFFFFFFA0]  }
0x330: {  	v7 =	vld [tilespmem:s17+$0xFFFFFFE0]  }
0x331: {  	v8 =	vld [tilespmem:s18+$0xFFFFFFB0]  }
0x332: {  	v9 =	vld [tilespmem:s17+$0xFFFFFFF0]  }
0x333: {  	v10 =	vld [tilespmem:s18+$0xFFFFFFC0]  }
0x334: {  	v11 =	vld [tilespmem:s17+$0x0]  }
0x335: {  	v12 =	vld [tilespmem:s18+$0xFFFFFFD0];
	v4 =	vadd.f32 v4, v3  }
0x336: {  	v6 =	vadd.f32 v6, v5;
	v3 =	vld [tilespmem:s17+$0x10]  }
0x337: {  	v7 =	vadd.f32 v8, v7;
	v5 =	vld [tilespmem:s18+$0xFFFFFFE0];
	[tilespmem:s17+$0x30] =	vst v4  }
0x338: {  	v8 =	vadd.f32 v10, v9;
	[tilespmem:s17+$0xFFFFFFD0] =	vst v6;
	v4 =	vld [tilespmem:s17+$0x20]  }
0x339: {  	[tilespmem:s17+$0xFFFFFFE0] =	vst v7;
	v7 =	vld [tilespmem:s18+$0xFFFFFFF0]  }
0x33a: {  	s20 =	simm.s32 $0x0;
	s21 =	simm.s32 $0x11740;
	v6 =	vld [tilespmem:s17+$0xFFFFFFC0];
	[tilespmem:s17+$0xFFFFFFF0] =	vst v8;
	v8 =	vadd.f32 v12, v11  }
.LBB2_22:
0x33b: {  	v9 =	vld [tilespmem:s21+$0x30];
	s18 =	sadd.s32 $0x400, s18  }
0x33c: {  	s20 =	sadd.s32 $0x80, s20;
	v10 =	vld [tilespmem:s18+$0x0];
	[tilespmem:s17+$0x0] =	vst v8;
	v3 =	vadd.f32 v5, v3  }
0x33d: {  	p0 =	slt.u32 s20, $0x200;
	v5 =	vld [tilespmem:s18+$0xFFFFFF90]  }
0x33e: {  	v8 =	vld [tilespmem:s21+$0xFFFFFFD0];
	[tilespmem:s17+$0x10] =	vst v3;
	v3 =	vadd.f32 v7, v4  }
0x33f: {  	v4 =	vld [tilespmem:s18+$0xFFFFFFA0];
	v11 =	vadd.f32 v2, v6  }
0x340: {  	v6 =	vld [tilespmem:s21+$0xFFFFFFE0];
	[tilespmem:s17+$0x20] =	vst v3  }
0x341: {  	v3 =	vld [tilespmem:s18+$0xFFFFFFB0];
	v7 =	vadd.f32 v10, v9;
	[tilespmem:s17+$0xFFFFFFC0] =	vst v11;
	s17 =	smov.u32 s21  }
0x342: {  	v9 =	vld [tilespmem:s21+$0xFFFFFFF0];
	v2 =	vmov v5  }
0x343: {  	v10 =	vld [tilespmem:s18+$0xFFFFFFC0];
	[tilespmem:s21+$0x30] =	vst v7  }
0x344: {  	v4 =	vadd.f32 v4, v8;
	v8 =	vld [tilespmem:s21+$0x0]  }
0x345: {  	v11 =	vld [tilespmem:s18+$0xFFFFFFD0]  }
.Ltmp10:
0x346: {  	[tilespmem:s21+$0xFFFFFFD0] =	vst v4;
	v4 =	vadd.f32 v3, v6;
	v3 =	vld [tilespmem:s21+$0x10];
	(pc) =	sbr.rel @p0 .LBB2_22-.Ltmp10, $4  }
0x347: {  	v5 =	vld [tilespmem:s18+$0xFFFFFFE0]  }
0x348: {  	[tilespmem:s21+$0xFFFFFFE0] =	vst v4;
	v9 =	vadd.f32 v10, v9;
	v4 =	vld [tilespmem:s21+$0x20]  }
0x349: {  	v7 =	vld [tilespmem:s18+$0xFFFFFFF0]  }
0x34a: {  	s21 =	sadd.s32 $0x80, s21;
	v6 =	vld [tilespmem:s17+$0xFFFFFFC0];
	[tilespmem:s17+$0xFFFFFFF0] =	vst v9;
	v8 =	vadd.f32 v11, v8  }
0x34b: {  	_ =	sdelay $0x1  }
0x34c: {  	v3 =	vadd.f32 v5, v3  }
0x34d: {  	[tilespmem:s17+$0x0] =	vst v8;
	v4 =	vadd.f32 v7, v4  }
0x34e: {  	[tilespmem:s17+$0x10] =	vst v3;
	v2 =	vadd.f32 v2, v6  }
0x34f: {  	[tilespmem:s17+$0x20] =	vst v4  }
0x350: {  	[tilespmem:s17+$0xFFFFFFC0] =	vst v2  }
0x351: {  	_ =	swait.ge [sflag:s3], $0x280  }
0x352: {  	[sflag:s3] =	ssyncset.done $0x0  }
0x353: {  	s17 =	simm.s32 $0x116C0;
	[sflag:s3] =	ssyncadd.s32 $0xFFFFFD80  }
0x354: {  	s18 =	simm.s32 $0x102F0;
	v3 =	vld [tilespmem:s17+$0x30]  }
0x355: {  	v4 =	vld [tilespmem:s18+$0x0]  }
0x356: {  	v2 =	vld [tilespmem:s18+$0xFFFFFF90]  }
0x357: {  	v5 =	vld [tilespmem:s17+$0xFFFFFFD0]  }
0x358: {  	v6 =	vld [tilespmem:s18+$0xFFFFFFA0]  }
0x359: {  	v7 =	vld [tilespmem:s17+$0xFFFFFFE0]  }
0x35a: {  	v8 =	vld [tilespmem:s18+$0xFFFFFFB0]  }
0x35b: {  	v9 =	vld [tilespmem:s17+$0xFFFFFFF0]  }
0x35c: {  	v10 =	vld [tilespmem:s18+$0xFFFFFFC0]  }
0x35d: {  	v11 =	vld [tilespmem:s17+$0x0]  }
0x35e: {  	v12 =	vld [tilespmem:s18+$0xFFFFFFD0];
	v4 =	vadd.f32 v4, v3  }
0x35f: {  	v6 =	vadd.f32 v6, v5;
	v3 =	vld [tilespmem:s17+$0x10]  }
0x360: {  	v7 =	vadd.f32 v8, v7;
	v5 =	vld [tilespmem:s18+$0xFFFFFFE0];
	[tilespmem:s17+$0x30] =	vst v4  }
0x361: {  	v8 =	vadd.f32 v10, v9;
	[tilespmem:s17+$0xFFFFFFD0] =	vst v6;
	v4 =	vld [tilespmem:s17+$0x20]  }
0x362: {  	[tilespmem:s17+$0xFFFFFFE0] =	vst v7;
	v7 =	vld [tilespmem:s18+$0xFFFFFFF0]  }
0x363: {  	s20 =	simm.s32 $0x0;
	s21 =	simm.s32 $0x11740;
	v6 =	vld [tilespmem:s17+$0xFFFFFFC0];
	[tilespmem:s17+$0xFFFFFFF0] =	vst v8;
	v8 =	vadd.f32 v12, v11  }
.LBB2_24:
0x364: {  	v9 =	vld [tilespmem:s21+$0x30];
	s18 =	sadd.s32 $0x400, s18  }
0x365: {  	s20 =	sadd.s32 $0x80, s20;
	v10 =	vld [tilespmem:s18+$0x0];
	[tilespmem:s17+$0x0] =	vst v8;
	v3 =	vadd.f32 v5, v3  }
0x366: {  	p0 =	slt.u32 s20, $0x200;
	v5 =	vld [tilespmem:s18+$0xFFFFFF90]  }
0x367: {  	v8 =	vld [tilespmem:s21+$0xFFFFFFD0];
	[tilespmem:s17+$0x10] =	vst v3;
	v3 =	vadd.f32 v7, v4  }
0x368: {  	v4 =	vld [tilespmem:s18+$0xFFFFFFA0];
	v11 =	vadd.f32 v2, v6  }
0x369: {  	v6 =	vld [tilespmem:s21+$0xFFFFFFE0];
	[tilespmem:s17+$0x20] =	vst v3  }
0x36a: {  	v3 =	vld [tilespmem:s18+$0xFFFFFFB0];
	v7 =	vadd.f32 v10, v9;
	[tilespmem:s17+$0xFFFFFFC0] =	vst v11;
	s17 =	smov.u32 s21  }
0x36b: {  	v9 =	vld [tilespmem:s21+$0xFFFFFFF0];
	v2 =	vmov v5  }
0x36c: {  	v10 =	vld [tilespmem:s18+$0xFFFFFFC0];
	[tilespmem:s21+$0x30] =	vst v7  }
0x36d: {  	v4 =	vadd.f32 v4, v8;
	v8 =	vld [tilespmem:s21+$0x0]  }
0x36e: {  	v11 =	vld [tilespmem:s18+$0xFFFFFFD0]  }
.Ltmp11:
0x36f: {  	[tilespmem:s21+$0xFFFFFFD0] =	vst v4;
	v4 =	vadd.f32 v3, v6;
	v3 =	vld [tilespmem:s21+$0x10];
	(pc) =	sbr.rel @p0 .LBB2_24-.Ltmp11, $4  }
0x370: {  	v5 =	vld [tilespmem:s18+$0xFFFFFFE0]  }
0x371: {  	[tilespmem:s21+$0xFFFFFFE0] =	vst v4;
	v9 =	vadd.f32 v10, v9;
	v4 =	vld [tilespmem:s21+$0x20]  }
0x372: {  	v7 =	vld [tilespmem:s18+$0xFFFFFFF0]  }
0x373: {  	s21 =	sadd.s32 $0x80, s21;
	v6 =	vld [tilespmem:s17+$0xFFFFFFC0];
	[tilespmem:s17+$0xFFFFFFF0] =	vst v9;
	v8 =	vadd.f32 v11, v8  }
0x374: {  	_ =	sdelay $0x1  }
0x375: {  	v3 =	vadd.f32 v5, v3  }
0x376: {  	[tilespmem:s17+$0x0] =	vst v8;
	v4 =	vadd.f32 v7, v4  }
0x377: {  	[tilespmem:s17+$0x10] =	vst v3;
	v2 =	vadd.f32 v2, v6  }
0x378: {  	[tilespmem:s17+$0x20] =	vst v4  }
0x379: {  	[tilespmem:s17+$0xFFFFFFC0] =	vst v2  }
0x37a: {  	_ =	swait.ge [sflag:s3], $0x280  }
0x37b: {  	[sflag:s3] =	ssyncset.done $0x0  }
0x37c: {  	s17 =	simm.s32 $0x116C0;
	[sflag:s3] =	ssyncadd.s32 $0xFFFFFD80  }
0x37d: {  	s18 =	simm.s32 $0x10370;
	v3 =	vld [tilespmem:s17+$0x30]  }
0x37e: {  	v4 =	vld [tilespmem:s18+$0x0]  }
0x37f: {  	v2 =	vld [tilespmem:s18+$0xFFFFFF90]  }
0x380: {  	v5 =	vld [tilespmem:s17+$0xFFFFFFD0]  }
0x381: {  	v6 =	vld [tilespmem:s18+$0xFFFFFFA0]  }
0x382: {  	v7 =	vld [tilespmem:s17+$0xFFFFFFE0]  }
0x383: {  	v8 =	vld [tilespmem:s18+$0xFFFFFFB0]  }
0x384: {  	v9 =	vld [tilespmem:s17+$0xFFFFFFF0]  }
0x385: {  	v10 =	vld [tilespmem:s18+$0xFFFFFFC0]  }
0x386: {  	v11 =	vld [tilespmem:s17+$0x0]  }
0x387: {  	v12 =	vld [tilespmem:s18+$0xFFFFFFD0];
	v4 =	vadd.f32 v4, v3  }
0x388: {  	v6 =	vadd.f32 v6, v5;
	v3 =	vld [tilespmem:s17+$0x10]  }
0x389: {  	v7 =	vadd.f32 v8, v7;
	v5 =	vld [tilespmem:s18+$0xFFFFFFE0];
	[tilespmem:s17+$0x30] =	vst v4  }
0x38a: {  	v8 =	vadd.f32 v10, v9;
	[tilespmem:s17+$0xFFFFFFD0] =	vst v6;
	v4 =	vld [tilespmem:s17+$0x20]  }
0x38b: {  	[tilespmem:s17+$0xFFFFFFE0] =	vst v7;
	v7 =	vld [tilespmem:s18+$0xFFFFFFF0]  }
0x38c: {  	s20 =	simm.s32 $0x0;
	s21 =	simm.s32 $0x11740;
	v6 =	vld [tilespmem:s17+$0xFFFFFFC0];
	[tilespmem:s17+$0xFFFFFFF0] =	vst v8;
	v8 =	vadd.f32 v12, v11  }
.LBB2_26:
0x38d: {  	v9 =	vld [tilespmem:s21+$0x30];
	s18 =	sadd.s32 $0x400, s18  }
0x38e: {  	s20 =	sadd.s32 $0x80, s20;
	v10 =	vld [tilespmem:s18+$0x0];
	[tilespmem:s17+$0x0] =	vst v8;
	v3 =	vadd.f32 v5, v3  }
0x38f: {  	p0 =	slt.u32 s20, $0x200;
	v5 =	vld [tilespmem:s18+$0xFFFFFF90]  }
0x390: {  	v8 =	vld [tilespmem:s21+$0xFFFFFFD0];
	[tilespmem:s17+$0x10] =	vst v3;
	v3 =	vadd.f32 v7, v4  }
0x391: {  	v4 =	vld [tilespmem:s18+$0xFFFFFFA0];
	v11 =	vadd.f32 v2, v6  }
0x392: {  	v6 =	vld [tilespmem:s21+$0xFFFFFFE0];
	[tilespmem:s17+$0x20] =	vst v3  }
0x393: {  	v3 =	vld [tilespmem:s18+$0xFFFFFFB0];
	v7 =	vadd.f32 v10, v9;
	[tilespmem:s17+$0xFFFFFFC0] =	vst v11;
	s17 =	smov.u32 s21  }
0x394: {  	v9 =	vld [tilespmem:s21+$0xFFFFFFF0];
	v2 =	vmov v5  }
0x395: {  	v10 =	vld [tilespmem:s18+$0xFFFFFFC0];
	[tilespmem:s21+$0x30] =	vst v7  }
0x396: {  	v4 =	vadd.f32 v4, v8;
	v8 =	vld [tilespmem:s21+$0x0]  }
0x397: {  	v11 =	vld [tilespmem:s18+$0xFFFFFFD0]  }
.Ltmp12:
0x398: {  	[tilespmem:s21+$0xFFFFFFD0] =	vst v4;
	v4 =	vadd.f32 v3, v6;
	v3 =	vld [tilespmem:s21+$0x10];
	(pc) =	sbr.rel @p0 .LBB2_26-.Ltmp12, $4  }
0x399: {  	v5 =	vld [tilespmem:s18+$0xFFFFFFE0]  }
0x39a: {  	[tilespmem:s21+$0xFFFFFFE0] =	vst v4;
	v9 =	vadd.f32 v10, v9;
	v4 =	vld [tilespmem:s21+$0x20]  }
0x39b: {  	v7 =	vld [tilespmem:s18+$0xFFFFFFF0]  }
0x39c: {  	s21 =	sadd.s32 $0x80, s21;
	v6 =	vld [tilespmem:s17+$0xFFFFFFC0];
	[tilespmem:s17+$0xFFFFFFF0] =	vst v9;
	v8 =	vadd.f32 v11, v8  }
0x39d: {  	_ =	sdelay $0x1  }
0x39e: {  	v3 =	vadd.f32 v5, v3  }
0x39f: {  	[tilespmem:s17+$0x0] =	vst v8;
	v4 =	vadd.f32 v7, v4  }
0x3a0: {  	[tilespmem:s17+$0x10] =	vst v3;
	v2 =	vadd.f32 v2, v6  }
0x3a1: {  	[tilespmem:s17+$0x20] =	vst v4  }
0x3a2: {  	[tilespmem:s17+$0xFFFFFFC0] =	vst v2  }
0x3a3: {  	_ =	swait.ge [sflag:s3], $0x280  }
0x3a4: {  	[sflag:s3] =	ssyncset.done $0x0  }
0x3a5: {  	s17 =	simm.s32 $0x116C0;
	[sflag:s3] =	ssyncadd.s32 $0xFFFFFD80  }
0x3a6: {  	s18 =	simm.s32 $0x103F0;
	v3 =	vld [tilespmem:s17+$0x30]  }
0x3a7: {  	v4 =	vld [tilespmem:s18+$0x0]  }
0x3a8: {  	v2 =	vld [tilespmem:s18+$0xFFFFFF90]  }
0x3a9: {  	v5 =	vld [tilespmem:s17+$0xFFFFFFD0]  }
0x3aa: {  	v6 =	vld [tilespmem:s18+$0xFFFFFFA0]  }
0x3ab: {  	v7 =	vld [tilespmem:s17+$0xFFFFFFE0]  }
0x3ac: {  	v8 =	vld [tilespmem:s18+$0xFFFFFFB0]  }
0x3ad: {  	v9 =	vld [tilespmem:s17+$0xFFFFFFF0]  }
0x3ae: {  	v10 =	vld [tilespmem:s18+$0xFFFFFFC0]  }
0x3af: {  	v11 =	vld [tilespmem:s17+$0x0]  }
0x3b0: {  	v12 =	vld [tilespmem:s18+$0xFFFFFFD0];
	v4 =	vadd.f32 v4, v3  }
0x3b1: {  	v6 =	vadd.f32 v6, v5;
	v3 =	vld [tilespmem:s17+$0x10]  }
0x3b2: {  	v7 =	vadd.f32 v8, v7;
	v5 =	vld [tilespmem:s18+$0xFFFFFFE0];
	[tilespmem:s17+$0x30] =	vst v4  }
0x3b3: {  	v8 =	vadd.f32 v10, v9;
	[tilespmem:s17+$0xFFFFFFD0] =	vst v6;
	v4 =	vld [tilespmem:s17+$0x20]  }
0x3b4: {  	[tilespmem:s17+$0xFFFFFFE0] =	vst v7;
	v7 =	vld [tilespmem:s18+$0xFFFFFFF0]  }
0x3b5: {  	s20 =	simm.s32 $0x0;
	s21 =	simm.s32 $0x11740;
	v6 =	vld [tilespmem:s17+$0xFFFFFFC0];
	[tilespmem:s17+$0xFFFFFFF0] =	vst v8;
	v8 =	vadd.f32 v12, v11  }
.LBB2_28:
0x3b6: {  	v9 =	vld [tilespmem:s21+$0x30];
	s18 =	sadd.s32 $0x400, s18  }
0x3b7: {  	s20 =	sadd.s32 $0x80, s20;
	v10 =	vld [tilespmem:s18+$0x0];
	[tilespmem:s17+$0x0] =	vst v8;
	v3 =	vadd.f32 v5, v3  }
0x3b8: {  	p0 =	slt.u32 s20, $0x200;
	v5 =	vld [tilespmem:s18+$0xFFFFFF90]  }
0x3b9: {  	v8 =	vld [tilespmem:s21+$0xFFFFFFD0];
	[tilespmem:s17+$0x10] =	vst v3;
	v3 =	vadd.f32 v7, v4  }
0x3ba: {  	v4 =	vld [tilespmem:s18+$0xFFFFFFA0];
	v11 =	vadd.f32 v2, v6  }
0x3bb: {  	v6 =	vld [tilespmem:s21+$0xFFFFFFE0];
	[tilespmem:s17+$0x20] =	vst v3  }
0x3bc: {  	v3 =	vld [tilespmem:s18+$0xFFFFFFB0];
	v7 =	vadd.f32 v10, v9;
	[tilespmem:s17+$0xFFFFFFC0] =	vst v11;
	s17 =	smov.u32 s21  }
0x3bd: {  	v9 =	vld [tilespmem:s21+$0xFFFFFFF0];
	v2 =	vmov v5  }
0x3be: {  	v10 =	vld [tilespmem:s18+$0xFFFFFFC0];
	[tilespmem:s21+$0x30] =	vst v7  }
0x3bf: {  	v4 =	vadd.f32 v4, v8;
	v8 =	vld [tilespmem:s21+$0x0]  }
0x3c0: {  	v11 =	vld [tilespmem:s18+$0xFFFFFFD0]  }
.Ltmp13:
0x3c1: {  	[tilespmem:s21+$0xFFFFFFD0] =	vst v4;
	v4 =	vadd.f32 v3, v6;
	v3 =	vld [tilespmem:s21+$0x10];
	(pc) =	sbr.rel @p0 .LBB2_28-.Ltmp13, $4  }
0x3c2: {  	v5 =	vld [tilespmem:s18+$0xFFFFFFE0]  }
0x3c3: {  	[tilespmem:s21+$0xFFFFFFE0] =	vst v4;
	v9 =	vadd.f32 v10, v9;
	v4 =	vld [tilespmem:s21+$0x20]  }
0x3c4: {  	v7 =	vld [tilespmem:s18+$0xFFFFFFF0]  }
0x3c5: {  	s21 =	sadd.s32 $0x80, s21;
	v6 =	vld [tilespmem:s17+$0xFFFFFFC0];
	[tilespmem:s17+$0xFFFFFFF0] =	vst v9;
	v8 =	vadd.f32 v11, v8  }
0x3c6: {  	_ =	sdelay $0x1  }
0x3c7: {  	v3 =	vadd.f32 v5, v3  }
0x3c8: {  	[tilespmem:s17+$0x0] =	vst v8;
	v4 =	vadd.f32 v7, v4  }
0x3c9: {  	[tilespmem:s17+$0x10] =	vst v3;
	v2 =	vadd.f32 v2, v6  }
0x3ca: {  	[tilespmem:s17+$0x20] =	vst v4  }
0x3cb: {  	[tilespmem:s17+$0xFFFFFFC0] =	vst v2  }
0x3cc: {  	_ =	swait.ge [sflag:s3], $0x280  }
0x3cd: {  	[sflag:s3] =	ssyncset.done $0x0  }
0x3ce: {  	s17 =	simm.s32 $0x116C0;
	[sflag:s3] =	ssyncadd.s32 $0xFFFFFD80  }
0x3cf: {  	s18 =	simm.s32 $0x10470;
	v3 =	vld [tilespmem:s17+$0x30]  }
0x3d0: {  	v4 =	vld [tilespmem:s18+$0x0]  }
0x3d1: {  	v2 =	vld [tilespmem:s18+$0xFFFFFF90]  }
0x3d2: {  	v5 =	vld [tilespmem:s17+$0xFFFFFFD0]  }
0x3d3: {  	v6 =	vld [tilespmem:s18+$0xFFFFFFA0]  }
0x3d4: {  	v7 =	vld [tilespmem:s17+$0xFFFFFFE0]  }
0x3d5: {  	v8 =	vld [tilespmem:s18+$0xFFFFFFB0]  }
0x3d6: {  	v9 =	vld [tilespmem:s17+$0xFFFFFFF0]  }
0x3d7: {  	v10 =	vld [tilespmem:s18+$0xFFFFFFC0]  }
0x3d8: {  	v11 =	vld [tilespmem:s17+$0x0]  }
0x3d9: {  	v12 =	vld [tilespmem:s18+$0xFFFFFFD0];
	v4 =	vadd.f32 v4, v3  }
0x3da: {  	v6 =	vadd.f32 v6, v5;
	v3 =	vld [tilespmem:s17+$0x10]  }
0x3db: {  	v7 =	vadd.f32 v8, v7;
	v5 =	vld [tilespmem:s18+$0xFFFFFFE0];
	[tilespmem:s17+$0x30] =	vst v4  }
0x3dc: {  	v8 =	vadd.f32 v10, v9;
	[tilespmem:s17+$0xFFFFFFD0] =	vst v6;
	v4 =	vld [tilespmem:s17+$0x20]  }
0x3dd: {  	[tilespmem:s17+$0xFFFFFFE0] =	vst v7;
	v7 =	vld [tilespmem:s18+$0xFFFFFFF0]  }
0x3de: {  	s20 =	simm.s32 $0x0;
	s21 =	simm.s32 $0x11740;
	v6 =	vld [tilespmem:s17+$0xFFFFFFC0];
	[tilespmem:s17+$0xFFFFFFF0] =	vst v8;
	v8 =	vadd.f32 v12, v11  }
.LBB2_30:
0x3df: {  	v9 =	vld [tilespmem:s21+$0x30];
	s18 =	sadd.s32 $0x400, s18  }
0x3e0: {  	s20 =	sadd.s32 $0x80, s20;
	v10 =	vld [tilespmem:s18+$0x0];
	[tilespmem:s17+$0x0] =	vst v8;
	v3 =	vadd.f32 v5, v3  }
0x3e1: {  	p0 =	slt.u32 s20, $0x200;
	v5 =	vld [tilespmem:s18+$0xFFFFFF90]  }
0x3e2: {  	v8 =	vld [tilespmem:s21+$0xFFFFFFD0];
	[tilespmem:s17+$0x10] =	vst v3;
	v3 =	vadd.f32 v7, v4  }
0x3e3: {  	v4 =	vld [tilespmem:s18+$0xFFFFFFA0];
	v11 =	vadd.f32 v2, v6  }
0x3e4: {  	v6 =	vld [tilespmem:s21+$0xFFFFFFE0];
	[tilespmem:s17+$0x20] =	vst v3  }
0x3e5: {  	v3 =	vld [tilespmem:s18+$0xFFFFFFB0];
	v7 =	vadd.f32 v10, v9;
	[tilespmem:s17+$0xFFFFFFC0] =	vst v11;
	s17 =	smov.u32 s21  }
0x3e6: {  	v9 =	vld [tilespmem:s21+$0xFFFFFFF0];
	v2 =	vmov v5  }
0x3e7: {  	v10 =	vld [tilespmem:s18+$0xFFFFFFC0];
	[tilespmem:s21+$0x30] =	vst v7  }
0x3e8: {  	v4 =	vadd.f32 v4, v8;
	v8 =	vld [tilespmem:s21+$0x0]  }
0x3e9: {  	v11 =	vld [tilespmem:s18+$0xFFFFFFD0]  }
.Ltmp14:
0x3ea: {  	[tilespmem:s21+$0xFFFFFFD0] =	vst v4;
	v4 =	vadd.f32 v3, v6;
	v3 =	vld [tilespmem:s21+$0x10];
	(pc) =	sbr.rel @p0 .LBB2_30-.Ltmp14, $4  }
0x3eb: {  	v5 =	vld [tilespmem:s18+$0xFFFFFFE0]  }
0x3ec: {  	[tilespmem:s21+$0xFFFFFFE0] =	vst v4;
	v9 =	vadd.f32 v10, v9;
	v4 =	vld [tilespmem:s21+$0x20]  }
0x3ed: {  	v7 =	vld [tilespmem:s18+$0xFFFFFFF0]  }
0x3ee: {  	s21 =	sadd.s32 $0x80, s21;
	v6 =	vld [tilespmem:s17+$0xFFFFFFC0];
	[tilespmem:s17+$0xFFFFFFF0] =	vst v9;
	v8 =	vadd.f32 v11, v8  }
0x3ef: {  	_ =	sdelay $0x1  }
0x3f0: {  	v3 =	vadd.f32 v5, v3  }
0x3f1: {  	[tilespmem:s17+$0x0] =	vst v8;
	v4 =	vadd.f32 v7, v4  }
0x3f2: {  	[tilespmem:s17+$0x10] =	vst v3;
	v2 =	vadd.f32 v2, v6  }
0x3f3: {  	[tilespmem:s17+$0x20] =	vst v4  }
0x3f4: {  	[tilespmem:s17+$0xFFFFFFC0] =	vst v2  }
0x3f5: {  	_ =	swait.ge [sflag:s3], $0x280  }
0x3f6: {  	[sflag:s3] =	ssyncset.done $0x0  }
0x3f7: {  	s17 =	simm.s32 $0x116C0;
	[sflag:s3] =	ssyncadd.s32 $0xFFFFFD80  }
0x3f8: {  	s18 =	simm.s32 $0x104F0;
	v3 =	vld [tilespmem:s17+$0x30]  }
0x3f9: {  	v4 =	vld [tilespmem:s18+$0x0]  }
0x3fa: {  	v2 =	vld [tilespmem:s18+$0xFFFFFF90]  }
0x3fb: {  	v5 =	vld [tilespmem:s17+$0xFFFFFFD0]  }
0x3fc: {  	v6 =	vld [tilespmem:s18+$0xFFFFFFA0]  }
0x3fd: {  	v7 =	vld [tilespmem:s17+$0xFFFFFFE0]  }
0x3fe: {  	v8 =	vld [tilespmem:s18+$0xFFFFFFB0]  }
0x3ff: {  	v9 =	vld [tilespmem:s17+$0xFFFFFFF0]  }
0x400: {  	v10 =	vld [tilespmem:s18+$0xFFFFFFC0]  }
0x401: {  	v11 =	vld [tilespmem:s17+$0x0]  }
0x402: {  	v12 =	vld [tilespmem:s18+$0xFFFFFFD0];
	v4 =	vadd.f32 v4, v3  }
0x403: {  	v6 =	vadd.f32 v6, v5;
	v3 =	vld [tilespmem:s17+$0x10]  }
0x404: {  	v7 =	vadd.f32 v8, v7;
	v5 =	vld [tilespmem:s18+$0xFFFFFFE0];
	[tilespmem:s17+$0x30] =	vst v4  }
0x405: {  	v8 =	vadd.f32 v10, v9;
	[tilespmem:s17+$0xFFFFFFD0] =	vst v6;
	v4 =	vld [tilespmem:s17+$0x20]  }
0x406: {  	[tilespmem:s17+$0xFFFFFFE0] =	vst v7;
	v7 =	vld [tilespmem:s18+$0xFFFFFFF0]  }
0x407: {  	s20 =	simm.s32 $0x0;
	s21 =	simm.s32 $0x11740;
	v6 =	vld [tilespmem:s17+$0xFFFFFFC0];
	[tilespmem:s17+$0xFFFFFFF0] =	vst v8;
	v8 =	vadd.f32 v12, v11  }
.LBB2_32:
0x408: {  	v9 =	vld [tilespmem:s21+$0x30];
	s18 =	sadd.s32 $0x400, s18  }
0x409: {  	s20 =	sadd.s32 $0x80, s20;
	v10 =	vld [tilespmem:s18+$0x0];
	[tilespmem:s17+$0x0] =	vst v8;
	v3 =	vadd.f32 v5, v3  }
0x40a: {  	p0 =	slt.u32 s20, $0x200;
	v5 =	vld [tilespmem:s18+$0xFFFFFF90]  }
0x40b: {  	v8 =	vld [tilespmem:s21+$0xFFFFFFD0];
	[tilespmem:s17+$0x10] =	vst v3;
	v3 =	vadd.f32 v7, v4  }
0x40c: {  	v4 =	vld [tilespmem:s18+$0xFFFFFFA0];
	v11 =	vadd.f32 v2, v6  }
0x40d: {  	v6 =	vld [tilespmem:s21+$0xFFFFFFE0];
	[tilespmem:s17+$0x20] =	vst v3  }
0x40e: {  	v3 =	vld [tilespmem:s18+$0xFFFFFFB0];
	v7 =	vadd.f32 v10, v9;
	[tilespmem:s17+$0xFFFFFFC0] =	vst v11;
	s17 =	smov.u32 s21  }
0x40f: {  	v9 =	vld [tilespmem:s21+$0xFFFFFFF0];
	v2 =	vmov v5  }
0x410: {  	v10 =	vld [tilespmem:s18+$0xFFFFFFC0];
	[tilespmem:s21+$0x30] =	vst v7  }
0x411: {  	v4 =	vadd.f32 v4, v8;
	v8 =	vld [tilespmem:s21+$0x0]  }
0x412: {  	v11 =	vld [tilespmem:s18+$0xFFFFFFD0]  }
.Ltmp15:
0x413: {  	[tilespmem:s21+$0xFFFFFFD0] =	vst v4;
	v4 =	vadd.f32 v3, v6;
	v3 =	vld [tilespmem:s21+$0x10];
	(pc) =	sbr.rel @p0 .LBB2_32-.Ltmp15, $4  }
0x414: {  	v5 =	vld [tilespmem:s18+$0xFFFFFFE0]  }
0x415: {  	[tilespmem:s21+$0xFFFFFFE0] =	vst v4;
	v9 =	vadd.f32 v10, v9;
	v4 =	vld [tilespmem:s21+$0x20]  }
0x416: {  	v7 =	vld [tilespmem:s18+$0xFFFFFFF0]  }
0x417: {  	s21 =	sadd.s32 $0x80, s21;
	v6 =	vld [tilespmem:s17+$0xFFFFFFC0];
	[tilespmem:s17+$0xFFFFFFF0] =	vst v9;
	v8 =	vadd.f32 v11, v8  }
0x418: {  	_ =	sdelay $0x1  }
0x419: {  	v3 =	vadd.f32 v5, v3  }
0x41a: {  	[tilespmem:s17+$0x0] =	vst v8;
	v4 =	vadd.f32 v7, v4  }
0x41b: {  	[tilespmem:s17+$0x10] =	vst v3;
	v2 =	vadd.f32 v2, v6  }
0x41c: {  	[tilespmem:s17+$0x20] =	vst v4  }
0x41d: {  	[tilespmem:s17+$0xFFFFFFC0] =	vst v2  }
0x41e: {  	_ =	swait.ge [sflag:s3], $0x280  }
0x41f: {  	[sflag:s3] =	ssyncset.done $0x0  }
0x420: {  	s17 =	simm.s32 $0x116C0;
	[sflag:s3] =	ssyncadd.s32 $0xFFFFFD80  }
0x421: {  	s18 =	simm.s32 $0x10570;
	v3 =	vld [tilespmem:s17+$0x30]  }
0x422: {  	v4 =	vld [tilespmem:s18+$0x0]  }
0x423: {  	v2 =	vld [tilespmem:s18+$0xFFFFFF90]  }
0x424: {  	v5 =	vld [tilespmem:s17+$0xFFFFFFD0]  }
0x425: {  	v6 =	vld [tilespmem:s18+$0xFFFFFFA0]  }
0x426: {  	v7 =	vld [tilespmem:s17+$0xFFFFFFE0]  }
0x427: {  	v8 =	vld [tilespmem:s18+$0xFFFFFFB0]  }
0x428: {  	v9 =	vld [tilespmem:s17+$0xFFFFFFF0]  }
0x429: {  	v10 =	vld [tilespmem:s18+$0xFFFFFFC0]  }
0x42a: {  	v11 =	vld [tilespmem:s17+$0x0]  }
0x42b: {  	v12 =	vld [tilespmem:s18+$0xFFFFFFD0];
	v4 =	vadd.f32 v4, v3  }
0x42c: {  	v6 =	vadd.f32 v6, v5;
	v3 =	vld [tilespmem:s17+$0x10]  }
0x42d: {  	v7 =	vadd.f32 v8, v7;
	v5 =	vld [tilespmem:s18+$0xFFFFFFE0];
	[tilespmem:s17+$0x30] =	vst v4  }
0x42e: {  	v8 =	vadd.f32 v10, v9;
	[tilespmem:s17+$0xFFFFFFD0] =	vst v6;
	v4 =	vld [tilespmem:s17+$0x20]  }
0x42f: {  	[tilespmem:s17+$0xFFFFFFE0] =	vst v7;
	v7 =	vld [tilespmem:s18+$0xFFFFFFF0]  }
0x430: {  	s20 =	simm.s32 $0x0;
	s21 =	simm.s32 $0x11740;
	v6 =	vld [tilespmem:s17+$0xFFFFFFC0];
	[tilespmem:s17+$0xFFFFFFF0] =	vst v8;
	v8 =	vadd.f32 v12, v11  }
.LBB2_34:
0x431: {  	v9 =	vld [tilespmem:s21+$0x30];
	s18 =	sadd.s32 $0x400, s18  }
0x432: {  	s20 =	sadd.s32 $0x80, s20;
	v10 =	vld [tilespmem:s18+$0x0];
	[tilespmem:s17+$0x0] =	vst v8;
	v3 =	vadd.f32 v5, v3  }
0x433: {  	p0 =	slt.u32 s20, $0x200;
	v5 =	vld [tilespmem:s18+$0xFFFFFF90]  }
0x434: {  	v8 =	vld [tilespmem:s21+$0xFFFFFFD0];
	[tilespmem:s17+$0x10] =	vst v3;
	v3 =	vadd.f32 v7, v4  }
0x435: {  	v4 =	vld [tilespmem:s18+$0xFFFFFFA0];
	v11 =	vadd.f32 v2, v6  }
0x436: {  	v6 =	vld [tilespmem:s21+$0xFFFFFFE0];
	[tilespmem:s17+$0x20] =	vst v3  }
0x437: {  	v3 =	vld [tilespmem:s18+$0xFFFFFFB0];
	v7 =	vadd.f32 v10, v9;
	[tilespmem:s17+$0xFFFFFFC0] =	vst v11;
	s17 =	smov.u32 s21  }
0x438: {  	v9 =	vld [tilespmem:s21+$0xFFFFFFF0];
	v2 =	vmov v5  }
0x439: {  	v10 =	vld [tilespmem:s18+$0xFFFFFFC0];
	[tilespmem:s21+$0x30] =	vst v7  }
0x43a: {  	v4 =	vadd.f32 v4, v8;
	v8 =	vld [tilespmem:s21+$0x0]  }
0x43b: {  	v11 =	vld [tilespmem:s18+$0xFFFFFFD0]  }
.Ltmp16:
0x43c: {  	[tilespmem:s21+$0xFFFFFFD0] =	vst v4;
	v4 =	vadd.f32 v3, v6;
	v3 =	vld [tilespmem:s21+$0x10];
	(pc) =	sbr.rel @p0 .LBB2_34-.Ltmp16, $4  }
0x43d: {  	v5 =	vld [tilespmem:s18+$0xFFFFFFE0]  }
0x43e: {  	[tilespmem:s21+$0xFFFFFFE0] =	vst v4;
	v9 =	vadd.f32 v10, v9;
	v4 =	vld [tilespmem:s21+$0x20]  }
0x43f: {  	v7 =	vld [tilespmem:s18+$0xFFFFFFF0]  }
0x440: {  	s21 =	sadd.s32 $0x80, s21;
	v6 =	vld [tilespmem:s17+$0xFFFFFFC0];
	[tilespmem:s17+$0xFFFFFFF0] =	vst v9;
	v8 =	vadd.f32 v11, v8  }
0x441: {  	_ =	sdelay $0x1  }
0x442: {  	v3 =	vadd.f32 v5, v3  }
0x443: {  	[tilespmem:s17+$0x0] =	vst v8;
	v4 =	vadd.f32 v7, v4  }
0x444: {  	[tilespmem:s17+$0x10] =	vst v3;
	v2 =	vadd.f32 v2, v6  }
0x445: {  	[tilespmem:s17+$0x20] =	vst v4  }
0x446: {  	[tilespmem:s17+$0xFFFFFFC0] =	vst v2  }
0x447: {  	_ =	swait.ge [sflag:s3], $0x280  }
0x448: {  	[sflag:s3] =	ssyncset.done $0x0  }
0x449: {  	s17 =	simm.s32 $0x116C0;
	[sflag:s3] =	ssyncadd.s32 $0xFFFFFD80  }
0x44a: {  	s18 =	simm.s32 $0x105F0;
	v3 =	vld [tilespmem:s17+$0x30]  }
0x44b: {  	v4 =	vld [tilespmem:s18+$0x0]  }
0x44c: {  	v2 =	vld [tilespmem:s18+$0xFFFFFF90]  }
0x44d: {  	v5 =	vld [tilespmem:s17+$0xFFFFFFD0]  }
0x44e: {  	v6 =	vld [tilespmem:s18+$0xFFFFFFA0]  }
0x44f: {  	v7 =	vld [tilespmem:s17+$0xFFFFFFE0]  }
0x450: {  	v8 =	vld [tilespmem:s18+$0xFFFFFFB0]  }
0x451: {  	v9 =	vld [tilespmem:s17+$0xFFFFFFF0]  }
0x452: {  	v10 =	vld [tilespmem:s18+$0xFFFFFFC0]  }
0x453: {  	v11 =	vld [tilespmem:s17+$0x0]  }
0x454: {  	v12 =	vld [tilespmem:s18+$0xFFFFFFD0];
	v4 =	vadd.f32 v4, v3  }
0x455: {  	v6 =	vadd.f32 v6, v5;
	v3 =	vld [tilespmem:s17+$0x10]  }
0x456: {  	v7 =	vadd.f32 v8, v7;
	v5 =	vld [tilespmem:s18+$0xFFFFFFE0];
	[tilespmem:s17+$0x30] =	vst v4  }
0x457: {  	v8 =	vadd.f32 v10, v9;
	[tilespmem:s17+$0xFFFFFFD0] =	vst v6;
	v4 =	vld [tilespmem:s17+$0x20]  }
0x458: {  	[tilespmem:s17+$0xFFFFFFE0] =	vst v7;
	v7 =	vld [tilespmem:s18+$0xFFFFFFF0]  }
0x459: {  	s20 =	simm.s32 $0x0;
	s21 =	simm.s32 $0x11740;
	v6 =	vld [tilespmem:s17+$0xFFFFFFC0];
	[tilespmem:s17+$0xFFFFFFF0] =	vst v8;
	v8 =	vadd.f32 v12, v11  }
.LBB2_36:
0x45a: {  	v9 =	vld [tilespmem:s21+$0x30];
	s18 =	sadd.s32 $0x400, s18  }
0x45b: {  	s20 =	sadd.s32 $0x80, s20;
	v10 =	vld [tilespmem:s18+$0x0];
	[tilespmem:s17+$0x0] =	vst v8;
	v3 =	vadd.f32 v5, v3  }
0x45c: {  	p0 =	slt.u32 s20, $0x200;
	v5 =	vld [tilespmem:s18+$0xFFFFFF90]  }
0x45d: {  	v8 =	vld [tilespmem:s21+$0xFFFFFFD0];
	[tilespmem:s17+$0x10] =	vst v3;
	v3 =	vadd.f32 v7, v4  }
0x45e: {  	v4 =	vld [tilespmem:s18+$0xFFFFFFA0];
	v11 =	vadd.f32 v2, v6  }
0x45f: {  	v6 =	vld [tilespmem:s21+$0xFFFFFFE0];
	[tilespmem:s17+$0x20] =	vst v3  }
0x460: {  	v3 =	vld [tilespmem:s18+$0xFFFFFFB0];
	v7 =	vadd.f32 v10, v9;
	[tilespmem:s17+$0xFFFFFFC0] =	vst v11;
	s17 =	smov.u32 s21  }
0x461: {  	v9 =	vld [tilespmem:s21+$0xFFFFFFF0];
	v2 =	vmov v5  }
0x462: {  	v10 =	vld [tilespmem:s18+$0xFFFFFFC0];
	[tilespmem:s21+$0x30] =	vst v7  }
0x463: {  	v4 =	vadd.f32 v4, v8;
	v8 =	vld [tilespmem:s21+$0x0]  }
0x464: {  	v11 =	vld [tilespmem:s18+$0xFFFFFFD0]  }
.Ltmp17:
0x465: {  	[tilespmem:s21+$0xFFFFFFD0] =	vst v4;
	v4 =	vadd.f32 v3, v6;
	v3 =	vld [tilespmem:s21+$0x10];
	(pc) =	sbr.rel @p0 .LBB2_36-.Ltmp17, $4  }
0x466: {  	v5 =	vld [tilespmem:s18+$0xFFFFFFE0]  }
0x467: {  	[tilespmem:s21+$0xFFFFFFE0] =	vst v4;
	v9 =	vadd.f32 v10, v9;
	v4 =	vld [tilespmem:s21+$0x20]  }
0x468: {  	v7 =	vld [tilespmem:s18+$0xFFFFFFF0]  }
0x469: {  	s21 =	sadd.s32 $0x80, s21;
	v6 =	vld [tilespmem:s17+$0xFFFFFFC0];
	[tilespmem:s17+$0xFFFFFFF0] =	vst v9;
	v8 =	vadd.f32 v11, v8  }
0x46a: {  	_ =	sdelay $0x1  }
0x46b: {  	v3 =	vadd.f32 v5, v3  }
0x46c: {  	[tilespmem:s17+$0x0] =	vst v8;
	v4 =	vadd.f32 v7, v4  }
0x46d: {  	[tilespmem:s17+$0x10] =	vst v3;
	v2 =	vadd.f32 v2, v6  }
0x46e: {  	[tilespmem:s17+$0x20] =	vst v4  }
0x46f: {  	[tilespmem:s17+$0xFFFFFFC0] =	vst v2  }
0x470: {  	_ =	swait.ge [sflag:s3], $0x280  }
0x471: {  	[sflag:s3] =	ssyncset.done $0x0  }
0x472: {  	s17 =	simm.s32 $0x116C0;
	[sflag:s3] =	ssyncadd.s32 $0xFFFFFD80  }
0x473: {  	s18 =	simm.s32 $0x10670;
	v3 =	vld [tilespmem:s17+$0x30]  }
0x474: {  	v4 =	vld [tilespmem:s18+$0x0]  }
0x475: {  	v2 =	vld [tilespmem:s18+$0xFFFFFF90]  }
0x476: {  	v5 =	vld [tilespmem:s17+$0xFFFFFFD0]  }
0x477: {  	v6 =	vld [tilespmem:s18+$0xFFFFFFA0]  }
0x478: {  	v7 =	vld [tilespmem:s17+$0xFFFFFFE0]  }
0x479: {  	v8 =	vld [tilespmem:s18+$0xFFFFFFB0]  }
0x47a: {  	v9 =	vld [tilespmem:s17+$0xFFFFFFF0]  }
0x47b: {  	v10 =	vld [tilespmem:s18+$0xFFFFFFC0]  }
0x47c: {  	v11 =	vld [tilespmem:s17+$0x0]  }
0x47d: {  	v12 =	vld [tilespmem:s18+$0xFFFFFFD0];
	v4 =	vadd.f32 v4, v3  }
0x47e: {  	v6 =	vadd.f32 v6, v5;
	v3 =	vld [tilespmem:s17+$0x10]  }
0x47f: {  	v7 =	vadd.f32 v8, v7;
	v5 =	vld [tilespmem:s18+$0xFFFFFFE0];
	[tilespmem:s17+$0x30] =	vst v4  }
0x480: {  	v8 =	vadd.f32 v10, v9;
	[tilespmem:s17+$0xFFFFFFD0] =	vst v6;
	v4 =	vld [tilespmem:s17+$0x20]  }
0x481: {  	[tilespmem:s17+$0xFFFFFFE0] =	vst v7;
	v7 =	vld [tilespmem:s18+$0xFFFFFFF0]  }
0x482: {  	s20 =	simm.s32 $0x0;
	s21 =	simm.s32 $0x11740;
	v6 =	vld [tilespmem:s17+$0xFFFFFFC0];
	[tilespmem:s17+$0xFFFFFFF0] =	vst v8;
	v8 =	vadd.f32 v12, v11  }
.LBB2_38:
0x483: {  	v9 =	vld [tilespmem:s21+$0x30];
	s18 =	sadd.s32 $0x400, s18  }
0x484: {  	s20 =	sadd.s32 $0x80, s20;
	v10 =	vld [tilespmem:s18+$0x0];
	[tilespmem:s17+$0x0] =	vst v8;
	v3 =	vadd.f32 v5, v3  }
0x485: {  	p0 =	slt.u32 s20, $0x200;
	v5 =	vld [tilespmem:s18+$0xFFFFFF90]  }
0x486: {  	v8 =	vld [tilespmem:s21+$0xFFFFFFD0];
	[tilespmem:s17+$0x10] =	vst v3;
	v3 =	vadd.f32 v7, v4  }
0x487: {  	v4 =	vld [tilespmem:s18+$0xFFFFFFA0];
	v11 =	vadd.f32 v2, v6  }
0x488: {  	v6 =	vld [tilespmem:s21+$0xFFFFFFE0];
	[tilespmem:s17+$0x20] =	vst v3  }
0x489: {  	v3 =	vld [tilespmem:s18+$0xFFFFFFB0];
	v7 =	vadd.f32 v10, v9;
	[tilespmem:s17+$0xFFFFFFC0] =	vst v11;
	s17 =	smov.u32 s21  }
0x48a: {  	v9 =	vld [tilespmem:s21+$0xFFFFFFF0];
	v2 =	vmov v5  }
0x48b: {  	v10 =	vld [tilespmem:s18+$0xFFFFFFC0];
	[tilespmem:s21+$0x30] =	vst v7  }
0x48c: {  	v4 =	vadd.f32 v4, v8;
	v8 =	vld [tilespmem:s21+$0x0]  }
0x48d: {  	v11 =	vld [tilespmem:s18+$0xFFFFFFD0]  }
.Ltmp18:
0x48e: {  	[tilespmem:s21+$0xFFFFFFD0] =	vst v4;
	v4 =	vadd.f32 v3, v6;
	v3 =	vld [tilespmem:s21+$0x10];
	(pc) =	sbr.rel @p0 .LBB2_38-.Ltmp18, $4  }
0x48f: {  	v5 =	vld [tilespmem:s18+$0xFFFFFFE0]  }
0x490: {  	[tilespmem:s21+$0xFFFFFFE0] =	vst v4;
	v9 =	vadd.f32 v10, v9;
	v4 =	vld [tilespmem:s21+$0x20]  }
0x491: {  	v7 =	vld [tilespmem:s18+$0xFFFFFFF0]  }
0x492: {  	s21 =	sadd.s32 $0x80, s21;
	v6 =	vld [tilespmem:s17+$0xFFFFFFC0];
	[tilespmem:s17+$0xFFFFFFF0] =	vst v9;
	v8 =	vadd.f32 v11, v8  }
0x493: {  	_ =	sdelay $0x1  }
0x494: {  	v3 =	vadd.f32 v5, v3  }
0x495: {  	[tilespmem:s17+$0x0] =	vst v8;
	v4 =	vadd.f32 v7, v4  }
0x496: {  	[tilespmem:s17+$0x10] =	vst v3;
	v2 =	vadd.f32 v2, v6  }
0x497: {  	[tilespmem:s17+$0x20] =	vst v4  }
0x498: {  	[tilespmem:s17+$0xFFFFFFC0] =	vst v2  }
0x499: {  	s2 =	simm.s32 $0x0;
	s6 =	simm.s32 $0x11680;
	s0 =	rddreg [dreg:$0x1c]  }
0x49a: {  	[hbm4b:s0+s2] =	stream.linear.scatter [tilespmem:s6], [sflag:$0x4], $0x280, $0x38;
	[tilespmem:$0x14100] =	vst v63  }
0x49b: {  	_ =	swait.ge [sflag:s5], $0x280  }
0x49c: {  	s30 =	sld [smem:$0x7BC];
	_ =	sdelay $0x2  }
0x49d: {  	s31 =	rddreg [dreg:$0x1d];
	s6 =	sadd.s32 $0x1, s30  }
0x49e: {  	p0 =	sne.s32 s6, s31  }
.Ltmp19:
0x49f: {  	_ = 	snop;
	(pc) =	sbr.rel @p0 .LBB2_1-.Ltmp19, $3  }
0x4a0: {  	_ =	sdelay $0x1  }
0x4a1: {  	[sflag:s5] =	ssyncset.done $0x0  }
0x4a2: {  	[sflag:s5] =	ssyncadd.s32 $0xFFFFFD80  }
0x4a3: {  	_ =	sfence.sel $0x180000  }
0x4a4: {  	[bflag:$0x0] =	sbarrier.arrive $0xFFFF  }
0x4a5: {  	_ =	strace $0x90000047  }
0x4a6: {  	s0 =	stileid.u32;
	[bflag:$0x2] =	sbarrier.arrive $0xFFFF  }
0x4a7: {  	p0 =	sne.s32 s0, $0x0;
	s0 =	rddreg [dreg:$0x3]  }
0x4a8: {  	s0 =	sadd.s32 @!p0 $0x100000, s0  }
0x4a9: {  	[sflag:s0] =	ssyncadd.tile.s32 @!p0 $0x1;
	_ =	shalt  }
.Lfunc_end2:
_tile_overlayer_lowered:
.L_overlay_start_2:
0x4aa: {  	(tag) =	ssettag $0x2  }
0x4ab: {  	s0 =	rddreg [dreg:$0x0];
	s2 =	stileid.u32  }
0x4ac: {  	s1 =	rddreg [dreg:$0x1];
	p0 =	sne.s32 s2, $0x0  }
0x4ad: {  	s3 =	rddreg [dreg:$0x2];
	[bflag:$0x3] =	sbarrier.arrive $0xFFFF;
	s2 =	simm.s32 @!p0 $0x1C04  }
0x4ae: {  	[timem:s3], [sflag:s2] =	dma.local @!p0 [hbm:s0], s1  }
0x4af: {  	s0 =	simm.s32 @!p0 $0x4  }
0x4b0: {  	_ =	swait.ge @!p0 [sflag:s0], s1  }
0x4b1: {  	s1 =	ssub.s32 @!p0 $0x0, s1;
	[sflag:s0] =	ssyncset.done @!p0 $0x0  }
0x4b2: {  	[sflag:s0] =	ssyncadd.s32 @!p0 s1  }
0x4b3: {  	[bflag:$0x3] =	sbarrier.arrive $0xFFFF  }
0x4b4: {  	_ =	shalt  }

</sc_bundles>
